<compile_context>
chip_gen: v7x
topology: tpu7x:2x2x1
jax: 0.10.2.dev20260603
libtpu: 0.0.44.dev20260713+nightly
codegen_flags: <defaults>
</compile_context>

<pallas_src>
import functools

import jax
import jax.numpy as jnp
from jax import lax
from jax.experimental import pallas as pl
from jax.experimental.pallas import tpu as pltpu
from jax.experimental.pallas import tpu_sc as plsc

N = 10000
E = 320000
G = 64
D = 128

NC = 2
NS = 16
NW = NC * NS
CH = 128
NBUF = 2
KT = 160
K0 = 120
K1 = KT - K0
KM = max(K0, K1)
KD = KT // NC
E_PAD = NS * KT * CH
NPAD = 10112
RPS = NPAD // NS
RTL = RPS - 4 * CH

NB = 10
R = N // NB

_MESH = plsc.VectorSubcoreMesh(core_axis_name="c", subcore_axis_name="s")



@functools.partial(
    pl.kernel,
    out_type=jax.ShapeDtypeStruct((NC, NPAD, D), jnp.float32),
    mesh=_MESH,
    scratch_types=[
        pltpu.VMEM((KD, CH), jnp.int32),
        pltpu.VMEM((CH, D), jnp.float32),
        pltpu.VMEM_SHARED((NPAD, D), jnp.float32),
        pltpu.SemaphoreType.DMA((NBUF,)),
    ],
)
def _deg_pass(dst_hbm, out_hbm, dstv, ones, acc, ssem):
    c = lax.axis_index("c")
    s = lax.axis_index("s")

    @pl.loop(0, CH)
    def _zr(r):
        @pl.loop(0, D, step=16)
        def _zc(cc):
            ones[r, pl.ds(cc, 16)] = jnp.zeros((16,), jnp.float32)

    @pl.loop(0, RPS - RTL, step=CH)
    def _za(r0):
        pltpu.sync_copy(ones, acc.at[pl.ds(s * RPS + r0, CH)])

    pltpu.sync_copy(ones.at[pl.ds(0, RTL)],
                    acc.at[pl.ds(s * RPS + RPS - RTL, RTL)])

    @pl.loop(0, CH)
    def _or(r):
        @pl.loop(0, D, step=16)
        def _oc(cc):
            ones[r, pl.ds(cc, 16)] = jnp.ones((16,), jnp.float32)

    plsc.subcore_barrier()
    pltpu.sync_copy(dst_hbm.at[s, pl.ds(c * KD, KD)], dstv)

    @pl.loop(0, KD, step=NBUF)
    def _chunk(j0):
        scs = [
            pltpu.async_copy(ones, acc.at[dstv.at[j0 + b]], ssem.at[b],
                             add=True)
            for b in range(NBUF)
        ]
        for cp in scs:
            cp.wait()

    plsc.subcore_barrier()
    pltpu.sync_copy(acc.at[pl.ds(s * RPS, RPS)],
                    out_hbm.at[c, pl.ds(s * RPS, RPS)])


@functools.partial(
    pl.kernel,
    out_type=jax.ShapeDtypeStruct((NC, NPAD, D), jnp.float32),
    mesh=_MESH,
    scratch_types=[
        pltpu.VMEM((KM, CH), jnp.int32),
    ]
    + [pltpu.VMEM((CH,), jnp.int32) for _ in range(NBUF)]
    + [pltpu.VMEM((CH, D), jnp.float32) for _ in range(NBUF)]
    + [
        pltpu.VMEM_SHARED((NPAD, D), jnp.float32),
        pltpu.SemaphoreType.DMA((NBUF,)),
        pltpu.SemaphoreType.DMA((NBUF,)),
        pltpu.SemaphoreType.DMA((NBUF,)),
    ],
)
def _edge_pass(g_hbm, src_hbm, dst_hbm, out_hbm, srcv, d0, d1, r0, r1,
               acc, gsem, ssem, dsem):
    c = lax.axis_index("c")
    s = lax.axis_index("s")
    rows = [r0, r1]
    dbufs = [d0, d1]

    @pl.loop(0, CH)
    def _zr(r):
        @pl.loop(0, D, step=16)
        def _zc(cc):
            r0[r, pl.ds(cc, 16)] = jnp.zeros((16,), jnp.float32)

    @pl.loop(0, RPS - RTL, step=CH)
    def _za(rr):
        pltpu.sync_copy(r0, acc.at[pl.ds(s * RPS + rr, CH)])

    pltpu.sync_copy(r0.at[pl.ds(0, RTL)],
                    acc.at[pl.ds(s * RPS + RPS - RTL, RTL)])

    plsc.subcore_barrier()

    def _run_chunks(base, kcount):
        pltpu.sync_copy(src_hbm.at[s, pl.ds(base, kcount)],
                        srcv.at[pl.ds(0, kcount)])

        @pl.loop(0, kcount, step=NBUF)
        def _chunk(j0):
            ds = [
                pltpu.async_copy(dst_hbm.at[s, base + j0 + b], dbufs[b],
                                 dsem.at[b])
                for b in range(NBUF)
            ]
            gs = [
                pltpu.async_copy(g_hbm.at[srcv.at[j0 + b]], rows[b],
                                 gsem.at[b])
                for b in range(NBUF)
            ]
            scs = []
            for b in range(NBUF):
                ds[b].wait()
                gs[b].wait()
                scs.append(
                    pltpu.async_copy(rows[b], acc.at[dbufs[b]],
                                     ssem.at[b], add=True))
            for cp in scs:
                cp.wait()

    @pl.when(c == 0)
    def _c0():
        _run_chunks(0, K0)

    @pl.when(c == 1)
    def _c1():
        _run_chunks(K0, K1)

    plsc.subcore_barrier()
    pltpu.sync_copy(acc.at[pl.ds(s * RPS, RPS)],
                    out_hbm.at[c, pl.ds(s * RPS, RPS)])



def _tc_mm_body(x_ref, w_ref, h_ref):
    h_ref[...] = jnp.dot(x_ref[...], w_ref[...],
                         preferred_element_type=jnp.float32)


_tc_mm = pl.pallas_call(
    _tc_mm_body,
    grid=(NB,),
    in_specs=[
        pl.BlockSpec((R, D), lambda i: (i, 0)),
        pl.BlockSpec((D, D), lambda i: (0, 0)),
    ],
    out_specs=pl.BlockSpec((R, D), lambda i: (i, 0)),
    out_shape=jax.ShapeDtypeStruct((N, D), jnp.float32),
)


def _tc1_body(deg_ref, h_ref, g_ref, dinv_ref):
    deg = deg_ref[0, :, 0:1] + deg_ref[1, :, 0:1] + 1.0
    dinv = lax.rsqrt(deg)
    g_ref[...] = h_ref[...] * dinv
    dinv_ref[...] = dinv


_tc1 = pl.pallas_call(
    _tc1_body,
    grid=(NB,),
    in_specs=[
        pl.BlockSpec((2, R, D), lambda i: (0, i, 0)),
        pl.BlockSpec((R, D), lambda i: (i, 0)),
    ],
    out_specs=[
        pl.BlockSpec((R, D), lambda i: (i, 0)),
        pl.BlockSpec((R, 1), lambda i: (i, 0)),
    ],
    out_shape=[
        jax.ShapeDtypeStruct((N, D), jnp.float32),
        jax.ShapeDtypeStruct((N, 1), jnp.float32),
    ],
)


def _tc_mid_body(sp_ref, g_ref, dinv_ref, b_ref, w_ref, gout_ref):
    ssum = sp_ref[0] + sp_ref[1]
    dinv = dinv_ref[...]
    f = jnp.maximum(dinv * (ssum + g_ref[...]) + b_ref[...], 0.0)
    gout_ref[...] = jnp.dot(
        f, w_ref[...], preferred_element_type=jnp.float32) * dinv


_tc_mid = pl.pallas_call(
    _tc_mid_body,
    grid=(NB,),
    in_specs=[
        pl.BlockSpec((2, R, D), lambda i: (0, i, 0)),
        pl.BlockSpec((R, D), lambda i: (i, 0)),
        pl.BlockSpec((R, 1), lambda i: (i, 0)),
        pl.BlockSpec((1, D), lambda i: (0, 0)),
        pl.BlockSpec((D, D), lambda i: (0, 0)),
    ],
    out_specs=pl.BlockSpec((R, D), lambda i: (i, 0)),
    out_shape=jax.ShapeDtypeStruct((N, D), jnp.float32),
)


def _tc_final_body(sp_ref, g_ref, dinv_ref, b_ref, batch_ref, wl_ref, bl_ref,
                   out_ref):
    ssum = sp_ref[0, :N, :] + sp_ref[1, :N, :]
    h = dinv_ref[...] * (ssum + g_ref[...]) + b_ref[...]
    gid = lax.broadcasted_iota(jnp.int32, (G, N), 0)
    oht = (batch_ref[...] == gid).astype(jnp.float32)
    sums = jnp.dot(oht, h, preferred_element_type=jnp.float32)
    counts = jnp.dot(oht, jnp.ones((N, 1), jnp.float32),
                     preferred_element_type=jnp.float32)
    pooled = sums / jnp.maximum(counts, 1.0)
    out_ref[...] = jnp.dot(
        pooled, wl_ref[...], preferred_element_type=jnp.float32) + bl_ref[...]


_tc_final = pl.pallas_call(
    _tc_final_body,
    out_shape=jax.ShapeDtypeStruct((G, 1), jnp.float32),
)



def kernel(x, edge_index, batch, W1, b1, W2, b2, W3, b3, Wl, bl):
    src = edge_index[0].astype(jnp.int32)
    dst = edge_index[1].astype(jnp.int32)
    pad = E_PAD - E
    src_r = jnp.pad(src, (0, pad)).reshape(NS, KT, CH)
    dst_r = jnp.pad(dst, (0, pad), constant_values=N).reshape(NS, KT, CH)
    batch_row = batch.astype(jnp.int32).reshape(1, N)
    b1r = b1.reshape(1, D)
    b2r = b2.reshape(1, D)
    b3r = b3.reshape(1, D)
    blr = bl.reshape(1, 1)

    degp = _deg_pass(dst_r)
    h1 = _tc_mm(x, W1)
    g1, dinv = _tc1(degp, h1)
    s1 = _edge_pass(g1, src_r, dst_r)
    g2 = _tc_mid(s1, g1, dinv, b1r, W2)
    s2 = _edge_pass(g2, src_r, dst_r)
    g3 = _tc_mid(s2, g2, dinv, b2r, W3)
    s3 = _edge_pass(g3, src_r, dst_r)
    return _tc_final(s3, g3, dinv, b3r, batch_row, Wl, blr)

# --- scband reference (transcript-rebuilt; emitter-appended) ---
"""Pipeline reference for scband-graph-neural-network-2559800508948 (READ-ONLY COPY).

The authoritative reference and input builder live on the scoring server;
editing this copy changes nothing except your own understanding.
"""

import jax, jax.numpy as jnp
import numpy as np

N = 10000
E = 320000
G = 64
D_IN = 128
D_H = 128


def setup_inputs(seed: int = 0) -> dict:
    key = jax.random.key(seed)
    ks = [jax.random.fold_in(key, i) for i in range(12)]
    x = jax.random.normal(ks[0], (N, D_IN), dtype=jnp.float32)
    edge_index = jax.random.randint(ks[1], (2, E), 0, N, dtype=jnp.int64)
    batch = jnp.sort(jax.random.randint(ks[2], (N,), 0, G, dtype=jnp.int64))
    s1 = 1.0 / np.sqrt(D_IN)
    s2 = 1.0 / np.sqrt(D_H)
    W1 = jax.random.uniform(ks[3], (D_IN, D_H), jnp.float32, -s1, s1)
    b1 = jnp.zeros((D_H,), jnp.float32)
    W2 = jax.random.uniform(ks[4], (D_H, D_H), jnp.float32, -s2, s2)
    b2 = jnp.zeros((D_H,), jnp.float32)
    W3 = jax.random.uniform(ks[5], (D_H, D_H), jnp.float32, -s2, s2)
    b3 = jnp.zeros((D_H,), jnp.float32)
    Wl = jax.random.uniform(ks[6], (D_H, 1), jnp.float32, -s2, s2)
    bl = jax.random.uniform(ks[7], (1,), jnp.float32, -s2, s2)
    return {"x": x, "edge_index": edge_index, "batch": batch,
            "W1": W1, "b1": b1, "W2": W2, "b2": b2, "W3": W3, "b3": b3,
            "Wl": Wl, "bl": bl}


def _gcn_conv(x, src, dst, norm, W, b):
    h = x @ W
    msg = h[src] * norm[:, None]
    out = jax.ops.segment_sum(msg, dst, num_segments=N)
    return out + b


def reference(x, edge_index, batch, W1, b1, W2, b2, W3, b3, Wl, bl):
    # GCN normalization with self-loops (PyG GCNConv default)
    loop = jnp.arange(N, dtype=edge_index.dtype)
    src = jnp.concatenate([edge_index[0], loop])
    dst = jnp.concatenate([edge_index[1], loop])
    deg = jax.ops.segment_sum(jnp.ones_like(src, dtype=x.dtype), dst, num_segments=N)
    dinv = jnp.where(deg > 0, jax.lax.rsqrt(jnp.maximum(deg, 1e-12)), 0.0)
    norm = dinv[src] * dinv[dst]

    h = _gcn_conv(x, src, dst, norm, W1, b1)
    h = jax.nn.relu(h)
    h = _gcn_conv(h, src, dst, norm, W2, b2)
    h = jax.nn.relu(h)
    h = _gcn_conv(h, src, dst, norm, W3, b3)

    # global mean pool over graphs in batch
    sums = jax.ops.segment_sum(h, batch, num_segments=G)
    counts = jax.ops.segment_sum(jnp.ones((N,), h.dtype), batch, num_segments=G)
    pooled = sums / jnp.clip(counts, 1.0)[:, None]

    # dropout is identity in eval mode
    out = pooled @ Wl + bl
    return out

if __name__ == "__main__":
    import jax
    _d = setup_inputs()
    print(jax.jit(kernel)(*tuple(_d.values())))

</pallas_src>

<mosaic_0001>
#map = affine_map<(d0, d1) -> (0, 0)>
#map1 = affine_map<(d0, d1) -> (0, 0, 0)>
module attributes {stable_mosaic.version = 14 : i64} {
  func.func @_edge_pass(%arg0: i32, %arg1: i32, %arg2: memref<10000x128xf32, #tpu.memory_space<hbm>>, %arg3: memref<16x160x128xi32, #tpu.memory_space<hbm>>, %arg4: memref<16x160x128xi32, #tpu.memory_space<hbm>>, %arg5: memref<2x10112x128xf32, #tpu.memory_space<hbm>>, %arg6: memref<120x128xi32, #tpu.memory_space<vmem>>, %arg7: memref<128xi32, #tpu.memory_space<vmem>>, %arg8: memref<128xi32, #tpu.memory_space<vmem>>, %arg9: memref<128x128xf32, #tpu.memory_space<vmem>>, %arg10: memref<128x128xf32, #tpu.memory_space<vmem>>, %arg11: memref<10112x128xf32, #tpu.memory_space<vmem_shared>>, %arg12: memref<2x!tpu.dma_semaphore, #tpu.memory_space<semaphore_mem>>, %arg13: memref<2x!tpu.dma_semaphore, #tpu.memory_space<semaphore_mem>>, %arg14: memref<2x!tpu.dma_semaphore, #tpu.memory_space<semaphore_mem>>) attributes {dimension_semantics = [#tpu.dimension_semantics<core_parallel>, #tpu.dimension_semantics<subcore_parallel>], iteration_bounds = array<i64: 2, 16>, scalar_prefetch = 0 : i64, scratch_operands = 9 : i64, tpu.core_type = #tpu.core_type<sc_vector_subcore>, window_params = [{transform_indices = #map}, {transform_indices = #map1}, {transform_indices = #map1}, {transform_indices = #map1}]} {
    %scan3A = arith.constant 0 : i32
    %scan3A_0 = arith.constant 128 : i32
    %scan3A_1 = arith.addi %scan3A, %scan3A_0 : i32
    %scan3A_2 = arith.constant 1 : i32
    scf.for %scan3A_24 = %scan3A to %scan3A_1 step %scan3A_2  : i32 {
      %mul3A_25 = arith.constant 1 : i32
      %mul3A_26 = arith.muli %scan3A_24, %mul3A_25 : i32
      %add3A_27 = arith.constant 0 : i32
      %add3A_28 = arith.addi %add3A_27, %mul3A_26 : i32
      %scan3A_29 = arith.constant 0 : i32
      %scan3A_30 = arith.constant 8 : i32
      %scan3A_31 = arith.addi %scan3A_29, %scan3A_30 : i32
      %scan3A_32 = arith.constant 1 : i32
      scf.for %scan3A_34 = %scan3A_29 to %scan3A_31 step %scan3A_32  : i32 {
        %mul3A_35 = arith.constant 16 : i32
        %mul3A_36 = arith.muli %scan3A_34, %mul3A_35 : i32
        %add3A_37 = arith.constant 0 : i32
        %add3A_38 = arith.addi %add3A_37, %mul3A_36 : i32
        %broadcast_in_dim3A = arith.constant 0.000000e+00 : f32
        %broadcast_in_dim3A_39 = vector.broadcast %broadcast_in_dim3A : f32 to vector<16xf32>
        %swap3A = arith.index_cast %add3A_28 : i32 to index
        %swap3A_40 = arith.index_cast %add3A_38 : i32 to index
        %swap3A_41 = tpu.vector_load %arg9[%swap3A, %swap3A_40] {strides = array<i32>} : memref<128x128xf32, #tpu.memory_space<vmem>>, vector<1x16xf32>,
        %swap3A_42 = vector.shape_cast %swap3A_41 : vector<1x16xf32> to vector<16xf32>
        %swap3A_43 = vector.shape_cast %broadcast_in_dim3A_39 : vector<16xf32> to vector<1x16xf32>
        tpu.vector_store %arg9[%swap3A, %swap3A_40], %swap3A_43 {strides = array<i32>} : memref<128x128xf32, #tpu.memory_space<vmem>>, vector<1x16xf32>,
      }
      %scan3A_33 = arith.constant 8 : i32
    }
    %scan3A_3 = arith.constant 128 : i32
    %scan3A_4 = arith.constant 0 : i32
    %scan3A_5 = arith.constant 4 : i32
    %scan3A_6 = arith.addi %scan3A_4, %scan3A_5 : i32
    %scan3A_7 = arith.constant 1 : i32
    scf.for %scan3A_24 = %scan3A_4 to %scan3A_6 step %scan3A_7  : i32 {
      %mul3A_25 = arith.constant 128 : i32
      %mul3A_26 = arith.muli %scan3A_24, %mul3A_25 : i32
      %add3A_27 = arith.constant 0 : i32
      %add3A_28 = arith.addi %add3A_27, %mul3A_26 : i32
      %mul3A_29 = arith.constant 632 : i32
      %mul3A_30 = arith.muli %arg1, %mul3A_29 : i32
      %add3A_31 = arith.addi %mul3A_30, %add3A_28 : i32
      "tpu.region"() ({
        %run_scoped3A = tpu.sem_alloc : memref<!tpu.dma_semaphore, #tpu.memory_space<semaphore_mem>>
        %dma_start3A = arith.constant 0 : i32
        %dma_start3A_32 = tpu.memref_slice %arg11[%add3A_31, %dma_start3A] : memref<10112x128xf32, #tpu.memory_space<vmem_shared>> -> memref<128x128xf32, #tpu.memory_space<vmem_shared>>
        %dma_start3A_33 = arith.constant 0 : i32
        %dma_start3A_34 = tpu.memref_slice %arg11[%add3A_31, %dma_start3A_33] : memref<10112x128xf32, #tpu.memory_space<vmem_shared>> -> memref<128x128xf32, #tpu.memory_space<vmem_shared>>
        tpu.enqueue_dma source(%arg9 : memref<128x128xf32, #tpu.memory_space<vmem>>) target(%dma_start3A_34 : memref<128x128xf32, #tpu.memory_space<vmem_shared>>) target_semaphore(%run_scoped3A : memref<!tpu.dma_semaphore, #tpu.memory_space<semaphore_mem>>)
        %dma_wait3A = arith.constant 0 : i32
        %dma_wait3A_35 = tpu.memref_slice %arg11[%add3A_31, %dma_wait3A] : memref<10112x128xf32, #tpu.memory_space<vmem_shared>> -> memref<128x128xf32, #tpu.memory_space<vmem_shared>>
        %dma_wait3A_36 = arith.constant 0 : i32
        %dma_wait3A_37 = tpu.memref_slice %arg11[%add3A_31, %dma_wait3A_36] : memref<10112x128xf32, #tpu.memory_space<vmem_shared>> -> memref<128x128xf32, #tpu.memory_space<vmem_shared>>
        tpu.wait_dma2 semaphore(%run_scoped3A : memref<!tpu.dma_semaphore, #tpu.memory_space<semaphore_mem>>) src(%arg9 : memref<128x128xf32, #tpu.memory_space<vmem>>) dst(%dma_wait3A_37 : memref<128x128xf32, #tpu.memory_space<vmem_shared>>)
        tpu.yield
      }) : () -> ()
    }
    %scan3A_8 = arith.constant 4 : i32
    %mul3A = arith.constant 632 : i32
    %mul3A_9 = arith.muli %arg1, %mul3A : i32
    %add3A = arith.constant 632 : i32
    %add3A_10 = arith.addi %mul3A_9, %add3A : i32
    %sub3A = arith.constant 120 : i32
    %sub3A_11 = arith.subi %add3A_10, %sub3A : i32
    "tpu.region"() ({
      %run_scoped3A = tpu.sem_alloc : memref<!tpu.dma_semaphore, #tpu.memory_space<semaphore_mem>>
      %dma_start3A = arith.constant 0 : i32
      %dma_start3A_24 = arith.constant 0 : i32
      %dma_start3A_25 = tpu.memref_slice %arg9[%dma_start3A, %dma_start3A_24] : memref<128x128xf32, #tpu.memory_space<vmem>> -> memref<120x128xf32, #tpu.memory_space<vmem>>
      %dma_start3A_26 = arith.constant 0 : i32
      %dma_start3A_27 = tpu.memref_slice %arg11[%sub3A_11, %dma_start3A_26] : memref<10112x128xf32, #tpu.memory_space<vmem_shared>> -> memref<120x128xf32, #tpu.memory_space<vmem_shared>>
      %dma_start3A_28 = arith.constant 0 : i32
      %dma_start3A_29 = tpu.memref_slice %arg11[%sub3A_11, %dma_start3A_28] : memref<10112x128xf32, #tpu.memory_space<vmem_shared>> -> memref<120x128xf32, #tpu.memory_space<vmem_shared>>
      %dma_start3A_30 = arith.constant 0 : i32
      %dma_start3A_31 = arith.constant 0 : i32
      %dma_start3A_32 = tpu.memref_slice %arg9[%dma_start3A_30, %dma_start3A_31] : memref<128x128xf32, #tpu.memory_space<vmem>> -> memref<120x128xf32, #tpu.memory_space<vmem>>
      tpu.enqueue_dma source(%dma_start3A_32 : memref<120x128xf32, #tpu.memory_space<vmem>>) target(%dma_start3A_29 : memref<120x128xf32, #tpu.memory_space<vmem_shared>>) target_semaphore(%run_scoped3A : memref<!tpu.dma_semaphore, #tpu.memory_space<semaphore_mem>>)
      %dma_wait3A = arith.constant 0 : i32
      %dma_wait3A_33 = arith.constant 0 : i32
      %dma_wait3A_34 = tpu.memref_slice %arg9[%dma_wait3A, %dma_wait3A_33] : memref<128x128xf32, #tpu.memory_space<vmem>> -> memref<120x128xf32, #tpu.memory_space<vmem>>
      %dma_wait3A_35 = arith.constant 0 : i32
      %dma_wait3A_36 = tpu.memref_slice %arg11[%sub3A_11, %dma_wait3A_35] : memref<10112x128xf32, #tpu.memory_space<vmem_shared>> -> memref<120x128xf32, #tpu.memory_space<vmem_shared>>
      %dma_wait3A_37 = arith.constant 0 : i32
      %dma_wait3A_38 = tpu.memref_slice %arg11[%sub3A_11, %dma_wait3A_37] : memref<10112x128xf32, #tpu.memory_space<vmem_shared>> -> memref<120x128xf32, #tpu.memory_space<vmem_shared>>
      %dma_wait3A_39 = arith.constant 0 : i32
      %dma_wait3A_40 = arith.constant 0 : i32
      %dma_wait3A_41 = tpu.memref_slice %arg9[%dma_wait3A_39, %dma_wait3A_40] : memref<128x128xf32, #tpu.memory_space<vmem>> -> memref<120x128xf32, #tpu.memory_space<vmem>>
      tpu.wait_dma2 semaphore(%run_scoped3A : memref<!tpu.dma_semaphore, #tpu.memory_space<semaphore_mem>>) src(%dma_wait3A_41 : memref<120x128xf32, #tpu.memory_space<vmem>>) dst(%dma_wait3A_38 : memref<120x128xf32, #tpu.memory_space<vmem_shared>>)
      tpu.yield
    }) : () -> ()
    %barrier3A = arith.constant 0 : index
    tpu.barrier barrier_id(%barrier3A)
    %eq3A = arith.constant 0 : i32
    %eq3A_12 = arith.cmpi eq, %arg0, %eq3A : i32
    %convert_element_type3A = arith.extui %eq3A_12 : i1 to i32
    %cond3A = arith.constant 0 : i32
    %cond3A_13 = arith.cmpi ne, %convert_element_type3A, %cond3A : i32
    scf.if %cond3A_13 {
      "tpu.region"() ({
        %run_scoped3A = tpu.sem_alloc : memref<!tpu.dma_semaphore, #tpu.memory_space<semaphore_mem>>
        %dma_start3A = arith.constant 0 : i32
        %dma_start3A_29 = arith.constant 0 : i32
        %dma_start3A_30 = tpu.memref_slice %arg6[%dma_start3A, %dma_start3A_29] : memref<120x128xi32, #tpu.memory_space<vmem>> -> memref<120x128xi32, #tpu.memory_space<vmem>>
        %dma_start3A_31 = arith.constant 0 : i32
        %dma_start3A_32 = arith.constant 0 : i32
        %dma_start3A_33 = tpu.memref_slice %arg3[%arg1, %dma_start3A_31, %dma_start3A_32] : memref<16x160x128xi32, #tpu.memory_space<hbm>> -> memref<1x120x128xi32, #tpu.memory_space<hbm>>
        %dma_start3A_34 = tpu.memref_squeeze %dma_start3A_33 : memref<1x120x128xi32, #tpu.memory_space<hbm>> -> memref<120x128xi32, #tpu.memory_space<hbm>>
        %dma_start3A_35 = arith.constant 0 : i32
        %dma_start3A_36 = arith.constant 0 : i32
        %dma_start3A_37 = tpu.memref_slice %arg6[%dma_start3A_35, %dma_start3A_36] : memref<120x128xi32, #tpu.memory_space<vmem>> -> memref<120x128xi32, #tpu.memory_space<vmem>>
        %dma_start3A_38 = arith.constant 0 : i32
        %dma_start3A_39 = arith.constant 0 : i32
        %dma_start3A_40 = tpu.memref_slice %arg3[%arg1, %dma_start3A_38, %dma_start3A_39] : memref<16x160x128xi32, #tpu.memory_space<hbm>> -> memref<1x120x128xi32, #tpu.memory_space<hbm>>
        %dma_start3A_41 = tpu.memref_squeeze %dma_start3A_40 : memref<1x120x128xi32, #tpu.memory_space<hbm>> -> memref<120x128xi32, #tpu.memory_space<hbm>>
        tpu.enqueue_dma source(%dma_start3A_41 : memref<120x128xi32, #tpu.memory_space<hbm>>) target(%dma_start3A_37 : memref<120x128xi32, #tpu.memory_space<vmem>>) target_semaphore(%run_scoped3A : memref<!tpu.dma_semaphore, #tpu.memory_space<semaphore_mem>>)
        %dma_wait3A = arith.constant 0 : i32
        %dma_wait3A_42 = arith.constant 0 : i32
        %dma_wait3A_43 = tpu.memref_slice %arg6[%dma_wait3A, %dma_wait3A_42] : memref<120x128xi32, #tpu.memory_space<vmem>> -> memref<120x128xi32, #tpu.memory_space<vmem>>
        %dma_wait3A_44 = arith.constant 0 : i32
        %dma_wait3A_45 = arith.constant 0 : i32
        %dma_wait3A_46 = tpu.memref_slice %arg3[%arg1, %dma_wait3A_44, %dma_wait3A_45] : memref<16x160x128xi32, #tpu.memory_space<hbm>> -> memref<1x120x128xi32, #tpu.memory_space<hbm>>
        %dma_wait3A_47 = tpu.memref_squeeze %dma_wait3A_46 : memref<1x120x128xi32, #tpu.memory_space<hbm>> -> memref<120x128xi32, #tpu.memory_space<hbm>>
        %dma_wait3A_48 = arith.constant 0 : i32
        %dma_wait3A_49 = arith.constant 0 : i32
        %dma_wait3A_50 = tpu.memref_slice %arg6[%dma_wait3A_48, %dma_wait3A_49] : memref<120x128xi32, #tpu.memory_space<vmem>> -> memref<120x128xi32, #tpu.memory_space<vmem>>
        %dma_wait3A_51 = arith.constant 0 : i32
        %dma_wait3A_52 = arith.constant 0 : i32
        %dma_wait3A_53 = tpu.memref_slice %arg3[%arg1, %dma_wait3A_51, %dma_wait3A_52] : memref<16x160x128xi32, #tpu.memory_space<hbm>> -> memref<1x120x128xi32, #tpu.memory_space<hbm>>
        %dma_wait3A_54 = tpu.memref_squeeze %dma_wait3A_53 : memref<1x120x128xi32, #tpu.memory_space<hbm>> -> memref<120x128xi32, #tpu.memory_space<hbm>>
        tpu.wait_dma2 semaphore(%run_scoped3A : memref<!tpu.dma_semaphore, #tpu.memory_space<semaphore_mem>>) src(%dma_wait3A_54 : memref<120x128xi32, #tpu.memory_space<hbm>>) dst(%dma_wait3A_50 : memref<120x128xi32, #tpu.memory_space<vmem>>)
        tpu.yield
      }) : () -> ()
      %scan3A_24 = arith.constant 0 : i32
      %scan3A_25 = arith.constant 60 : i32
      %scan3A_26 = arith.addi %scan3A_24, %scan3A_25 : i32
      %scan3A_27 = arith.constant 1 : i32
      scf.for %scan3A_29 = %scan3A_24 to %scan3A_26 step %scan3A_27  : i32 {
        %mul3A_30 = arith.constant 2 : i32
        %mul3A_31 = arith.muli %scan3A_29, %mul3A_30 : i32
        %add3A_32 = arith.constant 0 : i32
        %add3A_33 = arith.addi %add3A_32, %mul3A_31 : i32
        %add3A_34 = arith.constant 0 : i32
        %add3A_35 = arith.addi %add3A_34, %add3A_33 : i32
        %add3A_36 = arith.constant 0 : i32
        %add3A_37 = arith.addi %add3A_35, %add3A_36 : i32
        %dma_start3A = arith.constant 0 : i32
        %dma_start3A_38 = arith.constant 0 : i32
        %dma_start3A_39 = tpu.memref_slice %arg4[%arg1, %add3A_37, %dma_start3A_38] : memref<16x160x128xi32, #tpu.memory_space<hbm>> -> memref<1x1x128xi32, #tpu.memory_space<hbm>>
        %dma_start3A_40 = tpu.memref_squeeze %dma_start3A_39 : memref<1x1x128xi32, #tpu.memory_space<hbm>> -> memref<128xi32, #tpu.memory_space<hbm>>
        %dma_start3A_41 = tpu.memref_slice %arg14[%dma_start3A] : memref<2x!tpu.dma_semaphore, #tpu.memory_space<semaphore_mem>> -> memref<1x!tpu.dma_semaphore, #tpu.memory_space<semaphore_mem>>
        %dma_start3A_42 = tpu.memref_squeeze %dma_start3A_41 : memref<1x!tpu.dma_semaphore, #tpu.memory_space<semaphore_mem>> -> memref<!tpu.dma_semaphore, #tpu.memory_space<semaphore_mem>>
        %dma_start3A_43 = arith.constant 0 : i32
        %dma_start3A_44 = tpu.memref_slice %arg4[%arg1, %add3A_37, %dma_start3A_43] : memref<16x160x128xi32, #tpu.memory_space<hbm>> -> memref<1x1x128xi32, #tpu.memory_space<hbm>>
        %dma_start3A_45 = tpu.memref_squeeze %dma_start3A_44 : memref<1x1x128xi32, #tpu.memory_space<hbm>> -> memref<128xi32, #tpu.memory_space<hbm>>
        tpu.enqueue_dma source(%dma_start3A_45 : memref<128xi32, #tpu.memory_space<hbm>>) target(%arg7 : memref<128xi32, #tpu.memory_space<vmem>>) target_semaphore(%dma_start3A_42 : memref<!tpu.dma_semaphore, #tpu.memory_space<semaphore_mem>>)
        %add3A_46 = arith.constant 0 : i32
        %add3A_47 = arith.addi %add3A_46, %add3A_33 : i32
        %add3A_48 = arith.constant 1 : i32
        %add3A_49 = arith.addi %add3A_47, %add3A_48 : i32
        %dma_start3A_50 = arith.constant 1 : i32
        %dma_start3A_51 = arith.constant 0 : i32
        %dma_start3A_52 = tpu.memref_slice %arg4[%arg1, %add3A_49, %dma_start3A_51] : memref<16x160x128xi32, #tpu.memory_space<hbm>> -> memref<1x1x128xi32, #tpu.memory_space<hbm>>
        %dma_start3A_53 = tpu.memref_squeeze %dma_start3A_52 : memref<1x1x128xi32, #tpu.memory_space<hbm>> -> memref<128xi32, #tpu.memory_space<hbm>>
        %dma_start3A_54 = tpu.memref_slice %arg14[%dma_start3A_50] : memref<2x!tpu.dma_semaphore, #tpu.memory_space<semaphore_mem>> -> memref<1x!tpu.dma_semaphore, #tpu.memory_space<semaphore_mem>>
        %dma_start3A_55 = tpu.memref_squeeze %dma_start3A_54 : memref<1x!tpu.dma_semaphore, #tpu.memory_space<semaphore_mem>> -> memref<!tpu.dma_semaphore, #tpu.memory_space<semaphore_mem>>
        %dma_start3A_56 = arith.constant 0 : i32
        %dma_start3A_57 = tpu.memref_slice %arg4[%arg1, %add3A_49, %dma_start3A_56] : memref<16x160x128xi32, #tpu.memory_space<hbm>> -> memref<1x1x128xi32, #tpu.memory_space<hbm>>
        %dma_start3A_58 = tpu.memref_squeeze %dma_start3A_57 : memref<1x1x128xi32, #tpu.memory_space<hbm>> -> memref<128xi32, #tpu.memory_space<hbm>>
        tpu.enqueue_dma source(%dma_start3A_58 : memref<128xi32, #tpu.memory_space<hbm>>) target(%arg8 : memref<128xi32, #tpu.memory_space<vmem>>) target_semaphore(%dma_start3A_55 : memref<!tpu.dma_semaphore, #tpu.memory_space<semaphore_mem>>)
        %add3A_59 = arith.constant 0 : i32
        %add3A_60 = arith.addi %add3A_33, %add3A_59 : i32
        %dma_start3A_61 = arith.constant 0 : i32
        %dma_start3A_62 = arith.constant 0 : i32
        %dma_start3A_63 = tpu.memref_slice %arg6[%add3A_60, %dma_start3A_62] : memref<120x128xi32, #tpu.memory_space<vmem>> -> memref<1x128xi32, #tpu.memory_space<vmem>>
        %dma_start3A_64 = tpu.memref_squeeze %dma_start3A_63 : memref<1x128xi32, #tpu.memory_space<vmem>> -> memref<128xi32, #tpu.memory_space<vmem>>
        %dma_start3A_65 = arith.constant 0 : i32
        %dma_start3A_66 = arith.constant 0 : i32
        %dma_start3A_67 = tpu.memref_slice %arg2[%dma_start3A_65, %dma_start3A_66] : memref<10000x128xf32, #tpu.memory_space<hbm>> -> memref<10000x128xf32, #tpu.memory_space<hbm>>
        %dma_start3A_68 = tpu.memref_slice %arg12[%dma_start3A_61] : memref<2x!tpu.dma_semaphore, #tpu.memory_space<semaphore_mem>> -> memref<1x!tpu.dma_semaphore, #tpu.memory_space<semaphore_mem>>
        %dma_start3A_69 = tpu.memref_squeeze %dma_start3A_68 : memref<1x!tpu.dma_semaphore, #tpu.memory_space<semaphore_mem>> -> memref<!tpu.dma_semaphore, #tpu.memory_space<semaphore_mem>>
        tpu.enqueue_indirect_dma source(%dma_start3A_67 : memref<10000x128xf32, #tpu.memory_space<hbm>>) target(%arg9 : memref<128x128xf32, #tpu.memory_space<vmem>>) offsets(%dma_start3A_64 : memref<128xi32, #tpu.memory_space<vmem>>) semaphore(%dma_start3A_69 : memref<!tpu.dma_semaphore, #tpu.memory_space<semaphore_mem>>)
        %add3A_70 = arith.constant 1 : i32
        %add3A_71 = arith.addi %add3A_33, %add3A_70 : i32
        %dma_start3A_72 = arith.constant 1 : i32
        %dma_start3A_73 = arith.constant 0 : i32
        %dma_start3A_74 = tpu.memref_slice %arg6[%add3A_71, %dma_start3A_73] : memref<120x128xi32, #tpu.memory_space<vmem>> -> memref<1x128xi32, #tpu.memory_space<vmem>>
        %dma_start3A_75 = tpu.memref_squeeze %dma_start3A_74 : memref<1x128xi32, #tpu.memory_space<vmem>> -> memref<128xi32, #tpu.memory_space<vmem>>
        %dma_start3A_76 = arith.constant 0 : i32
        %dma_start3A_77 = arith.constant 0 : i32
        %dma_start3A_78 = tpu.memref_slice %arg2[%dma_start3A_76, %dma_start3A_77] : memref<10000x128xf32, #tpu.memory_space<hbm>> -> memref<10000x128xf32, #tpu.memory_space<hbm>>
        %dma_start3A_79 = tpu.memref_slice %arg12[%dma_start3A_72] : memref<2x!tpu.dma_semaphore, #tpu.memory_space<semaphore_mem>> -> memref<1x!tpu.dma_semaphore, #tpu.memory_space<semaphore_mem>>
        %dma_start3A_80 = tpu.memref_squeeze %dma_start3A_79 : memref<1x!tpu.dma_semaphore, #tpu.memory_space<semaphore_mem>> -> memref<!tpu.dma_semaphore, #tpu.memory_space<semaphore_mem>>
        tpu.enqueue_indirect_dma source(%dma_start3A_78 : memref<10000x128xf32, #tpu.memory_space<hbm>>) target(%arg10 : memref<128x128xf32, #tpu.memory_space<vmem>>) offsets(%dma_start3A_75 : memref<128xi32, #tpu.memory_space<vmem>>) semaphore(%dma_start3A_80 : memref<!tpu.dma_semaphore, #tpu.memory_space<semaphore_mem>>)
        %dma_wait3A = arith.constant 0 : i32
        %dma_wait3A_81 = arith.constant 0 : i32
        %dma_wait3A_82 = tpu.memref_slice %arg4[%arg1, %add3A_37, %dma_wait3A_81] : memref<16x160x128xi32, #tpu.memory_space<hbm>> -> memref<1x1x128xi32, #tpu.memory_space<hbm>>
        %dma_wait3A_83 = tpu.memref_squeeze %dma_wait3A_82 : memref<1x1x128xi32, #tpu.memory_space<hbm>> -> memref<128xi32, #tpu.memory_space<hbm>>
        %dma_wait3A_84 = tpu.memref_slice %arg14[%dma_wait3A] : memref<2x!tpu.dma_semaphore, #tpu.memory_space<semaphore_mem>> -> memref<1x!tpu.dma_semaphore, #tpu.memory_space<semaphore_mem>>
        %dma_wait3A_85 = tpu.memref_squeeze %dma_wait3A_84 : memref<1x!tpu.dma_semaphore, #tpu.memory_space<semaphore_mem>> -> memref<!tpu.dma_semaphore, #tpu.memory_space<semaphore_mem>>
        %dma_wait3A_86 = arith.constant 0 : i32
        %dma_wait3A_87 = tpu.memref_slice %arg4[%arg1, %add3A_37, %dma_wait3A_86] : memref<16x160x128xi32, #tpu.memory_space<hbm>> -> memref<1x1x128xi32, #tpu.memory_space<hbm>>
        %dma_wait3A_88 = tpu.memref_squeeze %dma_wait3A_87 : memref<1x1x128xi32, #tpu.memory_space<hbm>> -> memref<128xi32, #tpu.memory_space<hbm>>
        tpu.wait_dma2 semaphore(%dma_wait3A_85 : memref<!tpu.dma_semaphore, #tpu.memory_space<semaphore_mem>>) src(%dma_wait3A_88 : memref<128xi32, #tpu.memory_space<hbm>>) dst(%arg7 : memref<128xi32, #tpu.memory_space<vmem>>)
        %dma_wait3A_89 = arith.constant 0 : i32
        %dma_wait3A_90 = arith.constant 0 : i32
        %dma_wait3A_91 = tpu.memref_slice %arg6[%add3A_60, %dma_wait3A_90] : memref<120x128xi32, #tpu.memory_space<vmem>> -> memref<1x128xi32, #tpu.memory_space<vmem>>
        %dma_wait3A_92 = tpu.memref_squeeze %dma_wait3A_91 : memref<1x128xi32, #tpu.memory_space<vmem>> -> memref<128xi32, #tpu.memory_space<vmem>>
        %dma_wait3A_93 = arith.constant 0 : i32
        %dma_wait3A_94 = arith.constant 0 : i32
        %dma_wait3A_95 = tpu.memref_slice %arg2[%dma_wait3A_93, %dma_wait3A_94] : memref<10000x128xf32, #tpu.memory_space<hbm>> -> memref<10000x128xf32, #tpu.memory_space<hbm>>
        %dma_wait3A_96 = tpu.memref_slice %arg12[%dma_wait3A_89] : memref<2x!tpu.dma_semaphore, #tpu.memory_space<semaphore_mem>> -> memref<1x!tpu.dma_semaphore, #tpu.memory_space<semaphore_mem>>
        %dma_wait3A_97 = tpu.memref_squeeze %dma_wait3A_96 : memref<1x!tpu.dma_semaphore, #tpu.memory_space<semaphore_mem>> -> memref<!tpu.dma_semaphore, #tpu.memory_space<semaphore_mem>>
        tpu.wait_indirect_dma semaphore(%dma_wait3A_97 : memref<!tpu.dma_semaphore, #tpu.memory_space<semaphore_mem>>) src(%dma_wait3A_95 : memref<10000x128xf32, #tpu.memory_space<hbm>>) dst(%arg9 : memref<128x128xf32, #tpu.memory_space<vmem>>)
        %dma_start3A_98 = arith.constant 0 : i32
        %dma_start3A_99 = arith.constant 0 : i32
        %dma_start3A_100 = arith.constant 0 : i32
        %dma_start3A_101 = tpu.memref_slice %arg11[%dma_start3A_99, %dma_start3A_100] : memref<10112x128xf32, #tpu.memory_space<vmem_shared>> -> memref<10112x128xf32, #tpu.memory_space<vmem_shared>>
        %dma_start3A_102 = tpu.memref_slice %arg13[%dma_start3A_98] : memref<2x!tpu.dma_semaphore, #tpu.memory_space<semaphore_mem>> -> memref<1x!tpu.dma_semaphore, #tpu.memory_space<semaphore_mem>>
        %dma_start3A_103 = tpu.memref_squeeze %dma_start3A_102 : memref<1x!tpu.dma_semaphore, #tpu.memory_space<semaphore_mem>> -> memref<!tpu.dma_semaphore, #tpu.memory_space<semaphore_mem>>
        tpu.enqueue_indirect_dma source(%arg9 : memref<128x128xf32, #tpu.memory_space<vmem>>) target(%dma_start3A_101 : memref<10112x128xf32, #tpu.memory_space<vmem_shared>>) offsets(%arg7 : memref<128xi32, #tpu.memory_space<vmem>>) semaphore(%dma_start3A_103 : memref<!tpu.dma_semaphore, #tpu.memory_space<semaphore_mem>>) {add = true}
        %dma_wait3A_104 = arith.constant 1 : i32
        %dma_wait3A_105 = arith.constant 0 : i32
        %dma_wait3A_106 = tpu.memref_slice %arg4[%arg1, %add3A_49, %dma_wait3A_105] : memref<16x160x128xi32, #tpu.memory_space<hbm>> -> memref<1x1x128xi32, #tpu.memory_space<hbm>>
        %dma_wait3A_107 = tpu.memref_squeeze %dma_wait3A_106 : memref<1x1x128xi32, #tpu.memory_space<hbm>> -> memref<128xi32, #tpu.memory_space<hbm>>
        %dma_wait3A_108 = tpu.memref_slice %arg14[%dma_wait3A_104] : memref<2x!tpu.dma_semaphore, #tpu.memory_space<semaphore_mem>> -> memref<1x!tpu.dma_semaphore, #tpu.memory_space<semaphore_mem>>
        %dma_wait3A_109 = tpu.memref_squeeze %dma_wait3A_108 : memref<1x!tpu.dma_semaphore, #tpu.memory_space<semaphore_mem>> -> memref<!tpu.dma_semaphore, #tpu.memory_space<semaphore_mem>>
        %dma_wait3A_110 = arith.constant 0 : i32
        %dma_wait3A_111 = tpu.memref_slice %arg4[%arg1, %add3A_49, %dma_wait3A_110] : memref<16x160x128xi32, #tpu.memory_space<hbm>> -> memref<1x1x128xi32, #tpu.memory_space<hbm>>
        %dma_wait3A_112 = tpu.memref_squeeze %dma_wait3A_111 : memref<1x1x128xi32, #tpu.memory_space<hbm>> -> memref<128xi32, #tpu.memory_space<hbm>>
        tpu.wait_dma2 semaphore(%dma_wait3A_109 : memref<!tpu.dma_semaphore, #tpu.memory_space<semaphore_mem>>) src(%dma_wait3A_112 : memref<128xi32, #tpu.memory_space<hbm>>) dst(%arg8 : memref<128xi32, #tpu.memory_space<vmem>>)
        %dma_wait3A_113 = arith.constant 1 : i32
        %dma_wait3A_114 = arith.constant 0 : i32
        %dma_wait3A_115 = tpu.memref_slice %arg6[%add3A_71, %dma_wait3A_114] : memref<120x128xi32, #tpu.memory_space<vmem>> -> memref<1x128xi32, #tpu.memory_space<vmem>>
        %dma_wait3A_116 = tpu.memref_squeeze %dma_wait3A_115 : memref<1x128xi32, #tpu.memory_space<vmem>> -> memref<128xi32, #tpu.memory_space<vmem>>
        %dma_wait3A_117 = arith.constant 0 : i32
        %dma_wait3A_118 = arith.constant 0 : i32
        %dma_wait3A_119 = tpu.memref_slice %arg2[%dma_wait3A_117, %dma_wait3A_118] : memref<10000x128xf32, #tpu.memory_space<hbm>> -> memref<10000x128xf32, #tpu.memory_space<hbm>>
        %dma_wait3A_120 = tpu.memref_slice %arg12[%dma_wait3A_113] : memref<2x!tpu.dma_semaphore, #tpu.memory_space<semaphore_mem>> -> memref<1x!tpu.dma_semaphore, #tpu.memory_space<semaphore_mem>>
        %dma_wait3A_121 = tpu.memref_squeeze %dma_wait3A_120 : memref<1x!tpu.dma_semaphore, #tpu.memory_space<semaphore_mem>> -> memref<!tpu.dma_semaphore, #tpu.memory_space<semaphore_mem>>
        tpu.wait_indirect_dma semaphore(%dma_wait3A_121 : memref<!tpu.dma_semaphore, #tpu.memory_space<semaphore_mem>>) src(%dma_wait3A_119 : memref<10000x128xf32, #tpu.memory_space<hbm>>) dst(%arg10 : memref<128x128xf32, #tpu.memory_space<vmem>>)
        %dma_start3A_122 = arith.constant 1 : i32
        %dma_start3A_123 = arith.constant 0 : i32
        %dma_start3A_124 = arith.constant 0 : i32
        %dma_start3A_125 = tpu.memref_slice %arg11[%dma_start3A_123, %dma_start3A_124] : memref<10112x128xf32, #tpu.memory_space<vmem_shared>> -> memref<10112x128xf32, #tpu.memory_space<vmem_shared>>
        %dma_start3A_126 = tpu.memref_slice %arg13[%dma_start3A_122] : memref<2x!tpu.dma_semaphore, #tpu.memory_space<semaphore_mem>> -> memref<1x!tpu.dma_semaphore, #tpu.memory_space<semaphore_mem>>
        %dma_start3A_127 = tpu.memref_squeeze %dma_start3A_126 : memref<1x!tpu.dma_semaphore, #tpu.memory_space<semaphore_mem>> -> memref<!tpu.dma_semaphore, #tpu.memory_space<semaphore_mem>>
        tpu.enqueue_indirect_dma source(%arg10 : memref<128x128xf32, #tpu.memory_space<vmem>>) target(%dma_start3A_125 : memref<10112x128xf32, #tpu.memory_space<vmem_shared>>) offsets(%arg8 : memref<128xi32, #tpu.memory_space<vmem>>) semaphore(%dma_start3A_127 : memref<!tpu.dma_semaphore, #tpu.memory_space<semaphore_mem>>) {add = true}
        %dma_wait3A_128 = arith.constant 0 : i32
        %dma_wait3A_129 = arith.constant 0 : i32
        %dma_wait3A_130 = arith.constant 0 : i32
        %dma_wait3A_131 = tpu.memref_slice %arg11[%dma_wait3A_129, %dma_wait3A_130] : memref<10112x128xf32, #tpu.memory_space<vmem_shared>> -> memref<10112x128xf32, #tpu.memory_space<vmem_shared>>
        %dma_wait3A_132 = tpu.memref_slice %arg13[%dma_wait3A_128] : memref<2x!tpu.dma_semaphore, #tpu.memory_space<semaphore_mem>> -> memref<1x!tpu.dma_semaphore, #tpu.memory_space<semaphore_mem>>
        %dma_wait3A_133 = tpu.memref_squeeze %dma_wait3A_132 : memref<1x!tpu.dma_semaphore, #tpu.memory_space<semaphore_mem>> -> memref<!tpu.dma_semaphore, #tpu.memory_space<semaphore_mem>>
        tpu.wait_indirect_dma semaphore(%dma_wait3A_133 : memref<!tpu.dma_semaphore, #tpu.memory_space<semaphore_mem>>) src(%arg9 : memref<128x128xf32, #tpu.memory_space<vmem>>) dst(%dma_wait3A_131 : memref<10112x128xf32, #tpu.memory_space<vmem_shared>>)
        %dma_wait3A_134 = arith.constant 1 : i32
        %dma_wait3A_135 = arith.constant 0 : i32
        %dma_wait3A_136 = arith.constant 0 : i32
        %dma_wait3A_137 = tpu.memref_slice %arg11[%dma_wait3A_135, %dma_wait3A_136] : memref<10112x128xf32, #tpu.memory_space<vmem_shared>> -> memref<10112x128xf32, #tpu.memory_space<vmem_shared>>
        %dma_wait3A_138 = tpu.memref_slice %arg13[%dma_wait3A_134] : memref<2x!tpu.dma_semaphore, #tpu.memory_space<semaphore_mem>> -> memref<1x!tpu.dma_semaphore, #tpu.memory_space<semaphore_mem>>
        %dma_wait3A_139 = tpu.memref_squeeze %dma_wait3A_138 : memref<1x!tpu.dma_semaphore, #tpu.memory_space<semaphore_mem>> -> memref<!tpu.dma_semaphore, #tpu.memory_space<semaphore_mem>>
        tpu.wait_indirect_dma semaphore(%dma_wait3A_139 : memref<!tpu.dma_semaphore, #tpu.memory_space<semaphore_mem>>) src(%arg10 : memref<128x128xf32, #tpu.memory_space<vmem>>) dst(%dma_wait3A_137 : memref<10112x128xf32, #tpu.memory_space<vmem_shared>>)
      }
      %scan3A_28 = arith.constant 60 : i32
    } else {
    }
    %eq3A_14 = arith.constant 1 : i32
    %eq3A_15 = arith.cmpi eq, %arg0, %eq3A_14 : i32
    %convert_element_type3A_16 = arith.extui %eq3A_15 : i1 to i32
    %cond3A_17 = arith.constant 0 : i32
    %cond3A_18 = arith.cmpi ne, %convert_element_type3A_16, %cond3A_17 : i32
    scf.if %cond3A_18 {
      "tpu.region"() ({
        %run_scoped3A = tpu.sem_alloc : memref<!tpu.dma_semaphore, #tpu.memory_space<semaphore_mem>>
        %dma_start3A = arith.constant 0 : i32
        %dma_start3A_29 = arith.constant 0 : i32
        %dma_start3A_30 = tpu.memref_slice %arg6[%dma_start3A, %dma_start3A_29] : memref<120x128xi32, #tpu.memory_space<vmem>> -> memref<40x128xi32, #tpu.memory_space<vmem>>
        %dma_start3A_31 = arith.constant 120 : i32
        %dma_start3A_32 = arith.constant 0 : i32
        %dma_start3A_33 = tpu.memref_slice %arg3[%arg1, %dma_start3A_31, %dma_start3A_32] : memref<16x160x128xi32, #tpu.memory_space<hbm>> -> memref<1x40x128xi32, #tpu.memory_space<hbm>>
        %dma_start3A_34 = tpu.memref_squeeze %dma_start3A_33 : memref<1x40x128xi32, #tpu.memory_space<hbm>> -> memref<40x128xi32, #tpu.memory_space<hbm>>
        %dma_start3A_35 = arith.constant 0 : i32
        %dma_start3A_36 = arith.constant 0 : i32
        %dma_start3A_37 = tpu.memref_slice %arg6[%dma_start3A_35, %dma_start3A_36] : memref<120x128xi32, #tpu.memory_space<vmem>> -> memref<40x128xi32, #tpu.memory_space<vmem>>
        %dma_start3A_38 = arith.constant 120 : i32
        %dma_start3A_39 = arith.constant 0 : i32
        %dma_start3A_40 = tpu.memref_slice %arg3[%arg1, %dma_start3A_38, %dma_start3A_39] : memref<16x160x128xi32, #tpu.memory_space<hbm>> -> memref<1x40x128xi32, #tpu.memory_space<hbm>>
        %dma_start3A_41 = tpu.memref_squeeze %dma_start3A_40 : memref<1x40x128xi32, #tpu.memory_space<hbm>> -> memref<40x128xi32, #tpu.memory_space<hbm>>
        tpu.enqueue_dma source(%dma_start3A_41 : memref<40x128xi32, #tpu.memory_space<hbm>>) target(%dma_start3A_37 : memref<40x128xi32, #tpu.memory_space<vmem>>) target_semaphore(%run_scoped3A : memref<!tpu.dma_semaphore, #tpu.memory_space<semaphore_mem>>)
        %dma_wait3A = arith.constant 0 : i32
        %dma_wait3A_42 = arith.constant 0 : i32
        %dma_wait3A_43 = tpu.memref_slice %arg6[%dma_wait3A, %dma_wait3A_42] : memref<120x128xi32, #tpu.memory_space<vmem>> -> memref<40x128xi32, #tpu.memory_space<vmem>>
        %dma_wait3A_44 = arith.constant 120 : i32
        %dma_wait3A_45 = arith.constant 0 : i32
        %dma_wait3A_46 = tpu.memref_slice %arg3[%arg1, %dma_wait3A_44, %dma_wait3A_45] : memref<16x160x128xi32, #tpu.memory_space<hbm>> -> memref<1x40x128xi32, #tpu.memory_space<hbm>>
        %dma_wait3A_47 = tpu.memref_squeeze %dma_wait3A_46 : memref<1x40x128xi32, #tpu.memory_space<hbm>> -> memref<40x128xi32, #tpu.memory_space<hbm>>
        %dma_wait3A_48 = arith.constant 0 : i32
        %dma_wait3A_49 = arith.constant 0 : i32
        %dma_wait3A_50 = tpu.memref_slice %arg6[%dma_wait3A_48, %dma_wait3A_49] : memref<120x128xi32, #tpu.memory_space<vmem>> -> memref<40x128xi32, #tpu.memory_space<vmem>>
        %dma_wait3A_51 = arith.constant 120 : i32
        %dma_wait3A_52 = arith.constant 0 : i32
        %dma_wait3A_53 = tpu.memref_slice %arg3[%arg1, %dma_wait3A_51, %dma_wait3A_52] : memref<16x160x128xi32, #tpu.memory_space<hbm>> -> memref<1x40x128xi32, #tpu.memory_space<hbm>>
        %dma_wait3A_54 = tpu.memref_squeeze %dma_wait3A_53 : memref<1x40x128xi32, #tpu.memory_space<hbm>> -> memref<40x128xi32, #tpu.memory_space<hbm>>
        tpu.wait_dma2 semaphore(%run_scoped3A : memref<!tpu.dma_semaphore, #tpu.memory_space<semaphore_mem>>) src(%dma_wait3A_54 : memref<40x128xi32, #tpu.memory_space<hbm>>) dst(%dma_wait3A_50 : memref<40x128xi32, #tpu.memory_space<vmem>>)
        tpu.yield
      }) : () -> ()
      %scan3A_24 = arith.constant 0 : i32
      %scan3A_25 = arith.constant 20 : i32
      %scan3A_26 = arith.addi %scan3A_24, %scan3A_25 : i32
      %scan3A_27 = arith.constant 1 : i32
      scf.for %scan3A_29 = %scan3A_24 to %scan3A_26 step %scan3A_27  : i32 {
        %mul3A_30 = arith.constant 2 : i32
        %mul3A_31 = arith.muli %scan3A_29, %mul3A_30 : i32
        %add3A_32 = arith.constant 0 : i32
        %add3A_33 = arith.addi %add3A_32, %mul3A_31 : i32
        %add3A_34 = arith.constant 120 : i32
        %add3A_35 = arith.addi %add3A_34, %add3A_33 : i32
        %add3A_36 = arith.constant 0 : i32
        %add3A_37 = arith.addi %add3A_35, %add3A_36 : i32
        %dma_start3A = arith.constant 0 : i32
        %dma_start3A_38 = arith.constant 0 : i32
        %dma_start3A_39 = tpu.memref_slice %arg4[%arg1, %add3A_37, %dma_start3A_38] : memref<16x160x128xi32, #tpu.memory_space<hbm>> -> memref<1x1x128xi32, #tpu.memory_space<hbm>>
        %dma_start3A_40 = tpu.memref_squeeze %dma_start3A_39 : memref<1x1x128xi32, #tpu.memory_space<hbm>> -> memref<128xi32, #tpu.memory_space<hbm>>
        %dma_start3A_41 = tpu.memref_slice %arg14[%dma_start3A] : memref<2x!tpu.dma_semaphore, #tpu.memory_space<semaphore_mem>> -> memref<1x!tpu.dma_semaphore, #tpu.memory_space<semaphore_mem>>
        %dma_start3A_42 = tpu.memref_squeeze %dma_start3A_41 : memref<1x!tpu.dma_semaphore, #tpu.memory_space<semaphore_mem>> -> memref<!tpu.dma_semaphore, #tpu.memory_space<semaphore_mem>>
        %dma_start3A_43 = arith.constant 0 : i32
        %dma_start3A_44 = tpu.memref_slice %arg4[%arg1, %add3A_37, %dma_start3A_43] : memref<16x160x128xi32, #tpu.memory_space<hbm>> -> memref<1x1x128xi32, #tpu.memory_space<hbm>>
        %dma_start3A_45 = tpu.memref_squeeze %dma_start3A_44 : memref<1x1x128xi32, #tpu.memory_space<hbm>> -> memref<128xi32, #tpu.memory_space<hbm>>
        tpu.enqueue_dma source(%dma_start3A_45 : memref<128xi32, #tpu.memory_space<hbm>>) target(%arg7 : memref<128xi32, #tpu.memory_space<vmem>>) target_semaphore(%dma_start3A_42 : memref<!tpu.dma_semaphore, #tpu.memory_space<semaphore_mem>>)
        %add3A_46 = arith.constant 120 : i32
        %add3A_47 = arith.addi %add3A_46, %add3A_33 : i32
        %add3A_48 = arith.constant 1 : i32
        %add3A_49 = arith.addi %add3A_47, %add3A_48 : i32
        %dma_start3A_50 = arith.constant 1 : i32
        %dma_start3A_51 = arith.constant 0 : i32
        %dma_start3A_52 = tpu.memref_slice %arg4[%arg1, %add3A_49, %dma_start3A_51] : memref<16x160x128xi32, #tpu.memory_space<hbm>> -> memref<1x1x128xi32, #tpu.memory_space<hbm>>
        %dma_start3A_53 = tpu.memref_squeeze %dma_start3A_52 : memref<1x1x128xi32, #tpu.memory_space<hbm>> -> memref<128xi32, #tpu.memory_space<hbm>>
        %dma_start3A_54 = tpu.memref_slice %arg14[%dma_start3A_50] : memref<2x!tpu.dma_semaphore, #tpu.memory_space<semaphore_mem>> -> memref<1x!tpu.dma_semaphore, #tpu.memory_space<semaphore_mem>>
        %dma_start3A_55 = tpu.memref_squeeze %dma_start3A_54 : memref<1x!tpu.dma_semaphore, #tpu.memory_space<semaphore_mem>> -> memref<!tpu.dma_semaphore, #tpu.memory_space<semaphore_mem>>
        %dma_start3A_56 = arith.constant 0 : i32
        %dma_start3A_57 = tpu.memref_slice %arg4[%arg1, %add3A_49, %dma_start3A_56] : memref<16x160x128xi32, #tpu.memory_space<hbm>> -> memref<1x1x128xi32, #tpu.memory_space<hbm>>
        %dma_start3A_58 = tpu.memref_squeeze %dma_start3A_57 : memref<1x1x128xi32, #tpu.memory_space<hbm>> -> memref<128xi32, #tpu.memory_space<hbm>>
        tpu.enqueue_dma source(%dma_start3A_58 : memref<128xi32, #tpu.memory_space<hbm>>) target(%arg8 : memref<128xi32, #tpu.memory_space<vmem>>) target_semaphore(%dma_start3A_55 : memref<!tpu.dma_semaphore, #tpu.memory_space<semaphore_mem>>)
        %add3A_59 = arith.constant 0 : i32
        %add3A_60 = arith.addi %add3A_33, %add3A_59 : i32
        %dma_start3A_61 = arith.constant 0 : i32
        %dma_start3A_62 = arith.constant 0 : i32
        %dma_start3A_63 = tpu.memref_slice %arg6[%add3A_60, %dma_start3A_62] : memref<120x128xi32, #tpu.memory_space<vmem>> -> memref<1x128xi32, #tpu.memory_space<vmem>>
        %dma_start3A_64 = tpu.memref_squeeze %dma_start3A_63 : memref<1x128xi32, #tpu.memory_space<vmem>> -> memref<128xi32, #tpu.memory_space<vmem>>
        %dma_start3A_65 = arith.constant 0 : i32
        %dma_start3A_66 = arith.constant 0 : i32
        %dma_start3A_67 = tpu.memref_slice %arg2[%dma_start3A_65, %dma_start3A_66] : memref<10000x128xf32, #tpu.memory_space<hbm>> -> memref<10000x128xf32, #tpu.memory_space<hbm>>
        %dma_start3A_68 = tpu.memref_slice %arg12[%dma_start3A_61] : memref<2x!tpu.dma_semaphore, #tpu.memory_space<semaphore_mem>> -> memref<1x!tpu.dma_semaphore, #tpu.memory_space<semaphore_mem>>
        %dma_start3A_69 = tpu.memref_squeeze %dma_start3A_68 : memref<1x!tpu.dma_semaphore, #tpu.memory_space<semaphore_mem>> -> memref<!tpu.dma_semaphore, #tpu.memory_space<semaphore_mem>>
        tpu.enqueue_indirect_dma source(%dma_start3A_67 : memref<10000x128xf32, #tpu.memory_space<hbm>>) target(%arg9 : memref<128x128xf32, #tpu.memory_space<vmem>>) offsets(%dma_start3A_64 : memref<128xi32, #tpu.memory_space<vmem>>) semaphore(%dma_start3A_69 : memref<!tpu.dma_semaphore, #tpu.memory_space<semaphore_mem>>)
        %add3A_70 = arith.constant 1 : i32
        %add3A_71 = arith.addi %add3A_33, %add3A_70 : i32
        %dma_start3A_72 = arith.constant 1 : i32
        %dma_start3A_73 = arith.constant 0 : i32
        %dma_start3A_74 = tpu.memref_slice %arg6[%add3A_71, %dma_start3A_73] : memref<120x128xi32, #tpu.memory_space<vmem>> -> memref<1x128xi32, #tpu.memory_space<vmem>>
        %dma_start3A_75 = tpu.memref_squeeze %dma_start3A_74 : memref<1x128xi32, #tpu.memory_space<vmem>> -> memref<128xi32, #tpu.memory_space<vmem>>
        %dma_start3A_76 = arith.constant 0 : i32
        %dma_start3A_77 = arith.constant 0 : i32
        %dma_start3A_78 = tpu.memref_slice %arg2[%dma_start3A_76, %dma_start3A_77] : memref<10000x128xf32, #tpu.memory_space<hbm>> -> memref<10000x128xf32, #tpu.memory_space<hbm>>
        %dma_start3A_79 = tpu.memref_slice %arg12[%dma_start3A_72] : memref<2x!tpu.dma_semaphore, #tpu.memory_space<semaphore_mem>> -> memref<1x!tpu.dma_semaphore, #tpu.memory_space<semaphore_mem>>
        %dma_start3A_80 = tpu.memref_squeeze %dma_start3A_79 : memref<1x!tpu.dma_semaphore, #tpu.memory_space<semaphore_mem>> -> memref<!tpu.dma_semaphore, #tpu.memory_space<semaphore_mem>>
        tpu.enqueue_indirect_dma source(%dma_start3A_78 : memref<10000x128xf32, #tpu.memory_space<hbm>>) target(%arg10 : memref<128x128xf32, #tpu.memory_space<vmem>>) offsets(%dma_start3A_75 : memref<128xi32, #tpu.memory_space<vmem>>) semaphore(%dma_start3A_80 : memref<!tpu.dma_semaphore, #tpu.memory_space<semaphore_mem>>)
        %dma_wait3A = arith.constant 0 : i32
        %dma_wait3A_81 = arith.constant 0 : i32
        %dma_wait3A_82 = tpu.memref_slice %arg4[%arg1, %add3A_37, %dma_wait3A_81] : memref<16x160x128xi32, #tpu.memory_space<hbm>> -> memref<1x1x128xi32, #tpu.memory_space<hbm>>
        %dma_wait3A_83 = tpu.memref_squeeze %dma_wait3A_82 : memref<1x1x128xi32, #tpu.memory_space<hbm>> -> memref<128xi32, #tpu.memory_space<hbm>>
        %dma_wait3A_84 = tpu.memref_slice %arg14[%dma_wait3A] : memref<2x!tpu.dma_semaphore, #tpu.memory_space<semaphore_mem>> -> memref<1x!tpu.dma_semaphore, #tpu.memory_space<semaphore_mem>>
        %dma_wait3A_85 = tpu.memref_squeeze %dma_wait3A_84 : memref<1x!tpu.dma_semaphore, #tpu.memory_space<semaphore_mem>> -> memref<!tpu.dma_semaphore, #tpu.memory_space<semaphore_mem>>
        %dma_wait3A_86 = arith.constant 0 : i32
        %dma_wait3A_87 = tpu.memref_slice %arg4[%arg1, %add3A_37, %dma_wait3A_86] : memref<16x160x128xi32, #tpu.memory_space<hbm>> -> memref<1x1x128xi32, #tpu.memory_space<hbm>>
        %dma_wait3A_88 = tpu.memref_squeeze %dma_wait3A_87 : memref<1x1x128xi32, #tpu.memory_space<hbm>> -> memref<128xi32, #tpu.memory_space<hbm>>
        tpu.wait_dma2 semaphore(%dma_wait3A_85 : memref<!tpu.dma_semaphore, #tpu.memory_space<semaphore_mem>>) src(%dma_wait3A_88 : memref<128xi32, #tpu.memory_space<hbm>>) dst(%arg7 : memref<128xi32, #tpu.memory_space<vmem>>)
        %dma_wait3A_89 = arith.constant 0 : i32
        %dma_wait3A_90 = arith.constant 0 : i32
        %dma_wait3A_91 = tpu.memref_slice %arg6[%add3A_60, %dma_wait3A_90] : memref<120x128xi32, #tpu.memory_space<vmem>> -> memref<1x128xi32, #tpu.memory_space<vmem>>
        %dma_wait3A_92 = tpu.memref_squeeze %dma_wait3A_91 : memref<1x128xi32, #tpu.memory_space<vmem>> -> memref<128xi32, #tpu.memory_space<vmem>>
        %dma_wait3A_93 = arith.constant 0 : i32
        %dma_wait3A_94 = arith.constant 0 : i32
        %dma_wait3A_95 = tpu.memref_slice %arg2[%dma_wait3A_93, %dma_wait3A_94] : memref<10000x128xf32, #tpu.memory_space<hbm>> -> memref<10000x128xf32, #tpu.memory_space<hbm>>
        %dma_wait3A_96 = tpu.memref_slice %arg12[%dma_wait3A_89] : memref<2x!tpu.dma_semaphore, #tpu.memory_space<semaphore_mem>> -> memref<1x!tpu.dma_semaphore, #tpu.memory_space<semaphore_mem>>
        %dma_wait3A_97 = tpu.memref_squeeze %dma_wait3A_96 : memref<1x!tpu.dma_semaphore, #tpu.memory_space<semaphore_mem>> -> memref<!tpu.dma_semaphore, #tpu.memory_space<semaphore_mem>>
        tpu.wait_indirect_dma semaphore(%dma_wait3A_97 : memref<!tpu.dma_semaphore, #tpu.memory_space<semaphore_mem>>) src(%dma_wait3A_95 : memref<10000x128xf32, #tpu.memory_space<hbm>>) dst(%arg9 : memref<128x128xf32, #tpu.memory_space<vmem>>)
        %dma_start3A_98 = arith.constant 0 : i32
        %dma_start3A_99 = arith.constant 0 : i32
        %dma_start3A_100 = arith.constant 0 : i32
        %dma_start3A_101 = tpu.memref_slice %arg11[%dma_start3A_99, %dma_start3A_100] : memref<10112x128xf32, #tpu.memory_space<vmem_shared>> -> memref<10112x128xf32, #tpu.memory_space<vmem_shared>>
        %dma_start3A_102 = tpu.memref_slice %arg13[%dma_start3A_98] : memref<2x!tpu.dma_semaphore, #tpu.memory_space<semaphore_mem>> -> memref<1x!tpu.dma_semaphore, #tpu.memory_space<semaphore_mem>>
        %dma_start3A_103 = tpu.memref_squeeze %dma_start3A_102 : memref<1x!tpu.dma_semaphore, #tpu.memory_space<semaphore_mem>> -> memref<!tpu.dma_semaphore, #tpu.memory_space<semaphore_mem>>
        tpu.enqueue_indirect_dma source(%arg9 : memref<128x128xf32, #tpu.memory_space<vmem>>) target(%dma_start3A_101 : memref<10112x128xf32, #tpu.memory_space<vmem_shared>>) offsets(%arg7 : memref<128xi32, #tpu.memory_space<vmem>>) semaphore(%dma_start3A_103 : memref<!tpu.dma_semaphore, #tpu.memory_space<semaphore_mem>>) {add = true}
        %dma_wait3A_104 = arith.constant 1 : i32
        %dma_wait3A_105 = arith.constant 0 : i32
        %dma_wait3A_106 = tpu.memref_slice %arg4[%arg1, %add3A_49, %dma_wait3A_105] : memref<16x160x128xi32, #tpu.memory_space<hbm>> -> memref<1x1x128xi32, #tpu.memory_space<hbm>>
        %dma_wait3A_107 = tpu.memref_squeeze %dma_wait3A_106 : memref<1x1x128xi32, #tpu.memory_space<hbm>> -> memref<128xi32, #tpu.memory_space<hbm>>
        %dma_wait3A_108 = tpu.memref_slice %arg14[%dma_wait3A_104] : memref<2x!tpu.dma_semaphore, #tpu.memory_space<semaphore_mem>> -> memref<1x!tpu.dma_semaphore, #tpu.memory_space<semaphore_mem>>
        %dma_wait3A_109 = tpu.memref_squeeze %dma_wait3A_108 : memref<1x!tpu.dma_semaphore, #tpu.memory_space<semaphore_mem>> -> memref<!tpu.dma_semaphore, #tpu.memory_space<semaphore_mem>>
        %dma_wait3A_110 = arith.constant 0 : i32
        %dma_wait3A_111 = tpu.memref_slice %arg4[%arg1, %add3A_49, %dma_wait3A_110] : memref<16x160x128xi32, #tpu.memory_space<hbm>> -> memref<1x1x128xi32, #tpu.memory_space<hbm>>
        %dma_wait3A_112 = tpu.memref_squeeze %dma_wait3A_111 : memref<1x1x128xi32, #tpu.memory_space<hbm>> -> memref<128xi32, #tpu.memory_space<hbm>>
        tpu.wait_dma2 semaphore(%dma_wait3A_109 : memref<!tpu.dma_semaphore, #tpu.memory_space<semaphore_mem>>) src(%dma_wait3A_112 : memref<128xi32, #tpu.memory_space<hbm>>) dst(%arg8 : memref<128xi32, #tpu.memory_space<vmem>>)
        %dma_wait3A_113 = arith.constant 1 : i32
        %dma_wait3A_114 = arith.constant 0 : i32
        %dma_wait3A_115 = tpu.memref_slice %arg6[%add3A_71, %dma_wait3A_114] : memref<120x128xi32, #tpu.memory_space<vmem>> -> memref<1x128xi32, #tpu.memory_space<vmem>>
        %dma_wait3A_116 = tpu.memref_squeeze %dma_wait3A_115 : memref<1x128xi32, #tpu.memory_space<vmem>> -> memref<128xi32, #tpu.memory_space<vmem>>
        %dma_wait3A_117 = arith.constant 0 : i32
        %dma_wait3A_118 = arith.constant 0 : i32
        %dma_wait3A_119 = tpu.memref_slice %arg2[%dma_wait3A_117, %dma_wait3A_118] : memref<10000x128xf32, #tpu.memory_space<hbm>> -> memref<10000x128xf32, #tpu.memory_space<hbm>>
        %dma_wait3A_120 = tpu.memref_slice %arg12[%dma_wait3A_113] : memref<2x!tpu.dma_semaphore, #tpu.memory_space<semaphore_mem>> -> memref<1x!tpu.dma_semaphore, #tpu.memory_space<semaphore_mem>>
        %dma_wait3A_121 = tpu.memref_squeeze %dma_wait3A_120 : memref<1x!tpu.dma_semaphore, #tpu.memory_space<semaphore_mem>> -> memref<!tpu.dma_semaphore, #tpu.memory_space<semaphore_mem>>
        tpu.wait_indirect_dma semaphore(%dma_wait3A_121 : memref<!tpu.dma_semaphore, #tpu.memory_space<semaphore_mem>>) src(%dma_wait3A_119 : memref<10000x128xf32, #tpu.memory_space<hbm>>) dst(%arg10 : memref<128x128xf32, #tpu.memory_space<vmem>>)
        %dma_start3A_122 = arith.constant 1 : i32
        %dma_start3A_123 = arith.constant 0 : i32
        %dma_start3A_124 = arith.constant 0 : i32
        %dma_start3A_125 = tpu.memref_slice %arg11[%dma_start3A_123, %dma_start3A_124] : memref<10112x128xf32, #tpu.memory_space<vmem_shared>> -> memref<10112x128xf32, #tpu.memory_space<vmem_shared>>
        %dma_start3A_126 = tpu.memref_slice %arg13[%dma_start3A_122] : memref<2x!tpu.dma_semaphore, #tpu.memory_space<semaphore_mem>> -> memref<1x!tpu.dma_semaphore, #tpu.memory_space<semaphore_mem>>
        %dma_start3A_127 = tpu.memref_squeeze %dma_start3A_126 : memref<1x!tpu.dma_semaphore, #tpu.memory_space<semaphore_mem>> -> memref<!tpu.dma_semaphore, #tpu.memory_space<semaphore_mem>>
        tpu.enqueue_indirect_dma source(%arg10 : memref<128x128xf32, #tpu.memory_space<vmem>>) target(%dma_start3A_125 : memref<10112x128xf32, #tpu.memory_space<vmem_shared>>) offsets(%arg8 : memref<128xi32, #tpu.memory_space<vmem>>) semaphore(%dma_start3A_127 : memref<!tpu.dma_semaphore, #tpu.memory_space<semaphore_mem>>) {add = true}
        %dma_wait3A_128 = arith.constant 0 : i32
        %dma_wait3A_129 = arith.constant 0 : i32
        %dma_wait3A_130 = arith.constant 0 : i32
        %dma_wait3A_131 = tpu.memref_slice %arg11[%dma_wait3A_129, %dma_wait3A_130] : memref<10112x128xf32, #tpu.memory_space<vmem_shared>> -> memref<10112x128xf32, #tpu.memory_space<vmem_shared>>
        %dma_wait3A_132 = tpu.memref_slice %arg13[%dma_wait3A_128] : memref<2x!tpu.dma_semaphore, #tpu.memory_space<semaphore_mem>> -> memref<1x!tpu.dma_semaphore, #tpu.memory_space<semaphore_mem>>
        %dma_wait3A_133 = tpu.memref_squeeze %dma_wait3A_132 : memref<1x!tpu.dma_semaphore, #tpu.memory_space<semaphore_mem>> -> memref<!tpu.dma_semaphore, #tpu.memory_space<semaphore_mem>>
        tpu.wait_indirect_dma semaphore(%dma_wait3A_133 : memref<!tpu.dma_semaphore, #tpu.memory_space<semaphore_mem>>) src(%arg9 : memref<128x128xf32, #tpu.memory_space<vmem>>) dst(%dma_wait3A_131 : memref<10112x128xf32, #tpu.memory_space<vmem_shared>>)
        %dma_wait3A_134 = arith.constant 1 : i32
        %dma_wait3A_135 = arith.constant 0 : i32
        %dma_wait3A_136 = arith.constant 0 : i32
        %dma_wait3A_137 = tpu.memref_slice %arg11[%dma_wait3A_135, %dma_wait3A_136] : memref<10112x128xf32, #tpu.memory_space<vmem_shared>> -> memref<10112x128xf32, #tpu.memory_space<vmem_shared>>
        %dma_wait3A_138 = tpu.memref_slice %arg13[%dma_wait3A_134] : memref<2x!tpu.dma_semaphore, #tpu.memory_space<semaphore_mem>> -> memref<1x!tpu.dma_semaphore, #tpu.memory_space<semaphore_mem>>
        %dma_wait3A_139 = tpu.memref_squeeze %dma_wait3A_138 : memref<1x!tpu.dma_semaphore, #tpu.memory_space<semaphore_mem>> -> memref<!tpu.dma_semaphore, #tpu.memory_space<semaphore_mem>>
        tpu.wait_indirect_dma semaphore(%dma_wait3A_139 : memref<!tpu.dma_semaphore, #tpu.memory_space<semaphore_mem>>) src(%arg10 : memref<128x128xf32, #tpu.memory_space<vmem>>) dst(%dma_wait3A_137 : memref<10112x128xf32, #tpu.memory_space<vmem_shared>>)
      }
      %scan3A_28 = arith.constant 20 : i32
    } else {
    }
    %barrier3A_19 = arith.constant 0 : index
    tpu.barrier barrier_id(%barrier3A_19)
    %mul3A_20 = arith.constant 632 : i32
    %mul3A_21 = arith.muli %arg1, %mul3A_20 : i32
    %mul3A_22 = arith.constant 632 : i32
    %mul3A_23 = arith.muli %arg1, %mul3A_22 : i32
    "tpu.region"() ({
      %run_scoped3A = tpu.sem_alloc : memref<!tpu.dma_semaphore, #tpu.memory_space<semaphore_mem>>
      %dma_start3A = arith.constant 0 : i32
      %dma_start3A_24 = tpu.memref_slice %arg5[%arg0, %mul3A_23, %dma_start3A] : memref<2x10112x128xf32, #tpu.memory_space<hbm>> -> memref<1x632x128xf32, #tpu.memory_space<hbm>>
      %dma_start3A_25 = tpu.memref_squeeze %dma_start3A_24 : memref<1x632x128xf32, #tpu.memory_space<hbm>> -> memref<632x128xf32, #tpu.memory_space<hbm>>
      %dma_start3A_26 = arith.constant 0 : i32
      %dma_start3A_27 = tpu.memref_slice %arg11[%mul3A_21, %dma_start3A_26] : memref<10112x128xf32, #tpu.memory_space<vmem_shared>> -> memref<632x128xf32, #tpu.memory_space<vmem_shared>>
      tpu.enqueue_dma source(%dma_start3A_27 : memref<632x128xf32, #tpu.memory_space<vmem_shared>>) target(%dma_start3A_25 : memref<632x128xf32, #tpu.memory_space<hbm>>) target_semaphore(%run_scoped3A : memref<!tpu.dma_semaphore, #tpu.memory_space<semaphore_mem>>)
      %dma_wait3A = arith.constant 0 : i32
      %dma_wait3A_28 = tpu.memref_slice %arg5[%arg0, %mul3A_23, %dma_wait3A] : memref<2x10112x128xf32, #tpu.memory_space<hbm>> -> memref<1x632x128xf32, #tpu.memory_space<hbm>>
      %dma_wait3A_29 = tpu.memref_squeeze %dma_wait3A_28 : memref<1x632x128xf32, #tpu.memory_space<hbm>> -> memref<632x128xf32, #tpu.memory_space<hbm>>
      %dma_wait3A_30 = arith.constant 0 : i32
      %dma_wait3A_31 = tpu.memref_slice %arg11[%mul3A_21, %dma_wait3A_30] : memref<10112x128xf32, #tpu.memory_space<vmem_shared>> -> memref<632x128xf32, #tpu.memory_space<vmem_shared>>
      tpu.wait_dma2 semaphore(%run_scoped3A : memref<!tpu.dma_semaphore, #tpu.memory_space<semaphore_mem>>) src(%dma_wait3A_31 : memref<632x128xf32, #tpu.memory_space<vmem_shared>>) dst(%dma_wait3A_29 : memref<632x128xf32, #tpu.memory_space<hbm>>)
      tpu.yield
    }) : () -> ()
    return
  }
}

#map = affine_map<(d0, d1) -> (0, 0, 0)>
module attributes {stable_mosaic.version = 14 : i64} {
  func.func @_deg_pass(%arg0: i32, %arg1: i32, %arg2: memref<16x160x128xi32, #tpu.memory_space<hbm>>, %arg3: memref<2x10112x128xf32, #tpu.memory_space<hbm>>, %arg4: memref<80x128xi32, #tpu.memory_space<vmem>>, %arg5: memref<128x128xf32, #tpu.memory_space<vmem>>, %arg6: memref<10112x128xf32, #tpu.memory_space<vmem_shared>>, %arg7: memref<2x!tpu.dma_semaphore, #tpu.memory_space<semaphore_mem>>) attributes {dimension_semantics = [#tpu.dimension_semantics<core_parallel>, #tpu.dimension_semantics<subcore_parallel>], iteration_bounds = array<i64: 2, 16>, scalar_prefetch = 0 : i64, scratch_operands = 4 : i64, tpu.core_type = #tpu.core_type<sc_vector_subcore>, window_params = [{transform_indices = #map}, {transform_indices = #map}]} {
    %scan3A = arith.constant 0 : i32
    %scan3A_0 = arith.constant 128 : i32
    %scan3A_1 = arith.addi %scan3A, %scan3A_0 : i32
    %scan3A_2 = arith.constant 1 : i32
    scf.for %scan3A_29 = %scan3A to %scan3A_1 step %scan3A_2  : i32 {
      %mul3A_30 = arith.constant 1 : i32
      %mul3A_31 = arith.muli %scan3A_29, %mul3A_30 : i32
      %add3A_32 = arith.constant 0 : i32
      %add3A_33 = arith.addi %add3A_32, %mul3A_31 : i32
      %scan3A_34 = arith.constant 0 : i32
      %scan3A_35 = arith.constant 8 : i32
      %scan3A_36 = arith.addi %scan3A_34, %scan3A_35 : i32
      %scan3A_37 = arith.constant 1 : i32
      scf.for %scan3A_39 = %scan3A_34 to %scan3A_36 step %scan3A_37  : i32 {
        %mul3A_40 = arith.constant 16 : i32
        %mul3A_41 = arith.muli %scan3A_39, %mul3A_40 : i32
        %add3A_42 = arith.constant 0 : i32
        %add3A_43 = arith.addi %add3A_42, %mul3A_41 : i32
        %broadcast_in_dim3A = arith.constant 0.000000e+00 : f32
        %broadcast_in_dim3A_44 = vector.broadcast %broadcast_in_dim3A : f32 to vector<16xf32>
        %swap3A = arith.index_cast %add3A_33 : i32 to index
        %swap3A_45 = arith.index_cast %add3A_43 : i32 to index
        %swap3A_46 = tpu.vector_load %arg5[%swap3A, %swap3A_45] {strides = array<i32>} : memref<128x128xf32, #tpu.memory_space<vmem>>, vector<1x16xf32>,
        %swap3A_47 = vector.shape_cast %swap3A_46 : vector<1x16xf32> to vector<16xf32>
        %swap3A_48 = vector.shape_cast %broadcast_in_dim3A_44 : vector<16xf32> to vector<1x16xf32>
        tpu.vector_store %arg5[%swap3A, %swap3A_45], %swap3A_48 {strides = array<i32>} : memref<128x128xf32, #tpu.memory_space<vmem>>, vector<1x16xf32>,
      }
      %scan3A_38 = arith.constant 8 : i32
    }
    %scan3A_3 = arith.constant 128 : i32
    %scan3A_4 = arith.constant 0 : i32
    %scan3A_5 = arith.constant 4 : i32
    %scan3A_6 = arith.addi %scan3A_4, %scan3A_5 : i32
    %scan3A_7 = arith.constant 1 : i32
    scf.for %scan3A_29 = %scan3A_4 to %scan3A_6 step %scan3A_7  : i32 {
      %mul3A_30 = arith.constant 128 : i32
      %mul3A_31 = arith.muli %scan3A_29, %mul3A_30 : i32
      %add3A_32 = arith.constant 0 : i32
      %add3A_33 = arith.addi %add3A_32, %mul3A_31 : i32
      %mul3A_34 = arith.constant 632 : i32
      %mul3A_35 = arith.muli %arg1, %mul3A_34 : i32
      %add3A_36 = arith.addi %mul3A_35, %add3A_33 : i32
      "tpu.region"() ({
        %run_scoped3A = tpu.sem_alloc : memref<!tpu.dma_semaphore, #tpu.memory_space<semaphore_mem>>
        %dma_start3A = arith.constant 0 : i32
        %dma_start3A_37 = tpu.memref_slice %arg6[%add3A_36, %dma_start3A] : memref<10112x128xf32, #tpu.memory_space<vmem_shared>> -> memref<128x128xf32, #tpu.memory_space<vmem_shared>>
        %dma_start3A_38 = arith.constant 0 : i32
        %dma_start3A_39 = tpu.memref_slice %arg6[%add3A_36, %dma_start3A_38] : memref<10112x128xf32, #tpu.memory_space<vmem_shared>> -> memref<128x128xf32, #tpu.memory_space<vmem_shared>>
        tpu.enqueue_dma source(%arg5 : memref<128x128xf32, #tpu.memory_space<vmem>>) target(%dma_start3A_39 : memref<128x128xf32, #tpu.memory_space<vmem_shared>>) target_semaphore(%run_scoped3A : memref<!tpu.dma_semaphore, #tpu.memory_space<semaphore_mem>>)
        %dma_wait3A = arith.constant 0 : i32
        %dma_wait3A_40 = tpu.memref_slice %arg6[%add3A_36, %dma_wait3A] : memref<10112x128xf32, #tpu.memory_space<vmem_shared>> -> memref<128x128xf32, #tpu.memory_space<vmem_shared>>
        %dma_wait3A_41 = arith.constant 0 : i32
        %dma_wait3A_42 = tpu.memref_slice %arg6[%add3A_36, %dma_wait3A_41] : memref<10112x128xf32, #tpu.memory_space<vmem_shared>> -> memref<128x128xf32, #tpu.memory_space<vmem_shared>>
        tpu.wait_dma2 semaphore(%run_scoped3A : memref<!tpu.dma_semaphore, #tpu.memory_space<semaphore_mem>>) src(%arg5 : memref<128x128xf32, #tpu.memory_space<vmem>>) dst(%dma_wait3A_42 : memref<128x128xf32, #tpu.memory_space<vmem_shared>>)
        tpu.yield
      }) : () -> ()
    }
    %scan3A_8 = arith.constant 4 : i32
    %mul3A = arith.constant 632 : i32
    %mul3A_9 = arith.muli %arg1, %mul3A : i32
    %add3A = arith.constant 632 : i32
    %add3A_10 = arith.addi %mul3A_9, %add3A : i32
    %sub3A = arith.constant 120 : i32
    %sub3A_11 = arith.subi %add3A_10, %sub3A : i32
    "tpu.region"() ({
      %run_scoped3A = tpu.sem_alloc : memref<!tpu.dma_semaphore, #tpu.memory_space<semaphore_mem>>
      %dma_start3A = arith.constant 0 : i32
      %dma_start3A_29 = arith.constant 0 : i32
      %dma_start3A_30 = tpu.memref_slice %arg5[%dma_start3A, %dma_start3A_29] : memref<128x128xf32, #tpu.memory_space<vmem>> -> memref<120x128xf32, #tpu.memory_space<vmem>>
      %dma_start3A_31 = arith.constant 0 : i32
      %dma_start3A_32 = tpu.memref_slice %arg6[%sub3A_11, %dma_start3A_31] : memref<10112x128xf32, #tpu.memory_space<vmem_shared>> -> memref<120x128xf32, #tpu.memory_space<vmem_shared>>
      %dma_start3A_33 = arith.constant 0 : i32
      %dma_start3A_34 = tpu.memref_slice %arg6[%sub3A_11, %dma_start3A_33] : memref<10112x128xf32, #tpu.memory_space<vmem_shared>> -> memref<120x128xf32, #tpu.memory_space<vmem_shared>>
      %dma_start3A_35 = arith.constant 0 : i32
      %dma_start3A_36 = arith.constant 0 : i32
      %dma_start3A_37 = tpu.memref_slice %arg5[%dma_start3A_35, %dma_start3A_36] : memref<128x128xf32, #tpu.memory_space<vmem>> -> memref<120x128xf32, #tpu.memory_space<vmem>>
      tpu.enqueue_dma source(%dma_start3A_37 : memref<120x128xf32, #tpu.memory_space<vmem>>) target(%dma_start3A_34 : memref<120x128xf32, #tpu.memory_space<vmem_shared>>) target_semaphore(%run_scoped3A : memref<!tpu.dma_semaphore, #tpu.memory_space<semaphore_mem>>)
      %dma_wait3A = arith.constant 0 : i32
      %dma_wait3A_38 = arith.constant 0 : i32
      %dma_wait3A_39 = tpu.memref_slice %arg5[%dma_wait3A, %dma_wait3A_38] : memref<128x128xf32, #tpu.memory_space<vmem>> -> memref<120x128xf32, #tpu.memory_space<vmem>>
      %dma_wait3A_40 = arith.constant 0 : i32
      %dma_wait3A_41 = tpu.memref_slice %arg6[%sub3A_11, %dma_wait3A_40] : memref<10112x128xf32, #tpu.memory_space<vmem_shared>> -> memref<120x128xf32, #tpu.memory_space<vmem_shared>>
      %dma_wait3A_42 = arith.constant 0 : i32
      %dma_wait3A_43 = tpu.memref_slice %arg6[%sub3A_11, %dma_wait3A_42] : memref<10112x128xf32, #tpu.memory_space<vmem_shared>> -> memref<120x128xf32, #tpu.memory_space<vmem_shared>>
      %dma_wait3A_44 = arith.constant 0 : i32
      %dma_wait3A_45 = arith.constant 0 : i32
      %dma_wait3A_46 = tpu.memref_slice %arg5[%dma_wait3A_44, %dma_wait3A_45] : memref<128x128xf32, #tpu.memory_space<vmem>> -> memref<120x128xf32, #tpu.memory_space<vmem>>
      tpu.wait_dma2 semaphore(%run_scoped3A : memref<!tpu.dma_semaphore, #tpu.memory_space<semaphore_mem>>) src(%dma_wait3A_46 : memref<120x128xf32, #tpu.memory_space<vmem>>) dst(%dma_wait3A_43 : memref<120x128xf32, #tpu.memory_space<vmem_shared>>)
      tpu.yield
    }) : () -> ()
    %scan3A_12 = arith.constant 0 : i32
    %scan3A_13 = arith.constant 128 : i32
    %scan3A_14 = arith.addi %scan3A_12, %scan3A_13 : i32
    %scan3A_15 = arith.constant 1 : i32
    scf.for %scan3A_29 = %scan3A_12 to %scan3A_14 step %scan3A_15  : i32 {
      %mul3A_30 = arith.constant 1 : i32
      %mul3A_31 = arith.muli %scan3A_29, %mul3A_30 : i32
      %add3A_32 = arith.constant 0 : i32
      %add3A_33 = arith.addi %add3A_32, %mul3A_31 : i32
      %scan3A_34 = arith.constant 0 : i32
      %scan3A_35 = arith.constant 8 : i32
      %scan3A_36 = arith.addi %scan3A_34, %scan3A_35 : i32
      %scan3A_37 = arith.constant 1 : i32
      scf.for %scan3A_39 = %scan3A_34 to %scan3A_36 step %scan3A_37  : i32 {
        %mul3A_40 = arith.constant 16 : i32
        %mul3A_41 = arith.muli %scan3A_39, %mul3A_40 : i32
        %add3A_42 = arith.constant 0 : i32
        %add3A_43 = arith.addi %add3A_42, %mul3A_41 : i32
        %broadcast_in_dim3A = arith.constant 1.000000e+00 : f32
        %broadcast_in_dim3A_44 = vector.broadcast %broadcast_in_dim3A : f32 to vector<16xf32>
        %swap3A = arith.index_cast %add3A_33 : i32 to index
        %swap3A_45 = arith.index_cast %add3A_43 : i32 to index
        %swap3A_46 = tpu.vector_load %arg5[%swap3A, %swap3A_45] {strides = array<i32>} : memref<128x128xf32, #tpu.memory_space<vmem>>, vector<1x16xf32>,
        %swap3A_47 = vector.shape_cast %swap3A_46 : vector<1x16xf32> to vector<16xf32>
        %swap3A_48 = vector.shape_cast %broadcast_in_dim3A_44 : vector<16xf32> to vector<1x16xf32>
        tpu.vector_store %arg5[%swap3A, %swap3A_45], %swap3A_48 {strides = array<i32>} : memref<128x128xf32, #tpu.memory_space<vmem>>, vector<1x16xf32>,
      }
      %scan3A_38 = arith.constant 8 : i32
    }
    %scan3A_16 = arith.constant 128 : i32
    %barrier3A = arith.constant 0 : index
    tpu.barrier barrier_id(%barrier3A)
    %mul3A_17 = arith.constant 80 : i32
    %mul3A_18 = arith.muli %arg0, %mul3A_17 : i32
    "tpu.region"() ({
      %run_scoped3A = tpu.sem_alloc : memref<!tpu.dma_semaphore, #tpu.memory_space<semaphore_mem>>
      %dma_start3A = arith.constant 0 : i32
      %dma_start3A_29 = tpu.memref_slice %arg2[%arg1, %mul3A_18, %dma_start3A] : memref<16x160x128xi32, #tpu.memory_space<hbm>> -> memref<1x80x128xi32, #tpu.memory_space<hbm>>
      %dma_start3A_30 = tpu.memref_squeeze %dma_start3A_29 : memref<1x80x128xi32, #tpu.memory_space<hbm>> -> memref<80x128xi32, #tpu.memory_space<hbm>>
      %dma_start3A_31 = arith.constant 0 : i32
      %dma_start3A_32 = tpu.memref_slice %arg2[%arg1, %mul3A_18, %dma_start3A_31] : memref<16x160x128xi32, #tpu.memory_space<hbm>> -> memref<1x80x128xi32, #tpu.memory_space<hbm>>
      %dma_start3A_33 = tpu.memref_squeeze %dma_start3A_32 : memref<1x80x128xi32, #tpu.memory_space<hbm>> -> memref<80x128xi32, #tpu.memory_space<hbm>>
      tpu.enqueue_dma source(%dma_start3A_33 : memref<80x128xi32, #tpu.memory_space<hbm>>) target(%arg4 : memref<80x128xi32, #tpu.memory_space<vmem>>) target_semaphore(%run_scoped3A : memref<!tpu.dma_semaphore, #tpu.memory_space<semaphore_mem>>)
      %dma_wait3A = arith.constant 0 : i32
      %dma_wait3A_34 = tpu.memref_slice %arg2[%arg1, %mul3A_18, %dma_wait3A] : memref<16x160x128xi32, #tpu.memory_space<hbm>> -> memref<1x80x128xi32, #tpu.memory_space<hbm>>
      %dma_wait3A_35 = tpu.memref_squeeze %dma_wait3A_34 : memref<1x80x128xi32, #tpu.memory_space<hbm>> -> memref<80x128xi32, #tpu.memory_space<hbm>>
      %dma_wait3A_36 = arith.constant 0 : i32
      %dma_wait3A_37 = tpu.memref_slice %arg2[%arg1, %mul3A_18, %dma_wait3A_36] : memref<16x160x128xi32, #tpu.memory_space<hbm>> -> memref<1x80x128xi32, #tpu.memory_space<hbm>>
      %dma_wait3A_38 = tpu.memref_squeeze %dma_wait3A_37 : memref<1x80x128xi32, #tpu.memory_space<hbm>> -> memref<80x128xi32, #tpu.memory_space<hbm>>
      tpu.wait_dma2 semaphore(%run_scoped3A : memref<!tpu.dma_semaphore, #tpu.memory_space<semaphore_mem>>) src(%dma_wait3A_38 : memref<80x128xi32, #tpu.memory_space<hbm>>) dst(%arg4 : memref<80x128xi32, #tpu.memory_space<vmem>>)
      tpu.yield
    }) : () -> ()
    %scan3A_19 = arith.constant 0 : i32
    %scan3A_20 = arith.constant 40 : i32
    %scan3A_21 = arith.addi %scan3A_19, %scan3A_20 : i32
    %scan3A_22 = arith.constant 1 : i32
    scf.for %scan3A_29 = %scan3A_19 to %scan3A_21 step %scan3A_22  : i32 {
      %mul3A_30 = arith.constant 2 : i32
      %mul3A_31 = arith.muli %scan3A_29, %mul3A_30 : i32
      %add3A_32 = arith.constant 0 : i32
      %add3A_33 = arith.addi %add3A_32, %mul3A_31 : i32
      %add3A_34 = arith.constant 0 : i32
      %add3A_35 = arith.addi %add3A_33, %add3A_34 : i32
      %dma_start3A = arith.constant 0 : i32
      %dma_start3A_36 = arith.constant 0 : i32
      %dma_start3A_37 = tpu.memref_slice %arg4[%add3A_35, %dma_start3A_36] : memref<80x128xi32, #tpu.memory_space<vmem>> -> memref<1x128xi32, #tpu.memory_space<vmem>>
      %dma_start3A_38 = tpu.memref_squeeze %dma_start3A_37 : memref<1x128xi32, #tpu.memory_space<vmem>> -> memref<128xi32, #tpu.memory_space<vmem>>
      %dma_start3A_39 = arith.constant 0 : i32
      %dma_start3A_40 = arith.constant 0 : i32
      %dma_start3A_41 = tpu.memref_slice %arg6[%dma_start3A_39, %dma_start3A_40] : memref<10112x128xf32, #tpu.memory_space<vmem_shared>> -> memref<10112x128xf32, #tpu.memory_space<vmem_shared>>
      %dma_start3A_42 = tpu.memref_slice %arg7[%dma_start3A] : memref<2x!tpu.dma_semaphore, #tpu.memory_space<semaphore_mem>> -> memref<1x!tpu.dma_semaphore, #tpu.memory_space<semaphore_mem>>
      %dma_start3A_43 = tpu.memref_squeeze %dma_start3A_42 : memref<1x!tpu.dma_semaphore, #tpu.memory_space<semaphore_mem>> -> memref<!tpu.dma_semaphore, #tpu.memory_space<semaphore_mem>>
      tpu.enqueue_indirect_dma source(%arg5 : memref<128x128xf32, #tpu.memory_space<vmem>>) target(%dma_start3A_41 : memref<10112x128xf32, #tpu.memory_space<vmem_shared>>) offsets(%dma_start3A_38 : memref<128xi32, #tpu.memory_space<vmem>>) semaphore(%dma_start3A_43 : memref<!tpu.dma_semaphore, #tpu.memory_space<semaphore_mem>>) {add = true}
      %add3A_44 = arith.constant 1 : i32
      %add3A_45 = arith.addi %add3A_33, %add3A_44 : i32
      %dma_start3A_46 = arith.constant 1 : i32
      %dma_start3A_47 = arith.constant 0 : i32
      %dma_start3A_48 = tpu.memref_slice %arg4[%add3A_45, %dma_start3A_47] : memref<80x128xi32, #tpu.memory_space<vmem>> -> memref<1x128xi32, #tpu.memory_space<vmem>>
      %dma_start3A_49 = tpu.memref_squeeze %dma_start3A_48 : memref<1x128xi32, #tpu.memory_space<vmem>> -> memref<128xi32, #tpu.memory_space<vmem>>
      %dma_start3A_50 = arith.constant 0 : i32
      %dma_start3A_51 = arith.constant 0 : i32
      %dma_start3A_52 = tpu.memref_slice %arg6[%dma_start3A_50, %dma_start3A_51] : memref<10112x128xf32, #tpu.memory_space<vmem_shared>> -> memref<10112x128xf32, #tpu.memory_space<vmem_shared>>
      %dma_start3A_53 = tpu.memref_slice %arg7[%dma_start3A_46] : memref<2x!tpu.dma_semaphore, #tpu.memory_space<semaphore_mem>> -> memref<1x!tpu.dma_semaphore, #tpu.memory_space<semaphore_mem>>
      %dma_start3A_54 = tpu.memref_squeeze %dma_start3A_53 : memref<1x!tpu.dma_semaphore, #tpu.memory_space<semaphore_mem>> -> memref<!tpu.dma_semaphore, #tpu.memory_space<semaphore_mem>>
      tpu.enqueue_indirect_dma source(%arg5 : memref<128x128xf32, #tpu.memory_space<vmem>>) target(%dma_start3A_52 : memref<10112x128xf32, #tpu.memory_space<vmem_shared>>) offsets(%dma_start3A_49 : memref<128xi32, #tpu.memory_space<vmem>>) semaphore(%dma_start3A_54 : memref<!tpu.dma_semaphore, #tpu.memory_space<semaphore_mem>>) {add = true}
      %dma_wait3A = arith.constant 0 : i32
      %dma_wait3A_55 = arith.constant 0 : i32
      %dma_wait3A_56 = tpu.memref_slice %arg4[%add3A_35, %dma_wait3A_55] : memref<80x128xi32, #tpu.memory_space<vmem>> -> memref<1x128xi32, #tpu.memory_space<vmem>>
      %dma_wait3A_57 = tpu.memref_squeeze %dma_wait3A_56 : memref<1x128xi32, #tpu.memory_space<vmem>> -> memref<128xi32, #tpu.memory_space<vmem>>
      %dma_wait3A_58 = arith.constant 0 : i32
      %dma_wait3A_59 = arith.constant 0 : i32
      %dma_wait3A_60 = tpu.memref_slice %arg6[%dma_wait3A_58, %dma_wait3A_59] : memref<10112x128xf32, #tpu.memory_space<vmem_shared>> -> memref<10112x128xf32, #tpu.memory_space<vmem_shared>>
      %dma_wait3A_61 = tpu.memref_slice %arg7[%dma_wait3A] : memref<2x!tpu.dma_semaphore, #tpu.memory_space<semaphore_mem>> -> memref<1x!tpu.dma_semaphore, #tpu.memory_space<semaphore_mem>>
      %dma_wait3A_62 = tpu.memref_squeeze %dma_wait3A_61 : memref<1x!tpu.dma_semaphore, #tpu.memory_space<semaphore_mem>> -> memref<!tpu.dma_semaphore, #tpu.memory_space<semaphore_mem>>
      tpu.wait_indirect_dma semaphore(%dma_wait3A_62 : memref<!tpu.dma_semaphore, #tpu.memory_space<semaphore_mem>>) src(%arg5 : memref<128x128xf32, #tpu.memory_space<vmem>>) dst(%dma_wait3A_60 : memref<10112x128xf32, #tpu.memory_space<vmem_shared>>)
      %dma_wait3A_63 = arith.constant 1 : i32
      %dma_wait3A_64 = arith.constant 0 : i32
      %dma_wait3A_65 = tpu.memref_slice %arg4[%add3A_45, %dma_wait3A_64] : memref<80x128xi32, #tpu.memory_space<vmem>> -> memref<1x128xi32, #tpu.memory_space<vmem>>
      %dma_wait3A_66 = tpu.memref_squeeze %dma_wait3A_65 : memref<1x128xi32, #tpu.memory_space<vmem>> -> memref<128xi32, #tpu.memory_space<vmem>>
      %dma_wait3A_67 = arith.constant 0 : i32
      %dma_wait3A_68 = arith.constant 0 : i32
      %dma_wait3A_69 = tpu.memref_slice %arg6[%dma_wait3A_67, %dma_wait3A_68] : memref<10112x128xf32, #tpu.memory_space<vmem_shared>> -> memref<10112x128xf32, #tpu.memory_space<vmem_shared>>
      %dma_wait3A_70 = tpu.memref_slice %arg7[%dma_wait3A_63] : memref<2x!tpu.dma_semaphore, #tpu.memory_space<semaphore_mem>> -> memref<1x!tpu.dma_semaphore, #tpu.memory_space<semaphore_mem>>
      %dma_wait3A_71 = tpu.memref_squeeze %dma_wait3A_70 : memref<1x!tpu.dma_semaphore, #tpu.memory_space<semaphore_mem>> -> memref<!tpu.dma_semaphore, #tpu.memory_space<semaphore_mem>>
      tpu.wait_indirect_dma semaphore(%dma_wait3A_71 : memref<!tpu.dma_semaphore, #tpu.memory_space<semaphore_mem>>) src(%arg5 : memref<128x128xf32, #tpu.memory_space<vmem>>) dst(%dma_wait3A_69 : memref<10112x128xf32, #tpu.memory_space<vmem_shared>>)
    }
    %scan3A_23 = arith.constant 40 : i32
    %barrier3A_24 = arith.constant 0 : index
    tpu.barrier barrier_id(%barrier3A_24)
    %mul3A_25 = arith.constant 632 : i32
    %mul3A_26 = arith.muli %arg1, %mul3A_25 : i32
    %mul3A_27 = arith.constant 632 : i32
    %mul3A_28 = arith.muli %arg1, %mul3A_27 : i32
    "tpu.region"() ({
      %run_scoped3A = tpu.sem_alloc : memref<!tpu.dma_semaphore, #tpu.memory_space<semaphore_mem>>
      %dma_start3A = arith.constant 0 : i32
      %dma_start3A_29 = tpu.memref_slice %arg3[%arg0, %mul3A_28, %dma_start3A] : memref<2x10112x128xf32, #tpu.memory_space<hbm>> -> memref<1x632x128xf32, #tpu.memory_space<hbm>>
      %dma_start3A_30 = tpu.memref_squeeze %dma_start3A_29 : memref<1x632x128xf32, #tpu.memory_space<hbm>> -> memref<632x128xf32, #tpu.memory_space<hbm>>
      %dma_start3A_31 = arith.constant 0 : i32
      %dma_start3A_32 = tpu.memref_slice %arg6[%mul3A_26, %dma_start3A_31] : memref<10112x128xf32, #tpu.memory_space<vmem_shared>> -> memref<632x128xf32, #tpu.memory_space<vmem_shared>>
      tpu.enqueue_dma source(%dma_start3A_32 : memref<632x128xf32, #tpu.memory_space<vmem_shared>>) target(%dma_start3A_30 : memref<632x128xf32, #tpu.memory_space<hbm>>) target_semaphore(%run_scoped3A : memref<!tpu.dma_semaphore, #tpu.memory_space<semaphore_mem>>)
      %dma_wait3A = arith.constant 0 : i32
      %dma_wait3A_33 = tpu.memref_slice %arg3[%arg0, %mul3A_28, %dma_wait3A] : memref<2x10112x128xf32, #tpu.memory_space<hbm>> -> memref<1x632x128xf32, #tpu.memory_space<hbm>>
      %dma_wait3A_34 = tpu.memref_squeeze %dma_wait3A_33 : memref<1x632x128xf32, #tpu.memory_space<hbm>> -> memref<632x128xf32, #tpu.memory_space<hbm>>
      %dma_wait3A_35 = arith.constant 0 : i32
      %dma_wait3A_36 = tpu.memref_slice %arg6[%mul3A_26, %dma_wait3A_35] : memref<10112x128xf32, #tpu.memory_space<vmem_shared>> -> memref<632x128xf32, #tpu.memory_space<vmem_shared>>
      tpu.wait_dma2 semaphore(%run_scoped3A : memref<!tpu.dma_semaphore, #tpu.memory_space<semaphore_mem>>) src(%dma_wait3A_36 : memref<632x128xf32, #tpu.memory_space<vmem_shared>>) dst(%dma_wait3A_34 : memref<632x128xf32, #tpu.memory_space<hbm>>)
      tpu.yield
    }) : () -> ()
    return
  }
}

#map = affine_map<(d0, d1) -> (0, 0)>
#map1 = affine_map<(d0, d1) -> (0, 0, 0)>
module attributes {stable_mosaic.version = 14 : i64} {
  func.func @_edge_pass(%arg0: i32, %arg1: i32, %arg2: memref<10000x128xf32, #tpu.memory_space<hbm>>, %arg3: memref<16x160x128xi32, #tpu.memory_space<hbm>>, %arg4: memref<16x160x128xi32, #tpu.memory_space<hbm>>, %arg5: memref<2x10112x128xf32, #tpu.memory_space<hbm>>, %arg6: memref<120x128xi32, #tpu.memory_space<vmem>>, %arg7: memref<128xi32, #tpu.memory_space<vmem>>, %arg8: memref<128xi32, #tpu.memory_space<vmem>>, %arg9: memref<128x128xf32, #tpu.memory_space<vmem>>, %arg10: memref<128x128xf32, #tpu.memory_space<vmem>>, %arg11: memref<10112x128xf32, #tpu.memory_space<vmem_shared>>, %arg12: memref<2x!tpu.dma_semaphore, #tpu.memory_space<semaphore_mem>>, %arg13: memref<2x!tpu.dma_semaphore, #tpu.memory_space<semaphore_mem>>, %arg14: memref<2x!tpu.dma_semaphore, #tpu.memory_space<semaphore_mem>>) attributes {dimension_semantics = [#tpu.dimension_semantics<core_parallel>, #tpu.dimension_semantics<subcore_parallel>], iteration_bounds = array<i64: 2, 16>, scalar_prefetch = 0 : i64, scratch_operands = 9 : i64, tpu.core_type = #tpu.core_type<sc_vector_subcore>, window_params = [{transform_indices = #map}, {transform_indices = #map1}, {transform_indices = #map1}, {transform_indices = #map1}]} {
    %scan3A = arith.constant 0 : i32
    %scan3A_0 = arith.constant 128 : i32
    %scan3A_1 = arith.addi %scan3A, %scan3A_0 : i32
    %scan3A_2 = arith.constant 1 : i32
    scf.for %scan3A_24 = %scan3A to %scan3A_1 step %scan3A_2  : i32 {
      %mul3A_25 = arith.constant 1 : i32
      %mul3A_26 = arith.muli %scan3A_24, %mul3A_25 : i32
      %add3A_27 = arith.constant 0 : i32
      %add3A_28 = arith.addi %add3A_27, %mul3A_26 : i32
      %scan3A_29 = arith.constant 0 : i32
      %scan3A_30 = arith.constant 8 : i32
      %scan3A_31 = arith.addi %scan3A_29, %scan3A_30 : i32
      %scan3A_32 = arith.constant 1 : i32
      scf.for %scan3A_34 = %scan3A_29 to %scan3A_31 step %scan3A_32  : i32 {
        %mul3A_35 = arith.constant 16 : i32
        %mul3A_36 = arith.muli %scan3A_34, %mul3A_35 : i32
        %add3A_37 = arith.constant 0 : i32
        %add3A_38 = arith.addi %add3A_37, %mul3A_36 : i32
        %broadcast_in_dim3A = arith.constant 0.000000e+00 : f32
        %broadcast_in_dim3A_39 = vector.broadcast %broadcast_in_dim3A : f32 to vector<16xf32>
        %swap3A = arith.index_cast %add3A_28 : i32 to index
        %swap3A_40 = arith.index_cast %add3A_38 : i32 to index
        %swap3A_41 = tpu.vector_load %arg9[%swap3A, %swap3A_40] {strides = array<i32>} : memref<128x128xf32, #tpu.memory_space<vmem>>, vector<1x16xf32>,
        %swap3A_42 = vector.shape_cast %swap3A_41 : vector<1x16xf32> to vector<16xf32>
        %swap3A_43 = vector.shape_cast %broadcast_in_dim3A_39 : vector<16xf32> to vector<1x16xf32>
        tpu.vector_store %arg9[%swap3A, %swap3A_40], %swap3A_43 {strides = array<i32>} : memref<128x128xf32, #tpu.memory_space<vmem>>, vector<1x16xf32>,
      }
      %scan3A_33 = arith.constant 8 : i32
    }
    %scan3A_3 = arith.constant 128 : i32
    %scan3A_4 = arith.constant 0 : i32
    %scan3A_5 = arith.constant 4 : i32
    %scan3A_6 = arith.addi %scan3A_4, %scan3A_5 : i32
    %scan3A_7 = arith.constant 1 : i32
    scf.for %scan3A_24 = %scan3A_4 to %scan3A_6 step %scan3A_7  : i32 {
      %mul3A_25 = arith.constant 128 : i32
      %mul3A_26 = arith.muli %scan3A_24, %mul3A_25 : i32
      %add3A_27 = arith.constant 0 : i32
      %add3A_28 = arith.addi %add3A_27, %mul3A_26 : i32
      %mul3A_29 = arith.constant 632 : i32
      %mul3A_30 = arith.muli %arg1, %mul3A_29 : i32
      %add3A_31 = arith.addi %mul3A_30, %add3A_28 : i32
      "tpu.region"() ({
        %run_scoped3A = tpu.sem_alloc : memref<!tpu.dma_semaphore, #tpu.memory_space<semaphore_mem>>
        %dma_start3A = arith.constant 0 : i32
        %dma_start3A_32 = tpu.memref_slice %arg11[%add3A_31, %dma_start3A] : memref<10112x128xf32, #tpu.memory_space<vmem_shared>> -> memref<128x128xf32, #tpu.memory_space<vmem_shared>>
        %dma_start3A_33 = arith.constant 0 : i32
        %dma_start3A_34 = tpu.memref_slice %arg11[%add3A_31, %dma_start3A_33] : memref<10112x128xf32, #tpu.memory_space<vmem_shared>> -> memref<128x128xf32, #tpu.memory_space<vmem_shared>>
        tpu.enqueue_dma source(%arg9 : memref<128x128xf32, #tpu.memory_space<vmem>>) target(%dma_start3A_34 : memref<128x128xf32, #tpu.memory_space<vmem_shared>>) target_semaphore(%run_scoped3A : memref<!tpu.dma_semaphore, #tpu.memory_space<semaphore_mem>>)
        %dma_wait3A = arith.constant 0 : i32
        %dma_wait3A_35 = tpu.memref_slice %arg11[%add3A_31, %dma_wait3A] : memref<10112x128xf32, #tpu.memory_space<vmem_shared>> -> memref<128x128xf32, #tpu.memory_space<vmem_shared>>
        %dma_wait3A_36 = arith.constant 0 : i32
        %dma_wait3A_37 = tpu.memref_slice %arg11[%add3A_31, %dma_wait3A_36] : memref<10112x128xf32, #tpu.memory_space<vmem_shared>> -> memref<128x128xf32, #tpu.memory_space<vmem_shared>>
        tpu.wait_dma2 semaphore(%run_scoped3A : memref<!tpu.dma_semaphore, #tpu.memory_space<semaphore_mem>>) src(%arg9 : memref<128x128xf32, #tpu.memory_space<vmem>>) dst(%dma_wait3A_37 : memref<128x128xf32, #tpu.memory_space<vmem_shared>>)
        tpu.yield
      }) : () -> ()
    }
    %scan3A_8 = arith.constant 4 : i32
    %mul3A = arith.constant 632 : i32
    %mul3A_9 = arith.muli %arg1, %mul3A : i32
    %add3A = arith.constant 632 : i32
    %add3A_10 = arith.addi %mul3A_9, %add3A : i32
    %sub3A = arith.constant 120 : i32
    %sub3A_11 = arith.subi %add3A_10, %sub3A : i32
    "tpu.region"() ({
      %run_scoped3A = tpu.sem_alloc : memref<!tpu.dma_semaphore, #tpu.memory_space<semaphore_mem>>
      %dma_start3A = arith.constant 0 : i32
      %dma_start3A_24 = arith.constant 0 : i32
      %dma_start3A_25 = tpu.memref_slice %arg9[%dma_start3A, %dma_start3A_24] : memref<128x128xf32, #tpu.memory_space<vmem>> -> memref<120x128xf32, #tpu.memory_space<vmem>>
      %dma_start3A_26 = arith.constant 0 : i32
      %dma_start3A_27 = tpu.memref_slice %arg11[%sub3A_11, %dma_start3A_26] : memref<10112x128xf32, #tpu.memory_space<vmem_shared>> -> memref<120x128xf32, #tpu.memory_space<vmem_shared>>
      %dma_start3A_28 = arith.constant 0 : i32
      %dma_start3A_29 = tpu.memref_slice %arg11[%sub3A_11, %dma_start3A_28] : memref<10112x128xf32, #tpu.memory_space<vmem_shared>> -> memref<120x128xf32, #tpu.memory_space<vmem_shared>>
      %dma_start3A_30 = arith.constant 0 : i32
      %dma_start3A_31 = arith.constant 0 : i32
      %dma_start3A_32 = tpu.memref_slice %arg9[%dma_start3A_30, %dma_start3A_31] : memref<128x128xf32, #tpu.memory_space<vmem>> -> memref<120x128xf32, #tpu.memory_space<vmem>>
      tpu.enqueue_dma source(%dma_start3A_32 : memref<120x128xf32, #tpu.memory_space<vmem>>) target(%dma_start3A_29 : memref<120x128xf32, #tpu.memory_space<vmem_shared>>) target_semaphore(%run_scoped3A : memref<!tpu.dma_semaphore, #tpu.memory_space<semaphore_mem>>)
      %dma_wait3A = arith.constant 0 : i32
      %dma_wait3A_33 = arith.constant 0 : i32
      %dma_wait3A_34 = tpu.memref_slice %arg9[%dma_wait3A, %dma_wait3A_33] : memref<128x128xf32, #tpu.memory_space<vmem>> -> memref<120x128xf32, #tpu.memory_space<vmem>>
      %dma_wait3A_35 = arith.constant 0 : i32
      %dma_wait3A_36 = tpu.memref_slice %arg11[%sub3A_11, %dma_wait3A_35] : memref<10112x128xf32, #tpu.memory_space<vmem_shared>> -> memref<120x128xf32, #tpu.memory_space<vmem_shared>>
      %dma_wait3A_37 = arith.constant 0 : i32
      %dma_wait3A_38 = tpu.memref_slice %arg11[%sub3A_11, %dma_wait3A_37] : memref<10112x128xf32, #tpu.memory_space<vmem_shared>> -> memref<120x128xf32, #tpu.memory_space<vmem_shared>>
      %dma_wait3A_39 = arith.constant 0 : i32
      %dma_wait3A_40 = arith.constant 0 : i32
      %dma_wait3A_41 = tpu.memref_slice %arg9[%dma_wait3A_39, %dma_wait3A_40] : memref<128x128xf32, #tpu.memory_space<vmem>> -> memref<120x128xf32, #tpu.memory_space<vmem>>
      tpu.wait_dma2 semaphore(%run_scoped3A : memref<!tpu.dma_semaphore, #tpu.memory_space<semaphore_mem>>) src(%dma_wait3A_41 : memref<120x128xf32, #tpu.memory_space<vmem>>) dst(%dma_wait3A_38 : memref<120x128xf32, #tpu.memory_space<vmem_shared>>)
      tpu.yield
    }) : () -> ()
    %barrier3A = arith.constant 0 : index
    tpu.barrier barrier_id(%barrier3A)
    %eq3A = arith.constant 0 : i32
    %eq3A_12 = arith.cmpi eq, %arg0, %eq3A : i32
    %convert_element_type3A = arith.extui %eq3A_12 : i1 to i32
    %cond3A = arith.constant 0 : i32
    %cond3A_13 = arith.cmpi ne, %convert_element_type3A, %cond3A : i32
    scf.if %cond3A_13 {
      "tpu.region"() ({
        %run_scoped3A = tpu.sem_alloc : memref<!tpu.dma_semaphore, #tpu.memory_space<semaphore_mem>>
        %dma_start3A = arith.constant 0 : i32
        %dma_start3A_29 = arith.constant 0 : i32
        %dma_start3A_30 = tpu.memref_slice %arg6[%dma_start3A, %dma_start3A_29] : memref<120x128xi32, #tpu.memory_space<vmem>> -> memref<120x128xi32, #tpu.memory_space<vmem>>
        %dma_start3A_31 = arith.constant 0 : i32
        %dma_start3A_32 = arith.constant 0 : i32
        %dma_start3A_33 = tpu.memref_slice %arg3[%arg1, %dma_start3A_31, %dma_start3A_32] : memref<16x160x128xi32, #tpu.memory_space<hbm>> -> memref<1x120x128xi32, #tpu.memory_space<hbm>>
        %dma_start3A_34 = tpu.memref_squeeze %dma_start3A_33 : memref<1x120x128xi32, #tpu.memory_space<hbm>> -> memref<120x128xi32, #tpu.memory_space<hbm>>
        %dma_start3A_35 = arith.constant 0 : i32
        %dma_start3A_36 = arith.constant 0 : i32
        %dma_start3A_37 = tpu.memref_slice %arg6[%dma_start3A_35, %dma_start3A_36] : memref<120x128xi32, #tpu.memory_space<vmem>> -> memref<120x128xi32, #tpu.memory_space<vmem>>
        %dma_start3A_38 = arith.constant 0 : i32
        %dma_start3A_39 = arith.constant 0 : i32
        %dma_start3A_40 = tpu.memref_slice %arg3[%arg1, %dma_start3A_38, %dma_start3A_39] : memref<16x160x128xi32, #tpu.memory_space<hbm>> -> memref<1x120x128xi32, #tpu.memory_space<hbm>>
        %dma_start3A_41 = tpu.memref_squeeze %dma_start3A_40 : memref<1x120x128xi32, #tpu.memory_space<hbm>> -> memref<120x128xi32, #tpu.memory_space<hbm>>
        tpu.enqueue_dma source(%dma_start3A_41 : memref<120x128xi32, #tpu.memory_space<hbm>>) target(%dma_start3A_37 : memref<120x128xi32, #tpu.memory_space<vmem>>) target_semaphore(%run_scoped3A : memref<!tpu.dma_semaphore, #tpu.memory_space<semaphore_mem>>)
        %dma_wait3A = arith.constant 0 : i32
        %dma_wait3A_42 = arith.constant 0 : i32
        %dma_wait3A_43 = tpu.memref_slice %arg6[%dma_wait3A, %dma_wait3A_42] : memref<120x128xi32, #tpu.memory_space<vmem>> -> memref<120x128xi32, #tpu.memory_space<vmem>>
        %dma_wait3A_44 = arith.constant 0 : i32
        %dma_wait3A_45 = arith.constant 0 : i32
        %dma_wait3A_46 = tpu.memref_slice %arg3[%arg1, %dma_wait3A_44, %dma_wait3A_45] : memref<16x160x128xi32, #tpu.memory_space<hbm>> -> memref<1x120x128xi32, #tpu.memory_space<hbm>>
        %dma_wait3A_47 = tpu.memref_squeeze %dma_wait3A_46 : memref<1x120x128xi32, #tpu.memory_space<hbm>> -> memref<120x128xi32, #tpu.memory_space<hbm>>
        %dma_wait3A_48 = arith.constant 0 : i32
        %dma_wait3A_49 = arith.constant 0 : i32
        %dma_wait3A_50 = tpu.memref_slice %arg6[%dma_wait3A_48, %dma_wait3A_49] : memref<120x128xi32, #tpu.memory_space<vmem>> -> memref<120x128xi32, #tpu.memory_space<vmem>>
        %dma_wait3A_51 = arith.constant 0 : i32
        %dma_wait3A_52 = arith.constant 0 : i32
        %dma_wait3A_53 = tpu.memref_slice %arg3[%arg1, %dma_wait3A_51, %dma_wait3A_52] : memref<16x160x128xi32, #tpu.memory_space<hbm>> -> memref<1x120x128xi32, #tpu.memory_space<hbm>>
        %dma_wait3A_54 = tpu.memref_squeeze %dma_wait3A_53 : memref<1x120x128xi32, #tpu.memory_space<hbm>> -> memref<120x128xi32, #tpu.memory_space<hbm>>
        tpu.wait_dma2 semaphore(%run_scoped3A : memref<!tpu.dma_semaphore, #tpu.memory_space<semaphore_mem>>) src(%dma_wait3A_54 : memref<120x128xi32, #tpu.memory_space<hbm>>) dst(%dma_wait3A_50 : memref<120x128xi32, #tpu.memory_space<vmem>>)
        tpu.yield
      }) : () -> ()
      %scan3A_24 = arith.constant 0 : i32
      %scan3A_25 = arith.constant 60 : i32
      %scan3A_26 = arith.addi %scan3A_24, %scan3A_25 : i32
      %scan3A_27 = arith.constant 1 : i32
      scf.for %scan3A_29 = %scan3A_24 to %scan3A_26 step %scan3A_27  : i32 {
        %mul3A_30 = arith.constant 2 : i32
        %mul3A_31 = arith.muli %scan3A_29, %mul3A_30 : i32
        %add3A_32 = arith.constant 0 : i32
        %add3A_33 = arith.addi %add3A_32, %mul3A_31 : i32
        %add3A_34 = arith.constant 0 : i32
        %add3A_35 = arith.addi %add3A_34, %add3A_33 : i32
        %add3A_36 = arith.constant 0 : i32
        %add3A_37 = arith.addi %add3A_35, %add3A_36 : i32
        %dma_start3A = arith.constant 0 : i32
        %dma_start3A_38 = arith.constant 0 : i32
        %dma_start3A_39 = tpu.memref_slice %arg4[%arg1, %add3A_37, %dma_start3A_38] : memref<16x160x128xi32, #tpu.memory_space<hbm>> -> memref<1x1x128xi32, #tpu.memory_space<hbm>>
        %dma_start3A_40 = tpu.memref_squeeze %dma_start3A_39 : memref<1x1x128xi32, #tpu.memory_space<hbm>> -> memref<128xi32, #tpu.memory_space<hbm>>
        %dma_start3A_41 = tpu.memref_slice %arg14[%dma_start3A] : memref<2x!tpu.dma_semaphore, #tpu.memory_space<semaphore_mem>> -> memref<1x!tpu.dma_semaphore, #tpu.memory_space<semaphore_mem>>
        %dma_start3A_42 = tpu.memref_squeeze %dma_start3A_41 : memref<1x!tpu.dma_semaphore, #tpu.memory_space<semaphore_mem>> -> memref<!tpu.dma_semaphore, #tpu.memory_space<semaphore_mem>>
        %dma_start3A_43 = arith.constant 0 : i32
        %dma_start3A_44 = tpu.memref_slice %arg4[%arg1, %add3A_37, %dma_start3A_43] : memref<16x160x128xi32, #tpu.memory_space<hbm>> -> memref<1x1x128xi32, #tpu.memory_space<hbm>>
        %dma_start3A_45 = tpu.memref_squeeze %dma_start3A_44 : memref<1x1x128xi32, #tpu.memory_space<hbm>> -> memref<128xi32, #tpu.memory_space<hbm>>
        tpu.enqueue_dma source(%dma_start3A_45 : memref<128xi32, #tpu.memory_space<hbm>>) target(%arg7 : memref<128xi32, #tpu.memory_space<vmem>>) target_semaphore(%dma_start3A_42 : memref<!tpu.dma_semaphore, #tpu.memory_space<semaphore_mem>>)
        %add3A_46 = arith.constant 0 : i32
        %add3A_47 = arith.addi %add3A_46, %add3A_33 : i32
        %add3A_48 = arith.constant 1 : i32
        %add3A_49 = arith.addi %add3A_47, %add3A_48 : i32
        %dma_start3A_50 = arith.constant 1 : i32
        %dma_start3A_51 = arith.constant 0 : i32
        %dma_start3A_52 = tpu.memref_slice %arg4[%arg1, %add3A_49, %dma_start3A_51] : memref<16x160x128xi32, #tpu.memory_space<hbm>> -> memref<1x1x128xi32, #tpu.memory_space<hbm>>
        %dma_start3A_53 = tpu.memref_squeeze %dma_start3A_52 : memref<1x1x128xi32, #tpu.memory_space<hbm>> -> memref<128xi32, #tpu.memory_space<hbm>>
        %dma_start3A_54 = tpu.memref_slice %arg14[%dma_start3A_50] : memref<2x!tpu.dma_semaphore, #tpu.memory_space<semaphore_mem>> -> memref<1x!tpu.dma_semaphore, #tpu.memory_space<semaphore_mem>>
        %dma_start3A_55 = tpu.memref_squeeze %dma_start3A_54 : memref<1x!tpu.dma_semaphore, #tpu.memory_space<semaphore_mem>> -> memref<!tpu.dma_semaphore, #tpu.memory_space<semaphore_mem>>
        %dma_start3A_56 = arith.constant 0 : i32
        %dma_start3A_57 = tpu.memref_slice %arg4[%arg1, %add3A_49, %dma_start3A_56] : memref<16x160x128xi32, #tpu.memory_space<hbm>> -> memref<1x1x128xi32, #tpu.memory_space<hbm>>
        %dma_start3A_58 = tpu.memref_squeeze %dma_start3A_57 : memref<1x1x128xi32, #tpu.memory_space<hbm>> -> memref<128xi32, #tpu.memory_space<hbm>>
        tpu.enqueue_dma source(%dma_start3A_58 : memref<128xi32, #tpu.memory_space<hbm>>) target(%arg8 : memref<128xi32, #tpu.memory_space<vmem>>) target_semaphore(%dma_start3A_55 : memref<!tpu.dma_semaphore, #tpu.memory_space<semaphore_mem>>)
        %add3A_59 = arith.constant 0 : i32
        %add3A_60 = arith.addi %add3A_33, %add3A_59 : i32
        %dma_start3A_61 = arith.constant 0 : i32
        %dma_start3A_62 = arith.constant 0 : i32
        %dma_start3A_63 = tpu.memref_slice %arg6[%add3A_60, %dma_start3A_62] : memref<120x128xi32, #tpu.memory_space<vmem>> -> memref<1x128xi32, #tpu.memory_space<vmem>>
        %dma_start3A_64 = tpu.memref_squeeze %dma_start3A_63 : memref<1x128xi32, #tpu.memory_space<vmem>> -> memref<128xi32, #tpu.memory_space<vmem>>
        %dma_start3A_65 = arith.constant 0 : i32
        %dma_start3A_66 = arith.constant 0 : i32
        %dma_start3A_67 = tpu.memref_slice %arg2[%dma_start3A_65, %dma_start3A_66] : memref<10000x128xf32, #tpu.memory_space<hbm>> -> memref<10000x128xf32, #tpu.memory_space<hbm>>
        %dma_start3A_68 = tpu.memref_slice %arg12[%dma_start3A_61] : memref<2x!tpu.dma_semaphore, #tpu.memory_space<semaphore_mem>> -> memref<1x!tpu.dma_semaphore, #tpu.memory_space<semaphore_mem>>
        %dma_start3A_69 = tpu.memref_squeeze %dma_start3A_68 : memref<1x!tpu.dma_semaphore, #tpu.memory_space<semaphore_mem>> -> memref<!tpu.dma_semaphore, #tpu.memory_space<semaphore_mem>>
        tpu.enqueue_indirect_dma source(%dma_start3A_67 : memref<10000x128xf32, #tpu.memory_space<hbm>>) target(%arg9 : memref<128x128xf32, #tpu.memory_space<vmem>>) offsets(%dma_start3A_64 : memref<128xi32, #tpu.memory_space<vmem>>) semaphore(%dma_start3A_69 : memref<!tpu.dma_semaphore, #tpu.memory_space<semaphore_mem>>)
        %add3A_70 = arith.constant 1 : i32
        %add3A_71 = arith.addi %add3A_33, %add3A_70 : i32
        %dma_start3A_72 = arith.constant 1 : i32
        %dma_start3A_73 = arith.constant 0 : i32
        %dma_start3A_74 = tpu.memref_slice %arg6[%add3A_71, %dma_start3A_73] : memref<120x128xi32, #tpu.memory_space<vmem>> -> memref<1x128xi32, #tpu.memory_space<vmem>>
        %dma_start3A_75 = tpu.memref_squeeze %dma_start3A_74 : memref<1x128xi32, #tpu.memory_space<vmem>> -> memref<128xi32, #tpu.memory_space<vmem>>
        %dma_start3A_76 = arith.constant 0 : i32
        %dma_start3A_77 = arith.constant 0 : i32
        %dma_start3A_78 = tpu.memref_slice %arg2[%dma_start3A_76, %dma_start3A_77] : memref<10000x128xf32, #tpu.memory_space<hbm>> -> memref<10000x128xf32, #tpu.memory_space<hbm>>
        %dma_start3A_79 = tpu.memref_slice %arg12[%dma_start3A_72] : memref<2x!tpu.dma_semaphore, #tpu.memory_space<semaphore_mem>> -> memref<1x!tpu.dma_semaphore, #tpu.memory_space<semaphore_mem>>
        %dma_start3A_80 = tpu.memref_squeeze %dma_start3A_79 : memref<1x!tpu.dma_semaphore, #tpu.memory_space<semaphore_mem>> -> memref<!tpu.dma_semaphore, #tpu.memory_space<semaphore_mem>>
        tpu.enqueue_indirect_dma source(%dma_start3A_78 : memref<10000x128xf32, #tpu.memory_space<hbm>>) target(%arg10 : memref<128x128xf32, #tpu.memory_space<vmem>>) offsets(%dma_start3A_75 : memref<128xi32, #tpu.memory_space<vmem>>) semaphore(%dma_start3A_80 : memref<!tpu.dma_semaphore, #tpu.memory_space<semaphore_mem>>)
        %dma_wait3A = arith.constant 0 : i32
        %dma_wait3A_81 = arith.constant 0 : i32
        %dma_wait3A_82 = tpu.memref_slice %arg4[%arg1, %add3A_37, %dma_wait3A_81] : memref<16x160x128xi32, #tpu.memory_space<hbm>> -> memref<1x1x128xi32, #tpu.memory_space<hbm>>
        %dma_wait3A_83 = tpu.memref_squeeze %dma_wait3A_82 : memref<1x1x128xi32, #tpu.memory_space<hbm>> -> memref<128xi32, #tpu.memory_space<hbm>>
        %dma_wait3A_84 = tpu.memref_slice %arg14[%dma_wait3A] : memref<2x!tpu.dma_semaphore, #tpu.memory_space<semaphore_mem>> -> memref<1x!tpu.dma_semaphore, #tpu.memory_space<semaphore_mem>>
        %dma_wait3A_85 = tpu.memref_squeeze %dma_wait3A_84 : memref<1x!tpu.dma_semaphore, #tpu.memory_space<semaphore_mem>> -> memref<!tpu.dma_semaphore, #tpu.memory_space<semaphore_mem>>
        %dma_wait3A_86 = arith.constant 0 : i32
        %dma_wait3A_87 = tpu.memref_slice %arg4[%arg1, %add3A_37, %dma_wait3A_86] : memref<16x160x128xi32, #tpu.memory_space<hbm>> -> memref<1x1x128xi32, #tpu.memory_space<hbm>>
        %dma_wait3A_88 = tpu.memref_squeeze %dma_wait3A_87 : memref<1x1x128xi32, #tpu.memory_space<hbm>> -> memref<128xi32, #tpu.memory_space<hbm>>
        tpu.wait_dma2 semaphore(%dma_wait3A_85 : memref<!tpu.dma_semaphore, #tpu.memory_space<semaphore_mem>>) src(%dma_wait3A_88 : memref<128xi32, #tpu.memory_space<hbm>>) dst(%arg7 : memref<128xi32, #tpu.memory_space<vmem>>)
        %dma_wait3A_89 = arith.constant 0 : i32
        %dma_wait3A_90 = arith.constant 0 : i32
        %dma_wait3A_91 = tpu.memref_slice %arg6[%add3A_60, %dma_wait3A_90] : memref<120x128xi32, #tpu.memory_space<vmem>> -> memref<1x128xi32, #tpu.memory_space<vmem>>
        %dma_wait3A_92 = tpu.memref_squeeze %dma_wait3A_91 : memref<1x128xi32, #tpu.memory_space<vmem>> -> memref<128xi32, #tpu.memory_space<vmem>>
        %dma_wait3A_93 = arith.constant 0 : i32
        %dma_wait3A_94 = arith.constant 0 : i32
        %dma_wait3A_95 = tpu.memref_slice %arg2[%dma_wait3A_93, %dma_wait3A_94] : memref<10000x128xf32, #tpu.memory_space<hbm>> -> memref<10000x128xf32, #tpu.memory_space<hbm>>
        %dma_wait3A_96 = tpu.memref_slice %arg12[%dma_wait3A_89] : memref<2x!tpu.dma_semaphore, #tpu.memory_space<semaphore_mem>> -> memref<1x!tpu.dma_semaphore, #tpu.memory_space<semaphore_mem>>
        %dma_wait3A_97 = tpu.memref_squeeze %dma_wait3A_96 : memref<1x!tpu.dma_semaphore, #tpu.memory_space<semaphore_mem>> -> memref<!tpu.dma_semaphore, #tpu.memory_space<semaphore_mem>>
        tpu.wait_indirect_dma semaphore(%dma_wait3A_97 : memref<!tpu.dma_semaphore, #tpu.memory_space<semaphore_mem>>) src(%dma_wait3A_95 : memref<10000x128xf32, #tpu.memory_space<hbm>>) dst(%arg9 : memref<128x128xf32, #tpu.memory_space<vmem>>)
        %dma_start3A_98 = arith.constant 0 : i32
        %dma_start3A_99 = arith.constant 0 : i32
        %dma_start3A_100 = arith.constant 0 : i32
        %dma_start3A_101 = tpu.memref_slice %arg11[%dma_start3A_99, %dma_start3A_100] : memref<10112x128xf32, #tpu.memory_space<vmem_shared>> -> memref<10112x128xf32, #tpu.memory_space<vmem_shared>>
        %dma_start3A_102 = tpu.memref_slice %arg13[%dma_start3A_98] : memref<2x!tpu.dma_semaphore, #tpu.memory_space<semaphore_mem>> -> memref<1x!tpu.dma_semaphore, #tpu.memory_space<semaphore_mem>>
        %dma_start3A_103 = tpu.memref_squeeze %dma_start3A_102 : memref<1x!tpu.dma_semaphore, #tpu.memory_space<semaphore_mem>> -> memref<!tpu.dma_semaphore, #tpu.memory_space<semaphore_mem>>
        tpu.enqueue_indirect_dma source(%arg9 : memref<128x128xf32, #tpu.memory_space<vmem>>) target(%dma_start3A_101 : memref<10112x128xf32, #tpu.memory_space<vmem_shared>>) offsets(%arg7 : memref<128xi32, #tpu.memory_space<vmem>>) semaphore(%dma_start3A_103 : memref<!tpu.dma_semaphore, #tpu.memory_space<semaphore_mem>>) {add = true}
        %dma_wait3A_104 = arith.constant 1 : i32
        %dma_wait3A_105 = arith.constant 0 : i32
        %dma_wait3A_106 = tpu.memref_slice %arg4[%arg1, %add3A_49, %dma_wait3A_105] : memref<16x160x128xi32, #tpu.memory_space<hbm>> -> memref<1x1x128xi32, #tpu.memory_space<hbm>>
        %dma_wait3A_107 = tpu.memref_squeeze %dma_wait3A_106 : memref<1x1x128xi32, #tpu.memory_space<hbm>> -> memref<128xi32, #tpu.memory_space<hbm>>
        %dma_wait3A_108 = tpu.memref_slice %arg14[%dma_wait3A_104] : memref<2x!tpu.dma_semaphore, #tpu.memory_space<semaphore_mem>> -> memref<1x!tpu.dma_semaphore, #tpu.memory_space<semaphore_mem>>
        %dma_wait3A_109 = tpu.memref_squeeze %dma_wait3A_108 : memref<1x!tpu.dma_semaphore, #tpu.memory_space<semaphore_mem>> -> memref<!tpu.dma_semaphore, #tpu.memory_space<semaphore_mem>>
        %dma_wait3A_110 = arith.constant 0 : i32
        %dma_wait3A_111 = tpu.memref_slice %arg4[%arg1, %add3A_49, %dma_wait3A_110] : memref<16x160x128xi32, #tpu.memory_space<hbm>> -> memref<1x1x128xi32, #tpu.memory_space<hbm>>
        %dma_wait3A_112 = tpu.memref_squeeze %dma_wait3A_111 : memref<1x1x128xi32, #tpu.memory_space<hbm>> -> memref<128xi32, #tpu.memory_space<hbm>>
        tpu.wait_dma2 semaphore(%dma_wait3A_109 : memref<!tpu.dma_semaphore, #tpu.memory_space<semaphore_mem>>) src(%dma_wait3A_112 : memref<128xi32, #tpu.memory_space<hbm>>) dst(%arg8 : memref<128xi32, #tpu.memory_space<vmem>>)
        %dma_wait3A_113 = arith.constant 1 : i32
        %dma_wait3A_114 = arith.constant 0 : i32
        %dma_wait3A_115 = tpu.memref_slice %arg6[%add3A_71, %dma_wait3A_114] : memref<120x128xi32, #tpu.memory_space<vmem>> -> memref<1x128xi32, #tpu.memory_space<vmem>>
        %dma_wait3A_116 = tpu.memref_squeeze %dma_wait3A_115 : memref<1x128xi32, #tpu.memory_space<vmem>> -> memref<128xi32, #tpu.memory_space<vmem>>
        %dma_wait3A_117 = arith.constant 0 : i32
        %dma_wait3A_118 = arith.constant 0 : i32
        %dma_wait3A_119 = tpu.memref_slice %arg2[%dma_wait3A_117, %dma_wait3A_118] : memref<10000x128xf32, #tpu.memory_space<hbm>> -> memref<10000x128xf32, #tpu.memory_space<hbm>>
        %dma_wait3A_120 = tpu.memref_slice %arg12[%dma_wait3A_113] : memref<2x!tpu.dma_semaphore, #tpu.memory_space<semaphore_mem>> -> memref<1x!tpu.dma_semaphore, #tpu.memory_space<semaphore_mem>>
        %dma_wait3A_121 = tpu.memref_squeeze %dma_wait3A_120 : memref<1x!tpu.dma_semaphore, #tpu.memory_space<semaphore_mem>> -> memref<!tpu.dma_semaphore, #tpu.memory_space<semaphore_mem>>
        tpu.wait_indirect_dma semaphore(%dma_wait3A_121 : memref<!tpu.dma_semaphore, #tpu.memory_space<semaphore_mem>>) src(%dma_wait3A_119 : memref<10000x128xf32, #tpu.memory_space<hbm>>) dst(%arg10 : memref<128x128xf32, #tpu.memory_space<vmem>>)
        %dma_start3A_122 = arith.constant 1 : i32
        %dma_start3A_123 = arith.constant 0 : i32
        %dma_start3A_124 = arith.constant 0 : i32
        %dma_start3A_125 = tpu.memref_slice %arg11[%dma_start3A_123, %dma_start3A_124] : memref<10112x128xf32, #tpu.memory_space<vmem_shared>> -> memref<10112x128xf32, #tpu.memory_space<vmem_shared>>
        %dma_start3A_126 = tpu.memref_slice %arg13[%dma_start3A_122] : memref<2x!tpu.dma_semaphore, #tpu.memory_space<semaphore_mem>> -> memref<1x!tpu.dma_semaphore, #tpu.memory_space<semaphore_mem>>
        %dma_start3A_127 = tpu.memref_squeeze %dma_start3A_126 : memref<1x!tpu.dma_semaphore, #tpu.memory_space<semaphore_mem>> -> memref<!tpu.dma_semaphore, #tpu.memory_space<semaphore_mem>>
        tpu.enqueue_indirect_dma source(%arg10 : memref<128x128xf32, #tpu.memory_space<vmem>>) target(%dma_start3A_125 : memref<10112x128xf32, #tpu.memory_space<vmem_shared>>) offsets(%arg8 : memref<128xi32, #tpu.memory_space<vmem>>) semaphore(%dma_start3A_127 : memref<!tpu.dma_semaphore, #tpu.memory_space<semaphore_mem>>) {add = true}
        %dma_wait3A_128 = arith.constant 0 : i32
        %dma_wait3A_129 = arith.constant 0 : i32
        %dma_wait3A_130 = arith.constant 0 : i32
        %dma_wait3A_131 = tpu.memref_slice %arg11[%dma_wait3A_129, %dma_wait3A_130] : memref<10112x128xf32, #tpu.memory_space<vmem_shared>> -> memref<10112x128xf32, #tpu.memory_space<vmem_shared>>
        %dma_wait3A_132 = tpu.memref_slice %arg13[%dma_wait3A_128] : memref<2x!tpu.dma_semaphore, #tpu.memory_space<semaphore_mem>> -> memref<1x!tpu.dma_semaphore, #tpu.memory_space<semaphore_mem>>
        %dma_wait3A_133 = tpu.memref_squeeze %dma_wait3A_132 : memref<1x!tpu.dma_semaphore, #tpu.memory_space<semaphore_mem>> -> memref<!tpu.dma_semaphore, #tpu.memory_space<semaphore_mem>>
        tpu.wait_indirect_dma semaphore(%dma_wait3A_133 : memref<!tpu.dma_semaphore, #tpu.memory_space<semaphore_mem>>) src(%arg9 : memref<128x128xf32, #tpu.memory_space<vmem>>) dst(%dma_wait3A_131 : memref<10112x128xf32, #tpu.memory_space<vmem_shared>>)
        %dma_wait3A_134 = arith.constant 1 : i32
        %dma_wait3A_135 = arith.constant 0 : i32
        %dma_wait3A_136 = arith.constant 0 : i32
        %dma_wait3A_137 = tpu.memref_slice %arg11[%dma_wait3A_135, %dma_wait3A_136] : memref<10112x128xf32, #tpu.memory_space<vmem_shared>> -> memref<10112x128xf32, #tpu.memory_space<vmem_shared>>
        %dma_wait3A_138 = tpu.memref_slice %arg13[%dma_wait3A_134] : memref<2x!tpu.dma_semaphore, #tpu.memory_space<semaphore_mem>> -> memref<1x!tpu.dma_semaphore, #tpu.memory_space<semaphore_mem>>
        %dma_wait3A_139 = tpu.memref_squeeze %dma_wait3A_138 : memref<1x!tpu.dma_semaphore, #tpu.memory_space<semaphore_mem>> -> memref<!tpu.dma_semaphore, #tpu.memory_space<semaphore_mem>>
        tpu.wait_indirect_dma semaphore(%dma_wait3A_139 : memref<!tpu.dma_semaphore, #tpu.memory_space<semaphore_mem>>) src(%arg10 : memref<128x128xf32, #tpu.memory_space<vmem>>) dst(%dma_wait3A_137 : memref<10112x128xf32, #tpu.memory_space<vmem_shared>>)
      }
      %scan3A_28 = arith.constant 60 : i32
    } else {
    }
    %eq3A_14 = arith.constant 1 : i32
    %eq3A_15 = arith.cmpi eq, %arg0, %eq3A_14 : i32
    %convert_element_type3A_16 = arith.extui %eq3A_15 : i1 to i32
    %cond3A_17 = arith.constant 0 : i32
    %cond3A_18 = arith.cmpi ne, %convert_element_type3A_16, %cond3A_17 : i32
    scf.if %cond3A_18 {
      "tpu.region"() ({
        %run_scoped3A = tpu.sem_alloc : memref<!tpu.dma_semaphore, #tpu.memory_space<semaphore_mem>>
        %dma_start3A = arith.constant 0 : i32
        %dma_start3A_29 = arith.constant 0 : i32
        %dma_start3A_30 = tpu.memref_slice %arg6[%dma_start3A, %dma_start3A_29] : memref<120x128xi32, #tpu.memory_space<vmem>> -> memref<40x128xi32, #tpu.memory_space<vmem>>
        %dma_start3A_31 = arith.constant 120 : i32
        %dma_start3A_32 = arith.constant 0 : i32
        %dma_start3A_33 = tpu.memref_slice %arg3[%arg1, %dma_start3A_31, %dma_start3A_32] : memref<16x160x128xi32, #tpu.memory_space<hbm>> -> memref<1x40x128xi32, #tpu.memory_space<hbm>>
        %dma_start3A_34 = tpu.memref_squeeze %dma_start3A_33 : memref<1x40x128xi32, #tpu.memory_space<hbm>> -> memref<40x128xi32, #tpu.memory_space<hbm>>
        %dma_start3A_35 = arith.constant 0 : i32
        %dma_start3A_36 = arith.constant 0 : i32
        %dma_start3A_37 = tpu.memref_slice %arg6[%dma_start3A_35, %dma_start3A_36] : memref<120x128xi32, #tpu.memory_space<vmem>> -> memref<40x128xi32, #tpu.memory_space<vmem>>
        %dma_start3A_38 = arith.constant 120 : i32
        %dma_start3A_39 = arith.constant 0 : i32
        %dma_start3A_40 = tpu.memref_slice %arg3[%arg1, %dma_start3A_38, %dma_start3A_39] : memref<16x160x128xi32, #tpu.memory_space<hbm>> -> memref<1x40x128xi32, #tpu.memory_space<hbm>>
        %dma_start3A_41 = tpu.memref_squeeze %dma_start3A_40 : memref<1x40x128xi32, #tpu.memory_space<hbm>> -> memref<40x128xi32, #tpu.memory_space<hbm>>
        tpu.enqueue_dma source(%dma_start3A_41 : memref<40x128xi32, #tpu.memory_space<hbm>>) target(%dma_start3A_37 : memref<40x128xi32, #tpu.memory_space<vmem>>) target_semaphore(%run_scoped3A : memref<!tpu.dma_semaphore, #tpu.memory_space<semaphore_mem>>)
        %dma_wait3A = arith.constant 0 : i32
        %dma_wait3A_42 = arith.constant 0 : i32
        %dma_wait3A_43 = tpu.memref_slice %arg6[%dma_wait3A, %dma_wait3A_42] : memref<120x128xi32, #tpu.memory_space<vmem>> -> memref<40x128xi32, #tpu.memory_space<vmem>>
        %dma_wait3A_44 = arith.constant 120 : i32
        %dma_wait3A_45 = arith.constant 0 : i32
        %dma_wait3A_46 = tpu.memref_slice %arg3[%arg1, %dma_wait3A_44, %dma_wait3A_45] : memref<16x160x128xi32, #tpu.memory_space<hbm>> -> memref<1x40x128xi32, #tpu.memory_space<hbm>>
        %dma_wait3A_47 = tpu.memref_squeeze %dma_wait3A_46 : memref<1x40x128xi32, #tpu.memory_space<hbm>> -> memref<40x128xi32, #tpu.memory_space<hbm>>
        %dma_wait3A_48 = arith.constant 0 : i32
        %dma_wait3A_49 = arith.constant 0 : i32
        %dma_wait3A_50 = tpu.memref_slice %arg6[%dma_wait3A_48, %dma_wait3A_49] : memref<120x128xi32, #tpu.memory_space<vmem>> -> memref<40x128xi32, #tpu.memory_space<vmem>>
        %dma_wait3A_51 = arith.constant 120 : i32
        %dma_wait3A_52 = arith.constant 0 : i32
        %dma_wait3A_53 = tpu.memref_slice %arg3[%arg1, %dma_wait3A_51, %dma_wait3A_52] : memref<16x160x128xi32, #tpu.memory_space<hbm>> -> memref<1x40x128xi32, #tpu.memory_space<hbm>>
        %dma_wait3A_54 = tpu.memref_squeeze %dma_wait3A_53 : memref<1x40x128xi32, #tpu.memory_space<hbm>> -> memref<40x128xi32, #tpu.memory_space<hbm>>
        tpu.wait_dma2 semaphore(%run_scoped3A : memref<!tpu.dma_semaphore, #tpu.memory_space<semaphore_mem>>) src(%dma_wait3A_54 : memref<40x128xi32, #tpu.memory_space<hbm>>) dst(%dma_wait3A_50 : memref<40x128xi32, #tpu.memory_space<vmem>>)
        tpu.yield
      }) : () -> ()
      %scan3A_24 = arith.constant 0 : i32
      %scan3A_25 = arith.constant 20 : i32
      %scan3A_26 = arith.addi %scan3A_24, %scan3A_25 : i32
      %scan3A_27 = arith.constant 1 : i32
      scf.for %scan3A_29 = %scan3A_24 to %scan3A_26 step %scan3A_27  : i32 {
        %mul3A_30 = arith.constant 2 : i32
        %mul3A_31 = arith.muli %scan3A_29, %mul3A_30 : i32
        %add3A_32 = arith.constant 0 : i32
        %add3A_33 = arith.addi %add3A_32, %mul3A_31 : i32
        %add3A_34 = arith.constant 120 : i32
        %add3A_35 = arith.addi %add3A_34, %add3A_33 : i32
        %add3A_36 = arith.constant 0 : i32
        %add3A_37 = arith.addi %add3A_35, %add3A_36 : i32
        %dma_start3A = arith.constant 0 : i32
        %dma_start3A_38 = arith.constant 0 : i32
        %dma_start3A_39 = tpu.memref_slice %arg4[%arg1, %add3A_37, %dma_start3A_38] : memref<16x160x128xi32, #tpu.memory_space<hbm>> -> memref<1x1x128xi32, #tpu.memory_space<hbm>>
        %dma_start3A_40 = tpu.memref_squeeze %dma_start3A_39 : memref<1x1x128xi32, #tpu.memory_space<hbm>> -> memref<128xi32, #tpu.memory_space<hbm>>
        %dma_start3A_41 = tpu.memref_slice %arg14[%dma_start3A] : memref<2x!tpu.dma_semaphore, #tpu.memory_space<semaphore_mem>> -> memref<1x!tpu.dma_semaphore, #tpu.memory_space<semaphore_mem>>
        %dma_start3A_42 = tpu.memref_squeeze %dma_start3A_41 : memref<1x!tpu.dma_semaphore, #tpu.memory_space<semaphore_mem>> -> memref<!tpu.dma_semaphore, #tpu.memory_space<semaphore_mem>>
        %dma_start3A_43 = arith.constant 0 : i32
        %dma_start3A_44 = tpu.memref_slice %arg4[%arg1, %add3A_37, %dma_start3A_43] : memref<16x160x128xi32, #tpu.memory_space<hbm>> -> memref<1x1x128xi32, #tpu.memory_space<hbm>>
        %dma_start3A_45 = tpu.memref_squeeze %dma_start3A_44 : memref<1x1x128xi32, #tpu.memory_space<hbm>> -> memref<128xi32, #tpu.memory_space<hbm>>
        tpu.enqueue_dma source(%dma_start3A_45 : memref<128xi32, #tpu.memory_space<hbm>>) target(%arg7 : memref<128xi32, #tpu.memory_space<vmem>>) target_semaphore(%dma_start3A_42 : memref<!tpu.dma_semaphore, #tpu.memory_space<semaphore_mem>>)
        %add3A_46 = arith.constant 120 : i32
        %add3A_47 = arith.addi %add3A_46, %add3A_33 : i32
        %add3A_48 = arith.constant 1 : i32
        %add3A_49 = arith.addi %add3A_47, %add3A_48 : i32
        %dma_start3A_50 = arith.constant 1 : i32
        %dma_start3A_51 = arith.constant 0 : i32
        %dma_start3A_52 = tpu.memref_slice %arg4[%arg1, %add3A_49, %dma_start3A_51] : memref<16x160x128xi32, #tpu.memory_space<hbm>> -> memref<1x1x128xi32, #tpu.memory_space<hbm>>
        %dma_start3A_53 = tpu.memref_squeeze %dma_start3A_52 : memref<1x1x128xi32, #tpu.memory_space<hbm>> -> memref<128xi32, #tpu.memory_space<hbm>>
        %dma_start3A_54 = tpu.memref_slice %arg14[%dma_start3A_50] : memref<2x!tpu.dma_semaphore, #tpu.memory_space<semaphore_mem>> -> memref<1x!tpu.dma_semaphore, #tpu.memory_space<semaphore_mem>>
        %dma_start3A_55 = tpu.memref_squeeze %dma_start3A_54 : memref<1x!tpu.dma_semaphore, #tpu.memory_space<semaphore_mem>> -> memref<!tpu.dma_semaphore, #tpu.memory_space<semaphore_mem>>
        %dma_start3A_56 = arith.constant 0 : i32
        %dma_start3A_57 = tpu.memref_slice %arg4[%arg1, %add3A_49, %dma_start3A_56] : memref<16x160x128xi32, #tpu.memory_space<hbm>> -> memref<1x1x128xi32, #tpu.memory_space<hbm>>
        %dma_start3A_58 = tpu.memref_squeeze %dma_start3A_57 : memref<1x1x128xi32, #tpu.memory_space<hbm>> -> memref<128xi32, #tpu.memory_space<hbm>>
        tpu.enqueue_dma source(%dma_start3A_58 : memref<128xi32, #tpu.memory_space<hbm>>) target(%arg8 : memref<128xi32, #tpu.memory_space<vmem>>) target_semaphore(%dma_start3A_55 : memref<!tpu.dma_semaphore, #tpu.memory_space<semaphore_mem>>)
        %add3A_59 = arith.constant 0 : i32
        %add3A_60 = arith.addi %add3A_33, %add3A_59 : i32
        %dma_start3A_61 = arith.constant 0 : i32
        %dma_start3A_62 = arith.constant 0 : i32
        %dma_start3A_63 = tpu.memref_slice %arg6[%add3A_60, %dma_start3A_62] : memref<120x128xi32, #tpu.memory_space<vmem>> -> memref<1x128xi32, #tpu.memory_space<vmem>>
        %dma_start3A_64 = tpu.memref_squeeze %dma_start3A_63 : memref<1x128xi32, #tpu.memory_space<vmem>> -> memref<128xi32, #tpu.memory_space<vmem>>
        %dma_start3A_65 = arith.constant 0 : i32
        %dma_start3A_66 = arith.constant 0 : i32
        %dma_start3A_67 = tpu.memref_slice %arg2[%dma_start3A_65, %dma_start3A_66] : memref<10000x128xf32, #tpu.memory_space<hbm>> -> memref<10000x128xf32, #tpu.memory_space<hbm>>
        %dma_start3A_68 = tpu.memref_slice %arg12[%dma_start3A_61] : memref<2x!tpu.dma_semaphore, #tpu.memory_space<semaphore_mem>> -> memref<1x!tpu.dma_semaphore, #tpu.memory_space<semaphore_mem>>
        %dma_start3A_69 = tpu.memref_squeeze %dma_start3A_68 : memref<1x!tpu.dma_semaphore, #tpu.memory_space<semaphore_mem>> -> memref<!tpu.dma_semaphore, #tpu.memory_space<semaphore_mem>>
        tpu.enqueue_indirect_dma source(%dma_start3A_67 : memref<10000x128xf32, #tpu.memory_space<hbm>>) target(%arg9 : memref<128x128xf32, #tpu.memory_space<vmem>>) offsets(%dma_start3A_64 : memref<128xi32, #tpu.memory_space<vmem>>) semaphore(%dma_start3A_69 : memref<!tpu.dma_semaphore, #tpu.memory_space<semaphore_mem>>)
        %add3A_70 = arith.constant 1 : i32
        %add3A_71 = arith.addi %add3A_33, %add3A_70 : i32
        %dma_start3A_72 = arith.constant 1 : i32
        %dma_start3A_73 = arith.constant 0 : i32
        %dma_start3A_74 = tpu.memref_slice %arg6[%add3A_71, %dma_start3A_73] : memref<120x128xi32, #tpu.memory_space<vmem>> -> memref<1x128xi32, #tpu.memory_space<vmem>>
        %dma_start3A_75 = tpu.memref_squeeze %dma_start3A_74 : memref<1x128xi32, #tpu.memory_space<vmem>> -> memref<128xi32, #tpu.memory_space<vmem>>
        %dma_start3A_76 = arith.constant 0 : i32
        %dma_start3A_77 = arith.constant 0 : i32
        %dma_start3A_78 = tpu.memref_slice %arg2[%dma_start3A_76, %dma_start3A_77] : memref<10000x128xf32, #tpu.memory_space<hbm>> -> memref<10000x128xf32, #tpu.memory_space<hbm>>
        %dma_start3A_79 = tpu.memref_slice %arg12[%dma_start3A_72] : memref<2x!tpu.dma_semaphore, #tpu.memory_space<semaphore_mem>> -> memref<1x!tpu.dma_semaphore, #tpu.memory_space<semaphore_mem>>
        %dma_start3A_80 = tpu.memref_squeeze %dma_start3A_79 : memref<1x!tpu.dma_semaphore, #tpu.memory_space<semaphore_mem>> -> memref<!tpu.dma_semaphore, #tpu.memory_space<semaphore_mem>>
        tpu.enqueue_indirect_dma source(%dma_start3A_78 : memref<10000x128xf32, #tpu.memory_space<hbm>>) target(%arg10 : memref<128x128xf32, #tpu.memory_space<vmem>>) offsets(%dma_start3A_75 : memref<128xi32, #tpu.memory_space<vmem>>) semaphore(%dma_start3A_80 : memref<!tpu.dma_semaphore, #tpu.memory_space<semaphore_mem>>)
        %dma_wait3A = arith.constant 0 : i32
        %dma_wait3A_81 = arith.constant 0 : i32
        %dma_wait3A_82 = tpu.memref_slice %arg4[%arg1, %add3A_37, %dma_wait3A_81] : memref<16x160x128xi32, #tpu.memory_space<hbm>> -> memref<1x1x128xi32, #tpu.memory_space<hbm>>
        %dma_wait3A_83 = tpu.memref_squeeze %dma_wait3A_82 : memref<1x1x128xi32, #tpu.memory_space<hbm>> -> memref<128xi32, #tpu.memory_space<hbm>>
        %dma_wait3A_84 = tpu.memref_slice %arg14[%dma_wait3A] : memref<2x!tpu.dma_semaphore, #tpu.memory_space<semaphore_mem>> -> memref<1x!tpu.dma_semaphore, #tpu.memory_space<semaphore_mem>>
        %dma_wait3A_85 = tpu.memref_squeeze %dma_wait3A_84 : memref<1x!tpu.dma_semaphore, #tpu.memory_space<semaphore_mem>> -> memref<!tpu.dma_semaphore, #tpu.memory_space<semaphore_mem>>
        %dma_wait3A_86 = arith.constant 0 : i32
        %dma_wait3A_87 = tpu.memref_slice %arg4[%arg1, %add3A_37, %dma_wait3A_86] : memref<16x160x128xi32, #tpu.memory_space<hbm>> -> memref<1x1x128xi32, #tpu.memory_space<hbm>>
        %dma_wait3A_88 = tpu.memref_squeeze %dma_wait3A_87 : memref<1x1x128xi32, #tpu.memory_space<hbm>> -> memref<128xi32, #tpu.memory_space<hbm>>
        tpu.wait_dma2 semaphore(%dma_wait3A_85 : memref<!tpu.dma_semaphore, #tpu.memory_space<semaphore_mem>>) src(%dma_wait3A_88 : memref<128xi32, #tpu.memory_space<hbm>>) dst(%arg7 : memref<128xi32, #tpu.memory_space<vmem>>)
        %dma_wait3A_89 = arith.constant 0 : i32
        %dma_wait3A_90 = arith.constant 0 : i32
        %dma_wait3A_91 = tpu.memref_slice %arg6[%add3A_60, %dma_wait3A_90] : memref<120x128xi32, #tpu.memory_space<vmem>> -> memref<1x128xi32, #tpu.memory_space<vmem>>
        %dma_wait3A_92 = tpu.memref_squeeze %dma_wait3A_91 : memref<1x128xi32, #tpu.memory_space<vmem>> -> memref<128xi32, #tpu.memory_space<vmem>>
        %dma_wait3A_93 = arith.constant 0 : i32
        %dma_wait3A_94 = arith.constant 0 : i32
        %dma_wait3A_95 = tpu.memref_slice %arg2[%dma_wait3A_93, %dma_wait3A_94] : memref<10000x128xf32, #tpu.memory_space<hbm>> -> memref<10000x128xf32, #tpu.memory_space<hbm>>
        %dma_wait3A_96 = tpu.memref_slice %arg12[%dma_wait3A_89] : memref<2x!tpu.dma_semaphore, #tpu.memory_space<semaphore_mem>> -> memref<1x!tpu.dma_semaphore, #tpu.memory_space<semaphore_mem>>
        %dma_wait3A_97 = tpu.memref_squeeze %dma_wait3A_96 : memref<1x!tpu.dma_semaphore, #tpu.memory_space<semaphore_mem>> -> memref<!tpu.dma_semaphore, #tpu.memory_space<semaphore_mem>>
        tpu.wait_indirect_dma semaphore(%dma_wait3A_97 : memref<!tpu.dma_semaphore, #tpu.memory_space<semaphore_mem>>) src(%dma_wait3A_95 : memref<10000x128xf32, #tpu.memory_space<hbm>>) dst(%arg9 : memref<128x128xf32, #tpu.memory_space<vmem>>)
        %dma_start3A_98 = arith.constant 0 : i32
        %dma_start3A_99 = arith.constant 0 : i32
        %dma_start3A_100 = arith.constant 0 : i32
        %dma_start3A_101 = tpu.memref_slice %arg11[%dma_start3A_99, %dma_start3A_100] : memref<10112x128xf32, #tpu.memory_space<vmem_shared>> -> memref<10112x128xf32, #tpu.memory_space<vmem_shared>>
        %dma_start3A_102 = tpu.memref_slice %arg13[%dma_start3A_98] : memref<2x!tpu.dma_semaphore, #tpu.memory_space<semaphore_mem>> -> memref<1x!tpu.dma_semaphore, #tpu.memory_space<semaphore_mem>>
        %dma_start3A_103 = tpu.memref_squeeze %dma_start3A_102 : memref<1x!tpu.dma_semaphore, #tpu.memory_space<semaphore_mem>> -> memref<!tpu.dma_semaphore, #tpu.memory_space<semaphore_mem>>
        tpu.enqueue_indirect_dma source(%arg9 : memref<128x128xf32, #tpu.memory_space<vmem>>) target(%dma_start3A_101 : memref<10112x128xf32, #tpu.memory_space<vmem_shared>>) offsets(%arg7 : memref<128xi32, #tpu.memory_space<vmem>>) semaphore(%dma_start3A_103 : memref<!tpu.dma_semaphore, #tpu.memory_space<semaphore_mem>>) {add = true}
        %dma_wait3A_104 = arith.constant 1 : i32
        %dma_wait3A_105 = arith.constant 0 : i32
        %dma_wait3A_106 = tpu.memref_slice %arg4[%arg1, %add3A_49, %dma_wait3A_105] : memref<16x160x128xi32, #tpu.memory_space<hbm>> -> memref<1x1x128xi32, #tpu.memory_space<hbm>>
        %dma_wait3A_107 = tpu.memref_squeeze %dma_wait3A_106 : memref<1x1x128xi32, #tpu.memory_space<hbm>> -> memref<128xi32, #tpu.memory_space<hbm>>
        %dma_wait3A_108 = tpu.memref_slice %arg14[%dma_wait3A_104] : memref<2x!tpu.dma_semaphore, #tpu.memory_space<semaphore_mem>> -> memref<1x!tpu.dma_semaphore, #tpu.memory_space<semaphore_mem>>
        %dma_wait3A_109 = tpu.memref_squeeze %dma_wait3A_108 : memref<1x!tpu.dma_semaphore, #tpu.memory_space<semaphore_mem>> -> memref<!tpu.dma_semaphore, #tpu.memory_space<semaphore_mem>>
        %dma_wait3A_110 = arith.constant 0 : i32
        %dma_wait3A_111 = tpu.memref_slice %arg4[%arg1, %add3A_49, %dma_wait3A_110] : memref<16x160x128xi32, #tpu.memory_space<hbm>> -> memref<1x1x128xi32, #tpu.memory_space<hbm>>
        %dma_wait3A_112 = tpu.memref_squeeze %dma_wait3A_111 : memref<1x1x128xi32, #tpu.memory_space<hbm>> -> memref<128xi32, #tpu.memory_space<hbm>>
        tpu.wait_dma2 semaphore(%dma_wait3A_109 : memref<!tpu.dma_semaphore, #tpu.memory_space<semaphore_mem>>) src(%dma_wait3A_112 : memref<128xi32, #tpu.memory_space<hbm>>) dst(%arg8 : memref<128xi32, #tpu.memory_space<vmem>>)
        %dma_wait3A_113 = arith.constant 1 : i32
        %dma_wait3A_114 = arith.constant 0 : i32
        %dma_wait3A_115 = tpu.memref_slice %arg6[%add3A_71, %dma_wait3A_114] : memref<120x128xi32, #tpu.memory_space<vmem>> -> memref<1x128xi32, #tpu.memory_space<vmem>>
        %dma_wait3A_116 = tpu.memref_squeeze %dma_wait3A_115 : memref<1x128xi32, #tpu.memory_space<vmem>> -> memref<128xi32, #tpu.memory_space<vmem>>
        %dma_wait3A_117 = arith.constant 0 : i32
        %dma_wait3A_118 = arith.constant 0 : i32
        %dma_wait3A_119 = tpu.memref_slice %arg2[%dma_wait3A_117, %dma_wait3A_118] : memref<10000x128xf32, #tpu.memory_space<hbm>> -> memref<10000x128xf32, #tpu.memory_space<hbm>>
        %dma_wait3A_120 = tpu.memref_slice %arg12[%dma_wait3A_113] : memref<2x!tpu.dma_semaphore, #tpu.memory_space<semaphore_mem>> -> memref<1x!tpu.dma_semaphore, #tpu.memory_space<semaphore_mem>>
        %dma_wait3A_121 = tpu.memref_squeeze %dma_wait3A_120 : memref<1x!tpu.dma_semaphore, #tpu.memory_space<semaphore_mem>> -> memref<!tpu.dma_semaphore, #tpu.memory_space<semaphore_mem>>
        tpu.wait_indirect_dma semaphore(%dma_wait3A_121 : memref<!tpu.dma_semaphore, #tpu.memory_space<semaphore_mem>>) src(%dma_wait3A_119 : memref<10000x128xf32, #tpu.memory_space<hbm>>) dst(%arg10 : memref<128x128xf32, #tpu.memory_space<vmem>>)
        %dma_start3A_122 = arith.constant 1 : i32
        %dma_start3A_123 = arith.constant 0 : i32
        %dma_start3A_124 = arith.constant 0 : i32
        %dma_start3A_125 = tpu.memref_slice %arg11[%dma_start3A_123, %dma_start3A_124] : memref<10112x128xf32, #tpu.memory_space<vmem_shared>> -> memref<10112x128xf32, #tpu.memory_space<vmem_shared>>
        %dma_start3A_126 = tpu.memref_slice %arg13[%dma_start3A_122] : memref<2x!tpu.dma_semaphore, #tpu.memory_space<semaphore_mem>> -> memref<1x!tpu.dma_semaphore, #tpu.memory_space<semaphore_mem>>
        %dma_start3A_127 = tpu.memref_squeeze %dma_start3A_126 : memref<1x!tpu.dma_semaphore, #tpu.memory_space<semaphore_mem>> -> memref<!tpu.dma_semaphore, #tpu.memory_space<semaphore_mem>>
        tpu.enqueue_indirect_dma source(%arg10 : memref<128x128xf32, #tpu.memory_space<vmem>>) target(%dma_start3A_125 : memref<10112x128xf32, #tpu.memory_space<vmem_shared>>) offsets(%arg8 : memref<128xi32, #tpu.memory_space<vmem>>) semaphore(%dma_start3A_127 : memref<!tpu.dma_semaphore, #tpu.memory_space<semaphore_mem>>) {add = true}
        %dma_wait3A_128 = arith.constant 0 : i32
        %dma_wait3A_129 = arith.constant 0 : i32
        %dma_wait3A_130 = arith.constant 0 : i32
        %dma_wait3A_131 = tpu.memref_slice %arg11[%dma_wait3A_129, %dma_wait3A_130] : memref<10112x128xf32, #tpu.memory_space<vmem_shared>> -> memref<10112x128xf32, #tpu.memory_space<vmem_shared>>
        %dma_wait3A_132 = tpu.memref_slice %arg13[%dma_wait3A_128] : memref<2x!tpu.dma_semaphore, #tpu.memory_space<semaphore_mem>> -> memref<1x!tpu.dma_semaphore, #tpu.memory_space<semaphore_mem>>
        %dma_wait3A_133 = tpu.memref_squeeze %dma_wait3A_132 : memref<1x!tpu.dma_semaphore, #tpu.memory_space<semaphore_mem>> -> memref<!tpu.dma_semaphore, #tpu.memory_space<semaphore_mem>>
        tpu.wait_indirect_dma semaphore(%dma_wait3A_133 : memref<!tpu.dma_semaphore, #tpu.memory_space<semaphore_mem>>) src(%arg9 : memref<128x128xf32, #tpu.memory_space<vmem>>) dst(%dma_wait3A_131 : memref<10112x128xf32, #tpu.memory_space<vmem_shared>>)
        %dma_wait3A_134 = arith.constant 1 : i32
        %dma_wait3A_135 = arith.constant 0 : i32
        %dma_wait3A_136 = arith.constant 0 : i32
        %dma_wait3A_137 = tpu.memref_slice %arg11[%dma_wait3A_135, %dma_wait3A_136] : memref<10112x128xf32, #tpu.memory_space<vmem_shared>> -> memref<10112x128xf32, #tpu.memory_space<vmem_shared>>
        %dma_wait3A_138 = tpu.memref_slice %arg13[%dma_wait3A_134] : memref<2x!tpu.dma_semaphore, #tpu.memory_space<semaphore_mem>> -> memref<1x!tpu.dma_semaphore, #tpu.memory_space<semaphore_mem>>
        %dma_wait3A_139 = tpu.memref_squeeze %dma_wait3A_138 : memref<1x!tpu.dma_semaphore, #tpu.memory_space<semaphore_mem>> -> memref<!tpu.dma_semaphore, #tpu.memory_space<semaphore_mem>>
        tpu.wait_indirect_dma semaphore(%dma_wait3A_139 : memref<!tpu.dma_semaphore, #tpu.memory_space<semaphore_mem>>) src(%arg10 : memref<128x128xf32, #tpu.memory_space<vmem>>) dst(%dma_wait3A_137 : memref<10112x128xf32, #tpu.memory_space<vmem_shared>>)
      }
      %scan3A_28 = arith.constant 20 : i32
    } else {
    }
    %barrier3A_19 = arith.constant 0 : index
    tpu.barrier barrier_id(%barrier3A_19)
    %mul3A_20 = arith.constant 632 : i32
    %mul3A_21 = arith.muli %arg1, %mul3A_20 : i32
    %mul3A_22 = arith.constant 632 : i32
    %mul3A_23 = arith.muli %arg1, %mul3A_22 : i32
    "tpu.region"() ({
      %run_scoped3A = tpu.sem_alloc : memref<!tpu.dma_semaphore, #tpu.memory_space<semaphore_mem>>
      %dma_start3A = arith.constant 0 : i32
      %dma_start3A_24 = tpu.memref_slice %arg5[%arg0, %mul3A_23, %dma_start3A] : memref<2x10112x128xf32, #tpu.memory_space<hbm>> -> memref<1x632x128xf32, #tpu.memory_space<hbm>>
      %dma_start3A_25 = tpu.memref_squeeze %dma_start3A_24 : memref<1x632x128xf32, #tpu.memory_space<hbm>> -> memref<632x128xf32, #tpu.memory_space<hbm>>
      %dma_start3A_26 = arith.constant 0 : i32
      %dma_start3A_27 = tpu.memref_slice %arg11[%mul3A_21, %dma_start3A_26] : memref<10112x128xf32, #tpu.memory_space<vmem_shared>> -> memref<632x128xf32, #tpu.memory_space<vmem_shared>>
      tpu.enqueue_dma source(%dma_start3A_27 : memref<632x128xf32, #tpu.memory_space<vmem_shared>>) target(%dma_start3A_25 : memref<632x128xf32, #tpu.memory_space<hbm>>) target_semaphore(%run_scoped3A : memref<!tpu.dma_semaphore, #tpu.memory_space<semaphore_mem>>)
      %dma_wait3A = arith.constant 0 : i32
      %dma_wait3A_28 = tpu.memref_slice %arg5[%arg0, %mul3A_23, %dma_wait3A] : memref<2x10112x128xf32, #tpu.memory_space<hbm>> -> memref<1x632x128xf32, #tpu.memory_space<hbm>>
      %dma_wait3A_29 = tpu.memref_squeeze %dma_wait3A_28 : memref<1x632x128xf32, #tpu.memory_space<hbm>> -> memref<632x128xf32, #tpu.memory_space<hbm>>
      %dma_wait3A_30 = arith.constant 0 : i32
      %dma_wait3A_31 = tpu.memref_slice %arg11[%mul3A_21, %dma_wait3A_30] : memref<10112x128xf32, #tpu.memory_space<vmem_shared>> -> memref<632x128xf32, #tpu.memory_space<vmem_shared>>
      tpu.wait_dma2 semaphore(%run_scoped3A : memref<!tpu.dma_semaphore, #tpu.memory_space<semaphore_mem>>) src(%dma_wait3A_31 : memref<632x128xf32, #tpu.memory_space<vmem_shared>>) dst(%dma_wait3A_29 : memref<632x128xf32, #tpu.memory_space<hbm>>)
      tpu.yield
    }) : () -> ()
    return
  }
}

#map = affine_map<(d0, d1) -> (0, 0)>
#map1 = affine_map<(d0, d1) -> (0, 0, 0)>
module attributes {stable_mosaic.version = 14 : i64} {
  func.func @_edge_pass(%arg0: i32, %arg1: i32, %arg2: memref<10000x128xf32, #tpu.memory_space<hbm>>, %arg3: memref<16x160x128xi32, #tpu.memory_space<hbm>>, %arg4: memref<16x160x128xi32, #tpu.memory_space<hbm>>, %arg5: memref<2x10112x128xf32, #tpu.memory_space<hbm>>, %arg6: memref<120x128xi32, #tpu.memory_space<vmem>>, %arg7: memref<128xi32, #tpu.memory_space<vmem>>, %arg8: memref<128xi32, #tpu.memory_space<vmem>>, %arg9: memref<128x128xf32, #tpu.memory_space<vmem>>, %arg10: memref<128x128xf32, #tpu.memory_space<vmem>>, %arg11: memref<10112x128xf32, #tpu.memory_space<vmem_shared>>, %arg12: memref<2x!tpu.dma_semaphore, #tpu.memory_space<semaphore_mem>>, %arg13: memref<2x!tpu.dma_semaphore, #tpu.memory_space<semaphore_mem>>, %arg14: memref<2x!tpu.dma_semaphore, #tpu.memory_space<semaphore_mem>>) attributes {dimension_semantics = [#tpu.dimension_semantics<core_parallel>, #tpu.dimension_semantics<subcore_parallel>], iteration_bounds = array<i64: 2, 16>, scalar_prefetch = 0 : i64, scratch_operands = 9 : i64, tpu.core_type = #tpu.core_type<sc_vector_subcore>, window_params = [{transform_indices = #map}, {transform_indices = #map1}, {transform_indices = #map1}, {transform_indices = #map1}]} {
    %scan3A = arith.constant 0 : i32
    %scan3A_0 = arith.constant 128 : i32
    %scan3A_1 = arith.addi %scan3A, %scan3A_0 : i32
    %scan3A_2 = arith.constant 1 : i32
    scf.for %scan3A_24 = %scan3A to %scan3A_1 step %scan3A_2  : i32 {
      %mul3A_25 = arith.constant 1 : i32
      %mul3A_26 = arith.muli %scan3A_24, %mul3A_25 : i32
      %add3A_27 = arith.constant 0 : i32
      %add3A_28 = arith.addi %add3A_27, %mul3A_26 : i32
      %scan3A_29 = arith.constant 0 : i32
      %scan3A_30 = arith.constant 8 : i32
      %scan3A_31 = arith.addi %scan3A_29, %scan3A_30 : i32
      %scan3A_32 = arith.constant 1 : i32
      scf.for %scan3A_34 = %scan3A_29 to %scan3A_31 step %scan3A_32  : i32 {
        %mul3A_35 = arith.constant 16 : i32
        %mul3A_36 = arith.muli %scan3A_34, %mul3A_35 : i32
        %add3A_37 = arith.constant 0 : i32
        %add3A_38 = arith.addi %add3A_37, %mul3A_36 : i32
        %broadcast_in_dim3A = arith.constant 0.000000e+00 : f32
        %broadcast_in_dim3A_39 = vector.broadcast %broadcast_in_dim3A : f32 to vector<16xf32>
        %swap3A = arith.index_cast %add3A_28 : i32 to index
        %swap3A_40 = arith.index_cast %add3A_38 : i32 to index
        %swap3A_41 = tpu.vector_load %arg9[%swap3A, %swap3A_40] {strides = array<i32>} : memref<128x128xf32, #tpu.memory_space<vmem>>, vector<1x16xf32>,
        %swap3A_42 = vector.shape_cast %swap3A_41 : vector<1x16xf32> to vector<16xf32>
        %swap3A_43 = vector.shape_cast %broadcast_in_dim3A_39 : vector<16xf32> to vector<1x16xf32>
        tpu.vector_store %arg9[%swap3A, %swap3A_40], %swap3A_43 {strides = array<i32>} : memref<128x128xf32, #tpu.memory_space<vmem>>, vector<1x16xf32>,
      }
      %scan3A_33 = arith.constant 8 : i32
    }
    %scan3A_3 = arith.constant 128 : i32
    %scan3A_4 = arith.constant 0 : i32
    %scan3A_5 = arith.constant 4 : i32
    %scan3A_6 = arith.addi %scan3A_4, %scan3A_5 : i32
    %scan3A_7 = arith.constant 1 : i32
    scf.for %scan3A_24 = %scan3A_4 to %scan3A_6 step %scan3A_7  : i32 {
      %mul3A_25 = arith.constant 128 : i32
      %mul3A_26 = arith.muli %scan3A_24, %mul3A_25 : i32
      %add3A_27 = arith.constant 0 : i32
      %add3A_28 = arith.addi %add3A_27, %mul3A_26 : i32
      %mul3A_29 = arith.constant 632 : i32
      %mul3A_30 = arith.muli %arg1, %mul3A_29 : i32
      %add3A_31 = arith.addi %mul3A_30, %add3A_28 : i32
      "tpu.region"() ({
        %run_scoped3A = tpu.sem_alloc : memref<!tpu.dma_semaphore, #tpu.memory_space<semaphore_mem>>
        %dma_start3A = arith.constant 0 : i32
        %dma_start3A_32 = tpu.memref_slice %arg11[%add3A_31, %dma_start3A] : memref<10112x128xf32, #tpu.memory_space<vmem_shared>> -> memref<128x128xf32, #tpu.memory_space<vmem_shared>>
        %dma_start3A_33 = arith.constant 0 : i32
        %dma_start3A_34 = tpu.memref_slice %arg11[%add3A_31, %dma_start3A_33] : memref<10112x128xf32, #tpu.memory_space<vmem_shared>> -> memref<128x128xf32, #tpu.memory_space<vmem_shared>>
        tpu.enqueue_dma source(%arg9 : memref<128x128xf32, #tpu.memory_space<vmem>>) target(%dma_start3A_34 : memref<128x128xf32, #tpu.memory_space<vmem_shared>>) target_semaphore(%run_scoped3A : memref<!tpu.dma_semaphore, #tpu.memory_space<semaphore_mem>>)
        %dma_wait3A = arith.constant 0 : i32
        %dma_wait3A_35 = tpu.memref_slice %arg11[%add3A_31, %dma_wait3A] : memref<10112x128xf32, #tpu.memory_space<vmem_shared>> -> memref<128x128xf32, #tpu.memory_space<vmem_shared>>
        %dma_wait3A_36 = arith.constant 0 : i32
        %dma_wait3A_37 = tpu.memref_slice %arg11[%add3A_31, %dma_wait3A_36] : memref<10112x128xf32, #tpu.memory_space<vmem_shared>> -> memref<128x128xf32, #tpu.memory_space<vmem_shared>>
        tpu.wait_dma2 semaphore(%run_scoped3A : memref<!tpu.dma_semaphore, #tpu.memory_space<semaphore_mem>>) src(%arg9 : memref<128x128xf32, #tpu.memory_space<vmem>>) dst(%dma_wait3A_37 : memref<128x128xf32, #tpu.memory_space<vmem_shared>>)
        tpu.yield
      }) : () -> ()
    }
    %scan3A_8 = arith.constant 4 : i32
    %mul3A = arith.constant 632 : i32
    %mul3A_9 = arith.muli %arg1, %mul3A : i32
    %add3A = arith.constant 632 : i32
    %add3A_10 = arith.addi %mul3A_9, %add3A : i32
    %sub3A = arith.constant 120 : i32
    %sub3A_11 = arith.subi %add3A_10, %sub3A : i32
    "tpu.region"() ({
      %run_scoped3A = tpu.sem_alloc : memref<!tpu.dma_semaphore, #tpu.memory_space<semaphore_mem>>
      %dma_start3A = arith.constant 0 : i32
      %dma_start3A_24 = arith.constant 0 : i32
      %dma_start3A_25 = tpu.memref_slice %arg9[%dma_start3A, %dma_start3A_24] : memref<128x128xf32, #tpu.memory_space<vmem>> -> memref<120x128xf32, #tpu.memory_space<vmem>>
      %dma_start3A_26 = arith.constant 0 : i32
      %dma_start3A_27 = tpu.memref_slice %arg11[%sub3A_11, %dma_start3A_26] : memref<10112x128xf32, #tpu.memory_space<vmem_shared>> -> memref<120x128xf32, #tpu.memory_space<vmem_shared>>
      %dma_start3A_28 = arith.constant 0 : i32
      %dma_start3A_29 = tpu.memref_slice %arg11[%sub3A_11, %dma_start3A_28] : memref<10112x128xf32, #tpu.memory_space<vmem_shared>> -> memref<120x128xf32, #tpu.memory_space<vmem_shared>>
      %dma_start3A_30 = arith.constant 0 : i32
      %dma_start3A_31 = arith.constant 0 : i32
      %dma_start3A_32 = tpu.memref_slice %arg9[%dma_start3A_30, %dma_start3A_31] : memref<128x128xf32, #tpu.memory_space<vmem>> -> memref<120x128xf32, #tpu.memory_space<vmem>>
      tpu.enqueue_dma source(%dma_start3A_32 : memref<120x128xf32, #tpu.memory_space<vmem>>) target(%dma_start3A_29 : memref<120x128xf32, #tpu.memory_space<vmem_shared>>) target_semaphore(%run_scoped3A : memref<!tpu.dma_semaphore, #tpu.memory_space<semaphore_mem>>)
      %dma_wait3A = arith.constant 0 : i32
      %dma_wait3A_33 = arith.constant 0 : i32
      %dma_wait3A_34 = tpu.memref_slice %arg9[%dma_wait3A, %dma_wait3A_33] : memref<128x128xf32, #tpu.memory_space<vmem>> -> memref<120x128xf32, #tpu.memory_space<vmem>>
      %dma_wait3A_35 = arith.constant 0 : i32
      %dma_wait3A_36 = tpu.memref_slice %arg11[%sub3A_11, %dma_wait3A_35] : memref<10112x128xf32, #tpu.memory_space<vmem_shared>> -> memref<120x128xf32, #tpu.memory_space<vmem_shared>>
      %dma_wait3A_37 = arith.constant 0 : i32
      %dma_wait3A_38 = tpu.memref_slice %arg11[%sub3A_11, %dma_wait3A_37] : memref<10112x128xf32, #tpu.memory_space<vmem_shared>> -> memref<120x128xf32, #tpu.memory_space<vmem_shared>>
      %dma_wait3A_39 = arith.constant 0 : i32
      %dma_wait3A_40 = arith.constant 0 : i32
      %dma_wait3A_41 = tpu.memref_slice %arg9[%dma_wait3A_39, %dma_wait3A_40] : memref<128x128xf32, #tpu.memory_space<vmem>> -> memref<120x128xf32, #tpu.memory_space<vmem>>
      tpu.wait_dma2 semaphore(%run_scoped3A : memref<!tpu.dma_semaphore, #tpu.memory_space<semaphore_mem>>) src(%dma_wait3A_41 : memref<120x128xf32, #tpu.memory_space<vmem>>) dst(%dma_wait3A_38 : memref<120x128xf32, #tpu.memory_space<vmem_shared>>)
      tpu.yield
    }) : () -> ()
    %barrier3A = arith.constant 0 : index
    tpu.barrier barrier_id(%barrier3A)
    %eq3A = arith.constant 0 : i32
    %eq3A_12 = arith.cmpi eq, %arg0, %eq3A : i32
    %convert_element_type3A = arith.extui %eq3A_12 : i1 to i32
    %cond3A = arith.constant 0 : i32
    %cond3A_13 = arith.cmpi ne, %convert_element_type3A, %cond3A : i32
    scf.if %cond3A_13 {
      "tpu.region"() ({
        %run_scoped3A = tpu.sem_alloc : memref<!tpu.dma_semaphore, #tpu.memory_space<semaphore_mem>>
        %dma_start3A = arith.constant 0 : i32
        %dma_start3A_29 = arith.constant 0 : i32
        %dma_start3A_30 = tpu.memref_slice %arg6[%dma_start3A, %dma_start3A_29] : memref<120x128xi32, #tpu.memory_space<vmem>> -> memref<120x128xi32, #tpu.memory_space<vmem>>
        %dma_start3A_31 = arith.constant 0 : i32
        %dma_start3A_32 = arith.constant 0 : i32
        %dma_start3A_33 = tpu.memref_slice %arg3[%arg1, %dma_start3A_31, %dma_start3A_32] : memref<16x160x128xi32, #tpu.memory_space<hbm>> -> memref<1x120x128xi32, #tpu.memory_space<hbm>>
        %dma_start3A_34 = tpu.memref_squeeze %dma_start3A_33 : memref<1x120x128xi32, #tpu.memory_space<hbm>> -> memref<120x128xi32, #tpu.memory_space<hbm>>
        %dma_start3A_35 = arith.constant 0 : i32
        %dma_start3A_36 = arith.constant 0 : i32
        %dma_start3A_37 = tpu.memref_slice %arg6[%dma_start3A_35, %dma_start3A_36] : memref<120x128xi32, #tpu.memory_space<vmem>> -> memref<120x128xi32, #tpu.memory_space<vmem>>
        %dma_start3A_38 = arith.constant 0 : i32
        %dma_start3A_39 = arith.constant 0 : i32
        %dma_start3A_40 = tpu.memref_slice %arg3[%arg1, %dma_start3A_38, %dma_start3A_39] : memref<16x160x128xi32, #tpu.memory_space<hbm>> -> memref<1x120x128xi32, #tpu.memory_space<hbm>>
        %dma_start3A_41 = tpu.memref_squeeze %dma_start3A_40 : memref<1x120x128xi32, #tpu.memory_space<hbm>> -> memref<120x128xi32, #tpu.memory_space<hbm>>
        tpu.enqueue_dma source(%dma_start3A_41 : memref<120x128xi32, #tpu.memory_space<hbm>>) target(%dma_start3A_37 : memref<120x128xi32, #tpu.memory_space<vmem>>) target_semaphore(%run_scoped3A : memref<!tpu.dma_semaphore, #tpu.memory_space<semaphore_mem>>)
        %dma_wait3A = arith.constant 0 : i32
        %dma_wait3A_42 = arith.constant 0 : i32
        %dma_wait3A_43 = tpu.memref_slice %arg6[%dma_wait3A, %dma_wait3A_42] : memref<120x128xi32, #tpu.memory_space<vmem>> -> memref<120x128xi32, #tpu.memory_space<vmem>>
        %dma_wait3A_44 = arith.constant 0 : i32
        %dma_wait3A_45 = arith.constant 0 : i32
        %dma_wait3A_46 = tpu.memref_slice %arg3[%arg1, %dma_wait3A_44, %dma_wait3A_45] : memref<16x160x128xi32, #tpu.memory_space<hbm>> -> memref<1x120x128xi32, #tpu.memory_space<hbm>>
        %dma_wait3A_47 = tpu.memref_squeeze %dma_wait3A_46 : memref<1x120x128xi32, #tpu.memory_space<hbm>> -> memref<120x128xi32, #tpu.memory_space<hbm>>
        %dma_wait3A_48 = arith.constant 0 : i32
        %dma_wait3A_49 = arith.constant 0 : i32
        %dma_wait3A_50 = tpu.memref_slice %arg6[%dma_wait3A_48, %dma_wait3A_49] : memref<120x128xi32, #tpu.memory_space<vmem>> -> memref<120x128xi32, #tpu.memory_space<vmem>>
        %dma_wait3A_51 = arith.constant 0 : i32
        %dma_wait3A_52 = arith.constant 0 : i32
        %dma_wait3A_53 = tpu.memref_slice %arg3[%arg1, %dma_wait3A_51, %dma_wait3A_52] : memref<16x160x128xi32, #tpu.memory_space<hbm>> -> memref<1x120x128xi32, #tpu.memory_space<hbm>>
        %dma_wait3A_54 = tpu.memref_squeeze %dma_wait3A_53 : memref<1x120x128xi32, #tpu.memory_space<hbm>> -> memref<120x128xi32, #tpu.memory_space<hbm>>
        tpu.wait_dma2 semaphore(%run_scoped3A : memref<!tpu.dma_semaphore, #tpu.memory_space<semaphore_mem>>) src(%dma_wait3A_54 : memref<120x128xi32, #tpu.memory_space<hbm>>) dst(%dma_wait3A_50 : memref<120x128xi32, #tpu.memory_space<vmem>>)
        tpu.yield
      }) : () -> ()
      %scan3A_24 = arith.constant 0 : i32
      %scan3A_25 = arith.constant 60 : i32
      %scan3A_26 = arith.addi %scan3A_24, %scan3A_25 : i32
      %scan3A_27 = arith.constant 1 : i32
      scf.for %scan3A_29 = %scan3A_24 to %scan3A_26 step %scan3A_27  : i32 {
        %mul3A_30 = arith.constant 2 : i32
        %mul3A_31 = arith.muli %scan3A_29, %mul3A_30 : i32
        %add3A_32 = arith.constant 0 : i32
        %add3A_33 = arith.addi %add3A_32, %mul3A_31 : i32
        %add3A_34 = arith.constant 0 : i32
        %add3A_35 = arith.addi %add3A_34, %add3A_33 : i32
        %add3A_36 = arith.constant 0 : i32
        %add3A_37 = arith.addi %add3A_35, %add3A_36 : i32
        %dma_start3A = arith.constant 0 : i32
        %dma_start3A_38 = arith.constant 0 : i32
        %dma_start3A_39 = tpu.memref_slice %arg4[%arg1, %add3A_37, %dma_start3A_38] : memref<16x160x128xi32, #tpu.memory_space<hbm>> -> memref<1x1x128xi32, #tpu.memory_space<hbm>>
        %dma_start3A_40 = tpu.memref_squeeze %dma_start3A_39 : memref<1x1x128xi32, #tpu.memory_space<hbm>> -> memref<128xi32, #tpu.memory_space<hbm>>
        %dma_start3A_41 = tpu.memref_slice %arg14[%dma_start3A] : memref<2x!tpu.dma_semaphore, #tpu.memory_space<semaphore_mem>> -> memref<1x!tpu.dma_semaphore, #tpu.memory_space<semaphore_mem>>
        %dma_start3A_42 = tpu.memref_squeeze %dma_start3A_41 : memref<1x!tpu.dma_semaphore, #tpu.memory_space<semaphore_mem>> -> memref<!tpu.dma_semaphore, #tpu.memory_space<semaphore_mem>>
        %dma_start3A_43 = arith.constant 0 : i32
        %dma_start3A_44 = tpu.memref_slice %arg4[%arg1, %add3A_37, %dma_start3A_43] : memref<16x160x128xi32, #tpu.memory_space<hbm>> -> memref<1x1x128xi32, #tpu.memory_space<hbm>>
        %dma_start3A_45 = tpu.memref_squeeze %dma_start3A_44 : memref<1x1x128xi32, #tpu.memory_space<hbm>> -> memref<128xi32, #tpu.memory_space<hbm>>
        tpu.enqueue_dma source(%dma_start3A_45 : memref<128xi32, #tpu.memory_space<hbm>>) target(%arg7 : memref<128xi32, #tpu.memory_space<vmem>>) target_semaphore(%dma_start3A_42 : memref<!tpu.dma_semaphore, #tpu.memory_space<semaphore_mem>>)
        %add3A_46 = arith.constant 0 : i32
        %add3A_47 = arith.addi %add3A_46, %add3A_33 : i32
        %add3A_48 = arith.constant 1 : i32
        %add3A_49 = arith.addi %add3A_47, %add3A_48 : i32
        %dma_start3A_50 = arith.constant 1 : i32
        %dma_start3A_51 = arith.constant 0 : i32
        %dma_start3A_52 = tpu.memref_slice %arg4[%arg1, %add3A_49, %dma_start3A_51] : memref<16x160x128xi32, #tpu.memory_space<hbm>> -> memref<1x1x128xi32, #tpu.memory_space<hbm>>
        %dma_start3A_53 = tpu.memref_squeeze %dma_start3A_52 : memref<1x1x128xi32, #tpu.memory_space<hbm>> -> memref<128xi32, #tpu.memory_space<hbm>>
        %dma_start3A_54 = tpu.memref_slice %arg14[%dma_start3A_50] : memref<2x!tpu.dma_semaphore, #tpu.memory_space<semaphore_mem>> -> memref<1x!tpu.dma_semaphore, #tpu.memory_space<semaphore_mem>>
        %dma_start3A_55 = tpu.memref_squeeze %dma_start3A_54 : memref<1x!tpu.dma_semaphore, #tpu.memory_space<semaphore_mem>> -> memref<!tpu.dma_semaphore, #tpu.memory_space<semaphore_mem>>
        %dma_start3A_56 = arith.constant 0 : i32
        %dma_start3A_57 = tpu.memref_slice %arg4[%arg1, %add3A_49, %dma_start3A_56] : memref<16x160x128xi32, #tpu.memory_space<hbm>> -> memref<1x1x128xi32, #tpu.memory_space<hbm>>
        %dma_start3A_58 = tpu.memref_squeeze %dma_start3A_57 : memref<1x1x128xi32, #tpu.memory_space<hbm>> -> memref<128xi32, #tpu.memory_space<hbm>>
        tpu.enqueue_dma source(%dma_start3A_58 : memref<128xi32, #tpu.memory_space<hbm>>) target(%arg8 : memref<128xi32, #tpu.memory_space<vmem>>) target_semaphore(%dma_start3A_55 : memref<!tpu.dma_semaphore, #tpu.memory_space<semaphore_mem>>)
        %add3A_59 = arith.constant 0 : i32
        %add3A_60 = arith.addi %add3A_33, %add3A_59 : i32
        %dma_start3A_61 = arith.constant 0 : i32
        %dma_start3A_62 = arith.constant 0 : i32
        %dma_start3A_63 = tpu.memref_slice %arg6[%add3A_60, %dma_start3A_62] : memref<120x128xi32, #tpu.memory_space<vmem>> -> memref<1x128xi32, #tpu.memory_space<vmem>>
        %dma_start3A_64 = tpu.memref_squeeze %dma_start3A_63 : memref<1x128xi32, #tpu.memory_space<vmem>> -> memref<128xi32, #tpu.memory_space<vmem>>
        %dma_start3A_65 = arith.constant 0 : i32
        %dma_start3A_66 = arith.constant 0 : i32
        %dma_start3A_67 = tpu.memref_slice %arg2[%dma_start3A_65, %dma_start3A_66] : memref<10000x128xf32, #tpu.memory_space<hbm>> -> memref<10000x128xf32, #tpu.memory_space<hbm>>
        %dma_start3A_68 = tpu.memref_slice %arg12[%dma_start3A_61] : memref<2x!tpu.dma_semaphore, #tpu.memory_space<semaphore_mem>> -> memref<1x!tpu.dma_semaphore, #tpu.memory_space<semaphore_mem>>
        %dma_start3A_69 = tpu.memref_squeeze %dma_start3A_68 : memref<1x!tpu.dma_semaphore, #tpu.memory_space<semaphore_mem>> -> memref<!tpu.dma_semaphore, #tpu.memory_space<semaphore_mem>>
        tpu.enqueue_indirect_dma source(%dma_start3A_67 : memref<10000x128xf32, #tpu.memory_space<hbm>>) target(%arg9 : memref<128x128xf32, #tpu.memory_space<vmem>>) offsets(%dma_start3A_64 : memref<128xi32, #tpu.memory_space<vmem>>) semaphore(%dma_start3A_69 : memref<!tpu.dma_semaphore, #tpu.memory_space<semaphore_mem>>)
        %add3A_70 = arith.constant 1 : i32
        %add3A_71 = arith.addi %add3A_33, %add3A_70 : i32
        %dma_start3A_72 = arith.constant 1 : i32
        %dma_start3A_73 = arith.constant 0 : i32
        %dma_start3A_74 = tpu.memref_slice %arg6[%add3A_71, %dma_start3A_73] : memref<120x128xi32, #tpu.memory_space<vmem>> -> memref<1x128xi32, #tpu.memory_space<vmem>>
        %dma_start3A_75 = tpu.memref_squeeze %dma_start3A_74 : memref<1x128xi32, #tpu.memory_space<vmem>> -> memref<128xi32, #tpu.memory_space<vmem>>
        %dma_start3A_76 = arith.constant 0 : i32
        %dma_start3A_77 = arith.constant 0 : i32
        %dma_start3A_78 = tpu.memref_slice %arg2[%dma_start3A_76, %dma_start3A_77] : memref<10000x128xf32, #tpu.memory_space<hbm>> -> memref<10000x128xf32, #tpu.memory_space<hbm>>
        %dma_start3A_79 = tpu.memref_slice %arg12[%dma_start3A_72] : memref<2x!tpu.dma_semaphore, #tpu.memory_space<semaphore_mem>> -> memref<1x!tpu.dma_semaphore, #tpu.memory_space<semaphore_mem>>
        %dma_start3A_80 = tpu.memref_squeeze %dma_start3A_79 : memref<1x!tpu.dma_semaphore, #tpu.memory_space<semaphore_mem>> -> memref<!tpu.dma_semaphore, #tpu.memory_space<semaphore_mem>>
        tpu.enqueue_indirect_dma source(%dma_start3A_78 : memref<10000x128xf32, #tpu.memory_space<hbm>>) target(%arg10 : memref<128x128xf32, #tpu.memory_space<vmem>>) offsets(%dma_start3A_75 : memref<128xi32, #tpu.memory_space<vmem>>) semaphore(%dma_start3A_80 : memref<!tpu.dma_semaphore, #tpu.memory_space<semaphore_mem>>)
        %dma_wait3A = arith.constant 0 : i32
        %dma_wait3A_81 = arith.constant 0 : i32
        %dma_wait3A_82 = tpu.memref_slice %arg4[%arg1, %add3A_37, %dma_wait3A_81] : memref<16x160x128xi32, #tpu.memory_space<hbm>> -> memref<1x1x128xi32, #tpu.memory_space<hbm>>
        %dma_wait3A_83 = tpu.memref_squeeze %dma_wait3A_82 : memref<1x1x128xi32, #tpu.memory_space<hbm>> -> memref<128xi32, #tpu.memory_space<hbm>>
        %dma_wait3A_84 = tpu.memref_slice %arg14[%dma_wait3A] : memref<2x!tpu.dma_semaphore, #tpu.memory_space<semaphore_mem>> -> memref<1x!tpu.dma_semaphore, #tpu.memory_space<semaphore_mem>>
        %dma_wait3A_85 = tpu.memref_squeeze %dma_wait3A_84 : memref<1x!tpu.dma_semaphore, #tpu.memory_space<semaphore_mem>> -> memref<!tpu.dma_semaphore, #tpu.memory_space<semaphore_mem>>
        %dma_wait3A_86 = arith.constant 0 : i32
        %dma_wait3A_87 = tpu.memref_slice %arg4[%arg1, %add3A_37, %dma_wait3A_86] : memref<16x160x128xi32, #tpu.memory_space<hbm>> -> memref<1x1x128xi32, #tpu.memory_space<hbm>>
        %dma_wait3A_88 = tpu.memref_squeeze %dma_wait3A_87 : memref<1x1x128xi32, #tpu.memory_space<hbm>> -> memref<128xi32, #tpu.memory_space<hbm>>
        tpu.wait_dma2 semaphore(%dma_wait3A_85 : memref<!tpu.dma_semaphore, #tpu.memory_space<semaphore_mem>>) src(%dma_wait3A_88 : memref<128xi32, #tpu.memory_space<hbm>>) dst(%arg7 : memref<128xi32, #tpu.memory_space<vmem>>)
        %dma_wait3A_89 = arith.constant 0 : i32
        %dma_wait3A_90 = arith.constant 0 : i32
        %dma_wait3A_91 = tpu.memref_slice %arg6[%add3A_60, %dma_wait3A_90] : memref<120x128xi32, #tpu.memory_space<vmem>> -> memref<1x128xi32, #tpu.memory_space<vmem>>
        %dma_wait3A_92 = tpu.memref_squeeze %dma_wait3A_91 : memref<1x128xi32, #tpu.memory_space<vmem>> -> memref<128xi32, #tpu.memory_space<vmem>>
        %dma_wait3A_93 = arith.constant 0 : i32
        %dma_wait3A_94 = arith.constant 0 : i32
        %dma_wait3A_95 = tpu.memref_slice %arg2[%dma_wait3A_93, %dma_wait3A_94] : memref<10000x128xf32, #tpu.memory_space<hbm>> -> memref<10000x128xf32, #tpu.memory_space<hbm>>
        %dma_wait3A_96 = tpu.memref_slice %arg12[%dma_wait3A_89] : memref<2x!tpu.dma_semaphore, #tpu.memory_space<semaphore_mem>> -> memref<1x!tpu.dma_semaphore, #tpu.memory_space<semaphore_mem>>
        %dma_wait3A_97 = tpu.memref_squeeze %dma_wait3A_96 : memref<1x!tpu.dma_semaphore, #tpu.memory_space<semaphore_mem>> -> memref<!tpu.dma_semaphore, #tpu.memory_space<semaphore_mem>>
        tpu.wait_indirect_dma semaphore(%dma_wait3A_97 : memref<!tpu.dma_semaphore, #tpu.memory_space<semaphore_mem>>) src(%dma_wait3A_95 : memref<10000x128xf32, #tpu.memory_space<hbm>>) dst(%arg9 : memref<128x128xf32, #tpu.memory_space<vmem>>)
        %dma_start3A_98 = arith.constant 0 : i32
        %dma_start3A_99 = arith.constant 0 : i32
        %dma_start3A_100 = arith.constant 0 : i32
        %dma_start3A_101 = tpu.memref_slice %arg11[%dma_start3A_99, %dma_start3A_100] : memref<10112x128xf32, #tpu.memory_space<vmem_shared>> -> memref<10112x128xf32, #tpu.memory_space<vmem_shared>>
        %dma_start3A_102 = tpu.memref_slice %arg13[%dma_start3A_98] : memref<2x!tpu.dma_semaphore, #tpu.memory_space<semaphore_mem>> -> memref<1x!tpu.dma_semaphore, #tpu.memory_space<semaphore_mem>>
        %dma_start3A_103 = tpu.memref_squeeze %dma_start3A_102 : memref<1x!tpu.dma_semaphore, #tpu.memory_space<semaphore_mem>> -> memref<!tpu.dma_semaphore, #tpu.memory_space<semaphore_mem>>
        tpu.enqueue_indirect_dma source(%arg9 : memref<128x128xf32, #tpu.memory_space<vmem>>) target(%dma_start3A_101 : memref<10112x128xf32, #tpu.memory_space<vmem_shared>>) offsets(%arg7 : memref<128xi32, #tpu.memory_space<vmem>>) semaphore(%dma_start3A_103 : memref<!tpu.dma_semaphore, #tpu.memory_space<semaphore_mem>>) {add = true}
        %dma_wait3A_104 = arith.constant 1 : i32
        %dma_wait3A_105 = arith.constant 0 : i32
        %dma_wait3A_106 = tpu.memref_slice %arg4[%arg1, %add3A_49, %dma_wait3A_105] : memref<16x160x128xi32, #tpu.memory_space<hbm>> -> memref<1x1x128xi32, #tpu.memory_space<hbm>>
        %dma_wait3A_107 = tpu.memref_squeeze %dma_wait3A_106 : memref<1x1x128xi32, #tpu.memory_space<hbm>> -> memref<128xi32, #tpu.memory_space<hbm>>
        %dma_wait3A_108 = tpu.memref_slice %arg14[%dma_wait3A_104] : memref<2x!tpu.dma_semaphore, #tpu.memory_space<semaphore_mem>> -> memref<1x!tpu.dma_semaphore, #tpu.memory_space<semaphore_mem>>
        %dma_wait3A_109 = tpu.memref_squeeze %dma_wait3A_108 : memref<1x!tpu.dma_semaphore, #tpu.memory_space<semaphore_mem>> -> memref<!tpu.dma_semaphore, #tpu.memory_space<semaphore_mem>>
        %dma_wait3A_110 = arith.constant 0 : i32
        %dma_wait3A_111 = tpu.memref_slice %arg4[%arg1, %add3A_49, %dma_wait3A_110] : memref<16x160x128xi32, #tpu.memory_space<hbm>> -> memref<1x1x128xi32, #tpu.memory_space<hbm>>
        %dma_wait3A_112 = tpu.memref_squeeze %dma_wait3A_111 : memref<1x1x128xi32, #tpu.memory_space<hbm>> -> memref<128xi32, #tpu.memory_space<hbm>>
        tpu.wait_dma2 semaphore(%dma_wait3A_109 : memref<!tpu.dma_semaphore, #tpu.memory_space<semaphore_mem>>) src(%dma_wait3A_112 : memref<128xi32, #tpu.memory_space<hbm>>) dst(%arg8 : memref<128xi32, #tpu.memory_space<vmem>>)
        %dma_wait3A_113 = arith.constant 1 : i32
        %dma_wait3A_114 = arith.constant 0 : i32
        %dma_wait3A_115 = tpu.memref_slice %arg6[%add3A_71, %dma_wait3A_114] : memref<120x128xi32, #tpu.memory_space<vmem>> -> memref<1x128xi32, #tpu.memory_space<vmem>>
        %dma_wait3A_116 = tpu.memref_squeeze %dma_wait3A_115 : memref<1x128xi32, #tpu.memory_space<vmem>> -> memref<128xi32, #tpu.memory_space<vmem>>
        %dma_wait3A_117 = arith.constant 0 : i32
        %dma_wait3A_118 = arith.constant 0 : i32
        %dma_wait3A_119 = tpu.memref_slice %arg2[%dma_wait3A_117, %dma_wait3A_118] : memref<10000x128xf32, #tpu.memory_space<hbm>> -> memref<10000x128xf32, #tpu.memory_space<hbm>>
        %dma_wait3A_120 = tpu.memref_slice %arg12[%dma_wait3A_113] : memref<2x!tpu.dma_semaphore, #tpu.memory_space<semaphore_mem>> -> memref<1x!tpu.dma_semaphore, #tpu.memory_space<semaphore_mem>>
        %dma_wait3A_121 = tpu.memref_squeeze %dma_wait3A_120 : memref<1x!tpu.dma_semaphore, #tpu.memory_space<semaphore_mem>> -> memref<!tpu.dma_semaphore, #tpu.memory_space<semaphore_mem>>
        tpu.wait_indirect_dma semaphore(%dma_wait3A_121 : memref<!tpu.dma_semaphore, #tpu.memory_space<semaphore_mem>>) src(%dma_wait3A_119 : memref<10000x128xf32, #tpu.memory_space<hbm>>) dst(%arg10 : memref<128x128xf32, #tpu.memory_space<vmem>>)
        %dma_start3A_122 = arith.constant 1 : i32
        %dma_start3A_123 = arith.constant 0 : i32
        %dma_start3A_124 = arith.constant 0 : i32
        %dma_start3A_125 = tpu.memref_slice %arg11[%dma_start3A_123, %dma_start3A_124] : memref<10112x128xf32, #tpu.memory_space<vmem_shared>> -> memref<10112x128xf32, #tpu.memory_space<vmem_shared>>
        %dma_start3A_126 = tpu.memref_slice %arg13[%dma_start3A_122] : memref<2x!tpu.dma_semaphore, #tpu.memory_space<semaphore_mem>> -> memref<1x!tpu.dma_semaphore, #tpu.memory_space<semaphore_mem>>
        %dma_start3A_127 = tpu.memref_squeeze %dma_start3A_126 : memref<1x!tpu.dma_semaphore, #tpu.memory_space<semaphore_mem>> -> memref<!tpu.dma_semaphore, #tpu.memory_space<semaphore_mem>>
        tpu.enqueue_indirect_dma source(%arg10 : memref<128x128xf32, #tpu.memory_space<vmem>>) target(%dma_start3A_125 : memref<10112x128xf32, #tpu.memory_space<vmem_shared>>) offsets(%arg8 : memref<128xi32, #tpu.memory_space<vmem>>) semaphore(%dma_start3A_127 : memref<!tpu.dma_semaphore, #tpu.memory_space<semaphore_mem>>) {add = true}
        %dma_wait3A_128 = arith.constant 0 : i32
        %dma_wait3A_129 = arith.constant 0 : i32
        %dma_wait3A_130 = arith.constant 0 : i32
        %dma_wait3A_131 = tpu.memref_slice %arg11[%dma_wait3A_129, %dma_wait3A_130] : memref<10112x128xf32, #tpu.memory_space<vmem_shared>> -> memref<10112x128xf32, #tpu.memory_space<vmem_shared>>
        %dma_wait3A_132 = tpu.memref_slice %arg13[%dma_wait3A_128] : memref<2x!tpu.dma_semaphore, #tpu.memory_space<semaphore_mem>> -> memref<1x!tpu.dma_semaphore, #tpu.memory_space<semaphore_mem>>
        %dma_wait3A_133 = tpu.memref_squeeze %dma_wait3A_132 : memref<1x!tpu.dma_semaphore, #tpu.memory_space<semaphore_mem>> -> memref<!tpu.dma_semaphore, #tpu.memory_space<semaphore_mem>>
        tpu.wait_indirect_dma semaphore(%dma_wait3A_133 : memref<!tpu.dma_semaphore, #tpu.memory_space<semaphore_mem>>) src(%arg9 : memref<128x128xf32, #tpu.memory_space<vmem>>) dst(%dma_wait3A_131 : memref<10112x128xf32, #tpu.memory_space<vmem_shared>>)
        %dma_wait3A_134 = arith.constant 1 : i32
        %dma_wait3A_135 = arith.constant 0 : i32
        %dma_wait3A_136 = arith.constant 0 : i32
        %dma_wait3A_137 = tpu.memref_slice %arg11[%dma_wait3A_135, %dma_wait3A_136] : memref<10112x128xf32, #tpu.memory_space<vmem_shared>> -> memref<10112x128xf32, #tpu.memory_space<vmem_shared>>
        %dma_wait3A_138 = tpu.memref_slice %arg13[%dma_wait3A_134] : memref<2x!tpu.dma_semaphore, #tpu.memory_space<semaphore_mem>> -> memref<1x!tpu.dma_semaphore, #tpu.memory_space<semaphore_mem>>
        %dma_wait3A_139 = tpu.memref_squeeze %dma_wait3A_138 : memref<1x!tpu.dma_semaphore, #tpu.memory_space<semaphore_mem>> -> memref<!tpu.dma_semaphore, #tpu.memory_space<semaphore_mem>>
        tpu.wait_indirect_dma semaphore(%dma_wait3A_139 : memref<!tpu.dma_semaphore, #tpu.memory_space<semaphore_mem>>) src(%arg10 : memref<128x128xf32, #tpu.memory_space<vmem>>) dst(%dma_wait3A_137 : memref<10112x128xf32, #tpu.memory_space<vmem_shared>>)
      }
      %scan3A_28 = arith.constant 60 : i32
    } else {
    }
    %eq3A_14 = arith.constant 1 : i32
    %eq3A_15 = arith.cmpi eq, %arg0, %eq3A_14 : i32
    %convert_element_type3A_16 = arith.extui %eq3A_15 : i1 to i32
    %cond3A_17 = arith.constant 0 : i32
    %cond3A_18 = arith.cmpi ne, %convert_element_type3A_16, %cond3A_17 : i32
    scf.if %cond3A_18 {
      "tpu.region"() ({
        %run_scoped3A = tpu.sem_alloc : memref<!tpu.dma_semaphore, #tpu.memory_space<semaphore_mem>>
        %dma_start3A = arith.constant 0 : i32
        %dma_start3A_29 = arith.constant 0 : i32
        %dma_start3A_30 = tpu.memref_slice %arg6[%dma_start3A, %dma_start3A_29] : memref<120x128xi32, #tpu.memory_space<vmem>> -> memref<40x128xi32, #tpu.memory_space<vmem>>
        %dma_start3A_31 = arith.constant 120 : i32
        %dma_start3A_32 = arith.constant 0 : i32
        %dma_start3A_33 = tpu.memref_slice %arg3[%arg1, %dma_start3A_31, %dma_start3A_32] : memref<16x160x128xi32, #tpu.memory_space<hbm>> -> memref<1x40x128xi32, #tpu.memory_space<hbm>>
        %dma_start3A_34 = tpu.memref_squeeze %dma_start3A_33 : memref<1x40x128xi32, #tpu.memory_space<hbm>> -> memref<40x128xi32, #tpu.memory_space<hbm>>
        %dma_start3A_35 = arith.constant 0 : i32
        %dma_start3A_36 = arith.constant 0 : i32
        %dma_start3A_37 = tpu.memref_slice %arg6[%dma_start3A_35, %dma_start3A_36] : memref<120x128xi32, #tpu.memory_space<vmem>> -> memref<40x128xi32, #tpu.memory_space<vmem>>
        %dma_start3A_38 = arith.constant 120 : i32
        %dma_start3A_39 = arith.constant 0 : i32
        %dma_start3A_40 = tpu.memref_slice %arg3[%arg1, %dma_start3A_38, %dma_start3A_39] : memref<16x160x128xi32, #tpu.memory_space<hbm>> -> memref<1x40x128xi32, #tpu.memory_space<hbm>>
        %dma_start3A_41 = tpu.memref_squeeze %dma_start3A_40 : memref<1x40x128xi32, #tpu.memory_space<hbm>> -> memref<40x128xi32, #tpu.memory_space<hbm>>
        tpu.enqueue_dma source(%dma_start3A_41 : memref<40x128xi32, #tpu.memory_space<hbm>>) target(%dma_start3A_37 : memref<40x128xi32, #tpu.memory_space<vmem>>) target_semaphore(%run_scoped3A : memref<!tpu.dma_semaphore, #tpu.memory_space<semaphore_mem>>)
        %dma_wait3A = arith.constant 0 : i32
        %dma_wait3A_42 = arith.constant 0 : i32
        %dma_wait3A_43 = tpu.memref_slice %arg6[%dma_wait3A, %dma_wait3A_42] : memref<120x128xi32, #tpu.memory_space<vmem>> -> memref<40x128xi32, #tpu.memory_space<vmem>>
        %dma_wait3A_44 = arith.constant 120 : i32
        %dma_wait3A_45 = arith.constant 0 : i32
        %dma_wait3A_46 = tpu.memref_slice %arg3[%arg1, %dma_wait3A_44, %dma_wait3A_45] : memref<16x160x128xi32, #tpu.memory_space<hbm>> -> memref<1x40x128xi32, #tpu.memory_space<hbm>>
        %dma_wait3A_47 = tpu.memref_squeeze %dma_wait3A_46 : memref<1x40x128xi32, #tpu.memory_space<hbm>> -> memref<40x128xi32, #tpu.memory_space<hbm>>
        %dma_wait3A_48 = arith.constant 0 : i32
        %dma_wait3A_49 = arith.constant 0 : i32
        %dma_wait3A_50 = tpu.memref_slice %arg6[%dma_wait3A_48, %dma_wait3A_49] : memref<120x128xi32, #tpu.memory_space<vmem>> -> memref<40x128xi32, #tpu.memory_space<vmem>>
        %dma_wait3A_51 = arith.constant 120 : i32
        %dma_wait3A_52 = arith.constant 0 : i32
        %dma_wait3A_53 = tpu.memref_slice %arg3[%arg1, %dma_wait3A_51, %dma_wait3A_52] : memref<16x160x128xi32, #tpu.memory_space<hbm>> -> memref<1x40x128xi32, #tpu.memory_space<hbm>>
        %dma_wait3A_54 = tpu.memref_squeeze %dma_wait3A_53 : memref<1x40x128xi32, #tpu.memory_space<hbm>> -> memref<40x128xi32, #tpu.memory_space<hbm>>
        tpu.wait_dma2 semaphore(%run_scoped3A : memref<!tpu.dma_semaphore, #tpu.memory_space<semaphore_mem>>) src(%dma_wait3A_54 : memref<40x128xi32, #tpu.memory_space<hbm>>) dst(%dma_wait3A_50 : memref<40x128xi32, #tpu.memory_space<vmem>>)
        tpu.yield
      }) : () -> ()
      %scan3A_24 = arith.constant 0 : i32
      %scan3A_25 = arith.constant 20 : i32
      %scan3A_26 = arith.addi %scan3A_24, %scan3A_25 : i32
      %scan3A_27 = arith.constant 1 : i32
      scf.for %scan3A_29 = %scan3A_24 to %scan3A_26 step %scan3A_27  : i32 {
        %mul3A_30 = arith.constant 2 : i32
        %mul3A_31 = arith.muli %scan3A_29, %mul3A_30 : i32
        %add3A_32 = arith.constant 0 : i32
        %add3A_33 = arith.addi %add3A_32, %mul3A_31 : i32
        %add3A_34 = arith.constant 120 : i32
        %add3A_35 = arith.addi %add3A_34, %add3A_33 : i32
        %add3A_36 = arith.constant 0 : i32
        %add3A_37 = arith.addi %add3A_35, %add3A_36 : i32
        %dma_start3A = arith.constant 0 : i32
        %dma_start3A_38 = arith.constant 0 : i32
        %dma_start3A_39 = tpu.memref_slice %arg4[%arg1, %add3A_37, %dma_start3A_38] : memref<16x160x128xi32, #tpu.memory_space<hbm>> -> memref<1x1x128xi32, #tpu.memory_space<hbm>>
        %dma_start3A_40 = tpu.memref_squeeze %dma_start3A_39 : memref<1x1x128xi32, #tpu.memory_space<hbm>> -> memref<128xi32, #tpu.memory_space<hbm>>
        %dma_start3A_41 = tpu.memref_slice %arg14[%dma_start3A] : memref<2x!tpu.dma_semaphore, #tpu.memory_space<semaphore_mem>> -> memref<1x!tpu.dma_semaphore, #tpu.memory_space<semaphore_mem>>
        %dma_start3A_42 = tpu.memref_squeeze %dma_start3A_41 : memref<1x!tpu.dma_semaphore, #tpu.memory_space<semaphore_mem>> -> memref<!tpu.dma_semaphore, #tpu.memory_space<semaphore_mem>>
        %dma_start3A_43 = arith.constant 0 : i32
        %dma_start3A_44 = tpu.memref_slice %arg4[%arg1, %add3A_37, %dma_start3A_43] : memref<16x160x128xi32, #tpu.memory_space<hbm>> -> memref<1x1x128xi32, #tpu.memory_space<hbm>>
        %dma_start3A_45 = tpu.memref_squeeze %dma_start3A_44 : memref<1x1x128xi32, #tpu.memory_space<hbm>> -> memref<128xi32, #tpu.memory_space<hbm>>
        tpu.enqueue_dma source(%dma_start3A_45 : memref<128xi32, #tpu.memory_space<hbm>>) target(%arg7 : memref<128xi32, #tpu.memory_space<vmem>>) target_semaphore(%dma_start3A_42 : memref<!tpu.dma_semaphore, #tpu.memory_space<semaphore_mem>>)
        %add3A_46 = arith.constant 120 : i32
        %add3A_47 = arith.addi %add3A_46, %add3A_33 : i32
        %add3A_48 = arith.constant 1 : i32
        %add3A_49 = arith.addi %add3A_47, %add3A_48 : i32
        %dma_start3A_50 = arith.constant 1 : i32
        %dma_start3A_51 = arith.constant 0 : i32
        %dma_start3A_52 = tpu.memref_slice %arg4[%arg1, %add3A_49, %dma_start3A_51] : memref<16x160x128xi32, #tpu.memory_space<hbm>> -> memref<1x1x128xi32, #tpu.memory_space<hbm>>
        %dma_start3A_53 = tpu.memref_squeeze %dma_start3A_52 : memref<1x1x128xi32, #tpu.memory_space<hbm>> -> memref<128xi32, #tpu.memory_space<hbm>>
        %dma_start3A_54 = tpu.memref_slice %arg14[%dma_start3A_50] : memref<2x!tpu.dma_semaphore, #tpu.memory_space<semaphore_mem>> -> memref<1x!tpu.dma_semaphore, #tpu.memory_space<semaphore_mem>>
        %dma_start3A_55 = tpu.memref_squeeze %dma_start3A_54 : memref<1x!tpu.dma_semaphore, #tpu.memory_space<semaphore_mem>> -> memref<!tpu.dma_semaphore, #tpu.memory_space<semaphore_mem>>
        %dma_start3A_56 = arith.constant 0 : i32
        %dma_start3A_57 = tpu.memref_slice %arg4[%arg1, %add3A_49, %dma_start3A_56] : memref<16x160x128xi32, #tpu.memory_space<hbm>> -> memref<1x1x128xi32, #tpu.memory_space<hbm>>
        %dma_start3A_58 = tpu.memref_squeeze %dma_start3A_57 : memref<1x1x128xi32, #tpu.memory_space<hbm>> -> memref<128xi32, #tpu.memory_space<hbm>>
        tpu.enqueue_dma source(%dma_start3A_58 : memref<128xi32, #tpu.memory_space<hbm>>) target(%arg8 : memref<128xi32, #tpu.memory_space<vmem>>) target_semaphore(%dma_start3A_55 : memref<!tpu.dma_semaphore, #tpu.memory_space<semaphore_mem>>)
        %add3A_59 = arith.constant 0 : i32
        %add3A_60 = arith.addi %add3A_33, %add3A_59 : i32
        %dma_start3A_61 = arith.constant 0 : i32
        %dma_start3A_62 = arith.constant 0 : i32
        %dma_start3A_63 = tpu.memref_slice %arg6[%add3A_60, %dma_start3A_62] : memref<120x128xi32, #tpu.memory_space<vmem>> -> memref<1x128xi32, #tpu.memory_space<vmem>>
        %dma_start3A_64 = tpu.memref_squeeze %dma_start3A_63 : memref<1x128xi32, #tpu.memory_space<vmem>> -> memref<128xi32, #tpu.memory_space<vmem>>
        %dma_start3A_65 = arith.constant 0 : i32
        %dma_start3A_66 = arith.constant 0 : i32
        %dma_start3A_67 = tpu.memref_slice %arg2[%dma_start3A_65, %dma_start3A_66] : memref<10000x128xf32, #tpu.memory_space<hbm>> -> memref<10000x128xf32, #tpu.memory_space<hbm>>
        %dma_start3A_68 = tpu.memref_slice %arg12[%dma_start3A_61] : memref<2x!tpu.dma_semaphore, #tpu.memory_space<semaphore_mem>> -> memref<1x!tpu.dma_semaphore, #tpu.memory_space<semaphore_mem>>
        %dma_start3A_69 = tpu.memref_squeeze %dma_start3A_68 : memref<1x!tpu.dma_semaphore, #tpu.memory_space<semaphore_mem>> -> memref<!tpu.dma_semaphore, #tpu.memory_space<semaphore_mem>>
        tpu.enqueue_indirect_dma source(%dma_start3A_67 : memref<10000x128xf32, #tpu.memory_space<hbm>>) target(%arg9 : memref<128x128xf32, #tpu.memory_space<vmem>>) offsets(%dma_start3A_64 : memref<128xi32, #tpu.memory_space<vmem>>) semaphore(%dma_start3A_69 : memref<!tpu.dma_semaphore, #tpu.memory_space<semaphore_mem>>)
        %add3A_70 = arith.constant 1 : i32
        %add3A_71 = arith.addi %add3A_33, %add3A_70 : i32
        %dma_start3A_72 = arith.constant 1 : i32
        %dma_start3A_73 = arith.constant 0 : i32
        %dma_start3A_74 = tpu.memref_slice %arg6[%add3A_71, %dma_start3A_73] : memref<120x128xi32, #tpu.memory_space<vmem>> -> memref<1x128xi32, #tpu.memory_space<vmem>>
        %dma_start3A_75 = tpu.memref_squeeze %dma_start3A_74 : memref<1x128xi32, #tpu.memory_space<vmem>> -> memref<128xi32, #tpu.memory_space<vmem>>
        %dma_start3A_76 = arith.constant 0 : i32
        %dma_start3A_77 = arith.constant 0 : i32
        %dma_start3A_78 = tpu.memref_slice %arg2[%dma_start3A_76, %dma_start3A_77] : memref<10000x128xf32, #tpu.memory_space<hbm>> -> memref<10000x128xf32, #tpu.memory_space<hbm>>
        %dma_start3A_79 = tpu.memref_slice %arg12[%dma_start3A_72] : memref<2x!tpu.dma_semaphore, #tpu.memory_space<semaphore_mem>> -> memref<1x!tpu.dma_semaphore, #tpu.memory_space<semaphore_mem>>
        %dma_start3A_80 = tpu.memref_squeeze %dma_start3A_79 : memref<1x!tpu.dma_semaphore, #tpu.memory_space<semaphore_mem>> -> memref<!tpu.dma_semaphore, #tpu.memory_space<semaphore_mem>>
        tpu.enqueue_indirect_dma source(%dma_start3A_78 : memref<10000x128xf32, #tpu.memory_space<hbm>>) target(%arg10 : memref<128x128xf32, #tpu.memory_space<vmem>>) offsets(%dma_start3A_75 : memref<128xi32, #tpu.memory_space<vmem>>) semaphore(%dma_start3A_80 : memref<!tpu.dma_semaphore, #tpu.memory_space<semaphore_mem>>)
        %dma_wait3A = arith.constant 0 : i32
        %dma_wait3A_81 = arith.constant 0 : i32
        %dma_wait3A_82 = tpu.memref_slice %arg4[%arg1, %add3A_37, %dma_wait3A_81] : memref<16x160x128xi32, #tpu.memory_space<hbm>> -> memref<1x1x128xi32, #tpu.memory_space<hbm>>
        %dma_wait3A_83 = tpu.memref_squeeze %dma_wait3A_82 : memref<1x1x128xi32, #tpu.memory_space<hbm>> -> memref<128xi32, #tpu.memory_space<hbm>>
        %dma_wait3A_84 = tpu.memref_slice %arg14[%dma_wait3A] : memref<2x!tpu.dma_semaphore, #tpu.memory_space<semaphore_mem>> -> memref<1x!tpu.dma_semaphore, #tpu.memory_space<semaphore_mem>>
        %dma_wait3A_85 = tpu.memref_squeeze %dma_wait3A_84 : memref<1x!tpu.dma_semaphore, #tpu.memory_space<semaphore_mem>> -> memref<!tpu.dma_semaphore, #tpu.memory_space<semaphore_mem>>
        %dma_wait3A_86 = arith.constant 0 : i32
        %dma_wait3A_87 = tpu.memref_slice %arg4[%arg1, %add3A_37, %dma_wait3A_86] : memref<16x160x128xi32, #tpu.memory_space<hbm>> -> memref<1x1x128xi32, #tpu.memory_space<hbm>>
        %dma_wait3A_88 = tpu.memref_squeeze %dma_wait3A_87 : memref<1x1x128xi32, #tpu.memory_space<hbm>> -> memref<128xi32, #tpu.memory_space<hbm>>
        tpu.wait_dma2 semaphore(%dma_wait3A_85 : memref<!tpu.dma_semaphore, #tpu.memory_space<semaphore_mem>>) src(%dma_wait3A_88 : memref<128xi32, #tpu.memory_space<hbm>>) dst(%arg7 : memref<128xi32, #tpu.memory_space<vmem>>)
        %dma_wait3A_89 = arith.constant 0 : i32
        %dma_wait3A_90 = arith.constant 0 : i32
        %dma_wait3A_91 = tpu.memref_slice %arg6[%add3A_60, %dma_wait3A_90] : memref<120x128xi32, #tpu.memory_space<vmem>> -> memref<1x128xi32, #tpu.memory_space<vmem>>
        %dma_wait3A_92 = tpu.memref_squeeze %dma_wait3A_91 : memref<1x128xi32, #tpu.memory_space<vmem>> -> memref<128xi32, #tpu.memory_space<vmem>>
        %dma_wait3A_93 = arith.constant 0 : i32
        %dma_wait3A_94 = arith.constant 0 : i32
        %dma_wait3A_95 = tpu.memref_slice %arg2[%dma_wait3A_93, %dma_wait3A_94] : memref<10000x128xf32, #tpu.memory_space<hbm>> -> memref<10000x128xf32, #tpu.memory_space<hbm>>
        %dma_wait3A_96 = tpu.memref_slice %arg12[%dma_wait3A_89] : memref<2x!tpu.dma_semaphore, #tpu.memory_space<semaphore_mem>> -> memref<1x!tpu.dma_semaphore, #tpu.memory_space<semaphore_mem>>
        %dma_wait3A_97 = tpu.memref_squeeze %dma_wait3A_96 : memref<1x!tpu.dma_semaphore, #tpu.memory_space<semaphore_mem>> -> memref<!tpu.dma_semaphore, #tpu.memory_space<semaphore_mem>>
        tpu.wait_indirect_dma semaphore(%dma_wait3A_97 : memref<!tpu.dma_semaphore, #tpu.memory_space<semaphore_mem>>) src(%dma_wait3A_95 : memref<10000x128xf32, #tpu.memory_space<hbm>>) dst(%arg9 : memref<128x128xf32, #tpu.memory_space<vmem>>)
        %dma_start3A_98 = arith.constant 0 : i32
        %dma_start3A_99 = arith.constant 0 : i32
        %dma_start3A_100 = arith.constant 0 : i32
        %dma_start3A_101 = tpu.memref_slice %arg11[%dma_start3A_99, %dma_start3A_100] : memref<10112x128xf32, #tpu.memory_space<vmem_shared>> -> memref<10112x128xf32, #tpu.memory_space<vmem_shared>>
        %dma_start3A_102 = tpu.memref_slice %arg13[%dma_start3A_98] : memref<2x!tpu.dma_semaphore, #tpu.memory_space<semaphore_mem>> -> memref<1x!tpu.dma_semaphore, #tpu.memory_space<semaphore_mem>>
        %dma_start3A_103 = tpu.memref_squeeze %dma_start3A_102 : memref<1x!tpu.dma_semaphore, #tpu.memory_space<semaphore_mem>> -> memref<!tpu.dma_semaphore, #tpu.memory_space<semaphore_mem>>
        tpu.enqueue_indirect_dma source(%arg9 : memref<128x128xf32, #tpu.memory_space<vmem>>) target(%dma_start3A_101 : memref<10112x128xf32, #tpu.memory_space<vmem_shared>>) offsets(%arg7 : memref<128xi32, #tpu.memory_space<vmem>>) semaphore(%dma_start3A_103 : memref<!tpu.dma_semaphore, #tpu.memory_space<semaphore_mem>>) {add = true}
        %dma_wait3A_104 = arith.constant 1 : i32
        %dma_wait3A_105 = arith.constant 0 : i32
        %dma_wait3A_106 = tpu.memref_slice %arg4[%arg1, %add3A_49, %dma_wait3A_105] : memref<16x160x128xi32, #tpu.memory_space<hbm>> -> memref<1x1x128xi32, #tpu.memory_space<hbm>>
        %dma_wait3A_107 = tpu.memref_squeeze %dma_wait3A_106 : memref<1x1x128xi32, #tpu.memory_space<hbm>> -> memref<128xi32, #tpu.memory_space<hbm>>
        %dma_wait3A_108 = tpu.memref_slice %arg14[%dma_wait3A_104] : memref<2x!tpu.dma_semaphore, #tpu.memory_space<semaphore_mem>> -> memref<1x!tpu.dma_semaphore, #tpu.memory_space<semaphore_mem>>
        %dma_wait3A_109 = tpu.memref_squeeze %dma_wait3A_108 : memref<1x!tpu.dma_semaphore, #tpu.memory_space<semaphore_mem>> -> memref<!tpu.dma_semaphore, #tpu.memory_space<semaphore_mem>>
        %dma_wait3A_110 = arith.constant 0 : i32
        %dma_wait3A_111 = tpu.memref_slice %arg4[%arg1, %add3A_49, %dma_wait3A_110] : memref<16x160x128xi32, #tpu.memory_space<hbm>> -> memref<1x1x128xi32, #tpu.memory_space<hbm>>
        %dma_wait3A_112 = tpu.memref_squeeze %dma_wait3A_111 : memref<1x1x128xi32, #tpu.memory_space<hbm>> -> memref<128xi32, #tpu.memory_space<hbm>>
        tpu.wait_dma2 semaphore(%dma_wait3A_109 : memref<!tpu.dma_semaphore, #tpu.memory_space<semaphore_mem>>) src(%dma_wait3A_112 : memref<128xi32, #tpu.memory_space<hbm>>) dst(%arg8 : memref<128xi32, #tpu.memory_space<vmem>>)
        %dma_wait3A_113 = arith.constant 1 : i32
        %dma_wait3A_114 = arith.constant 0 : i32
        %dma_wait3A_115 = tpu.memref_slice %arg6[%add3A_71, %dma_wait3A_114] : memref<120x128xi32, #tpu.memory_space<vmem>> -> memref<1x128xi32, #tpu.memory_space<vmem>>
        %dma_wait3A_116 = tpu.memref_squeeze %dma_wait3A_115 : memref<1x128xi32, #tpu.memory_space<vmem>> -> memref<128xi32, #tpu.memory_space<vmem>>
        %dma_wait3A_117 = arith.constant 0 : i32
        %dma_wait3A_118 = arith.constant 0 : i32
        %dma_wait3A_119 = tpu.memref_slice %arg2[%dma_wait3A_117, %dma_wait3A_118] : memref<10000x128xf32, #tpu.memory_space<hbm>> -> memref<10000x128xf32, #tpu.memory_space<hbm>>
        %dma_wait3A_120 = tpu.memref_slice %arg12[%dma_wait3A_113] : memref<2x!tpu.dma_semaphore, #tpu.memory_space<semaphore_mem>> -> memref<1x!tpu.dma_semaphore, #tpu.memory_space<semaphore_mem>>
        %dma_wait3A_121 = tpu.memref_squeeze %dma_wait3A_120 : memref<1x!tpu.dma_semaphore, #tpu.memory_space<semaphore_mem>> -> memref<!tpu.dma_semaphore, #tpu.memory_space<semaphore_mem>>
        tpu.wait_indirect_dma semaphore(%dma_wait3A_121 : memref<!tpu.dma_semaphore, #tpu.memory_space<semaphore_mem>>) src(%dma_wait3A_119 : memref<10000x128xf32, #tpu.memory_space<hbm>>) dst(%arg10 : memref<128x128xf32, #tpu.memory_space<vmem>>)
        %dma_start3A_122 = arith.constant 1 : i32
        %dma_start3A_123 = arith.constant 0 : i32
        %dma_start3A_124 = arith.constant 0 : i32
        %dma_start3A_125 = tpu.memref_slice %arg11[%dma_start3A_123, %dma_start3A_124] : memref<10112x128xf32, #tpu.memory_space<vmem_shared>> -> memref<10112x128xf32, #tpu.memory_space<vmem_shared>>
        %dma_start3A_126 = tpu.memref_slice %arg13[%dma_start3A_122] : memref<2x!tpu.dma_semaphore, #tpu.memory_space<semaphore_mem>> -> memref<1x!tpu.dma_semaphore, #tpu.memory_space<semaphore_mem>>
        %dma_start3A_127 = tpu.memref_squeeze %dma_start3A_126 : memref<1x!tpu.dma_semaphore, #tpu.memory_space<semaphore_mem>> -> memref<!tpu.dma_semaphore, #tpu.memory_space<semaphore_mem>>
        tpu.enqueue_indirect_dma source(%arg10 : memref<128x128xf32, #tpu.memory_space<vmem>>) target(%dma_start3A_125 : memref<10112x128xf32, #tpu.memory_space<vmem_shared>>) offsets(%arg8 : memref<128xi32, #tpu.memory_space<vmem>>) semaphore(%dma_start3A_127 : memref<!tpu.dma_semaphore, #tpu.memory_space<semaphore_mem>>) {add = true}
        %dma_wait3A_128 = arith.constant 0 : i32
        %dma_wait3A_129 = arith.constant 0 : i32
        %dma_wait3A_130 = arith.constant 0 : i32
        %dma_wait3A_131 = tpu.memref_slice %arg11[%dma_wait3A_129, %dma_wait3A_130] : memref<10112x128xf32, #tpu.memory_space<vmem_shared>> -> memref<10112x128xf32, #tpu.memory_space<vmem_shared>>
        %dma_wait3A_132 = tpu.memref_slice %arg13[%dma_wait3A_128] : memref<2x!tpu.dma_semaphore, #tpu.memory_space<semaphore_mem>> -> memref<1x!tpu.dma_semaphore, #tpu.memory_space<semaphore_mem>>
        %dma_wait3A_133 = tpu.memref_squeeze %dma_wait3A_132 : memref<1x!tpu.dma_semaphore, #tpu.memory_space<semaphore_mem>> -> memref<!tpu.dma_semaphore, #tpu.memory_space<semaphore_mem>>
        tpu.wait_indirect_dma semaphore(%dma_wait3A_133 : memref<!tpu.dma_semaphore, #tpu.memory_space<semaphore_mem>>) src(%arg9 : memref<128x128xf32, #tpu.memory_space<vmem>>) dst(%dma_wait3A_131 : memref<10112x128xf32, #tpu.memory_space<vmem_shared>>)
        %dma_wait3A_134 = arith.constant 1 : i32
        %dma_wait3A_135 = arith.constant 0 : i32
        %dma_wait3A_136 = arith.constant 0 : i32
        %dma_wait3A_137 = tpu.memref_slice %arg11[%dma_wait3A_135, %dma_wait3A_136] : memref<10112x128xf32, #tpu.memory_space<vmem_shared>> -> memref<10112x128xf32, #tpu.memory_space<vmem_shared>>
        %dma_wait3A_138 = tpu.memref_slice %arg13[%dma_wait3A_134] : memref<2x!tpu.dma_semaphore, #tpu.memory_space<semaphore_mem>> -> memref<1x!tpu.dma_semaphore, #tpu.memory_space<semaphore_mem>>
        %dma_wait3A_139 = tpu.memref_squeeze %dma_wait3A_138 : memref<1x!tpu.dma_semaphore, #tpu.memory_space<semaphore_mem>> -> memref<!tpu.dma_semaphore, #tpu.memory_space<semaphore_mem>>
        tpu.wait_indirect_dma semaphore(%dma_wait3A_139 : memref<!tpu.dma_semaphore, #tpu.memory_space<semaphore_mem>>) src(%arg10 : memref<128x128xf32, #tpu.memory_space<vmem>>) dst(%dma_wait3A_137 : memref<10112x128xf32, #tpu.memory_space<vmem_shared>>)
      }
      %scan3A_28 = arith.constant 20 : i32
    } else {
    }
    %barrier3A_19 = arith.constant 0 : index
    tpu.barrier barrier_id(%barrier3A_19)
    %mul3A_20 = arith.constant 632 : i32
    %mul3A_21 = arith.muli %arg1, %mul3A_20 : i32
    %mul3A_22 = arith.constant 632 : i32
    %mul3A_23 = arith.muli %arg1, %mul3A_22 : i32
    "tpu.region"() ({
      %run_scoped3A = tpu.sem_alloc : memref<!tpu.dma_semaphore, #tpu.memory_space<semaphore_mem>>
      %dma_start3A = arith.constant 0 : i32
      %dma_start3A_24 = tpu.memref_slice %arg5[%arg0, %mul3A_23, %dma_start3A] : memref<2x10112x128xf32, #tpu.memory_space<hbm>> -> memref<1x632x128xf32, #tpu.memory_space<hbm>>
      %dma_start3A_25 = tpu.memref_squeeze %dma_start3A_24 : memref<1x632x128xf32, #tpu.memory_space<hbm>> -> memref<632x128xf32, #tpu.memory_space<hbm>>
      %dma_start3A_26 = arith.constant 0 : i32
      %dma_start3A_27 = tpu.memref_slice %arg11[%mul3A_21, %dma_start3A_26] : memref<10112x128xf32, #tpu.memory_space<vmem_shared>> -> memref<632x128xf32, #tpu.memory_space<vmem_shared>>
      tpu.enqueue_dma source(%dma_start3A_27 : memref<632x128xf32, #tpu.memory_space<vmem_shared>>) target(%dma_start3A_25 : memref<632x128xf32, #tpu.memory_space<hbm>>) target_semaphore(%run_scoped3A : memref<!tpu.dma_semaphore, #tpu.memory_space<semaphore_mem>>)
      %dma_wait3A = arith.constant 0 : i32
      %dma_wait3A_28 = tpu.memref_slice %arg5[%arg0, %mul3A_23, %dma_wait3A] : memref<2x10112x128xf32, #tpu.memory_space<hbm>> -> memref<1x632x128xf32, #tpu.memory_space<hbm>>
      %dma_wait3A_29 = tpu.memref_squeeze %dma_wait3A_28 : memref<1x632x128xf32, #tpu.memory_space<hbm>> -> memref<632x128xf32, #tpu.memory_space<hbm>>
      %dma_wait3A_30 = arith.constant 0 : i32
      %dma_wait3A_31 = tpu.memref_slice %arg11[%mul3A_21, %dma_wait3A_30] : memref<10112x128xf32, #tpu.memory_space<vmem_shared>> -> memref<632x128xf32, #tpu.memory_space<vmem_shared>>
      tpu.wait_dma2 semaphore(%run_scoped3A : memref<!tpu.dma_semaphore, #tpu.memory_space<semaphore_mem>>) src(%dma_wait3A_31 : memref<632x128xf32, #tpu.memory_space<vmem_shared>>) dst(%dma_wait3A_29 : memref<632x128xf32, #tpu.memory_space<hbm>>)
      tpu.yield
    }) : () -> ()
    return
  }
}

module attributes {stable_mosaic.version = 14 : i64} {
  func.func @_tc1_body(%arg0: i32, %arg1: memref<2x1000x128xf32, #tpu.memory_space<vmem>>, %arg2: memref<1000x128xf32, #tpu.memory_space<vmem>>, %arg3: memref<1000x128xf32, #tpu.memory_space<vmem>>, %arg4: memref<1000x1xf32, #tpu.memory_space<vmem>>) attributes {dimension_semantics = [#tpu.dimension_semantics<arbitrary>], iteration_bounds = array<i64: 10>, scalar_prefetch = 0 : i64, scratch_operands = 0 : i64, tpu.core_type = #tpu.core_type<tc>, window_params = [{transform_indices = @transform_0, window_bounds = array<i64: 2, 1000, 128>}, {transform_indices = @transform_1, window_bounds = array<i64: 1000, 128>}, {transform_indices = @transform_2, window_bounds = array<i64: 1000, 128>}, {transform_indices = @transform_3, window_bounds = array<i64: 1000, 1>}]} {
    %get3A = arith.constant 0 : index
    %get3A_0 = arith.constant 0 : index
    %get3A_1 = arith.constant 0 : index
    %get3A_2 = vector.load %arg1[%get3A, %get3A_0, %get3A_1] : memref<2x1000x128xf32, #tpu.memory_space<vmem>>, vector<1x1000x1xf32>
    %get3A_3 = vector.shape_cast %get3A_2 : vector<1x1000x1xf32> to vector<1000x1xf32>
    %get3A_4 = arith.constant 1 : index
    %get3A_5 = arith.constant 0 : index
    %get3A_6 = arith.constant 0 : index
    %get3A_7 = vector.load %arg1[%get3A_4, %get3A_5, %get3A_6] : memref<2x1000x128xf32, #tpu.memory_space<vmem>>, vector<1x1000x1xf32>
    %get3A_8 = vector.shape_cast %get3A_7 : vector<1x1000x1xf32> to vector<1000x1xf32>
    %add3A = arith.addf %get3A_3, %get3A_8 : vector<1000x1xf32>
    %add3A_9 = arith.constant 1.000000e+00 : f32
    %add3A_10 = vector.broadcast %add3A_9 : f32 to vector<1000x1xf32>
    %add3A_11 = arith.addf %add3A, %add3A_10 : vector<1000x1xf32>
    %rsqrt3A = math.rsqrt %add3A_11 : vector<1000x1xf32>
    %get3A_12 = arith.constant 0 : index
    %get3A_13 = arith.constant 0 : index
    %get3A_14 = vector.load %arg2[%get3A_12, %get3A_13] : memref<1000x128xf32, #tpu.memory_space<vmem>>, vector<1000x128xf32>
    %mul3A = vector.broadcast %rsqrt3A : vector<1000x1xf32> to vector<1000x128xf32>
    %mul3A_15 = arith.mulf %get3A_14, %mul3A : vector<1000x128xf32>
    %swap3A = arith.constant 0 : index
    %swap3A_16 = arith.constant 0 : index
    %swap3A_17 = vector.load %arg3[%swap3A, %swap3A_16] : memref<1000x128xf32, #tpu.memory_space<vmem>>, vector<1000x128xf32>
    tpu.vector_store %arg3[%swap3A, %swap3A_16], %mul3A_15 {strides = array<i32>} : memref<1000x128xf32, #tpu.memory_space<vmem>>, vector<1000x128xf32>,
    %swap3A_18 = arith.constant 0 : index
    %swap3A_19 = arith.constant 0 : index
    %swap3A_20 = vector.load %arg4[%swap3A_18, %swap3A_19] : memref<1000x1xf32, #tpu.memory_space<vmem>>, vector<1000x1xf32>
    tpu.vector_store %arg4[%swap3A_18, %swap3A_19], %rsqrt3A {strides = array<i32>} : memref<1000x1xf32, #tpu.memory_space<vmem>>, vector<1000x1xf32>,
    return
  }
  func.func @transform_0(%arg0: i32) -> (i32, i32, i32) {
    %c0_i32 = arith.constant 0 : i32
    %c0_i32_0 = arith.constant 0 : i32
    %c0_i32_1 = arith.constant 0 : i32
    return %c0_i32, %arg0, %c0_i32_0 : i32, i32, i32
  }
  func.func @transform_1(%arg0: i32) -> (i32, i32) {
    %c0_i32 = arith.constant 0 : i32
    %c0_i32_0 = arith.constant 0 : i32
    return %arg0, %c0_i32 : i32, i32
  }
  func.func @transform_2(%arg0: i32) -> (i32, i32) {
    %c0_i32 = arith.constant 0 : i32
    %c0_i32_0 = arith.constant 0 : i32
    return %arg0, %c0_i32 : i32, i32
  }
  func.func @transform_3(%arg0: i32) -> (i32, i32) {
    %c0_i32 = arith.constant 0 : i32
    %c0_i32_0 = arith.constant 0 : i32
    return %arg0, %c0_i32 : i32, i32
  }
}

module attributes {stable_mosaic.version = 14 : i64} {
  func.func @_tc_mm_body(%arg0: i32, %arg1: memref<1000x128xf32, #tpu.memory_space<vmem>>, %arg2: memref<128x128xf32, #tpu.memory_space<vmem>>, %arg3: memref<1000x128xf32, #tpu.memory_space<vmem>>) attributes {dimension_semantics = [#tpu.dimension_semantics<arbitrary>], iteration_bounds = array<i64: 10>, scalar_prefetch = 0 : i64, scratch_operands = 0 : i64, tpu.core_type = #tpu.core_type<tc>, window_params = [{transform_indices = @transform_0, window_bounds = array<i64: 1000, 128>}, {pipeline_mode = #tpu.pipeline_mode<synchronous>, transform_indices = @transform_1, window_bounds = array<i64: 128, 128>}, {transform_indices = @transform_2, window_bounds = array<i64: 1000, 128>}]} {
    %get3A = arith.constant 0 : index
    %get3A_0 = arith.constant 0 : index
    %get3A_1 = vector.load %arg1[%get3A, %get3A_0] : memref<1000x128xf32, #tpu.memory_space<vmem>>, vector<1000x128xf32>
    %get3A_2 = arith.constant 0 : index
    %get3A_3 = arith.constant 0 : index
    %get3A_4 = vector.load %arg2[%get3A_2, %get3A_3] : memref<128x128xf32, #tpu.memory_space<vmem>>, vector<128x128xf32>
    %dot_general3A = arith.constant dense<0.000000e+00> : vector<1000x128xf32>
    %dot_general3A_5 = tpu.matmul %get3A_1, %get3A_4, %dot_general3A {dimension_numbers = #tpu.dot_dimension_numbers<[1], [0], [0], [1], [0, 0, 1, 1], [], []>, transpose_lhs_hint = false} : vector<1000x128xf32>, vector<128x128xf32>, vector<1000x128xf32> -> vector<1000x128xf32>
    %swap3A = arith.constant 0 : index
    %swap3A_6 = arith.constant 0 : index
    %swap3A_7 = vector.load %arg3[%swap3A, %swap3A_6] : memref<1000x128xf32, #tpu.memory_space<vmem>>, vector<1000x128xf32>
    tpu.vector_store %arg3[%swap3A, %swap3A_6], %dot_general3A_5 {strides = array<i32>} : memref<1000x128xf32, #tpu.memory_space<vmem>>, vector<1000x128xf32>,
    return
  }
  func.func @transform_0(%arg0: i32) -> (i32, i32) {
    %c0_i32 = arith.constant 0 : i32
    %c0_i32_0 = arith.constant 0 : i32
    return %arg0, %c0_i32 : i32, i32
  }
  func.func @transform_1(%arg0: i32) -> (i32, i32) {
    %c0_i32 = arith.constant 0 : i32
    %c0_i32_0 = arith.constant 0 : i32
    %c0_i32_1 = arith.constant 0 : i32
    return %c0_i32, %c0_i32_0 : i32, i32
  }
  func.func @transform_2(%arg0: i32) -> (i32, i32) {
    %c0_i32 = arith.constant 0 : i32
    %c0_i32_0 = arith.constant 0 : i32
    return %arg0, %c0_i32 : i32, i32
  }
}

module attributes {stable_mosaic.version = 14 : i64} {
  func.func @_tc_mid_body(%arg0: i32, %arg1: memref<2x1000x128xf32, #tpu.memory_space<vmem>>, %arg2: memref<1000x128xf32, #tpu.memory_space<vmem>>, %arg3: memref<1000x1xf32, #tpu.memory_space<vmem>>, %arg4: memref<1x128xf32, #tpu.memory_space<vmem>>, %arg5: memref<128x128xf32, #tpu.memory_space<vmem>>, %arg6: memref<1000x128xf32, #tpu.memory_space<vmem>>) attributes {dimension_semantics = [#tpu.dimension_semantics<arbitrary>], iteration_bounds = array<i64: 10>, scalar_prefetch = 0 : i64, scratch_operands = 0 : i64, tpu.core_type = #tpu.core_type<tc>, window_params = [{transform_indices = @transform_0, window_bounds = array<i64: 2, 1000, 128>}, {transform_indices = @transform_1, window_bounds = array<i64: 1000, 128>}, {transform_indices = @transform_2, window_bounds = array<i64: 1000, 1>}, {pipeline_mode = #tpu.pipeline_mode<synchronous>, transform_indices = @transform_3, window_bounds = array<i64: 1, 128>}, {pipeline_mode = #tpu.pipeline_mode<synchronous>, transform_indices = @transform_4, window_bounds = array<i64: 128, 128>}, {transform_indices = @transform_5, window_bounds = array<i64: 1000, 128>}]} {
    %get3A = arith.constant 0 : index
    %get3A_0 = arith.constant 0 : index
    %get3A_1 = arith.constant 0 : index
    %get3A_2 = vector.load %arg1[%get3A, %get3A_0, %get3A_1] : memref<2x1000x128xf32, #tpu.memory_space<vmem>>, vector<1x1000x128xf32>
    %get3A_3 = vector.shape_cast %get3A_2 : vector<1x1000x128xf32> to vector<1000x128xf32>
    %get3A_4 = arith.constant 1 : index
    %get3A_5 = arith.constant 0 : index
    %get3A_6 = arith.constant 0 : index
    %get3A_7 = vector.load %arg1[%get3A_4, %get3A_5, %get3A_6] : memref<2x1000x128xf32, #tpu.memory_space<vmem>>, vector<1x1000x128xf32>
    %get3A_8 = vector.shape_cast %get3A_7 : vector<1x1000x128xf32> to vector<1000x128xf32>
    %add3A = arith.addf %get3A_3, %get3A_8 : vector<1000x128xf32>
    %get3A_9 = arith.constant 0 : index
    %get3A_10 = arith.constant 0 : index
    %get3A_11 = vector.load %arg3[%get3A_9, %get3A_10] : memref<1000x1xf32, #tpu.memory_space<vmem>>, vector<1000x1xf32>
    %get3A_12 = arith.constant 0 : index
    %get3A_13 = arith.constant 0 : index
    %get3A_14 = vector.load %arg2[%get3A_12, %get3A_13] : memref<1000x128xf32, #tpu.memory_space<vmem>>, vector<1000x128xf32>
    %add3A_15 = arith.addf %add3A, %get3A_14 : vector<1000x128xf32>
    %mul3A = vector.broadcast %get3A_11 : vector<1000x1xf32> to vector<1000x128xf32>
    %mul3A_16 = arith.mulf %mul3A, %add3A_15 : vector<1000x128xf32>
    %get3A_17 = arith.constant 0 : index
    %get3A_18 = arith.constant 0 : index
    %get3A_19 = vector.load %arg4[%get3A_17, %get3A_18] : memref<1x128xf32, #tpu.memory_space<vmem>>, vector<1x128xf32>
    %add3A_20 = vector.broadcast %get3A_19 : vector<1x128xf32> to vector<1000x128xf32>
    %add3A_21 = arith.addf %mul3A_16, %add3A_20 : vector<1000x128xf32>
    %max3A = arith.constant 0.000000e+00 : f32
    %max3A_22 = vector.broadcast %max3A : f32 to vector<1000x128xf32>
    %max3A_23 = arith.maximumf %add3A_21, %max3A_22 : vector<1000x128xf32>
    %get3A_24 = arith.constant 0 : index
    %get3A_25 = arith.constant 0 : index
    %get3A_26 = vector.load %arg5[%get3A_24, %get3A_25] : memref<128x128xf32, #tpu.memory_space<vmem>>, vector<128x128xf32>
    %dot_general3A = arith.constant dense<0.000000e+00> : vector<1000x128xf32>
    %dot_general3A_27 = tpu.matmul %max3A_23, %get3A_26, %dot_general3A {dimension_numbers = #tpu.dot_dimension_numbers<[1], [0], [0], [1], [0, 0, 1, 1], [], []>, transpose_lhs_hint = false} : vector<1000x128xf32>, vector<128x128xf32>, vector<1000x128xf32> -> vector<1000x128xf32>
    %mul3A_28 = vector.broadcast %get3A_11 : vector<1000x1xf32> to vector<1000x128xf32>
    %mul3A_29 = arith.mulf %dot_general3A_27, %mul3A_28 : vector<1000x128xf32>
    %swap3A = arith.constant 0 : index
    %swap3A_30 = arith.constant 0 : index
    %swap3A_31 = vector.load %arg6[%swap3A, %swap3A_30] : memref<1000x128xf32, #tpu.memory_space<vmem>>, vector<1000x128xf32>
    tpu.vector_store %arg6[%swap3A, %swap3A_30], %mul3A_29 {strides = array<i32>} : memref<1000x128xf32, #tpu.memory_space<vmem>>, vector<1000x128xf32>,
    return
  }
  func.func @transform_0(%arg0: i32) -> (i32, i32, i32) {
    %c0_i32 = arith.constant 0 : i32
    %c0_i32_0 = arith.constant 0 : i32
    %c0_i32_1 = arith.constant 0 : i32
    return %c0_i32, %arg0, %c0_i32_0 : i32, i32, i32
  }
  func.func @transform_1(%arg0: i32) -> (i32, i32) {
    %c0_i32 = arith.constant 0 : i32
    %c0_i32_0 = arith.constant 0 : i32
    return %arg0, %c0_i32 : i32, i32
  }
  func.func @transform_2(%arg0: i32) -> (i32, i32) {
    %c0_i32 = arith.constant 0 : i32
    %c0_i32_0 = arith.constant 0 : i32
    return %arg0, %c0_i32 : i32, i32
  }
  func.func @transform_3(%arg0: i32) -> (i32, i32) {
    %c0_i32 = arith.constant 0 : i32
    %c0_i32_0 = arith.constant 0 : i32
    %c0_i32_1 = arith.constant 0 : i32
    return %c0_i32, %c0_i32_0 : i32, i32
  }
  func.func @transform_4(%arg0: i32) -> (i32, i32) {
    %c0_i32 = arith.constant 0 : i32
    %c0_i32_0 = arith.constant 0 : i32
    %c0_i32_1 = arith.constant 0 : i32
    return %c0_i32, %c0_i32_0 : i32, i32
  }
  func.func @transform_5(%arg0: i32) -> (i32, i32) {
    %c0_i32 = arith.constant 0 : i32
    %c0_i32_0 = arith.constant 0 : i32
    return %arg0, %c0_i32 : i32, i32
  }
}

module attributes {stable_mosaic.version = 14 : i64} {
  func.func @_tc_final_body(%arg0: memref<2x10112x128xf32, #tpu.memory_space<vmem>>, %arg1: memref<10000x128xf32, #tpu.memory_space<vmem>>, %arg2: memref<10000x1xf32, #tpu.memory_space<vmem>>, %arg3: memref<1x128xf32, #tpu.memory_space<vmem>>, %arg4: memref<1x10000xi32, #tpu.memory_space<vmem>>, %arg5: memref<128x1xf32, #tpu.memory_space<vmem>>, %arg6: memref<1x1xf32, #tpu.memory_space<vmem>>, %arg7: memref<64x1xf32, #tpu.memory_space<vmem>>) attributes {dimension_semantics = [], scalar_prefetch = 0 : i64, scratch_operands = 0 : i64, tpu.core_type = #tpu.core_type<tc>} {
    %get3A = arith.constant 0 : index
    %get3A_0 = arith.constant 0 : index
    %get3A_1 = arith.constant 0 : index
    %get3A_2 = vector.load %arg0[%get3A, %get3A_0, %get3A_1] : memref<2x10112x128xf32, #tpu.memory_space<vmem>>, vector<1x10000x128xf32>
    %get3A_3 = vector.shape_cast %get3A_2 : vector<1x10000x128xf32> to vector<10000x128xf32>
    %get3A_4 = arith.constant 1 : index
    %get3A_5 = arith.constant 0 : index
    %get3A_6 = arith.constant 0 : index
    %get3A_7 = vector.load %arg0[%get3A_4, %get3A_5, %get3A_6] : memref<2x10112x128xf32, #tpu.memory_space<vmem>>, vector<1x10000x128xf32>
    %get3A_8 = vector.shape_cast %get3A_7 : vector<1x10000x128xf32> to vector<10000x128xf32>
    %add3A = arith.addf %get3A_3, %get3A_8 : vector<10000x128xf32>
    %get3A_9 = arith.constant 0 : index
    %get3A_10 = arith.constant 0 : index
    %get3A_11 = vector.load %arg2[%get3A_9, %get3A_10] : memref<10000x1xf32, #tpu.memory_space<vmem>>, vector<10000x1xf32>
    %get3A_12 = arith.constant 0 : index
    %get3A_13 = arith.constant 0 : index
    %get3A_14 = vector.load %arg1[%get3A_12, %get3A_13] : memref<10000x128xf32, #tpu.memory_space<vmem>>, vector<10000x128xf32>
    %add3A_15 = arith.addf %add3A, %get3A_14 : vector<10000x128xf32>
    %mul3A = vector.broadcast %get3A_11 : vector<10000x1xf32> to vector<10000x128xf32>
    %mul3A_16 = arith.mulf %mul3A, %add3A_15 : vector<10000x128xf32>
    %get3A_17 = arith.constant 0 : index
    %get3A_18 = arith.constant 0 : index
    %get3A_19 = vector.load %arg3[%get3A_17, %get3A_18] : memref<1x128xf32, #tpu.memory_space<vmem>>, vector<1x128xf32>
    %add3A_20 = vector.broadcast %get3A_19 : vector<1x128xf32> to vector<10000x128xf32>
    %add3A_21 = arith.addf %mul3A_16, %add3A_20 : vector<10000x128xf32>
    %iota3A = tpu.iota {dimensions = array<i32: 0>} : vector<64x10000xi32>
    %get3A_22 = arith.constant 0 : index
    %get3A_23 = arith.constant 0 : index
    %get3A_24 = vector.load %arg4[%get3A_22, %get3A_23] : memref<1x10000xi32, #tpu.memory_space<vmem>>, vector<1x10000xi32>
    %eq3A = vector.broadcast %get3A_24 : vector<1x10000xi32> to vector<64x10000xi32>
    %eq3A_25 = arith.cmpi eq, %eq3A, %iota3A : vector<64x10000xi32>
    %convert_element_type3A = arith.extui %eq3A_25 : vector<64x10000xi1> to vector<64x10000xi32>
    %convert_element_type3A_26 = arith.sitofp %convert_element_type3A : vector<64x10000xi32> to vector<64x10000xf32>
    %dot_general3A = arith.constant dense<0.000000e+00> : vector<64x128xf32>
    %dot_general3A_27 = tpu.matmul %convert_element_type3A_26, %add3A_21, %dot_general3A {dimension_numbers = #tpu.dot_dimension_numbers<[1], [0], [0], [1], [0, 0, 1, 1], [], []>, transpose_lhs_hint = false} : vector<64x10000xf32>, vector<10000x128xf32>, vector<64x128xf32> -> vector<64x128xf32>
    %broadcast_in_dim3A = arith.constant 1.000000e+00 : f32
    %broadcast_in_dim3A_28 = vector.broadcast %broadcast_in_dim3A : f32 to vector<10000x1xf32>
    %dot_general3A_29 = arith.constant dense<0.000000e+00> : vector<64x1xf32>
    %dot_general3A_30 = tpu.matmul %convert_element_type3A_26, %broadcast_in_dim3A_28, %dot_general3A_29 {dimension_numbers = #tpu.dot_dimension_numbers<[1], [0], [0], [1], [0, 0, 1, 1], [], []>, transpose_lhs_hint = false} : vector<64x10000xf32>, vector<10000x1xf32>, vector<64x1xf32> -> vector<64x1xf32>
    %max3A = arith.constant 1.000000e+00 : f32
    %max3A_31 = vector.broadcast %max3A : f32 to vector<64x1xf32>
    %max3A_32 = arith.maximumf %dot_general3A_30, %max3A_31 : vector<64x1xf32>
    %div3A = vector.broadcast %max3A_32 : vector<64x1xf32> to vector<64x128xf32>
    %div3A_33 = arith.divf %dot_general3A_27, %div3A : vector<64x128xf32>
    %get3A_34 = arith.constant 0 : index
    %get3A_35 = arith.constant 0 : index
    %get3A_36 = vector.load %arg5[%get3A_34, %get3A_35] : memref<128x1xf32, #tpu.memory_space<vmem>>, vector<128x1xf32>
    %dot_general3A_37 = arith.constant dense<0.000000e+00> : vector<64x1xf32>
    %dot_general3A_38 = tpu.matmul %div3A_33, %get3A_36, %dot_general3A_37 {dimension_numbers = #tpu.dot_dimension_numbers<[1], [0], [0], [1], [0, 0, 1, 1], [], []>, transpose_lhs_hint = false} : vector<64x128xf32>, vector<128x1xf32>, vector<64x1xf32> -> vector<64x1xf32>
    %get3A_39 = arith.constant 0 : index
    %get3A_40 = arith.constant 0 : index
    %get3A_41 = vector.load %arg6[%get3A_39, %get3A_40] : memref<1x1xf32, #tpu.memory_space<vmem>>, vector<1x1xf32>
    %add3A_42 = vector.broadcast %get3A_41 : vector<1x1xf32> to vector<64x1xf32>
    %add3A_43 = arith.addf %dot_general3A_38, %add3A_42 : vector<64x1xf32>
    %swap3A = arith.constant 0 : index
    %swap3A_44 = arith.constant 0 : index
    %swap3A_45 = vector.load %arg7[%swap3A, %swap3A_44] : memref<64x1xf32, #tpu.memory_space<vmem>>, vector<64x1xf32>
    tpu.vector_store %arg7[%swap3A, %swap3A_44], %add3A_43 {strides = array<i32>} : memref<64x1xf32, #tpu.memory_space<vmem>>, vector<64x1xf32>,
    return
  }
}

</mosaic_0001>

<sc_bundles>
// kernel: kernel.11.cloned.1.call-start
scs
__scs_entry_jumppad:
0x0: {  	(pc) =	sbr.rel $0x88, $3  }
0x1: {  	(tag) =	ssettag $0x0;
	lr =	simm.s32 $0x1  }
0x2: {  	[smem:$0x3F96] =	sst lr;
	_ =	strace $0xD0000000  }
0x3: {  	_ = 	snop  }
0x4: {  	_ = 	snop  }
0x5: {  	_ = 	snop  }
0x6: {  	_ = 	snop  }
0x7: {  	_ = 	snop  }
__scs_overlays_trampoline_lowered:
0x8: {  	[smem:$0x3FA5] =	sst s0  }
0x9: {  	[smem:$0x3FA6] =	sst s1  }
0xa: {  	[smem:$0x3FA7] =	sst s2  }
0xb: {  	[smem:$0x3FA8] =	sst s3  }
0xc: {  	[smem:$0x3FA9] =	sst s4  }
0xd: {  	[smem:$0x3FAA] =	sst s5  }
0xe: {  	[smem:$0x3FAB] =	sst s6  }
0xf: {  	[smem:$0x3FAC] =	sst s7  }
0x10: {  	[smem:$0x3FAD] =	sst s8  }
0x11: {  	[smem:$0x3FAE] =	sst s9;
	s0 =	simm.s32 @!p0 $0x0  }
0x12: {  	s1 =	sld [smem:$0x3F94];
	s0 =	simm.s32 @p0 $0x1  }
0x13: {  	[smem:$0x3FAF] =	sst s0;
	s0 =	simm.s32 @!p1 $0x0  }
0x14: {  	s2 =	sld [smem:$0x3F93];
	s0 =	simm.s32 @p1 $0x1  }
0x15: {  	[smem:$0x3FB0] =	sst s0;
	s0 =	simm.s32 @!p2 $0x0  }
0x16: {  	s3 =	sld [smem:$0x3FDB];
	s0 =	simm.s32 @p2 $0x1  }
0x17: {  	s4 =	simm.s32 $0x1BF5;
	[smem:$0x3FB2] =	sst s0  }
0x18: {  	s0 =	sld [smem:$0x3F95];
	_ =	swait.ge [sflag:s4], $0x0  }
0x19: {  	s7 =	sld [smem:$0x3F96]  }
0x1a: {  	s8 =	sadd.s32 $0xFFFFE003, lr  }
0x1b: {  	s9 =	sadd.s32 $0xFFFFFEF7, lr;
	s5 =	simm.s32 $0xFFFFFFFF;
	p2 =	slt.u32 s8, $0xFFFFF086  }
0x1c: {  	p1 =	slt.u32 s9, $0xF7A;
	s5 =	simm.s32 @!p2 $0x0  }
0x1d: {  	s5 =	simm.s32 @p1 $0x1;
	p0 =	seq.s32 s7, s2  }
0x1e: {  	s7 =	smul.u32 @!p0 $0xF7A, s2;
	p2 =	seq.s32 @!p0 s5, $0x0  }
0x1f: {  	s9 =	smul.u32 $0xF7A, s1;
	s8 =	simm.s32 @!p0 $0x1BF5;
	p2 =	por !p2, p0  }
0x20: {  	[sflag:s8] =	ssyncset.s32 @!p0 $0xFFFFF086;
	s6 =	sadd.s32 @!p0 s3, s7;
	s7 =	simm.s32 @!p0 $0x108  }
0x21: {  	s3 =	sadd.s32 s3, s9;
	s6 =	sadd.s32 @!p0 $0x88, s6;
	s7 =	simm.s32 @p2 $0x1082  }
0x22: {  	[simem:s7], [sflag:s8] =	dma.local @!p0 [hbm:s6], $0xF7A  }
0x23: {  	s9 =	sor.u32 $0xD0000000, s2;
	s6 =	simm.s32 $0x108;
	_ =	swait.ge @!p0 [sflag:s8], $0x0  }
0x24: {  	s3 =	sadd.s32 $0x88, s3;
	s6 =	simm.s32 @!p1 $0x1082;
	[sflag:s4] =	ssyncset.s32 $0xFFFFF086  }
0x25: {  	[simem:s6], [sflag:s4] =	dma.local [hbm:s3], $0xF7A  }
0x26: {  	[smem:$0x3F96] =	sst s1;
	(tag) =	ssettag s2;
	_ =	strace s9  }
0x27: {  	s1 =	sld [smem:$0x3FA6]  }
0x28: {  	s2 =	sld [smem:$0x3FA7]  }
0x29: {  	s4 =	sld [smem:$0x3FA9]  }
0x2a: {  	p0 =	seq.s32 s5, $0x0;
	s5 =	sld [smem:$0x3FAA]  }
0x2b: {  	s6 =	sld [smem:$0x3FAB]  }
0x2c: {  	s7 =	sld [smem:$0x3FAC]  }
0x2d: {  	s3 =	simm.s32 $0x108;
	s8 =	sld [smem:$0x3FAD]  }
0x2e: {  	s3 =	simm.s32 @!p0 $0x1082;
	s9 =	sld [smem:$0x3FAE]  }
0x2f: {  	lr =	sadd.s32 s0, s3;
	s0 =	sld [smem:$0x3FA5]  }
0x30: {  	s3 =	sld [smem:$0x3FA8]  }
0x31: {  	[smem:$0x3FB1] =	sst s10  }
0x32: {  	s10 =	sld [smem:$0x3FAF];
	_ =	sdelay $0x3  }
0x33: {  	p0 =	seq.s32 s10, $0x1;
	s10 =	sld [smem:$0x3FB1];
	_ =	sdelay $0x3  }
0x34: {  	[smem:$0x3FB1] =	sst s10  }
0x35: {  	s10 =	sld [smem:$0x3FB0];
	_ =	sdelay $0x3  }
0x36: {  	p1 =	seq.s32 s10, $0x1;
	s10 =	sld [smem:$0x3FB1];
	_ =	sdelay $0x3  }
0x37: {  	[smem:$0x3FB1] =	sst s10  }
0x38: {  	s10 =	sld [smem:$0x3FB2]  }
0x39: {  	_ = 	snop;
	(pc) =	sbr.ind lr, $3  }
0x3a: {  	_ = 	snop  }
0x3b: {  	_ = 	snop  }
0x3c: {  	p2 =	seq.s32 s10, $0x1;
	s10 =	sld [smem:$0x3FB1]  }
0x3d: {  	_ =	shalt  }
0x3e: {  	_ =	shalt  }
0x3f: {  	_ =	shalt  }
0x40: {  	_ =	shalt  }
0x41: {  	_ =	shalt  }
0x42: {  	_ =	shalt  }
0x43: {  	_ =	shalt  }
0x44: {  	_ =	shalt  }
0x45: {  	_ =	shalt  }
0x46: {  	_ =	shalt  }
0x47: {  	_ =	shalt  }
0x48: {  	_ =	shalt  }
0x49: {  	_ =	shalt  }
0x4a: {  	_ =	shalt  }
0x4b: {  	_ =	shalt  }
0x4c: {  	_ =	shalt  }
0x4d: {  	_ =	shalt  }
0x4e: {  	_ =	shalt  }
0x4f: {  	_ =	shalt  }
0x50: {  	_ =	shalt  }
0x51: {  	_ =	shalt  }
0x52: {  	_ =	shalt  }
0x53: {  	_ =	shalt  }
0x54: {  	_ =	shalt  }
0x55: {  	_ =	shalt  }
0x56: {  	_ =	shalt  }
0x57: {  	_ =	shalt  }
0x58: {  	_ =	shalt  }
0x59: {  	_ =	shalt  }
0x5a: {  	_ =	shalt  }
0x5b: {  	_ =	shalt  }
0x5c: {  	_ =	shalt  }
0x5d: {  	_ =	shalt  }
0x5e: {  	_ =	shalt  }
0x5f: {  	_ =	shalt  }
0x60: {  	_ =	shalt  }
0x61: {  	_ =	shalt  }
0x62: {  	_ =	shalt  }
0x63: {  	_ =	shalt  }
0x64: {  	_ =	shalt  }
0x65: {  	_ =	shalt  }
0x66: {  	_ =	shalt  }
0x67: {  	_ =	shalt  }
0x68: {  	_ =	shalt  }
0x69: {  	_ =	shalt  }
0x6a: {  	_ =	shalt  }
0x6b: {  	_ =	shalt  }
0x6c: {  	_ =	shalt  }
0x6d: {  	_ =	shalt  }
0x6e: {  	_ =	shalt  }
0x6f: {  	_ =	shalt  }
0x70: {  	_ =	shalt  }
0x71: {  	_ =	shalt  }
0x72: {  	_ =	shalt  }
0x73: {  	_ =	shalt  }
0x74: {  	_ =	shalt  }
0x75: {  	_ =	shalt  }
0x76: {  	_ =	shalt  }
0x77: {  	_ =	shalt  }
0x78: {  	_ =	shalt  }
0x79: {  	_ =	shalt  }
0x7a: {  	_ =	shalt  }
0x7b: {  	_ =	shalt  }
0x7c: {  	_ =	shalt  }
0x7d: {  	_ =	shalt  }
0x7e: {  	_ =	shalt  }
0x7f: {  	_ =	shalt  }
0x80: {  	_ =	shalt  }
0x81: {  	_ =	shalt  }
0x82: {  	_ =	shalt  }
0x83: {  	_ =	shalt  }
0x84: {  	_ =	shalt  }
0x85: {  	_ =	shalt  }
0x86: {  	_ =	shalt  }
0x87: {  	_ =	shalt  }
.Lfunc_end0:
.L_simem_size_0:
called_computation_lowered:
.L_overlay_start_0:
0x88: {  	s2 =	sld [smem:$0x3FD9]  }
0x89: {  	s3 =	sld [smem:$0x3FFE];
	_ =	sdelay $0x1  }
0x8a: {  	s1 =	srdreg.scid  }
0x8b: {  	s0 =	sand.u32 $0x1, s1  }
0x8c: {  	s16 =	sshll.u32 s0, $0xA;
	s2 =	sadd.s32 s3, s2  }
0x8d: {  	s2 =	sadd.s32 s2, s16  }
0x8e: {  	[smem:$0x3FBD] =	sst s2  }
0x8f: {  	_ = 	snop  }
0x90: {  	(tm) =	ssettm $0x1  }
0x91: {  	s17 =	sld [smem:$0x3FFB];
	_ =	sdelay $0x3  }
0x92: {  	_ =	strace s17  }
0x93: {  	s2 =	sld [smem:$0x3FFC];
	_ =	sdelay $0x3  }
0x94: {  	_ =	strace s2  }
0x95: {  	s2 =	sld [smem:$0x3FFD];
	_ =	sdelay $0x3  }
0x96: {  	_ =	strace s2  }
0x97: {  	_ =	strace $0x8FFFFFFF  }
0x98: {  	s18 =	sld [smem:$0x3FDB];
	_ =	sdelay $0x1  }
0x99: {  	s19 =	simm.s32 $_scs_section_size  }
0x9a: {  	s4 =	simm.s32 $_size__tile_overlayer_lowered;
	s5 =	simm.s32 $_tile_overlayer_lowered  }
0x9b: {  	s22 =	simm.s32 $0x1BFF;
	s21 =	sshll.u32 s5, $0x1;
	s2 =	sadd.s32 s19, s18  }
0x9c: {  	s6 =	simm.s32 $0x0;
	s20 =	sshll.u32 s4, $0x1;
	s4 =	sadd.s32 s21, s2  }
0x9d: {  	[timem:s6], [sflag:s22] =	dma.local [hbm:s4], s20  }
0x9e: {  	_ =	swait.ge [sflag:s22], s20  }
0x9f: {  	s3 =	ssub.s32 $0x0, s20;
	[sflag:s22] =	ssyncset.done $0x0  }
0xa0: {  	[sflag:s22] =	ssyncadd.s32 s3;
	_ =	sdelay $0x1  }
0xa1: {  	s23 =	simm.s32 $0x1B8B  }
0xa2: {  	_ =	swait.ge [sflag:s23], $0x1  }
0xa3: {  	[sflag:s23] =	ssyncset.done $0x0  }
0xa4: {  	s25 =	simm.s32 $0x1B8E;
	s24 =	sld [smem:$0x3FFE];
	[sflag:s23] =	ssyncadd.s32 $0xFFFFFFFF  }
0xa5: {  	s26 =	simm.s32 $execute0_lowered;
	[smem:$0x3FD2] =	sst s25  }
0xa6: {  	s4 =	sshll.u32 s26, $0x1;
	_ =	strace $0x80000046;
	[dreg:$0x1] =	wrdreg $0xFFFFFFFF  }
0xa7: {  	s28 =	simm.s32 $_size_execute0_lowered;
	s2 =	sadd.s32 s2, s4;
	[dreg:$0x0] =	wrdreg $0x0  }
0xa8: {  	s4 =	sshll.u32 s28, $0x1;
	[dreg:$0x2] =	wrdreg s2  }
0xa9: {  	[dreg:$0x3] =	wrdreg s4  }
0xaa: {  	[dreg:$0x4] =	wrdreg $0xC0  }
0xab: {  	_ =	task [dreg:s6], $0x5FFFF  }
0xac: {  	[dreg:$0x1] =	wrdreg $0xFFFFFFFF  }
0xad: {  	[dreg:$0x0] =	wrdreg $0x60  }
0xae: {  	[dreg:$0x2] =	wrdreg s24  }
0xaf: {  	[dreg:$0x3] =	wrdreg $0x68000  }
0xb0: {  	[dreg:$0x4] =	wrdreg $0x9  }
0xb1: {  	_ =	task.clear_ibuf [dreg:s6], $0x5FFFF;
	_ =	strace $0x90000046  }
0xb2: {  	s29 =	simm.s32 $0x9;
	_ =	strace $0x80000048  }
0xb3: {  	_ =	swait.ge [sflag:s29], $0x1  }
0xb4: {  	[sflag:s29] =	ssyncadd.s32 $0xFFFFFFFF  }
0xb5: {  	_ =	strace $0x90000048  }
0xb6: {  	_ =	sfence  }
0xb7: {  	s30 =	sld [smem:$0x0];
	_ =	sdelay $0x2  }
0xb8: {  	s31 =	sshll.u32 s1, $0xD;
	s1 =	sshrl.u32 s1, $0x2  }
0xb9: {  	s3 =	sand.u32 $0x4000, s31;
	s1 =	sadd.s32 s1, s30  }
0xba: {  	s0 =	sor.u32 s3, s0;
	s1 =	sshll.u32 s1, $0x11  }
0xbb: {  	s0 =	sor.u32 s1, s0  }
0xbc: {  	s0 =	sadd.s32 $0x8F2B, s0  }
0xbd: {  	[sflag:s0] =	ssyncadd.remote.s32 $0x1  }
0xbe: {  	_ =	sfence.sel $0xFFFF  }
0xbf: {  	[dreg:$0x0] =	wrdreg $0xFFFFFFFF;
	(pc) =	sbr.abs _section_cstart, $3  }
0xc0: {  	[dreg:$0x1] =	wrdreg $0xFFFFFFFF  }
0xc1: {  	_ =	task.clear_ibuf [dreg:s6], $0x2FFFF;
	_ =	strace $0x9FFFFFFF  }
0xc2: {  	(tm) =	ssettm $0x7FFFFFFF  }
0xc3: {  	_ =	shalt  }
tec
execute0_lowered:
.L_overlay_start_1:
0x0: {  	(tag) =	ssettag $0x1  }
0x1: {  	s1 =	srdreg.scid;
	s4 =	rddreg [dreg:$0x0]  }
0x2: {  	s0 =	stileid.u32;
	s2 =	rddreg [dreg:$0x1]  }
0x3: {  	s3 =	simm.s32 $0x0;
	s12 =	simm.s32 $0x2800;
	s6 =	smul.u32 $0x5000, s0  }
0x4: {  	s13 =	simm.s32 $0x3;
	s14 =	simm.s32 $0x80;
	s30 =	smul.u32 $0x13C00, s0  }
0x5: {  	s15 =	simm.s32 $0x1;
	s5 =	sand.u32 $0x1, s1;
	s9 =	smul.u32 $0x4F000, s0  }
0x6: {  	s16 =	simm.s32 $0x2;
	s1 =	rddreg [dreg:$0x2];
	s7 =	smul.u32 $0x2800, s5  }
0x7: {  	[smem:$0x7FF] =	sst s3;
	s8 =	smul.u32 $0x13C000, s5;
	s5 =	ssub.s32 $0x2, s5  }
0x8: {  	s17 =	sshll.u32 s0, $0x6;
	_ =	strace $0x80000047;
	s31 =	sshrl.u32 s5, $0x1  }
0x9: {  	s9 =	sshrl.u32 s9, $0x2;
	s6 =	sadd.s32 s7, s6;
	s7 =	sadd.s32 s30, s8  }
0xa: {  	s8 =	ssub.s32 s5, s31;
	s6 =	sshrl.u32 s6, $0x3;
	s7 =	sshrl.u32 s7, $0x3  }
0xb: {  	s6 =	sadd.s32 s6, s4;
	s7 =	sadd.s32 s7, s4;
	s4 =	sadd.s32 s9, s2  }
0xc: {  	s17 =	sor.u32 $0x1C03, s17;
	s8 =	smax.u32 s8, $0x1;
	s5 =	sadd.s32 $0x10000, s4  }
0xd: {  	s6 =	sadd.s32 $0x3000, s6;
	s7 =	sadd.s32 $0xD000, s7;
	s9 =	sadd.s32 $0x4000, s4  }
0xe: {  	v0 =	vimm.f32 $0.0e+00;
	v1 =	vimm.f32 $1.000000000e+00;
	s10 =	sadd.s32 $0x8000, s4;
	s11 =	sadd.s32 $0xC000, s4;
	s18 =	sshrl.u32 s4, $0x3  }
.LBB2_1:
0xf: {  	s19 =	simm.s32 $0x0;
	s20 =	simm.s32 $0x200  }
.LBB2_2:
0x10: {  	p0 =	sne.s32 s20, $0xFE00;
	[tilespmem:s19+$0x2870] =	vst v0  }
0x11: {  	[tilespmem:s19+$0x2800] =	vst v0  }
0x12: {  	[tilespmem:s19+$0x2810] =	vst v0  }
.Ltmp0:
0x13: {  	[tilespmem:s19+$0x2820] =	vst v0;
	(pc) =	sbr.rel @p0 .LBB2_2-.Ltmp0, $4  }
0x14: {  	[tilespmem:s19+$0x2830] =	vst v0  }
0x15: {  	[tilespmem:s19+$0x2840] =	vst v0  }
0x16: {  	[tilespmem:s19+$0x2850] =	vst v0  }
0x17: {  	[tilespmem:s19+$0x2860] =	vst v0;
	s19 =	sshra.s32 s20, $0x2;
	s20 =	sadd.s32 $0x200, s20  }
0x18: {  	[tilespmem:s19+$0x2870] =	vst v0  }
0x19: {  	[tilespmem:s19+$0x2800] =	vst v0  }
0x1a: {  	[tilespmem:s19+$0x2810] =	vst v0  }
0x1b: {  	[tilespmem:s19+$0x2820] =	vst v0  }
0x1c: {  	[tilespmem:s19+$0x2830] =	vst v0  }
0x1d: {  	[tilespmem:s19+$0x2840] =	vst v0  }
0x1e: {  	[tilespmem:s19+$0x2850] =	vst v0  }
0x1f: {  	[tilespmem:s19+$0x2860] =	vst v0  }
0x20: {  	[spmem:s4] =	stream.linear.scatter [tilespmem:s12], [sflag:$0x3], $0x4000, $0x38;
	[tilespmem:$0x1A400] =	vst v63  }
0x21: {  	_ =	swait.ge [sflag:s13], $0x4000  }
0x22: {  	[sflag:s13] =	ssyncset.done $0x0  }
0x23: {  	[sflag:s13] =	ssyncadd.s32 $0xFFFFC000  }
0x24: {  	[spmem:s9] =	stream.linear.scatter [tilespmem:s12], [sflag:$0x3], $0x4000, $0x38;
	[tilespmem:$0x1A400] =	vst v63  }
0x25: {  	_ =	swait.ge [sflag:s13], $0x4000  }
0x26: {  	[sflag:s13] =	ssyncset.done $0x0  }
0x27: {  	[sflag:s13] =	ssyncadd.s32 $0xFFFFC000  }
0x28: {  	[spmem:s10] =	stream.linear.scatter [tilespmem:s12], [sflag:$0x3], $0x4000, $0x38;
	[tilespmem:$0x1A400] =	vst v63  }
0x29: {  	_ =	swait.ge [sflag:s13], $0x4000  }
0x2a: {  	[sflag:s13] =	ssyncset.done $0x0  }
0x2b: {  	[sflag:s13] =	ssyncadd.s32 $0xFFFFC000  }
0x2c: {  	[spmem:s11] =	stream.linear.scatter [tilespmem:s12], [sflag:$0x3], $0x4000, $0x38;
	[tilespmem:$0x1A400] =	vst v63  }
0x2d: {  	_ =	swait.ge [sflag:s13], $0x4000  }
0x2e: {  	[sflag:s13] =	ssyncset.done $0x0  }
0x2f: {  	[sflag:s13] =	ssyncadd.s32 $0xFFFFC000  }
0x30: {  	[spmem:s5] =	stream.linear.scatter [tilespmem:s12], [sflag:$0x3], $0x3C00, $0x38;
	[tilespmem:$0x1A400] =	vst v63  }
0x31: {  	_ =	swait.ge [sflag:s13], $0x3C00  }
0x32: {  	[sflag:s13] =	ssyncset.done $0x0  }
0x33: {  	s19 =	simm.s32 $0x0;
	s20 =	simm.s32 $0x200;
	[sflag:s13] =	ssyncadd.s32 $0xFFFFC400  }
.LBB2_4:
0x34: {  	p0 =	sne.s32 s20, $0xFE00;
	[tilespmem:s19+$0x2870] =	vst v1  }
0x35: {  	[tilespmem:s19+$0x2800] =	vst v1  }
0x36: {  	[tilespmem:s19+$0x2810] =	vst v1  }
.Ltmp1:
0x37: {  	[tilespmem:s19+$0x2820] =	vst v1;
	(pc) =	sbr.rel @p0 .LBB2_4-.Ltmp1, $4  }
0x38: {  	[tilespmem:s19+$0x2830] =	vst v1  }
0x39: {  	[tilespmem:s19+$0x2840] =	vst v1  }
0x3a: {  	[tilespmem:s19+$0x2850] =	vst v1  }
0x3b: {  	[tilespmem:s19+$0x2860] =	vst v1;
	s19 =	sshra.s32 s20, $0x2;
	s20 =	sadd.s32 $0x200, s20  }
0x3c: {  	[tilespmem:s19+$0x2870] =	vst v1  }
0x3d: {  	[tilespmem:s19+$0x2800] =	vst v1  }
0x3e: {  	[tilespmem:s19+$0x2810] =	vst v1  }
0x3f: {  	[tilespmem:s19+$0x2820] =	vst v1  }
0x40: {  	[tilespmem:s19+$0x2830] =	vst v1  }
0x41: {  	[tilespmem:s19+$0x2840] =	vst v1  }
0x42: {  	[tilespmem:s19+$0x2850] =	vst v1  }
0x43: {  	[tilespmem:s19+$0x2860] =	vst v1  }
0x44: {  	s29 =	simm.s32 $0x0;
	[bflag:$0x0] =	sbarrier.arrive $0xFFFF  }
0x45: {  	[tilespmem:s29], [sflag:$0x3] =	stream.linear.gather [hbm4b:s6+s29], $0x2800, $0x38;
	[tilespmem:$0x1A400] =	vst v63  }
0x46: {  	_ =	swait.ge [sflag:s13], $0x2800  }
0x47: {  	[sflag:s13] =	ssyncset.done $0x0  }
0x48: {  	s30 =	simm.s32 $0x0;
	[sflag:s13] =	ssyncadd.s32 $0xFFFFD800  }
0x49: {  	[spmem:s2] =	stream.indirect.scatter.add.f32 [tilespmem:s12], [sflag:$0x1], $0x80, s30, s14, $0xb8;
	[tilespmem:$0x1A400] =	vst v63  }
0x4a: {  	s31 =	simm.s32 $0x80  }
0x4b: {  	[spmem:s2] =	stream.indirect.scatter.add.f32 [tilespmem:s12], [sflag:$0x2], $0x80, s31, s14, $0xb8;
	[tilespmem:$0x1A400] =	vst v63  }
0x4c: {  	_ =	swait.ge [sflag:s15], $0x4000  }
0x4d: {  	[sflag:s15] =	ssyncset.done $0x0  }
0x4e: {  	[sflag:s15] =	ssyncadd.s32 $0xFFFFC000  }
0x4f: {  	_ =	swait.ge [sflag:s16], $0x4000  }
0x50: {  	s19 =	simm.s32 $0x400;
	s20 =	simm.s32 $0x800;
	[sflag:s16] =	ssyncset.done $0x0  }
.LBB2_6:
0x51: {  	s21 =	sshra.s32 s19, $0x2  }
0x52: {  	[sflag:s16] =	ssyncadd.s32 $0xFFFFC000;
	s19 =	smov.u32 s20;
	s22 =	sadd.s32 $0x400, s20  }
0x53: {  	[spmem:s2] =	stream.indirect.scatter.add.f32 [tilespmem:s12], [sflag:$0x1], $0x80, s21, s14, $0xb8;
	[tilespmem:$0x1A400] =	vst v63  }
0x54: {  	p0 =	sne.s32 s20, $0x9C00;
	s20 =	sadd.s32 $0x80, s21  }
0x55: {  	[spmem:s2] =	stream.indirect.scatter.add.f32 [tilespmem:s12], [sflag:$0x2], $0x80, s20, s14, $0xb8;
	[tilespmem:$0x1A400] =	vst v63  }
.Ltmp2:
0x56: {  	_ =	swait.ge [sflag:s15], $0x4000;
	(pc) =	sbr.rel @p0 .LBB2_6-.Ltmp2, $4  }
0x57: {  	[sflag:s15] =	ssyncset.done $0x0  }
0x58: {  	[sflag:s15] =	ssyncadd.s32 $0xFFFFC000  }
0x59: {  	_ =	swait.ge [sflag:s16], $0x4000  }
0x5a: {  	s20 =	smov.u32 s22;
	[sflag:s16] =	ssyncset.done $0x0  }
0x5b: {  	s19 =	sshra.s32 s19, $0x2;
	[sflag:s16] =	ssyncadd.s32 $0xFFFFC000  }
0x5c: {  	[spmem:s2] =	stream.indirect.scatter.add.f32 [tilespmem:s12], [sflag:$0x1], $0x80, s19, s14, $0xb8;
	[tilespmem:$0x1A400] =	vst v63  }
0x5d: {  	s19 =	sadd.s32 $0x80, s19  }
0x5e: {  	[spmem:s2] =	stream.indirect.scatter.add.f32 [tilespmem:s12], [sflag:$0x2], $0x80, s19, s14, $0xb8;
	[tilespmem:$0x1A400] =	vst v63  }
0x5f: {  	_ =	swait.ge [sflag:s15], $0x4000  }
0x60: {  	[sflag:s15] =	ssyncset.done $0x0  }
0x61: {  	[sflag:s15] =	ssyncadd.s32 $0xFFFFC000  }
0x62: {  	_ =	swait.ge [sflag:s16], $0x4000  }
0x63: {  	s3 =	sadd.s32 $0x1, s3;
	[sflag:s16] =	ssyncset.done $0x0  }
0x64: {  	p0 =	sne.s32 s3, s8;
	[sflag:s16] =	ssyncadd.s32 $0xFFFFC000  }
.Ltmp3:
0x65: {  	[bflag:$0x0] =	sbarrier.arrive $0xFFFF;
	(pc) =	sbr.rel @p0 .LBB2_1-.Ltmp3, $4  }
0x66: {  	[hbm:s7], [sflag:s17] =	dma.local [spmem:s18], $0x2780  }
0x67: {  	_ =	swait.ge [sflag:s13], $0x2780  }
0x68: {  	[sflag:s13] =	ssyncset.done $0x0  }
0x69: {  	[sflag:s13] =	ssyncadd.s32 $0xFFFFD880  }
0x6a: {  	_ =	sfence.sel $0x180000  }
0x6b: {  	[bflag:$0x0] =	sbarrier.arrive $0xFFFF  }
0x6c: {  	p0 =	sne.s32 s0, $0x0;
	_ =	strace $0x90000047  }
0x6d: {  	s0 =	sadd.s32 @!p0 $0x100000, s1;
	[bflag:$0x2] =	sbarrier.arrive $0xFFFF  }
0x6e: {  	[sflag:s0] =	ssyncadd.tile.s32 @!p0 $0x1;
	_ =	shalt  }
.Lfunc_end2:
_tile_overlayer_lowered:
.L_overlay_start_2:
0x6f: {  	(tag) =	ssettag $0x2  }
0x70: {  	s0 =	rddreg [dreg:$0x0];
	s2 =	stileid.u32  }
0x71: {  	s1 =	rddreg [dreg:$0x1];
	p0 =	sne.s32 s2, $0x0  }
0x72: {  	s3 =	rddreg [dreg:$0x2];
	[bflag:$0x3] =	sbarrier.arrive $0xFFFF;
	s2 =	simm.s32 @!p0 $0x1C03  }
0x73: {  	[timem:s3], [sflag:s2] =	dma.local @!p0 [hbm:s0], s1  }
0x74: {  	s0 =	simm.s32 @!p0 $0x3  }
0x75: {  	_ =	swait.ge @!p0 [sflag:s0], s1  }
0x76: {  	s1 =	ssub.s32 @!p0 $0x0, s1;
	[sflag:s0] =	ssyncset.done @!p0 $0x0  }
0x77: {  	[sflag:s0] =	ssyncadd.s32 @!p0 s1  }
0x78: {  	[bflag:$0x3] =	sbarrier.arrive $0xFFFF  }
0x79: {  	_ =	shalt  }

// kernel: kernel.14.cloned.1.call-start
scs
__scs_entry_jumppad:
0x0: {  	(pc) =	sbr.rel $0x88, $3  }
0x1: {  	(tag) =	ssettag $0x0;
	lr =	simm.s32 $0x1  }
0x2: {  	[smem:$0x3F96] =	sst lr;
	_ =	strace $0xD0000000  }
0x3: {  	_ = 	snop  }
0x4: {  	_ = 	snop  }
0x5: {  	_ = 	snop  }
0x6: {  	_ = 	snop  }
0x7: {  	_ = 	snop  }
__scs_overlays_trampoline_lowered:
0x8: {  	[smem:$0x3FA5] =	sst s0  }
0x9: {  	[smem:$0x3FA6] =	sst s1  }
0xa: {  	[smem:$0x3FA7] =	sst s2  }
0xb: {  	[smem:$0x3FA8] =	sst s3  }
0xc: {  	[smem:$0x3FA9] =	sst s4  }
0xd: {  	[smem:$0x3FAA] =	sst s5  }
0xe: {  	[smem:$0x3FAB] =	sst s6  }
0xf: {  	[smem:$0x3FAC] =	sst s7  }
0x10: {  	[smem:$0x3FAD] =	sst s8  }
0x11: {  	[smem:$0x3FAE] =	sst s9;
	s0 =	simm.s32 @!p0 $0x0  }
0x12: {  	s1 =	sld [smem:$0x3F94];
	s0 =	simm.s32 @p0 $0x1  }
0x13: {  	[smem:$0x3FAF] =	sst s0;
	s0 =	simm.s32 @!p1 $0x0  }
0x14: {  	s2 =	sld [smem:$0x3F93];
	s0 =	simm.s32 @p1 $0x1  }
0x15: {  	[smem:$0x3FB0] =	sst s0;
	s0 =	simm.s32 @!p2 $0x0  }
0x16: {  	s3 =	sld [smem:$0x3FDB];
	s0 =	simm.s32 @p2 $0x1  }
0x17: {  	s4 =	simm.s32 $0x1BF5;
	[smem:$0x3FB2] =	sst s0  }
0x18: {  	s0 =	sld [smem:$0x3F95];
	_ =	swait.ge [sflag:s4], $0x0  }
0x19: {  	s7 =	sld [smem:$0x3F96]  }
0x1a: {  	s8 =	sadd.s32 $0xFFFFE003, lr  }
0x1b: {  	s9 =	sadd.s32 $0xFFFFFEF7, lr;
	s5 =	simm.s32 $0xFFFFFFFF;
	p2 =	slt.u32 s8, $0xFFFFF086  }
0x1c: {  	p1 =	slt.u32 s9, $0xF7A;
	s5 =	simm.s32 @!p2 $0x0  }
0x1d: {  	s5 =	simm.s32 @p1 $0x1;
	p0 =	seq.s32 s7, s2  }
0x1e: {  	s7 =	smul.u32 @!p0 $0xF7A, s2;
	p2 =	seq.s32 @!p0 s5, $0x0  }
0x1f: {  	s9 =	smul.u32 $0xF7A, s1;
	s8 =	simm.s32 @!p0 $0x1BF5;
	p2 =	por !p2, p0  }
0x20: {  	[sflag:s8] =	ssyncset.s32 @!p0 $0xFFFFF086;
	s6 =	sadd.s32 @!p0 s3, s7;
	s7 =	simm.s32 @!p0 $0x108  }
0x21: {  	s3 =	sadd.s32 s3, s9;
	s6 =	sadd.s32 @!p0 $0x88, s6;
	s7 =	simm.s32 @p2 $0x1082  }
0x22: {  	[simem:s7], [sflag:s8] =	dma.local @!p0 [hbm:s6], $0xF7A  }
0x23: {  	s9 =	sor.u32 $0xD0000000, s2;
	s6 =	simm.s32 $0x108;
	_ =	swait.ge @!p0 [sflag:s8], $0x0  }
0x24: {  	s3 =	sadd.s32 $0x88, s3;
	s6 =	simm.s32 @!p1 $0x1082;
	[sflag:s4] =	ssyncset.s32 $0xFFFFF086  }
0x25: {  	[simem:s6], [sflag:s4] =	dma.local [hbm:s3], $0xF7A  }
0x26: {  	[smem:$0x3F96] =	sst s1;
	(tag) =	ssettag s2;
	_ =	strace s9  }
0x27: {  	s1 =	sld [smem:$0x3FA6]  }
0x28: {  	s2 =	sld [smem:$0x3FA7]  }
0x29: {  	s4 =	sld [smem:$0x3FA9]  }
0x2a: {  	p0 =	seq.s32 s5, $0x0;
	s5 =	sld [smem:$0x3FAA]  }
0x2b: {  	s6 =	sld [smem:$0x3FAB]  }
0x2c: {  	s7 =	sld [smem:$0x3FAC]  }
0x2d: {  	s3 =	simm.s32 $0x108;
	s8 =	sld [smem:$0x3FAD]  }
0x2e: {  	s3 =	simm.s32 @!p0 $0x1082;
	s9 =	sld [smem:$0x3FAE]  }
0x2f: {  	lr =	sadd.s32 s0, s3;
	s0 =	sld [smem:$0x3FA5]  }
0x30: {  	s3 =	sld [smem:$0x3FA8]  }
0x31: {  	[smem:$0x3FB1] =	sst s10  }
0x32: {  	s10 =	sld [smem:$0x3FAF];
	_ =	sdelay $0x3  }
0x33: {  	p0 =	seq.s32 s10, $0x1;
	s10 =	sld [smem:$0x3FB1];
	_ =	sdelay $0x3  }
0x34: {  	[smem:$0x3FB1] =	sst s10  }
0x35: {  	s10 =	sld [smem:$0x3FB0];
	_ =	sdelay $0x3  }
0x36: {  	p1 =	seq.s32 s10, $0x1;
	s10 =	sld [smem:$0x3FB1];
	_ =	sdelay $0x3  }
0x37: {  	[smem:$0x3FB1] =	sst s10  }
0x38: {  	s10 =	sld [smem:$0x3FB2]  }
0x39: {  	_ = 	snop;
	(pc) =	sbr.ind lr, $3  }
0x3a: {  	_ = 	snop  }
0x3b: {  	_ = 	snop  }
0x3c: {  	p2 =	seq.s32 s10, $0x1;
	s10 =	sld [smem:$0x3FB1]  }
0x3d: {  	_ =	shalt  }
0x3e: {  	_ =	shalt  }
0x3f: {  	_ =	shalt  }
0x40: {  	_ =	shalt  }
0x41: {  	_ =	shalt  }
0x42: {  	_ =	shalt  }
0x43: {  	_ =	shalt  }
0x44: {  	_ =	shalt  }
0x45: {  	_ =	shalt  }
0x46: {  	_ =	shalt  }
0x47: {  	_ =	shalt  }
0x48: {  	_ =	shalt  }
0x49: {  	_ =	shalt  }
0x4a: {  	_ =	shalt  }
0x4b: {  	_ =	shalt  }
0x4c: {  	_ =	shalt  }
0x4d: {  	_ =	shalt  }
0x4e: {  	_ =	shalt  }
0x4f: {  	_ =	shalt  }
0x50: {  	_ =	shalt  }
0x51: {  	_ =	shalt  }
0x52: {  	_ =	shalt  }
0x53: {  	_ =	shalt  }
0x54: {  	_ =	shalt  }
0x55: {  	_ =	shalt  }
0x56: {  	_ =	shalt  }
0x57: {  	_ =	shalt  }
0x58: {  	_ =	shalt  }
0x59: {  	_ =	shalt  }
0x5a: {  	_ =	shalt  }
0x5b: {  	_ =	shalt  }
0x5c: {  	_ =	shalt  }
0x5d: {  	_ =	shalt  }
0x5e: {  	_ =	shalt  }
0x5f: {  	_ =	shalt  }
0x60: {  	_ =	shalt  }
0x61: {  	_ =	shalt  }
0x62: {  	_ =	shalt  }
0x63: {  	_ =	shalt  }
0x64: {  	_ =	shalt  }
0x65: {  	_ =	shalt  }
0x66: {  	_ =	shalt  }
0x67: {  	_ =	shalt  }
0x68: {  	_ =	shalt  }
0x69: {  	_ =	shalt  }
0x6a: {  	_ =	shalt  }
0x6b: {  	_ =	shalt  }
0x6c: {  	_ =	shalt  }
0x6d: {  	_ =	shalt  }
0x6e: {  	_ =	shalt  }
0x6f: {  	_ =	shalt  }
0x70: {  	_ =	shalt  }
0x71: {  	_ =	shalt  }
0x72: {  	_ =	shalt  }
0x73: {  	_ =	shalt  }
0x74: {  	_ =	shalt  }
0x75: {  	_ =	shalt  }
0x76: {  	_ =	shalt  }
0x77: {  	_ =	shalt  }
0x78: {  	_ =	shalt  }
0x79: {  	_ =	shalt  }
0x7a: {  	_ =	shalt  }
0x7b: {  	_ =	shalt  }
0x7c: {  	_ =	shalt  }
0x7d: {  	_ =	shalt  }
0x7e: {  	_ =	shalt  }
0x7f: {  	_ =	shalt  }
0x80: {  	_ =	shalt  }
0x81: {  	_ =	shalt  }
0x82: {  	_ =	shalt  }
0x83: {  	_ =	shalt  }
0x84: {  	_ =	shalt  }
0x85: {  	_ =	shalt  }
0x86: {  	_ =	shalt  }
0x87: {  	_ =	shalt  }
.Lfunc_end0:
.L_simem_size_0:
called_computation.1_lowered:
.L_overlay_start_0:
0x88: {  	s2 =	sld [smem:$0x3FD9]  }
0x89: {  	s3 =	sld [smem:$0x3FFE];
	_ =	sdelay $0x1  }
0x8a: {  	s1 =	srdreg.scid  }
0x8b: {  	s0 =	sand.u32 $0x1, s1  }
0x8c: {  	s16 =	sshll.u32 s0, $0xA;
	s2 =	sadd.s32 s3, s2  }
0x8d: {  	s2 =	sadd.s32 s2, s16  }
0x8e: {  	[smem:$0x3FBD] =	sst s2  }
0x8f: {  	_ = 	snop  }
0x90: {  	(tm) =	ssettm $0x1  }
0x91: {  	s17 =	sld [smem:$0x3FFB];
	_ =	sdelay $0x3  }
0x92: {  	_ =	strace s17  }
0x93: {  	s2 =	sld [smem:$0x3FFC];
	_ =	sdelay $0x3  }
0x94: {  	_ =	strace s2  }
0x95: {  	s2 =	sld [smem:$0x3FFD];
	_ =	sdelay $0x3  }
0x96: {  	_ =	strace s2  }
0x97: {  	_ =	strace $0x8FFFFFFF  }
0x98: {  	s18 =	sld [smem:$0x3FDB];
	_ =	sdelay $0x1  }
0x99: {  	s19 =	simm.s32 $_scs_section_size  }
0x9a: {  	s4 =	simm.s32 $_size__tile_overlayer_lowered;
	s5 =	simm.s32 $_tile_overlayer_lowered  }
0x9b: {  	s22 =	simm.s32 $0x1BFF;
	s21 =	sshll.u32 s5, $0x1;
	s2 =	sadd.s32 s19, s18  }
0x9c: {  	s6 =	simm.s32 $0x0;
	s20 =	sshll.u32 s4, $0x1;
	s4 =	sadd.s32 s21, s2  }
0x9d: {  	[timem:s6], [sflag:s22] =	dma.local [hbm:s4], s20  }
0x9e: {  	_ =	swait.ge [sflag:s22], s20  }
0x9f: {  	s3 =	ssub.s32 $0x0, s20;
	[sflag:s22] =	ssyncset.done $0x0  }
0xa0: {  	[sflag:s22] =	ssyncadd.s32 s3;
	_ =	sdelay $0x1  }
0xa1: {  	s23 =	simm.s32 $0x1B8B  }
0xa2: {  	_ =	swait.ge [sflag:s23], $0x1  }
0xa3: {  	[sflag:s23] =	ssyncset.done $0x0  }
0xa4: {  	s25 =	simm.s32 $0x1B8E;
	s24 =	sld [smem:$0x3FFE];
	[sflag:s23] =	ssyncadd.s32 $0xFFFFFFFF  }
0xa5: {  	s26 =	simm.s32 $execute0_lowered;
	[smem:$0x3FD2] =	sst s25  }
0xa6: {  	s4 =	sshll.u32 s26, $0x1;
	_ =	strace $0x80000049;
	[dreg:$0x1] =	wrdreg $0xFFFFFFFF  }
0xa7: {  	s28 =	simm.s32 $_size_execute0_lowered;
	s2 =	sadd.s32 s2, s4;
	[dreg:$0x0] =	wrdreg $0x0  }
0xa8: {  	s4 =	sshll.u32 s28, $0x1;
	[dreg:$0x2] =	wrdreg s2  }
0xa9: {  	[dreg:$0x3] =	wrdreg s4  }
0xaa: {  	[dreg:$0x4] =	wrdreg $0xC0  }
0xab: {  	_ =	task [dreg:s6], $0x5FFFF  }
0xac: {  	[dreg:$0x1] =	wrdreg $0xFFFFFFFF  }
0xad: {  	[dreg:$0x0] =	wrdreg $0x60  }
0xae: {  	[dreg:$0x2] =	wrdreg s24  }
0xaf: {  	[dreg:$0x3] =	wrdreg $0xBD000  }
0xb0: {  	[dreg:$0x4] =	wrdreg $0x9  }
0xb1: {  	_ =	task.clear_ibuf [dreg:s6], $0x5FFFF;
	_ =	strace $0x90000049  }
0xb2: {  	s29 =	simm.s32 $0x9;
	_ =	strace $0x8000004B  }
0xb3: {  	_ =	swait.ge [sflag:s29], $0x1  }
0xb4: {  	[sflag:s29] =	ssyncadd.s32 $0xFFFFFFFF  }
0xb5: {  	_ =	strace $0x9000004B  }
0xb6: {  	_ =	sfence  }
0xb7: {  	s30 =	sld [smem:$0x0];
	_ =	sdelay $0x2  }
0xb8: {  	s31 =	sshll.u32 s1, $0xD;
	s1 =	sshrl.u32 s1, $0x2  }
0xb9: {  	s3 =	sand.u32 $0x4000, s31;
	s1 =	sadd.s32 s1, s30  }
0xba: {  	s0 =	sor.u32 s3, s0;
	s1 =	sshll.u32 s1, $0x11  }
0xbb: {  	s0 =	sor.u32 s1, s0  }
0xbc: {  	s0 =	sadd.s32 $0x8F2B, s0  }
0xbd: {  	[sflag:s0] =	ssyncadd.remote.s32 $0x1  }
0xbe: {  	_ =	sfence.sel $0xFFFF  }
0xbf: {  	[dreg:$0x0] =	wrdreg $0xFFFFFFFF;
	(pc) =	sbr.abs _section_cstart, $3  }
0xc0: {  	[dreg:$0x1] =	wrdreg $0xFFFFFFFF  }
0xc1: {  	_ =	task.clear_ibuf [dreg:s6], $0x2FFFF;
	_ =	strace $0x9FFFFFFF  }
0xc2: {  	(tm) =	ssettm $0x7FFFFFFF  }
0xc3: {  	_ =	shalt  }
tec
execute0_lowered:
.L_overlay_start_1:
0x0: {  	(tag) =	ssettag $0x1  }
0x1: {  	s0 =	rddreg [dreg:$0x0]  }
0x2: {  	s1 =	rddreg [dreg:$0x1]  }
0x3: {  	s2 =	srdreg.scid;
	s3 =	simm.s32 $0x0;
	s11 =	stileid.u32  }
0x4: {  	s17 =	simm.s32 $0x3D00;
	s18 =	simm.s32 $0x7;
	s19 =	simm.s32 $0x3C00  }
0x5: {  	s20 =	simm.s32 $0x3C80;
	s21 =	simm.s32 $0x80;
	s28 =	simm.s32 $0x3  }
0x6: {  	s29 =	simm.s32 $0x4;
	s30 =	simm.s32 $0x0;
	s2 =	sand.u32 $0x1, s2  }
0x7: {  	[smem:$0x7FF] =	sst s3;
	s7 =	smul.u32 $0x13C00, s11;
	s4 =	sadd.s32 $0xD000, s0  }
0x8: {  	s10 =	sadd.s32 $0x5C000, s0;
	s5 =	sadd.s32 $0x3000, s0;
	s6 =	smul.u32 $0x13C000, s2  }
0x9: {  	s22 =	smul.u32 $0x4F000, s11;
	_ =	strace $0x8000004A;
	s9 =	ssub.s32 $0x2, s2  }
0xa: {  	p0 =	seq.s32 s2, $0x1;
	s23 =	sshrl.u32 s9, $0x1;
	s6 =	sadd.s32 s7, s6  }
0xb: {  	s7 =	sshrl.u32 s22, $0x2;
	s24 =	ssub.s32 s9, s23;
	s22 =	simm.s32 $0x7D00  }
0xc: {  	s23 =	simm.s32 $0x5;
	s8 =	sshrl.u32 s6, $0x3;
	s7 =	sadd.s32 s7, s1  }
0xd: {  	s6 =	smul.u32 $0x5000, s11;
	s0 =	sadd.s32 s8, s0;
	s25 =	sadd.s32 $0x10000, s7  }
0xe: {  	s14 =	sadd.s32 $0x4000, s7;
	s15 =	sadd.s32 $0x8000, s7;
	s16 =	sadd.s32 $0xC000, s7  }
.Ltmp0:
0xf: {  	[dreg:$0x6] =	wrdreg s7;
	s8 =	sadd.s32 $0x3C00, s6;
	(pc) =	sbr.rel .LBB2_1-.Ltmp0, $4  }
0x10: {  	[dreg:$0x3] =	wrdreg s25;
	s12 =	sshrl.u32 s6, $0x3;
	s25 =	simm.s32 $0x6  }
0x11: {  	s13 =	sshrl.u32 s8, $0x3;
	s26 =	sadd.s32 s10, s12;
	s12 =	sadd.s32 $0x66000, s0  }
0x12: {  	[dreg:$0x4] =	wrdreg s26;
	s31 =	sadd.s32 s10, s13;
	s13 =	smax.u32 s24, $0x1  }
0x13: {  	v0 =	vimm.f32 $0.0e+00;
	s24 =	simm.s32 $0x1;
	s26 =	simm.s32 $0x2;
	[dreg:$0x5] =	wrdreg s31  }
.LBB2_6:
0x14: {  	s0 =	sadd.s32 s5, s2;
	[sflag:s29] =	ssyncadd.s32 $0xFFFFC000  }
0x15: {  	[tilespmem:s19], [sflag:$0x5] =	stream.linear.gather [hbm4b:s0+s3], $0x80, $0x38;
	[tilespmem:$0x1F900] =	vst v63  }
0x16: {  	s11 =	sadd.s32 s5, s11  }
0x17: {  	[tilespmem:s20], [sflag:$0x6] =	stream.linear.gather [hbm4b:s11+s3], $0x80, $0x38;
	[tilespmem:$0x1F900] =	vst v63  }
0x18: {  	_ = 	snop  }
0x19: {  	[tilespmem:s17], [sflag:$0x1] =	stream.indirect.gather [hbm4b:s4+s21], $0x80, s31, s21, $0xb8;
	[tilespmem:$0x1F900] =	vst v63  }
0x1a: {  	s31 =	sadd.s32 $0x80, s31  }
0x1b: {  	[tilespmem:s22], [sflag:$0x2] =	stream.indirect.gather [hbm4b:s4+s21], $0x80, s31, s21, $0xb8;
	[tilespmem:$0x1F900] =	vst v63  }
0x1c: {  	_ =	swait.ge [sflag:s23], $0x80  }
0x1d: {  	[sflag:s23] =	ssyncset.done $0x0  }
0x1e: {  	[sflag:s23] =	ssyncadd.s32 $0xFFFFFF80  }
0x1f: {  	_ =	swait.ge [sflag:s24], $0x4000  }
0x20: {  	[sflag:s24] =	ssyncset.done $0x0  }
0x21: {  	[sflag:s24] =	ssyncadd.s32 $0xFFFFC000  }
0x22: {  	[spmem:s1] =	stream.indirect.scatter.add.f32 [tilespmem:s17], [sflag:$0x3], $0x80, s19, s21, $0xb8;
	[tilespmem:$0x1F900] =	vst v63  }
0x23: {  	_ =	swait.ge [sflag:s25], $0x80  }
0x24: {  	[sflag:s25] =	ssyncset.done $0x0  }
0x25: {  	[sflag:s25] =	ssyncadd.s32 $0xFFFFFF80  }
0x26: {  	_ =	swait.ge [sflag:s26], $0x4000  }
0x27: {  	[sflag:s26] =	ssyncset.done $0x0  }
0x28: {  	[sflag:s26] =	ssyncadd.s32 $0xFFFFC000  }
0x29: {  	[spmem:s1] =	stream.indirect.scatter.add.f32 [tilespmem:s22], [sflag:$0x4], $0x80, s20, s21, $0xb8;
	[tilespmem:$0x1F900] =	vst v63  }
0x2a: {  	_ =	swait.ge [sflag:s28], $0x4000  }
0x2b: {  	[sflag:s28] =	ssyncset.done $0x0  }
0x2c: {  	[sflag:s28] =	ssyncadd.s32 $0xFFFFC000  }
0x2d: {  	_ =	swait.ge [sflag:s29], $0x4000  }
0x2e: {  	[sflag:s29] =	ssyncset.done $0x0  }
0x2f: {  	[sflag:s29] =	ssyncadd.s32 $0xFFFFC000  }
.LBB2_10:
0x30: {  	s0 =	stileid.u32;
	s30 =	sadd.s32 $0x1, s30  }
0x31: {  	[bflag:$0x0] =	sbarrier.arrive $0xFFFF;
	s0 =	sshll.u32 s0, $0x6;
	p1 =	sne.s32 s30, s13  }
.Ltmp1:
0x32: {  	s2 =	sshrl.u32 s7, $0x3;
	s0 =	sor.u32 $0x1C07, s0;
	(pc) =	sbr.rel @!p1 .LBB2_11-.Ltmp1, $4  }
0x33: {  	[hbm:s12], [sflag:s0] =	dma.local [spmem:s2], $0x2780  }
0x34: {  	_ =	swait.ge [sflag:s18], $0x2780  }
0x35: {  	[sflag:s18] =	ssyncset.done $0x0  }
0x36: {  	[sflag:s18] =	ssyncadd.s32 $0xFFFFD880  }
.LBB2_1:
0x37: {  	s0 =	simm.s32 $0x0;
	s10 =	simm.s32 $0x200  }
.LBB2_2:
0x38: {  	p1 =	sne.s32 s10, $0xFE00;
	[tilespmem:s0+$0x3D70] =	vst v0  }
0x39: {  	[tilespmem:s0+$0x3D00] =	vst v0  }
0x3a: {  	[tilespmem:s0+$0x3D10] =	vst v0  }
.Ltmp2:
0x3b: {  	[tilespmem:s0+$0x3D20] =	vst v0;
	(pc) =	sbr.rel @p1 .LBB2_2-.Ltmp2, $4  }
0x3c: {  	[tilespmem:s0+$0x3D30] =	vst v0  }
0x3d: {  	[tilespmem:s0+$0x3D40] =	vst v0  }
0x3e: {  	[tilespmem:s0+$0x3D50] =	vst v0  }
0x3f: {  	[tilespmem:s0+$0x3D60] =	vst v0;
	s0 =	sshra.s32 s10, $0x2;
	s10 =	sadd.s32 $0x200, s10  }
0x40: {  	[tilespmem:s0+$0x3D70] =	vst v0  }
0x41: {  	[tilespmem:s0+$0x3D00] =	vst v0  }
0x42: {  	[tilespmem:s0+$0x3D10] =	vst v0  }
0x43: {  	[tilespmem:s0+$0x3D20] =	vst v0  }
0x44: {  	[tilespmem:s0+$0x3D30] =	vst v0  }
0x45: {  	[tilespmem:s0+$0x3D40] =	vst v0  }
0x46: {  	[tilespmem:s0+$0x3D50] =	vst v0  }
0x47: {  	[tilespmem:s0+$0x3D60] =	vst v0  }
0x48: {  	[spmem:s7] =	stream.linear.scatter [tilespmem:s17], [sflag:$0x7], $0x4000, $0x38;
	[tilespmem:$0x1F900] =	vst v63  }
0x49: {  	_ =	swait.ge [sflag:s18], $0x4000  }
0x4a: {  	[sflag:s18] =	ssyncset.done $0x0  }
0x4b: {  	[sflag:s18] =	ssyncadd.s32 $0xFFFFC000  }
0x4c: {  	[spmem:s14] =	stream.linear.scatter [tilespmem:s17], [sflag:$0x7], $0x4000, $0x38;
	[tilespmem:$0x1F900] =	vst v63  }
0x4d: {  	_ =	swait.ge [sflag:s18], $0x4000  }
0x4e: {  	[sflag:s18] =	ssyncset.done $0x0  }
0x4f: {  	[sflag:s18] =	ssyncadd.s32 $0xFFFFC000  }
0x50: {  	[spmem:s15] =	stream.linear.scatter [tilespmem:s17], [sflag:$0x7], $0x4000, $0x38;
	[tilespmem:$0x1F900] =	vst v63  }
0x51: {  	_ =	swait.ge [sflag:s18], $0x4000  }
0x52: {  	[sflag:s18] =	ssyncset.done $0x0  }
0x53: {  	[sflag:s18] =	ssyncadd.s32 $0xFFFFC000  }
0x54: {  	[spmem:s16] =	stream.linear.scatter [tilespmem:s17], [sflag:$0x7], $0x4000, $0x38;
	[tilespmem:$0x1F900] =	vst v63  }
0x55: {  	_ =	swait.ge [sflag:s18], $0x4000  }
0x56: {  	[sflag:s18] =	ssyncset.done $0x0  }
0x57: {  	s31 =	rddreg [dreg:$0x3];
	[sflag:s18] =	ssyncadd.s32 $0xFFFFC000  }
0x58: {  	[spmem:s31] =	stream.linear.scatter [tilespmem:s17], [sflag:$0x7], $0x3C00, $0x38;
	[tilespmem:$0x1F900] =	vst v63  }
.Ltmp3:
0x59: {  	_ =	swait.ge [sflag:s18], $0x3C00;
	(pc) =	sbr.rel @!p0 .LBB2_4-.Ltmp3, $3  }
0x5a: {  	[sflag:s18] =	ssyncset.done $0x0  }
0x5b: {  	[sflag:s18] =	ssyncadd.s32 $0xFFFFC400  }
0x5c: {  	[bflag:$0x0] =	sbarrier.arrive $0xFFFF;
	_ =	sdelay $0x1  }
0x5d: {  	s7 =	smov.u32 s16  }
0x5e: {  	s16 =	smov.u32 s15;
	s15 =	smov.u32 s14;
	s14 =	smov.u32 s13  }
0x5f: {  	s13 =	smov.u32 s12;
	s0 =	simm.s32 $0x0;
	s2 =	rddreg [dreg:$0x5]  }
0x60: {  	[tilespmem:s0], [sflag:$0x7] =	stream.linear.gather [hbm4b:s2+s0], $0x1400, $0x38;
	[tilespmem:$0x1F900] =	vst v63  }
0x61: {  	s9 =	simm.s32 $0x3C80;
	s11 =	sand.u32 $0x1C00, s0;
	s0 =	sand.u32 $0x300, s0  }
0x62: {  	s12 =	sand.u32 $0x7C00, s9;
	s9 =	sand.u32 $0x380, s9;
	s2 =	sadd.s32 s11, s8  }
0x63: {  	_ =	swait.ge [sflag:s18], $0x1400;
	s0 =	sor.u32 s0, s2;
	s2 =	sadd.s32 s6, s12  }
0x64: {  	[sflag:s18] =	ssyncset.done $0x0;
	s0 =	sshrl.u32 s0, $0x3;
	s2 =	sor.u32 s9, s2  }
0x65: {  	[sflag:s18] =	ssyncadd.s32 $0xFFFFEC00;
	s0 =	sadd.s32 s5, s0;
	s2 =	sshrl.u32 s2, $0x3  }
0x66: {  	[tilespmem:s19], [sflag:$0x5] =	stream.linear.gather [hbm4b:s0+s3], $0x80, $0x38;
	[tilespmem:$0x1F900] =	vst v63  }
0x67: {  	s0 =	sadd.s32 s5, s2  }
0x68: {  	[tilespmem:s20], [sflag:$0x6] =	stream.linear.gather [hbm4b:s0+s3], $0x80, $0x38;
	[tilespmem:$0x1F900] =	vst v63  }
0x69: {  	s9 =	simm.s32 $0x0  }
0x6a: {  	[tilespmem:s17], [sflag:$0x1] =	stream.indirect.gather [hbm4b:s4+s21], $0x80, s9, s21, $0xb8;
	[tilespmem:$0x1F900] =	vst v63  }
0x6b: {  	s10 =	simm.s32 $0x80  }
0x6c: {  	[tilespmem:s22], [sflag:$0x2] =	stream.indirect.gather [hbm4b:s4+s21], $0x80, s10, s21, $0xb8;
	[tilespmem:$0x1F900] =	vst v63  }
0x6d: {  	_ =	swait.ge [sflag:s23], $0x80  }
0x6e: {  	[sflag:s23] =	ssyncset.done $0x0  }
0x6f: {  	[sflag:s23] =	ssyncadd.s32 $0xFFFFFF80  }
0x70: {  	_ =	swait.ge [sflag:s24], $0x4000  }
0x71: {  	[sflag:s24] =	ssyncset.done $0x0  }
0x72: {  	[sflag:s24] =	ssyncadd.s32 $0xFFFFC000  }
0x73: {  	[spmem:s1] =	stream.indirect.scatter.add.f32 [tilespmem:s17], [sflag:$0x3], $0x80, s19, s21, $0xb8;
	[tilespmem:$0x1F900] =	vst v63  }
0x74: {  	_ =	swait.ge [sflag:s25], $0x80  }
0x75: {  	[sflag:s25] =	ssyncset.done $0x0  }
0x76: {  	[sflag:s25] =	ssyncadd.s32 $0xFFFFFF80  }
0x77: {  	_ =	swait.ge [sflag:s26], $0x4000  }
0x78: {  	s11 =	simm.s32 $0x100;
	[sflag:s26] =	ssyncset.done $0x0  }
0x79: {  	s31 =	simm.s32 $0x180;
	s12 =	sand.u32 $0x1C00, s11;
	[sflag:s26] =	ssyncadd.s32 $0xFFFFC000  }
0x7a: {  	[spmem:s1] =	stream.indirect.scatter.add.f32 [tilespmem:s22], [sflag:$0x4], $0x80, s20, s21, $0xb8;
	[tilespmem:$0x1F900] =	vst v63  }
0x7b: {  	s2 =	sand.u32 $0x300, s11;
	s0 =	simm.s32 $0x3D80;
	_ =	swait.ge [sflag:s28], $0x4000  }
0x7c: {  	s11 =	sand.u32 $0x7C00, s0;
	s9 =	sadd.s32 s12, s8;
	[sflag:s28] =	ssyncset.done $0x0  }
0x7d: {  	s2 =	sor.u32 s2, s9;
	s10 =	simm.s32 $0x200;
	[sflag:s28] =	ssyncadd.s32 $0xFFFFC000  }
.LBB2_8:
0x7e: {  	s2 =	sshrl.u32 s2, $0x3  }
0x7f: {  	s9 =	sadd.s32 s6, s11;
	_ =	swait.ge [sflag:s29], $0x4000;
	s11 =	smov.u32 s10  }
0x80: {  	s0 =	sand.u32 $0x380, s0;
	s2 =	sadd.s32 s5, s2;
	[sflag:s29] =	ssyncset.done $0x0  }
0x81: {  	s12 =	sadd.s32 $0x100, s10;
	s0 =	sor.u32 s0, s9;
	[sflag:s29] =	ssyncadd.s32 $0xFFFFC000  }
0x82: {  	[tilespmem:s19], [sflag:$0x5] =	stream.linear.gather [hbm4b:s2+s3], $0x80, $0x38;
	[tilespmem:$0x1F900] =	vst v63  }
0x83: {  	p1 =	sne.s32 s10, $0x1300;
	s0 =	sshrl.u32 s0, $0x3  }
0x84: {  	s0 =	sadd.s32 s5, s0;
	s2 =	sadd.s32 $0xFFFFFF80, s31  }
0x85: {  	[tilespmem:s20], [sflag:$0x6] =	stream.linear.gather [hbm4b:s0+s3], $0x80, $0x38;
	[tilespmem:$0x1F900] =	vst v63  }
0x86: {  	_ = 	snop  }
0x87: {  	[tilespmem:s17], [sflag:$0x1] =	stream.indirect.gather [hbm4b:s4+s21], $0x80, s2, s21, $0xb8;
	[tilespmem:$0x1F900] =	vst v63  }
0x88: {  	_ = 	snop  }
0x89: {  	[tilespmem:s22], [sflag:$0x2] =	stream.indirect.gather [hbm4b:s4+s21], $0x80, s31, s21, $0xb8;
	[tilespmem:$0x1F900] =	vst v63  }
0x8a: {  	_ =	swait.ge [sflag:s23], $0x80  }
0x8b: {  	[sflag:s23] =	ssyncset.done $0x0  }
0x8c: {  	[sflag:s23] =	ssyncadd.s32 $0xFFFFFF80  }
0x8d: {  	_ =	swait.ge [sflag:s24], $0x4000  }
0x8e: {  	[sflag:s24] =	ssyncset.done $0x0  }
0x8f: {  	[sflag:s24] =	ssyncadd.s32 $0xFFFFC000  }
0x90: {  	[spmem:s1] =	stream.indirect.scatter.add.f32 [tilespmem:s17], [sflag:$0x3], $0x80, s19, s21, $0xb8;
	[tilespmem:$0x1F900] =	vst v63  }
0x91: {  	_ =	swait.ge [sflag:s25], $0x80  }
0x92: {  	[sflag:s25] =	ssyncset.done $0x0  }
0x93: {  	[sflag:s25] =	ssyncadd.s32 $0xFFFFFF80  }
0x94: {  	_ =	swait.ge [sflag:s26], $0x4000  }
0x95: {  	s9 =	sand.u32 $0x300, s11;
	[sflag:s26] =	ssyncset.done $0x0  }
.Ltmp4:
0x96: {  	s31 =	sadd.s32 $0x100, s31;
	[sflag:s26] =	ssyncadd.s32 $0xFFFFC000;
	(pc) =	sbr.rel @p1 .LBB2_8-.Ltmp4, $4  }
0x97: {  	[spmem:s1] =	stream.indirect.scatter.add.f32 [tilespmem:s22], [sflag:$0x4], $0x80, s20, s21, $0xb8;
	[tilespmem:$0x1F900] =	vst v63  }
0x98: {  	s0 =	sadd.s32 $0x3C80, s11;
	s2 =	sand.u32 $0x1C00, s11;
	_ =	swait.ge [sflag:s28], $0x4000  }
0x99: {  	s10 =	smov.u32 s12;
	s2 =	sadd.s32 s2, s8;
	[sflag:s28] =	ssyncset.done $0x0  }
0x9a: {  	s11 =	sand.u32 $0x7C00, s0;
	s2 =	sor.u32 s9, s2;
	[sflag:s28] =	ssyncadd.s32 $0xFFFFC000  }
0x9b: {  	_ =	swait.ge [sflag:s29], $0x4000;
	s9 =	sadd.s32 s6, s11;
	s0 =	sand.u32 $0x380, s0  }
0x9c: {  	s2 =	sshrl.u32 s2, $0x3;
	[sflag:s29] =	ssyncset.done $0x0;
	s0 =	sor.u32 s0, s9  }
0x9d: {  	s2 =	sadd.s32 s5, s2;
	[sflag:s29] =	ssyncadd.s32 $0xFFFFC000;
	s0 =	sshrl.u32 s0, $0x3  }
0x9e: {  	[tilespmem:s19], [sflag:$0x5] =	stream.linear.gather [hbm4b:s2+s3], $0x80, $0x38;
	[tilespmem:$0x1F900] =	vst v63  }
0x9f: {  	s0 =	sadd.s32 s5, s0  }
0xa0: {  	[tilespmem:s20], [sflag:$0x6] =	stream.linear.gather [hbm4b:s0+s3], $0x80, $0x38;
	[tilespmem:$0x1F900] =	vst v63  }
0xa1: {  	s12 =	sadd.s32 $0xFFFFFF80, s31  }
0xa2: {  	[tilespmem:s17], [sflag:$0x1] =	stream.indirect.gather [hbm4b:s4+s21], $0x80, s12, s21, $0xb8;
	[tilespmem:$0x1F900] =	vst v63  }
0xa3: {  	_ = 	snop  }
0xa4: {  	[tilespmem:s22], [sflag:$0x2] =	stream.indirect.gather [hbm4b:s4+s21], $0x80, s31, s21, $0xb8;
	[tilespmem:$0x1F900] =	vst v63  }
0xa5: {  	_ =	swait.ge [sflag:s23], $0x80  }
0xa6: {  	[sflag:s23] =	ssyncset.done $0x0  }
0xa7: {  	[sflag:s23] =	ssyncadd.s32 $0xFFFFFF80  }
0xa8: {  	_ =	swait.ge [sflag:s24], $0x4000  }
0xa9: {  	[sflag:s24] =	ssyncset.done $0x0  }
0xaa: {  	[sflag:s24] =	ssyncadd.s32 $0xFFFFC000  }
0xab: {  	[spmem:s1] =	stream.indirect.scatter.add.f32 [tilespmem:s17], [sflag:$0x3], $0x80, s19, s21, $0xb8;
	[tilespmem:$0x1F900] =	vst v63  }
0xac: {  	_ =	swait.ge [sflag:s25], $0x80  }
0xad: {  	[sflag:s25] =	ssyncset.done $0x0  }
0xae: {  	[sflag:s25] =	ssyncadd.s32 $0xFFFFFF80  }
0xaf: {  	_ =	swait.ge [sflag:s26], $0x4000  }
0xb0: {  	[sflag:s26] =	ssyncset.done $0x0  }
0xb1: {  	[sflag:s26] =	ssyncadd.s32 $0xFFFFC000  }
0xb2: {  	[spmem:s1] =	stream.indirect.scatter.add.f32 [tilespmem:s22], [sflag:$0x4], $0x80, s20, s21, $0xb8;
	[tilespmem:$0x1F900] =	vst v63  }
0xb3: {  	_ =	swait.ge [sflag:s28], $0x4000  }
.Ltmp5:
0xb4: {  	[sflag:s28] =	ssyncset.done $0x0;
	(pc) =	sbr.rel .LBB2_10-.Ltmp5, $4  }
0xb5: {  	[sflag:s28] =	ssyncadd.s32 $0xFFFFC000  }
0xb6: {  	s12 =	smov.u32 s13;
	s13 =	smov.u32 s14;
	_ =	swait.ge [sflag:s29], $0x4000  }
0xb7: {  	s14 =	smov.u32 s15;
	s15 =	smov.u32 s16;
	[sflag:s29] =	ssyncset.done $0x0  }
0xb8: {  	s16 =	smov.u32 s7;
	s7 =	rddreg [dreg:$0x6];
	[sflag:s29] =	ssyncadd.s32 $0xFFFFC000  }
.LBB2_4:
0xb9: {  	s0 =	simm.s32 $0x0;
	s2 =	rddreg [dreg:$0x4];
	s9 =	simm.s32 $0x0  }
0xba: {  	[tilespmem:s0], [sflag:$0x7] =	stream.linear.gather [hbm4b:s2+s0], $0x3C00, $0x38;
	[tilespmem:$0x1F900] =	vst v63  }
0xbb: {  	s10 =	sand.u32 $0x3C00, s9  }
0xbc: {  	s11 =	simm.s32 $0x80;
	s2 =	sand.u32 $0x300, s9;
	s10 =	sadd.s32 s6, s10  }
0xbd: {  	s11 =	sand.u32 $0x380, s11;
	_ =	swait.ge [sflag:s18], $0x3C00;
	s2 =	sor.u32 s2, s10  }
0xbe: {  	[sflag:s18] =	ssyncset.done $0x0;
	s10 =	sor.u32 s10, s11;
	s2 =	sshrl.u32 s2, $0x3  }
0xbf: {  	[sflag:s18] =	ssyncadd.s32 $0xFFFFC400;
	s10 =	sshrl.u32 s10, $0x3;
	s2 =	sadd.s32 s5, s2  }
0xc0: {  	[tilespmem:s19], [sflag:$0x5] =	stream.linear.gather [hbm4b:s2+s3], $0x80, $0x38;
	[tilespmem:$0x1F900] =	vst v63  }
0xc1: {  	s9 =	sadd.s32 s5, s10  }
0xc2: {  	[tilespmem:s20], [sflag:$0x6] =	stream.linear.gather [hbm4b:s9+s3], $0x80, $0x38;
	[tilespmem:$0x1F900] =	vst v63  }
0xc3: {  	_ = 	snop  }
0xc4: {  	[tilespmem:s17], [sflag:$0x1] =	stream.indirect.gather [hbm4b:s4+s21], $0x80, s0, s21, $0xb8;
	[tilespmem:$0x1F900] =	vst v63  }
0xc5: {  	s10 =	simm.s32 $0x80  }
0xc6: {  	[tilespmem:s22], [sflag:$0x2] =	stream.indirect.gather [hbm4b:s4+s21], $0x80, s10, s21, $0xb8;
	[tilespmem:$0x1F900] =	vst v63  }
0xc7: {  	_ =	swait.ge [sflag:s23], $0x80  }
0xc8: {  	[sflag:s23] =	ssyncset.done $0x0  }
0xc9: {  	[sflag:s23] =	ssyncadd.s32 $0xFFFFFF80  }
0xca: {  	_ =	swait.ge [sflag:s24], $0x4000  }
0xcb: {  	[sflag:s24] =	ssyncset.done $0x0  }
0xcc: {  	[sflag:s24] =	ssyncadd.s32 $0xFFFFC000  }
0xcd: {  	[spmem:s1] =	stream.indirect.scatter.add.f32 [tilespmem:s17], [sflag:$0x3], $0x80, s19, s21, $0xb8;
	[tilespmem:$0x1F900] =	vst v63  }
0xce: {  	_ =	swait.ge [sflag:s25], $0x80  }
0xcf: {  	[sflag:s25] =	ssyncset.done $0x0  }
0xd0: {  	[sflag:s25] =	ssyncadd.s32 $0xFFFFFF80  }
0xd1: {  	_ =	swait.ge [sflag:s26], $0x4000  }
0xd2: {  	[sflag:s26] =	ssyncset.done $0x0  }
0xd3: {  	s11 =	simm.s32 $0x180;
	s2 =	simm.s32 $0x100;
	[sflag:s26] =	ssyncadd.s32 $0xFFFFC000  }
0xd4: {  	[spmem:s1] =	stream.indirect.scatter.add.f32 [tilespmem:s22], [sflag:$0x4], $0x80, s20, s21, $0xb8;
	[tilespmem:$0x1F900] =	vst v63  }
0xd5: {  	s9 =	sand.u32 $0x3C00, s2;
	s2 =	sand.u32 $0x300, s2;
	_ =	swait.ge [sflag:s28], $0x4000  }
0xd6: {  	s0 =	sand.u32 $0x380, s11;
	s11 =	sadd.s32 s6, s9;
	[sflag:s28] =	ssyncset.done $0x0  }
0xd7: {  	s31 =	simm.s32 $0x100;
	s2 =	sor.u32 s2, s11;
	[sflag:s28] =	ssyncadd.s32 $0xFFFFC000  }
0xd8: {  	s0 =	sor.u32 s11, s0;
	s10 =	simm.s32 $0x280;
	_ =	swait.ge [sflag:s29], $0x4000  }
0xd9: {  	s2 =	sshrl.u32 s2, $0x3;
	s11 =	sshrl.u32 s0, $0x3;
	[sflag:s29] =	ssyncset.done $0x0  }
.LBB2_5:
0xda: {  	s2 =	sadd.s32 s5, s2  }
0xdb: {  	[sflag:s29] =	ssyncadd.s32 $0xFFFFC000;
	s9 =	smov.u32 s10;
	s0 =	sadd.s32 $0x100, s10  }
0xdc: {  	[tilespmem:s19], [sflag:$0x5] =	stream.linear.gather [hbm4b:s2+s3], $0x80, $0x38;
	[tilespmem:$0x1F900] =	vst v63  }
0xdd: {  	p1 =	seq.s32 s10, $0x3B80;
	s2 =	sadd.s32 s5, s11  }
0xde: {  	[tilespmem:s20], [sflag:$0x6] =	stream.linear.gather [hbm4b:s2+s3], $0x80, $0x38;
	[tilespmem:$0x1F900] =	vst v63  }
0xdf: {  	_ = 	snop  }
0xe0: {  	[tilespmem:s17], [sflag:$0x1] =	stream.indirect.gather [hbm4b:s4+s21], $0x80, s31, s21, $0xb8;
	[tilespmem:$0x1F900] =	vst v63  }
0xe1: {  	s2 =	sadd.s32 $0x80, s31  }
0xe2: {  	[tilespmem:s22], [sflag:$0x2] =	stream.indirect.gather [hbm4b:s4+s21], $0x80, s2, s21, $0xb8;
	[tilespmem:$0x1F900] =	vst v63  }
0xe3: {  	_ =	swait.ge [sflag:s23], $0x80  }
0xe4: {  	[sflag:s23] =	ssyncset.done $0x0  }
0xe5: {  	[sflag:s23] =	ssyncadd.s32 $0xFFFFFF80  }
0xe6: {  	_ =	swait.ge [sflag:s24], $0x4000  }
0xe7: {  	[sflag:s24] =	ssyncset.done $0x0  }
0xe8: {  	[sflag:s24] =	ssyncadd.s32 $0xFFFFC000  }
0xe9: {  	[spmem:s1] =	stream.indirect.scatter.add.f32 [tilespmem:s17], [sflag:$0x3], $0x80, s19, s21, $0xb8;
	[tilespmem:$0x1F900] =	vst v63  }
0xea: {  	_ =	swait.ge [sflag:s25], $0x80  }
0xeb: {  	[sflag:s25] =	ssyncset.done $0x0  }
0xec: {  	[sflag:s25] =	ssyncadd.s32 $0xFFFFFF80  }
0xed: {  	_ =	swait.ge [sflag:s26], $0x4000  }
0xee: {  	s31 =	sadd.s32 $0x100, s31;
	[sflag:s26] =	ssyncset.done $0x0  }
0xef: {  	s2 =	sadd.s32 $0xFFFFFF80, s9;
	s9 =	sand.u32 $0x380, s9;
	[sflag:s26] =	ssyncadd.s32 $0xFFFFC000  }
0xf0: {  	[spmem:s1] =	stream.indirect.scatter.add.f32 [tilespmem:s22], [sflag:$0x4], $0x80, s20, s21, $0xb8;
	[tilespmem:$0x1F900] =	vst v63  }
.Ltmp6:
0xf1: {  	s10 =	sand.u32 $0x3C00, s2;
	_ =	swait.ge [sflag:s28], $0x4000;
	(pc) =	sbr.rel @!p1 .LBB2_5-.Ltmp6, $4  }
0xf2: {  	s2 =	sand.u32 $0x300, s2;
	s10 =	sadd.s32 s6, s10;
	[sflag:s28] =	ssyncset.done $0x0  }
0xf3: {  	s2 =	sor.u32 s2, s10;
	[sflag:s28] =	ssyncadd.s32 $0xFFFFC000  }
0xf4: {  	s9 =	sor.u32 s10, s9;
	s10 =	smov.u32 s0;
	_ =	swait.ge [sflag:s29], $0x4000  }
0xf5: {  	s2 =	sshrl.u32 s2, $0x3;
	s11 =	sshrl.u32 s9, $0x3;
	[sflag:s29] =	ssyncset.done $0x0  }
.Ltmp7:
0xf6: {  	_ = 	snop;
	(pc) =	sbr.rel .LBB2_6-.Ltmp7, $1  }
0xf7: {  	_ =	sdelay $0x3  }
.LBB2_11:
0xf8: {  	_ =	sfence.sel $0x180000  }
0xf9: {  	[bflag:$0x0] =	sbarrier.arrive $0xFFFF  }
0xfa: {  	_ =	strace $0x9000004A  }
0xfb: {  	s0 =	stileid.u32;
	[bflag:$0x2] =	sbarrier.arrive $0xFFFF  }
0xfc: {  	p0 =	sne.s32 s0, $0x0;
	s0 =	rddreg [dreg:$0x2]  }
0xfd: {  	s0 =	sadd.s32 @!p0 $0x100000, s0  }
0xfe: {  	[sflag:s0] =	ssyncadd.tile.s32 @!p0 $0x1;
	_ =	shalt  }
.Lfunc_end2:
_tile_overlayer_lowered:
.L_overlay_start_2:
0xff: {  	(tag) =	ssettag $0x2  }
0x100: {  	s0 =	rddreg [dreg:$0x0];
	s2 =	stileid.u32  }
0x101: {  	s1 =	rddreg [dreg:$0x1];
	p0 =	sne.s32 s2, $0x0  }
0x102: {  	s3 =	rddreg [dreg:$0x2];
	[bflag:$0x3] =	sbarrier.arrive $0xFFFF;
	s2 =	simm.s32 @!p0 $0x1C07  }
0x103: {  	[timem:s3], [sflag:s2] =	dma.local @!p0 [hbm:s0], s1  }
0x104: {  	s0 =	simm.s32 @!p0 $0x7  }
0x105: {  	_ =	swait.ge @!p0 [sflag:s0], s1  }
0x106: {  	s1 =	ssub.s32 @!p0 $0x0, s1;
	[sflag:s0] =	ssyncset.done @!p0 $0x0  }
0x107: {  	[sflag:s0] =	ssyncadd.s32 @!p0 s1  }
0x108: {  	[bflag:$0x3] =	sbarrier.arrive $0xFFFF  }
0x109: {  	_ =	shalt  }

// kernel: kernel.17.cloned.1.call-start
scs
__scs_entry_jumppad:
0x0: {  	(pc) =	sbr.rel $0x88, $3  }
0x1: {  	(tag) =	ssettag $0x0;
	lr =	simm.s32 $0x1  }
0x2: {  	[smem:$0x3F96] =	sst lr;
	_ =	strace $0xD0000000  }
0x3: {  	_ = 	snop  }
0x4: {  	_ = 	snop  }
0x5: {  	_ = 	snop  }
0x6: {  	_ = 	snop  }
0x7: {  	_ = 	snop  }
__scs_overlays_trampoline_lowered:
0x8: {  	[smem:$0x3FA5] =	sst s0  }
0x9: {  	[smem:$0x3FA6] =	sst s1  }
0xa: {  	[smem:$0x3FA7] =	sst s2  }
0xb: {  	[smem:$0x3FA8] =	sst s3  }
0xc: {  	[smem:$0x3FA9] =	sst s4  }
0xd: {  	[smem:$0x3FAA] =	sst s5  }
0xe: {  	[smem:$0x3FAB] =	sst s6  }
0xf: {  	[smem:$0x3FAC] =	sst s7  }
0x10: {  	[smem:$0x3FAD] =	sst s8  }
0x11: {  	[smem:$0x3FAE] =	sst s9;
	s0 =	simm.s32 @!p0 $0x0  }
0x12: {  	s1 =	sld [smem:$0x3F94];
	s0 =	simm.s32 @p0 $0x1  }
0x13: {  	[smem:$0x3FAF] =	sst s0;
	s0 =	simm.s32 @!p1 $0x0  }
0x14: {  	s2 =	sld [smem:$0x3F93];
	s0 =	simm.s32 @p1 $0x1  }
0x15: {  	[smem:$0x3FB0] =	sst s0;
	s0 =	simm.s32 @!p2 $0x0  }
0x16: {  	s3 =	sld [smem:$0x3FDB];
	s0 =	simm.s32 @p2 $0x1  }
0x17: {  	s4 =	simm.s32 $0x1BF5;
	[smem:$0x3FB2] =	sst s0  }
0x18: {  	s0 =	sld [smem:$0x3F95];
	_ =	swait.ge [sflag:s4], $0x0  }
0x19: {  	s7 =	sld [smem:$0x3F96]  }
0x1a: {  	s8 =	sadd.s32 $0xFFFFE003, lr  }
0x1b: {  	s9 =	sadd.s32 $0xFFFFFEF7, lr;
	s5 =	simm.s32 $0xFFFFFFFF;
	p2 =	slt.u32 s8, $0xFFFFF086  }
0x1c: {  	p1 =	slt.u32 s9, $0xF7A;
	s5 =	simm.s32 @!p2 $0x0  }
0x1d: {  	s5 =	simm.s32 @p1 $0x1;
	p0 =	seq.s32 s7, s2  }
0x1e: {  	s7 =	smul.u32 @!p0 $0xF7A, s2;
	p2 =	seq.s32 @!p0 s5, $0x0  }
0x1f: {  	s9 =	smul.u32 $0xF7A, s1;
	s8 =	simm.s32 @!p0 $0x1BF5;
	p2 =	por !p2, p0  }
0x20: {  	[sflag:s8] =	ssyncset.s32 @!p0 $0xFFFFF086;
	s6 =	sadd.s32 @!p0 s3, s7;
	s7 =	simm.s32 @!p0 $0x108  }
0x21: {  	s3 =	sadd.s32 s3, s9;
	s6 =	sadd.s32 @!p0 $0x88, s6;
	s7 =	simm.s32 @p2 $0x1082  }
0x22: {  	[simem:s7], [sflag:s8] =	dma.local @!p0 [hbm:s6], $0xF7A  }
0x23: {  	s9 =	sor.u32 $0xD0000000, s2;
	s6 =	simm.s32 $0x108;
	_ =	swait.ge @!p0 [sflag:s8], $0x0  }
0x24: {  	s3 =	sadd.s32 $0x88, s3;
	s6 =	simm.s32 @!p1 $0x1082;
	[sflag:s4] =	ssyncset.s32 $0xFFFFF086  }
0x25: {  	[simem:s6], [sflag:s4] =	dma.local [hbm:s3], $0xF7A  }
0x26: {  	[smem:$0x3F96] =	sst s1;
	(tag) =	ssettag s2;
	_ =	strace s9  }
0x27: {  	s1 =	sld [smem:$0x3FA6]  }
0x28: {  	s2 =	sld [smem:$0x3FA7]  }
0x29: {  	s4 =	sld [smem:$0x3FA9]  }
0x2a: {  	p0 =	seq.s32 s5, $0x0;
	s5 =	sld [smem:$0x3FAA]  }
0x2b: {  	s6 =	sld [smem:$0x3FAB]  }
0x2c: {  	s7 =	sld [smem:$0x3FAC]  }
0x2d: {  	s3 =	simm.s32 $0x108;
	s8 =	sld [smem:$0x3FAD]  }
0x2e: {  	s3 =	simm.s32 @!p0 $0x1082;
	s9 =	sld [smem:$0x3FAE]  }
0x2f: {  	lr =	sadd.s32 s0, s3;
	s0 =	sld [smem:$0x3FA5]  }
0x30: {  	s3 =	sld [smem:$0x3FA8]  }
0x31: {  	[smem:$0x3FB1] =	sst s10  }
0x32: {  	s10 =	sld [smem:$0x3FAF];
	_ =	sdelay $0x3  }
0x33: {  	p0 =	seq.s32 s10, $0x1;
	s10 =	sld [smem:$0x3FB1];
	_ =	sdelay $0x3  }
0x34: {  	[smem:$0x3FB1] =	sst s10  }
0x35: {  	s10 =	sld [smem:$0x3FB0];
	_ =	sdelay $0x3  }
0x36: {  	p1 =	seq.s32 s10, $0x1;
	s10 =	sld [smem:$0x3FB1];
	_ =	sdelay $0x3  }
0x37: {  	[smem:$0x3FB1] =	sst s10  }
0x38: {  	s10 =	sld [smem:$0x3FB2]  }
0x39: {  	_ = 	snop;
	(pc) =	sbr.ind lr, $3  }
0x3a: {  	_ = 	snop  }
0x3b: {  	_ = 	snop  }
0x3c: {  	p2 =	seq.s32 s10, $0x1;
	s10 =	sld [smem:$0x3FB1]  }
0x3d: {  	_ =	shalt  }
0x3e: {  	_ =	shalt  }
0x3f: {  	_ =	shalt  }
0x40: {  	_ =	shalt  }
0x41: {  	_ =	shalt  }
0x42: {  	_ =	shalt  }
0x43: {  	_ =	shalt  }
0x44: {  	_ =	shalt  }
0x45: {  	_ =	shalt  }
0x46: {  	_ =	shalt  }
0x47: {  	_ =	shalt  }
0x48: {  	_ =	shalt  }
0x49: {  	_ =	shalt  }
0x4a: {  	_ =	shalt  }
0x4b: {  	_ =	shalt  }
0x4c: {  	_ =	shalt  }
0x4d: {  	_ =	shalt  }
0x4e: {  	_ =	shalt  }
0x4f: {  	_ =	shalt  }
0x50: {  	_ =	shalt  }
0x51: {  	_ =	shalt  }
0x52: {  	_ =	shalt  }
0x53: {  	_ =	shalt  }
0x54: {  	_ =	shalt  }
0x55: {  	_ =	shalt  }
0x56: {  	_ =	shalt  }
0x57: {  	_ =	shalt  }
0x58: {  	_ =	shalt  }
0x59: {  	_ =	shalt  }
0x5a: {  	_ =	shalt  }
0x5b: {  	_ =	shalt  }
0x5c: {  	_ =	shalt  }
0x5d: {  	_ =	shalt  }
0x5e: {  	_ =	shalt  }
0x5f: {  	_ =	shalt  }
0x60: {  	_ =	shalt  }
0x61: {  	_ =	shalt  }
0x62: {  	_ =	shalt  }
0x63: {  	_ =	shalt  }
0x64: {  	_ =	shalt  }
0x65: {  	_ =	shalt  }
0x66: {  	_ =	shalt  }
0x67: {  	_ =	shalt  }
0x68: {  	_ =	shalt  }
0x69: {  	_ =	shalt  }
0x6a: {  	_ =	shalt  }
0x6b: {  	_ =	shalt  }
0x6c: {  	_ =	shalt  }
0x6d: {  	_ =	shalt  }
0x6e: {  	_ =	shalt  }
0x6f: {  	_ =	shalt  }
0x70: {  	_ =	shalt  }
0x71: {  	_ =	shalt  }
0x72: {  	_ =	shalt  }
0x73: {  	_ =	shalt  }
0x74: {  	_ =	shalt  }
0x75: {  	_ =	shalt  }
0x76: {  	_ =	shalt  }
0x77: {  	_ =	shalt  }
0x78: {  	_ =	shalt  }
0x79: {  	_ =	shalt  }
0x7a: {  	_ =	shalt  }
0x7b: {  	_ =	shalt  }
0x7c: {  	_ =	shalt  }
0x7d: {  	_ =	shalt  }
0x7e: {  	_ =	shalt  }
0x7f: {  	_ =	shalt  }
0x80: {  	_ =	shalt  }
0x81: {  	_ =	shalt  }
0x82: {  	_ =	shalt  }
0x83: {  	_ =	shalt  }
0x84: {  	_ =	shalt  }
0x85: {  	_ =	shalt  }
0x86: {  	_ =	shalt  }
0x87: {  	_ =	shalt  }
.Lfunc_end0:
.L_simem_size_0:
called_computation.2_lowered:
.L_overlay_start_0:
0x88: {  	s2 =	sld [smem:$0x3FD9]  }
0x89: {  	s3 =	sld [smem:$0x3FFE];
	_ =	sdelay $0x1  }
0x8a: {  	s1 =	srdreg.scid  }
0x8b: {  	s0 =	sand.u32 $0x1, s1  }
0x8c: {  	s16 =	sshll.u32 s0, $0xA;
	s2 =	sadd.s32 s3, s2  }
0x8d: {  	s2 =	sadd.s32 s2, s16  }
0x8e: {  	[smem:$0x3FBD] =	sst s2  }
0x8f: {  	_ = 	snop  }
0x90: {  	(tm) =	ssettm $0x1  }
0x91: {  	s17 =	sld [smem:$0x3FFB];
	_ =	sdelay $0x3  }
0x92: {  	_ =	strace s17  }
0x93: {  	s2 =	sld [smem:$0x3FFC];
	_ =	sdelay $0x3  }
0x94: {  	_ =	strace s2  }
0x95: {  	s2 =	sld [smem:$0x3FFD];
	_ =	sdelay $0x3  }
0x96: {  	_ =	strace s2  }
0x97: {  	_ =	strace $0x8FFFFFFF  }
0x98: {  	s18 =	sld [smem:$0x3FDB];
	_ =	sdelay $0x1  }
0x99: {  	s19 =	simm.s32 $_scs_section_size  }
0x9a: {  	s4 =	simm.s32 $_size__tile_overlayer_lowered;
	s5 =	simm.s32 $_tile_overlayer_lowered  }
0x9b: {  	s22 =	simm.s32 $0x1BFF;
	s21 =	sshll.u32 s5, $0x1;
	s2 =	sadd.s32 s19, s18  }
0x9c: {  	s6 =	simm.s32 $0x0;
	s20 =	sshll.u32 s4, $0x1;
	s4 =	sadd.s32 s21, s2  }
0x9d: {  	[timem:s6], [sflag:s22] =	dma.local [hbm:s4], s20  }
0x9e: {  	_ =	swait.ge [sflag:s22], s20  }
0x9f: {  	s3 =	ssub.s32 $0x0, s20;
	[sflag:s22] =	ssyncset.done $0x0  }
0xa0: {  	[sflag:s22] =	ssyncadd.s32 s3;
	_ =	sdelay $0x1  }
0xa1: {  	s23 =	simm.s32 $0x1B8B  }
0xa2: {  	_ =	swait.ge [sflag:s23], $0x1  }
0xa3: {  	[sflag:s23] =	ssyncset.done $0x0  }
0xa4: {  	s25 =	simm.s32 $0x1B8E;
	s24 =	sld [smem:$0x3FFE];
	[sflag:s23] =	ssyncadd.s32 $0xFFFFFFFF  }
0xa5: {  	s26 =	simm.s32 $execute0_lowered;
	[smem:$0x3FD2] =	sst s25  }
0xa6: {  	s4 =	sshll.u32 s26, $0x1;
	_ =	strace $0x8000004C;
	[dreg:$0x1] =	wrdreg $0xFFFFFFFF  }
0xa7: {  	s28 =	simm.s32 $_size_execute0_lowered;
	s2 =	sadd.s32 s2, s4;
	[dreg:$0x0] =	wrdreg $0x0  }
0xa8: {  	s4 =	sshll.u32 s28, $0x1;
	[dreg:$0x2] =	wrdreg s2  }
0xa9: {  	[dreg:$0x3] =	wrdreg s4  }
0xaa: {  	[dreg:$0x4] =	wrdreg $0xC0  }
0xab: {  	_ =	task [dreg:s6], $0x5FFFF  }
0xac: {  	[dreg:$0x1] =	wrdreg $0xFFFFFFFF  }
0xad: {  	[dreg:$0x0] =	wrdreg $0x60  }
0xae: {  	[dreg:$0x2] =	wrdreg s24  }
0xaf: {  	[dreg:$0x3] =	wrdreg $0xBD000  }
0xb0: {  	[dreg:$0x4] =	wrdreg $0x9  }
0xb1: {  	_ =	task.clear_ibuf [dreg:s6], $0x5FFFF;
	_ =	strace $0x9000004C  }
0xb2: {  	s29 =	simm.s32 $0x9;
	_ =	strace $0x8000004E  }
0xb3: {  	_ =	swait.ge [sflag:s29], $0x1  }
0xb4: {  	[sflag:s29] =	ssyncadd.s32 $0xFFFFFFFF  }
0xb5: {  	_ =	strace $0x9000004E  }
0xb6: {  	_ =	sfence  }
0xb7: {  	s30 =	sld [smem:$0x0];
	_ =	sdelay $0x2  }
0xb8: {  	s31 =	sshll.u32 s1, $0xD;
	s1 =	sshrl.u32 s1, $0x2  }
0xb9: {  	s3 =	sand.u32 $0x4000, s31;
	s1 =	sadd.s32 s1, s30  }
0xba: {  	s0 =	sor.u32 s3, s0;
	s1 =	sshll.u32 s1, $0x11  }
0xbb: {  	s0 =	sor.u32 s1, s0  }
0xbc: {  	s0 =	sadd.s32 $0x8F2B, s0  }
0xbd: {  	[sflag:s0] =	ssyncadd.remote.s32 $0x1  }
0xbe: {  	_ =	sfence.sel $0xFFFF  }
0xbf: {  	[dreg:$0x0] =	wrdreg $0xFFFFFFFF;
	(pc) =	sbr.abs _section_cstart, $3  }
0xc0: {  	[dreg:$0x1] =	wrdreg $0xFFFFFFFF  }
0xc1: {  	_ =	task.clear_ibuf [dreg:s6], $0x2FFFF;
	_ =	strace $0x9FFFFFFF  }
0xc2: {  	(tm) =	ssettm $0x7FFFFFFF  }
0xc3: {  	_ =	shalt  }
tec
execute0_lowered:
.L_overlay_start_1:
0x0: {  	(tag) =	ssettag $0x1  }
0x1: {  	s0 =	rddreg [dreg:$0x0]  }
0x2: {  	s1 =	rddreg [dreg:$0x1]  }
0x3: {  	s2 =	srdreg.scid;
	s3 =	simm.s32 $0x0;
	s11 =	stileid.u32  }
0x4: {  	s17 =	simm.s32 $0x3D00;
	s18 =	simm.s32 $0x7;
	s19 =	simm.s32 $0x3C00  }
0x5: {  	s20 =	simm.s32 $0x3C80;
	s21 =	simm.s32 $0x80;
	s28 =	simm.s32 $0x3  }
0x6: {  	s29 =	simm.s32 $0x4;
	s30 =	simm.s32 $0x0;
	s2 =	sand.u32 $0x1, s2  }
0x7: {  	[smem:$0x7FF] =	sst s3;
	s7 =	smul.u32 $0x13C00, s11;
	s4 =	sadd.s32 $0xD000, s0  }
0x8: {  	s10 =	sadd.s32 $0x5C000, s0;
	s5 =	sadd.s32 $0x3000, s0;
	s6 =	smul.u32 $0x13C000, s2  }
0x9: {  	s22 =	smul.u32 $0x4F000, s11;
	_ =	strace $0x8000004D;
	s9 =	ssub.s32 $0x2, s2  }
0xa: {  	p0 =	seq.s32 s2, $0x1;
	s23 =	sshrl.u32 s9, $0x1;
	s6 =	sadd.s32 s7, s6  }
0xb: {  	s7 =	sshrl.u32 s22, $0x2;
	s24 =	ssub.s32 s9, s23;
	s22 =	simm.s32 $0x7D00  }
0xc: {  	s23 =	simm.s32 $0x5;
	s8 =	sshrl.u32 s6, $0x3;
	s7 =	sadd.s32 s7, s1  }
0xd: {  	s6 =	smul.u32 $0x5000, s11;
	s0 =	sadd.s32 s8, s0;
	s25 =	sadd.s32 $0x10000, s7  }
0xe: {  	s14 =	sadd.s32 $0x4000, s7;
	s15 =	sadd.s32 $0x8000, s7;
	s16 =	sadd.s32 $0xC000, s7  }
.Ltmp0:
0xf: {  	[dreg:$0x6] =	wrdreg s7;
	s8 =	sadd.s32 $0x3C00, s6;
	(pc) =	sbr.rel .LBB2_1-.Ltmp0, $4  }
0x10: {  	[dreg:$0x3] =	wrdreg s25;
	s12 =	sshrl.u32 s6, $0x3;
	s25 =	simm.s32 $0x6  }
0x11: {  	s13 =	sshrl.u32 s8, $0x3;
	s26 =	sadd.s32 s10, s12;
	s12 =	sadd.s32 $0x66000, s0  }
0x12: {  	[dreg:$0x4] =	wrdreg s26;
	s31 =	sadd.s32 s10, s13;
	s13 =	smax.u32 s24, $0x1  }
0x13: {  	v0 =	vimm.f32 $0.0e+00;
	s24 =	simm.s32 $0x1;
	s26 =	simm.s32 $0x2;
	[dreg:$0x5] =	wrdreg s31  }
.LBB2_6:
0x14: {  	s0 =	sadd.s32 s5, s2;
	[sflag:s29] =	ssyncadd.s32 $0xFFFFC000  }
0x15: {  	[tilespmem:s19], [sflag:$0x5] =	stream.linear.gather [hbm4b:s0+s3], $0x80, $0x38;
	[tilespmem:$0x1F900] =	vst v63  }
0x16: {  	s11 =	sadd.s32 s5, s11  }
0x17: {  	[tilespmem:s20], [sflag:$0x6] =	stream.linear.gather [hbm4b:s11+s3], $0x80, $0x38;
	[tilespmem:$0x1F900] =	vst v63  }
0x18: {  	_ = 	snop  }
0x19: {  	[tilespmem:s17], [sflag:$0x1] =	stream.indirect.gather [hbm4b:s4+s21], $0x80, s31, s21, $0xb8;
	[tilespmem:$0x1F900] =	vst v63  }
0x1a: {  	s31 =	sadd.s32 $0x80, s31  }
0x1b: {  	[tilespmem:s22], [sflag:$0x2] =	stream.indirect.gather [hbm4b:s4+s21], $0x80, s31, s21, $0xb8;
	[tilespmem:$0x1F900] =	vst v63  }
0x1c: {  	_ =	swait.ge [sflag:s23], $0x80  }
0x1d: {  	[sflag:s23] =	ssyncset.done $0x0  }
0x1e: {  	[sflag:s23] =	ssyncadd.s32 $0xFFFFFF80  }
0x1f: {  	_ =	swait.ge [sflag:s24], $0x4000  }
0x20: {  	[sflag:s24] =	ssyncset.done $0x0  }
0x21: {  	[sflag:s24] =	ssyncadd.s32 $0xFFFFC000  }
0x22: {  	[spmem:s1] =	stream.indirect.scatter.add.f32 [tilespmem:s17], [sflag:$0x3], $0x80, s19, s21, $0xb8;
	[tilespmem:$0x1F900] =	vst v63  }
0x23: {  	_ =	swait.ge [sflag:s25], $0x80  }
0x24: {  	[sflag:s25] =	ssyncset.done $0x0  }
0x25: {  	[sflag:s25] =	ssyncadd.s32 $0xFFFFFF80  }
0x26: {  	_ =	swait.ge [sflag:s26], $0x4000  }
0x27: {  	[sflag:s26] =	ssyncset.done $0x0  }
0x28: {  	[sflag:s26] =	ssyncadd.s32 $0xFFFFC000  }
0x29: {  	[spmem:s1] =	stream.indirect.scatter.add.f32 [tilespmem:s22], [sflag:$0x4], $0x80, s20, s21, $0xb8;
	[tilespmem:$0x1F900] =	vst v63  }
0x2a: {  	_ =	swait.ge [sflag:s28], $0x4000  }
0x2b: {  	[sflag:s28] =	ssyncset.done $0x0  }
0x2c: {  	[sflag:s28] =	ssyncadd.s32 $0xFFFFC000  }
0x2d: {  	_ =	swait.ge [sflag:s29], $0x4000  }
0x2e: {  	[sflag:s29] =	ssyncset.done $0x0  }
0x2f: {  	[sflag:s29] =	ssyncadd.s32 $0xFFFFC000  }
.LBB2_10:
0x30: {  	s0 =	stileid.u32;
	s30 =	sadd.s32 $0x1, s30  }
0x31: {  	[bflag:$0x0] =	sbarrier.arrive $0xFFFF;
	s0 =	sshll.u32 s0, $0x6;
	p1 =	sne.s32 s30, s13  }
.Ltmp1:
0x32: {  	s2 =	sshrl.u32 s7, $0x3;
	s0 =	sor.u32 $0x1C07, s0;
	(pc) =	sbr.rel @!p1 .LBB2_11-.Ltmp1, $4  }
0x33: {  	[hbm:s12], [sflag:s0] =	dma.local [spmem:s2], $0x2780  }
0x34: {  	_ =	swait.ge [sflag:s18], $0x2780  }
0x35: {  	[sflag:s18] =	ssyncset.done $0x0  }
0x36: {  	[sflag:s18] =	ssyncadd.s32 $0xFFFFD880  }
.LBB2_1:
0x37: {  	s0 =	simm.s32 $0x0;
	s10 =	simm.s32 $0x200  }
.LBB2_2:
0x38: {  	p1 =	sne.s32 s10, $0xFE00;
	[tilespmem:s0+$0x3D70] =	vst v0  }
0x39: {  	[tilespmem:s0+$0x3D00] =	vst v0  }
0x3a: {  	[tilespmem:s0+$0x3D10] =	vst v0  }
.Ltmp2:
0x3b: {  	[tilespmem:s0+$0x3D20] =	vst v0;
	(pc) =	sbr.rel @p1 .LBB2_2-.Ltmp2, $4  }
0x3c: {  	[tilespmem:s0+$0x3D30] =	vst v0  }
0x3d: {  	[tilespmem:s0+$0x3D40] =	vst v0  }
0x3e: {  	[tilespmem:s0+$0x3D50] =	vst v0  }
0x3f: {  	[tilespmem:s0+$0x3D60] =	vst v0;
	s0 =	sshra.s32 s10, $0x2;
	s10 =	sadd.s32 $0x200, s10  }
0x40: {  	[tilespmem:s0+$0x3D70] =	vst v0  }
0x41: {  	[tilespmem:s0+$0x3D00] =	vst v0  }
0x42: {  	[tilespmem:s0+$0x3D10] =	vst v0  }
0x43: {  	[tilespmem:s0+$0x3D20] =	vst v0  }
0x44: {  	[tilespmem:s0+$0x3D30] =	vst v0  }
0x45: {  	[tilespmem:s0+$0x3D40] =	vst v0  }
0x46: {  	[tilespmem:s0+$0x3D50] =	vst v0  }
0x47: {  	[tilespmem:s0+$0x3D60] =	vst v0  }
0x48: {  	[spmem:s7] =	stream.linear.scatter [tilespmem:s17], [sflag:$0x7], $0x4000, $0x38;
	[tilespmem:$0x1F900] =	vst v63  }
0x49: {  	_ =	swait.ge [sflag:s18], $0x4000  }
0x4a: {  	[sflag:s18] =	ssyncset.done $0x0  }
0x4b: {  	[sflag:s18] =	ssyncadd.s32 $0xFFFFC000  }
0x4c: {  	[spmem:s14] =	stream.linear.scatter [tilespmem:s17], [sflag:$0x7], $0x4000, $0x38;
	[tilespmem:$0x1F900] =	vst v63  }
0x4d: {  	_ =	swait.ge [sflag:s18], $0x4000  }
0x4e: {  	[sflag:s18] =	ssyncset.done $0x0  }
0x4f: {  	[sflag:s18] =	ssyncadd.s32 $0xFFFFC000  }
0x50: {  	[spmem:s15] =	stream.linear.scatter [tilespmem:s17], [sflag:$0x7], $0x4000, $0x38;
	[tilespmem:$0x1F900] =	vst v63  }
0x51: {  	_ =	swait.ge [sflag:s18], $0x4000  }
0x52: {  	[sflag:s18] =	ssyncset.done $0x0  }
0x53: {  	[sflag:s18] =	ssyncadd.s32 $0xFFFFC000  }
0x54: {  	[spmem:s16] =	stream.linear.scatter [tilespmem:s17], [sflag:$0x7], $0x4000, $0x38;
	[tilespmem:$0x1F900] =	vst v63  }
0x55: {  	_ =	swait.ge [sflag:s18], $0x4000  }
0x56: {  	[sflag:s18] =	ssyncset.done $0x0  }
0x57: {  	s31 =	rddreg [dreg:$0x3];
	[sflag:s18] =	ssyncadd.s32 $0xFFFFC000  }
0x58: {  	[spmem:s31] =	stream.linear.scatter [tilespmem:s17], [sflag:$0x7], $0x3C00, $0x38;
	[tilespmem:$0x1F900] =	vst v63  }
.Ltmp3:
0x59: {  	_ =	swait.ge [sflag:s18], $0x3C00;
	(pc) =	sbr.rel @!p0 .LBB2_4-.Ltmp3, $3  }
0x5a: {  	[sflag:s18] =	ssyncset.done $0x0  }
0x5b: {  	[sflag:s18] =	ssyncadd.s32 $0xFFFFC400  }
0x5c: {  	[bflag:$0x0] =	sbarrier.arrive $0xFFFF;
	_ =	sdelay $0x1  }
0x5d: {  	s7 =	smov.u32 s16  }
0x5e: {  	s16 =	smov.u32 s15;
	s15 =	smov.u32 s14;
	s14 =	smov.u32 s13  }
0x5f: {  	s13 =	smov.u32 s12;
	s0 =	simm.s32 $0x0;
	s2 =	rddreg [dreg:$0x5]  }
0x60: {  	[tilespmem:s0], [sflag:$0x7] =	stream.linear.gather [hbm4b:s2+s0], $0x1400, $0x38;
	[tilespmem:$0x1F900] =	vst v63  }
0x61: {  	s9 =	simm.s32 $0x3C80;
	s11 =	sand.u32 $0x1C00, s0;
	s0 =	sand.u32 $0x300, s0  }
0x62: {  	s12 =	sand.u32 $0x7C00, s9;
	s9 =	sand.u32 $0x380, s9;
	s2 =	sadd.s32 s11, s8  }
0x63: {  	_ =	swait.ge [sflag:s18], $0x1400;
	s0 =	sor.u32 s0, s2;
	s2 =	sadd.s32 s6, s12  }
0x64: {  	[sflag:s18] =	ssyncset.done $0x0;
	s0 =	sshrl.u32 s0, $0x3;
	s2 =	sor.u32 s9, s2  }
0x65: {  	[sflag:s18] =	ssyncadd.s32 $0xFFFFEC00;
	s0 =	sadd.s32 s5, s0;
	s2 =	sshrl.u32 s2, $0x3  }
0x66: {  	[tilespmem:s19], [sflag:$0x5] =	stream.linear.gather [hbm4b:s0+s3], $0x80, $0x38;
	[tilespmem:$0x1F900] =	vst v63  }
0x67: {  	s0 =	sadd.s32 s5, s2  }
0x68: {  	[tilespmem:s20], [sflag:$0x6] =	stream.linear.gather [hbm4b:s0+s3], $0x80, $0x38;
	[tilespmem:$0x1F900] =	vst v63  }
0x69: {  	s9 =	simm.s32 $0x0  }
0x6a: {  	[tilespmem:s17], [sflag:$0x1] =	stream.indirect.gather [hbm4b:s4+s21], $0x80, s9, s21, $0xb8;
	[tilespmem:$0x1F900] =	vst v63  }
0x6b: {  	s10 =	simm.s32 $0x80  }
0x6c: {  	[tilespmem:s22], [sflag:$0x2] =	stream.indirect.gather [hbm4b:s4+s21], $0x80, s10, s21, $0xb8;
	[tilespmem:$0x1F900] =	vst v63  }
0x6d: {  	_ =	swait.ge [sflag:s23], $0x80  }
0x6e: {  	[sflag:s23] =	ssyncset.done $0x0  }
0x6f: {  	[sflag:s23] =	ssyncadd.s32 $0xFFFFFF80  }
0x70: {  	_ =	swait.ge [sflag:s24], $0x4000  }
0x71: {  	[sflag:s24] =	ssyncset.done $0x0  }
0x72: {  	[sflag:s24] =	ssyncadd.s32 $0xFFFFC000  }
0x73: {  	[spmem:s1] =	stream.indirect.scatter.add.f32 [tilespmem:s17], [sflag:$0x3], $0x80, s19, s21, $0xb8;
	[tilespmem:$0x1F900] =	vst v63  }
0x74: {  	_ =	swait.ge [sflag:s25], $0x80  }
0x75: {  	[sflag:s25] =	ssyncset.done $0x0  }
0x76: {  	[sflag:s25] =	ssyncadd.s32 $0xFFFFFF80  }
0x77: {  	_ =	swait.ge [sflag:s26], $0x4000  }
0x78: {  	s11 =	simm.s32 $0x100;
	[sflag:s26] =	ssyncset.done $0x0  }
0x79: {  	s31 =	simm.s32 $0x180;
	s12 =	sand.u32 $0x1C00, s11;
	[sflag:s26] =	ssyncadd.s32 $0xFFFFC000  }
0x7a: {  	[spmem:s1] =	stream.indirect.scatter.add.f32 [tilespmem:s22], [sflag:$0x4], $0x80, s20, s21, $0xb8;
	[tilespmem:$0x1F900] =	vst v63  }
0x7b: {  	s2 =	sand.u32 $0x300, s11;
	s0 =	simm.s32 $0x3D80;
	_ =	swait.ge [sflag:s28], $0x4000  }
0x7c: {  	s11 =	sand.u32 $0x7C00, s0;
	s9 =	sadd.s32 s12, s8;
	[sflag:s28] =	ssyncset.done $0x0  }
0x7d: {  	s2 =	sor.u32 s2, s9;
	s10 =	simm.s32 $0x200;
	[sflag:s28] =	ssyncadd.s32 $0xFFFFC000  }
.LBB2_8:
0x7e: {  	s2 =	sshrl.u32 s2, $0x3  }
0x7f: {  	s9 =	sadd.s32 s6, s11;
	_ =	swait.ge [sflag:s29], $0x4000;
	s11 =	smov.u32 s10  }
0x80: {  	s0 =	sand.u32 $0x380, s0;
	s2 =	sadd.s32 s5, s2;
	[sflag:s29] =	ssyncset.done $0x0  }
0x81: {  	s12 =	sadd.s32 $0x100, s10;
	s0 =	sor.u32 s0, s9;
	[sflag:s29] =	ssyncadd.s32 $0xFFFFC000  }
0x82: {  	[tilespmem:s19], [sflag:$0x5] =	stream.linear.gather [hbm4b:s2+s3], $0x80, $0x38;
	[tilespmem:$0x1F900] =	vst v63  }
0x83: {  	p1 =	sne.s32 s10, $0x1300;
	s0 =	sshrl.u32 s0, $0x3  }
0x84: {  	s0 =	sadd.s32 s5, s0;
	s2 =	sadd.s32 $0xFFFFFF80, s31  }
0x85: {  	[tilespmem:s20], [sflag:$0x6] =	stream.linear.gather [hbm4b:s0+s3], $0x80, $0x38;
	[tilespmem:$0x1F900] =	vst v63  }
0x86: {  	_ = 	snop  }
0x87: {  	[tilespmem:s17], [sflag:$0x1] =	stream.indirect.gather [hbm4b:s4+s21], $0x80, s2, s21, $0xb8;
	[tilespmem:$0x1F900] =	vst v63  }
0x88: {  	_ = 	snop  }
0x89: {  	[tilespmem:s22], [sflag:$0x2] =	stream.indirect.gather [hbm4b:s4+s21], $0x80, s31, s21, $0xb8;
	[tilespmem:$0x1F900] =	vst v63  }
0x8a: {  	_ =	swait.ge [sflag:s23], $0x80  }
0x8b: {  	[sflag:s23] =	ssyncset.done $0x0  }
0x8c: {  	[sflag:s23] =	ssyncadd.s32 $0xFFFFFF80  }
0x8d: {  	_ =	swait.ge [sflag:s24], $0x4000  }
0x8e: {  	[sflag:s24] =	ssyncset.done $0x0  }
0x8f: {  	[sflag:s24] =	ssyncadd.s32 $0xFFFFC000  }
0x90: {  	[spmem:s1] =	stream.indirect.scatter.add.f32 [tilespmem:s17], [sflag:$0x3], $0x80, s19, s21, $0xb8;
	[tilespmem:$0x1F900] =	vst v63  }
0x91: {  	_ =	swait.ge [sflag:s25], $0x80  }
0x92: {  	[sflag:s25] =	ssyncset.done $0x0  }
0x93: {  	[sflag:s25] =	ssyncadd.s32 $0xFFFFFF80  }
0x94: {  	_ =	swait.ge [sflag:s26], $0x4000  }
0x95: {  	s9 =	sand.u32 $0x300, s11;
	[sflag:s26] =	ssyncset.done $0x0  }
.Ltmp4:
0x96: {  	s31 =	sadd.s32 $0x100, s31;
	[sflag:s26] =	ssyncadd.s32 $0xFFFFC000;
	(pc) =	sbr.rel @p1 .LBB2_8-.Ltmp4, $4  }
0x97: {  	[spmem:s1] =	stream.indirect.scatter.add.f32 [tilespmem:s22], [sflag:$0x4], $0x80, s20, s21, $0xb8;
	[tilespmem:$0x1F900] =	vst v63  }
0x98: {  	s0 =	sadd.s32 $0x3C80, s11;
	s2 =	sand.u32 $0x1C00, s11;
	_ =	swait.ge [sflag:s28], $0x4000  }
0x99: {  	s10 =	smov.u32 s12;
	s2 =	sadd.s32 s2, s8;
	[sflag:s28] =	ssyncset.done $0x0  }
0x9a: {  	s11 =	sand.u32 $0x7C00, s0;
	s2 =	sor.u32 s9, s2;
	[sflag:s28] =	ssyncadd.s32 $0xFFFFC000  }
0x9b: {  	_ =	swait.ge [sflag:s29], $0x4000;
	s9 =	sadd.s32 s6, s11;
	s0 =	sand.u32 $0x380, s0  }
0x9c: {  	s2 =	sshrl.u32 s2, $0x3;
	[sflag:s29] =	ssyncset.done $0x0;
	s0 =	sor.u32 s0, s9  }
0x9d: {  	s2 =	sadd.s32 s5, s2;
	[sflag:s29] =	ssyncadd.s32 $0xFFFFC000;
	s0 =	sshrl.u32 s0, $0x3  }
0x9e: {  	[tilespmem:s19], [sflag:$0x5] =	stream.linear.gather [hbm4b:s2+s3], $0x80, $0x38;
	[tilespmem:$0x1F900] =	vst v63  }
0x9f: {  	s0 =	sadd.s32 s5, s0  }
0xa0: {  	[tilespmem:s20], [sflag:$0x6] =	stream.linear.gather [hbm4b:s0+s3], $0x80, $0x38;
	[tilespmem:$0x1F900] =	vst v63  }
0xa1: {  	s12 =	sadd.s32 $0xFFFFFF80, s31  }
0xa2: {  	[tilespmem:s17], [sflag:$0x1] =	stream.indirect.gather [hbm4b:s4+s21], $0x80, s12, s21, $0xb8;
	[tilespmem:$0x1F900] =	vst v63  }
0xa3: {  	_ = 	snop  }
0xa4: {  	[tilespmem:s22], [sflag:$0x2] =	stream.indirect.gather [hbm4b:s4+s21], $0x80, s31, s21, $0xb8;
	[tilespmem:$0x1F900] =	vst v63  }
0xa5: {  	_ =	swait.ge [sflag:s23], $0x80  }
0xa6: {  	[sflag:s23] =	ssyncset.done $0x0  }
0xa7: {  	[sflag:s23] =	ssyncadd.s32 $0xFFFFFF80  }
0xa8: {  	_ =	swait.ge [sflag:s24], $0x4000  }
0xa9: {  	[sflag:s24] =	ssyncset.done $0x0  }
0xaa: {  	[sflag:s24] =	ssyncadd.s32 $0xFFFFC000  }
0xab: {  	[spmem:s1] =	stream.indirect.scatter.add.f32 [tilespmem:s17], [sflag:$0x3], $0x80, s19, s21, $0xb8;
	[tilespmem:$0x1F900] =	vst v63  }
0xac: {  	_ =	swait.ge [sflag:s25], $0x80  }
0xad: {  	[sflag:s25] =	ssyncset.done $0x0  }
0xae: {  	[sflag:s25] =	ssyncadd.s32 $0xFFFFFF80  }
0xaf: {  	_ =	swait.ge [sflag:s26], $0x4000  }
0xb0: {  	[sflag:s26] =	ssyncset.done $0x0  }
0xb1: {  	[sflag:s26] =	ssyncadd.s32 $0xFFFFC000  }
0xb2: {  	[spmem:s1] =	stream.indirect.scatter.add.f32 [tilespmem:s22], [sflag:$0x4], $0x80, s20, s21, $0xb8;
	[tilespmem:$0x1F900] =	vst v63  }
0xb3: {  	_ =	swait.ge [sflag:s28], $0x4000  }
.Ltmp5:
0xb4: {  	[sflag:s28] =	ssyncset.done $0x0;
	(pc) =	sbr.rel .LBB2_10-.Ltmp5, $4  }
0xb5: {  	[sflag:s28] =	ssyncadd.s32 $0xFFFFC000  }
0xb6: {  	s12 =	smov.u32 s13;
	s13 =	smov.u32 s14;
	_ =	swait.ge [sflag:s29], $0x4000  }
0xb7: {  	s14 =	smov.u32 s15;
	s15 =	smov.u32 s16;
	[sflag:s29] =	ssyncset.done $0x0  }
0xb8: {  	s16 =	smov.u32 s7;
	s7 =	rddreg [dreg:$0x6];
	[sflag:s29] =	ssyncadd.s32 $0xFFFFC000  }
.LBB2_4:
0xb9: {  	s0 =	simm.s32 $0x0;
	s2 =	rddreg [dreg:$0x4];
	s9 =	simm.s32 $0x0  }
0xba: {  	[tilespmem:s0], [sflag:$0x7] =	stream.linear.gather [hbm4b:s2+s0], $0x3C00, $0x38;
	[tilespmem:$0x1F900] =	vst v63  }
0xbb: {  	s10 =	sand.u32 $0x3C00, s9  }
0xbc: {  	s11 =	simm.s32 $0x80;
	s2 =	sand.u32 $0x300, s9;
	s10 =	sadd.s32 s6, s10  }
0xbd: {  	s11 =	sand.u32 $0x380, s11;
	_ =	swait.ge [sflag:s18], $0x3C00;
	s2 =	sor.u32 s2, s10  }
0xbe: {  	[sflag:s18] =	ssyncset.done $0x0;
	s10 =	sor.u32 s10, s11;
	s2 =	sshrl.u32 s2, $0x3  }
0xbf: {  	[sflag:s18] =	ssyncadd.s32 $0xFFFFC400;
	s10 =	sshrl.u32 s10, $0x3;
	s2 =	sadd.s32 s5, s2  }
0xc0: {  	[tilespmem:s19], [sflag:$0x5] =	stream.linear.gather [hbm4b:s2+s3], $0x80, $0x38;
	[tilespmem:$0x1F900] =	vst v63  }
0xc1: {  	s9 =	sadd.s32 s5, s10  }
0xc2: {  	[tilespmem:s20], [sflag:$0x6] =	stream.linear.gather [hbm4b:s9+s3], $0x80, $0x38;
	[tilespmem:$0x1F900] =	vst v63  }
0xc3: {  	_ = 	snop  }
0xc4: {  	[tilespmem:s17], [sflag:$0x1] =	stream.indirect.gather [hbm4b:s4+s21], $0x80, s0, s21, $0xb8;
	[tilespmem:$0x1F900] =	vst v63  }
0xc5: {  	s10 =	simm.s32 $0x80  }
0xc6: {  	[tilespmem:s22], [sflag:$0x2] =	stream.indirect.gather [hbm4b:s4+s21], $0x80, s10, s21, $0xb8;
	[tilespmem:$0x1F900] =	vst v63  }
0xc7: {  	_ =	swait.ge [sflag:s23], $0x80  }
0xc8: {  	[sflag:s23] =	ssyncset.done $0x0  }
0xc9: {  	[sflag:s23] =	ssyncadd.s32 $0xFFFFFF80  }
0xca: {  	_ =	swait.ge [sflag:s24], $0x4000  }
0xcb: {  	[sflag:s24] =	ssyncset.done $0x0  }
0xcc: {  	[sflag:s24] =	ssyncadd.s32 $0xFFFFC000  }
0xcd: {  	[spmem:s1] =	stream.indirect.scatter.add.f32 [tilespmem:s17], [sflag:$0x3], $0x80, s19, s21, $0xb8;
	[tilespmem:$0x1F900] =	vst v63  }
0xce: {  	_ =	swait.ge [sflag:s25], $0x80  }
0xcf: {  	[sflag:s25] =	ssyncset.done $0x0  }
0xd0: {  	[sflag:s25] =	ssyncadd.s32 $0xFFFFFF80  }
0xd1: {  	_ =	swait.ge [sflag:s26], $0x4000  }
0xd2: {  	[sflag:s26] =	ssyncset.done $0x0  }
0xd3: {  	s11 =	simm.s32 $0x180;
	s2 =	simm.s32 $0x100;
	[sflag:s26] =	ssyncadd.s32 $0xFFFFC000  }
0xd4: {  	[spmem:s1] =	stream.indirect.scatter.add.f32 [tilespmem:s22], [sflag:$0x4], $0x80, s20, s21, $0xb8;
	[tilespmem:$0x1F900] =	vst v63  }
0xd5: {  	s9 =	sand.u32 $0x3C00, s2;
	s2 =	sand.u32 $0x300, s2;
	_ =	swait.ge [sflag:s28], $0x4000  }
0xd6: {  	s0 =	sand.u32 $0x380, s11;
	s11 =	sadd.s32 s6, s9;
	[sflag:s28] =	ssyncset.done $0x0  }
0xd7: {  	s31 =	simm.s32 $0x100;
	s2 =	sor.u32 s2, s11;
	[sflag:s28] =	ssyncadd.s32 $0xFFFFC000  }
0xd8: {  	s0 =	sor.u32 s11, s0;
	s10 =	simm.s32 $0x280;
	_ =	swait.ge [sflag:s29], $0x4000  }
0xd9: {  	s2 =	sshrl.u32 s2, $0x3;
	s11 =	sshrl.u32 s0, $0x3;
	[sflag:s29] =	ssyncset.done $0x0  }
.LBB2_5:
0xda: {  	s2 =	sadd.s32 s5, s2  }
0xdb: {  	[sflag:s29] =	ssyncadd.s32 $0xFFFFC000;
	s9 =	smov.u32 s10;
	s0 =	sadd.s32 $0x100, s10  }
0xdc: {  	[tilespmem:s19], [sflag:$0x5] =	stream.linear.gather [hbm4b:s2+s3], $0x80, $0x38;
	[tilespmem:$0x1F900] =	vst v63  }
0xdd: {  	p1 =	seq.s32 s10, $0x3B80;
	s2 =	sadd.s32 s5, s11  }
0xde: {  	[tilespmem:s20], [sflag:$0x6] =	stream.linear.gather [hbm4b:s2+s3], $0x80, $0x38;
	[tilespmem:$0x1F900] =	vst v63  }
0xdf: {  	_ = 	snop  }
0xe0: {  	[tilespmem:s17], [sflag:$0x1] =	stream.indirect.gather [hbm4b:s4+s21], $0x80, s31, s21, $0xb8;
	[tilespmem:$0x1F900] =	vst v63  }
0xe1: {  	s2 =	sadd.s32 $0x80, s31  }
0xe2: {  	[tilespmem:s22], [sflag:$0x2] =	stream.indirect.gather [hbm4b:s4+s21], $0x80, s2, s21, $0xb8;
	[tilespmem:$0x1F900] =	vst v63  }
0xe3: {  	_ =	swait.ge [sflag:s23], $0x80  }
0xe4: {  	[sflag:s23] =	ssyncset.done $0x0  }
0xe5: {  	[sflag:s23] =	ssyncadd.s32 $0xFFFFFF80  }
0xe6: {  	_ =	swait.ge [sflag:s24], $0x4000  }
0xe7: {  	[sflag:s24] =	ssyncset.done $0x0  }
0xe8: {  	[sflag:s24] =	ssyncadd.s32 $0xFFFFC000  }
0xe9: {  	[spmem:s1] =	stream.indirect.scatter.add.f32 [tilespmem:s17], [sflag:$0x3], $0x80, s19, s21, $0xb8;
	[tilespmem:$0x1F900] =	vst v63  }
0xea: {  	_ =	swait.ge [sflag:s25], $0x80  }
0xeb: {  	[sflag:s25] =	ssyncset.done $0x0  }
0xec: {  	[sflag:s25] =	ssyncadd.s32 $0xFFFFFF80  }
0xed: {  	_ =	swait.ge [sflag:s26], $0x4000  }
0xee: {  	s31 =	sadd.s32 $0x100, s31;
	[sflag:s26] =	ssyncset.done $0x0  }
0xef: {  	s2 =	sadd.s32 $0xFFFFFF80, s9;
	s9 =	sand.u32 $0x380, s9;
	[sflag:s26] =	ssyncadd.s32 $0xFFFFC000  }
0xf0: {  	[spmem:s1] =	stream.indirect.scatter.add.f32 [tilespmem:s22], [sflag:$0x4], $0x80, s20, s21, $0xb8;
	[tilespmem:$0x1F900] =	vst v63  }
.Ltmp6:
0xf1: {  	s10 =	sand.u32 $0x3C00, s2;
	_ =	swait.ge [sflag:s28], $0x4000;
	(pc) =	sbr.rel @!p1 .LBB2_5-.Ltmp6, $4  }
0xf2: {  	s2 =	sand.u32 $0x300, s2;
	s10 =	sadd.s32 s6, s10;
	[sflag:s28] =	ssyncset.done $0x0  }
0xf3: {  	s2 =	sor.u32 s2, s10;
	[sflag:s28] =	ssyncadd.s32 $0xFFFFC000  }
0xf4: {  	s9 =	sor.u32 s10, s9;
	s10 =	smov.u32 s0;
	_ =	swait.ge [sflag:s29], $0x4000  }
0xf5: {  	s2 =	sshrl.u32 s2, $0x3;
	s11 =	sshrl.u32 s9, $0x3;
	[sflag:s29] =	ssyncset.done $0x0  }
.Ltmp7:
0xf6: {  	_ = 	snop;
	(pc) =	sbr.rel .LBB2_6-.Ltmp7, $1  }
0xf7: {  	_ =	sdelay $0x3  }
.LBB2_11:
0xf8: {  	_ =	sfence.sel $0x180000  }
0xf9: {  	[bflag:$0x0] =	sbarrier.arrive $0xFFFF  }
0xfa: {  	_ =	strace $0x9000004D  }
0xfb: {  	s0 =	stileid.u32;
	[bflag:$0x2] =	sbarrier.arrive $0xFFFF  }
0xfc: {  	p0 =	sne.s32 s0, $0x0;
	s0 =	rddreg [dreg:$0x2]  }
0xfd: {  	s0 =	sadd.s32 @!p0 $0x100000, s0  }
0xfe: {  	[sflag:s0] =	ssyncadd.tile.s32 @!p0 $0x1;
	_ =	shalt  }
.Lfunc_end2:
_tile_overlayer_lowered:
.L_overlay_start_2:
0xff: {  	(tag) =	ssettag $0x2  }
0x100: {  	s0 =	rddreg [dreg:$0x0];
	s2 =	stileid.u32  }
0x101: {  	s1 =	rddreg [dreg:$0x1];
	p0 =	sne.s32 s2, $0x0  }
0x102: {  	s3 =	rddreg [dreg:$0x2];
	[bflag:$0x3] =	sbarrier.arrive $0xFFFF;
	s2 =	simm.s32 @!p0 $0x1C07  }
0x103: {  	[timem:s3], [sflag:s2] =	dma.local @!p0 [hbm:s0], s1  }
0x104: {  	s0 =	simm.s32 @!p0 $0x7  }
0x105: {  	_ =	swait.ge @!p0 [sflag:s0], s1  }
0x106: {  	s1 =	ssub.s32 @!p0 $0x0, s1;
	[sflag:s0] =	ssyncset.done @!p0 $0x0  }
0x107: {  	[sflag:s0] =	ssyncadd.s32 @!p0 s1  }
0x108: {  	[bflag:$0x3] =	sbarrier.arrive $0xFFFF  }
0x109: {  	_ =	shalt  }

// kernel: kernel.20.cloned.1.call-start
scs
__scs_entry_jumppad:
0x0: {  	(pc) =	sbr.rel $0x88, $3  }
0x1: {  	(tag) =	ssettag $0x0;
	lr =	simm.s32 $0x1  }
0x2: {  	[smem:$0x3F96] =	sst lr;
	_ =	strace $0xD0000000  }
0x3: {  	_ = 	snop  }
0x4: {  	_ = 	snop  }
0x5: {  	_ = 	snop  }
0x6: {  	_ = 	snop  }
0x7: {  	_ = 	snop  }
__scs_overlays_trampoline_lowered:
0x8: {  	[smem:$0x3FA5] =	sst s0  }
0x9: {  	[smem:$0x3FA6] =	sst s1  }
0xa: {  	[smem:$0x3FA7] =	sst s2  }
0xb: {  	[smem:$0x3FA8] =	sst s3  }
0xc: {  	[smem:$0x3FA9] =	sst s4  }
0xd: {  	[smem:$0x3FAA] =	sst s5  }
0xe: {  	[smem:$0x3FAB] =	sst s6  }
0xf: {  	[smem:$0x3FAC] =	sst s7  }
0x10: {  	[smem:$0x3FAD] =	sst s8  }
0x11: {  	[smem:$0x3FAE] =	sst s9;
	s0 =	simm.s32 @!p0 $0x0  }
0x12: {  	s1 =	sld [smem:$0x3F94];
	s0 =	simm.s32 @p0 $0x1  }
0x13: {  	[smem:$0x3FAF] =	sst s0;
	s0 =	simm.s32 @!p1 $0x0  }
0x14: {  	s2 =	sld [smem:$0x3F93];
	s0 =	simm.s32 @p1 $0x1  }
0x15: {  	[smem:$0x3FB0] =	sst s0;
	s0 =	simm.s32 @!p2 $0x0  }
0x16: {  	s3 =	sld [smem:$0x3FDB];
	s0 =	simm.s32 @p2 $0x1  }
0x17: {  	s4 =	simm.s32 $0x1BF5;
	[smem:$0x3FB2] =	sst s0  }
0x18: {  	s0 =	sld [smem:$0x3F95];
	_ =	swait.ge [sflag:s4], $0x0  }
0x19: {  	s7 =	sld [smem:$0x3F96]  }
0x1a: {  	s8 =	sadd.s32 $0xFFFFE003, lr  }
0x1b: {  	s9 =	sadd.s32 $0xFFFFFEF7, lr;
	s5 =	simm.s32 $0xFFFFFFFF;
	p2 =	slt.u32 s8, $0xFFFFF086  }
0x1c: {  	p1 =	slt.u32 s9, $0xF7A;
	s5 =	simm.s32 @!p2 $0x0  }
0x1d: {  	s5 =	simm.s32 @p1 $0x1;
	p0 =	seq.s32 s7, s2  }
0x1e: {  	s7 =	smul.u32 @!p0 $0xF7A, s2;
	p2 =	seq.s32 @!p0 s5, $0x0  }
0x1f: {  	s9 =	smul.u32 $0xF7A, s1;
	s8 =	simm.s32 @!p0 $0x1BF5;
	p2 =	por !p2, p0  }
0x20: {  	[sflag:s8] =	ssyncset.s32 @!p0 $0xFFFFF086;
	s6 =	sadd.s32 @!p0 s3, s7;
	s7 =	simm.s32 @!p0 $0x108  }
0x21: {  	s3 =	sadd.s32 s3, s9;
	s6 =	sadd.s32 @!p0 $0x88, s6;
	s7 =	simm.s32 @p2 $0x1082  }
0x22: {  	[simem:s7], [sflag:s8] =	dma.local @!p0 [hbm:s6], $0xF7A  }
0x23: {  	s9 =	sor.u32 $0xD0000000, s2;
	s6 =	simm.s32 $0x108;
	_ =	swait.ge @!p0 [sflag:s8], $0x0  }
0x24: {  	s3 =	sadd.s32 $0x88, s3;
	s6 =	simm.s32 @!p1 $0x1082;
	[sflag:s4] =	ssyncset.s32 $0xFFFFF086  }
0x25: {  	[simem:s6], [sflag:s4] =	dma.local [hbm:s3], $0xF7A  }
0x26: {  	[smem:$0x3F96] =	sst s1;
	(tag) =	ssettag s2;
	_ =	strace s9  }
0x27: {  	s1 =	sld [smem:$0x3FA6]  }
0x28: {  	s2 =	sld [smem:$0x3FA7]  }
0x29: {  	s4 =	sld [smem:$0x3FA9]  }
0x2a: {  	p0 =	seq.s32 s5, $0x0;
	s5 =	sld [smem:$0x3FAA]  }
0x2b: {  	s6 =	sld [smem:$0x3FAB]  }
0x2c: {  	s7 =	sld [smem:$0x3FAC]  }
0x2d: {  	s3 =	simm.s32 $0x108;
	s8 =	sld [smem:$0x3FAD]  }
0x2e: {  	s3 =	simm.s32 @!p0 $0x1082;
	s9 =	sld [smem:$0x3FAE]  }
0x2f: {  	lr =	sadd.s32 s0, s3;
	s0 =	sld [smem:$0x3FA5]  }
0x30: {  	s3 =	sld [smem:$0x3FA8]  }
0x31: {  	[smem:$0x3FB1] =	sst s10  }
0x32: {  	s10 =	sld [smem:$0x3FAF];
	_ =	sdelay $0x3  }
0x33: {  	p0 =	seq.s32 s10, $0x1;
	s10 =	sld [smem:$0x3FB1];
	_ =	sdelay $0x3  }
0x34: {  	[smem:$0x3FB1] =	sst s10  }
0x35: {  	s10 =	sld [smem:$0x3FB0];
	_ =	sdelay $0x3  }
0x36: {  	p1 =	seq.s32 s10, $0x1;
	s10 =	sld [smem:$0x3FB1];
	_ =	sdelay $0x3  }
0x37: {  	[smem:$0x3FB1] =	sst s10  }
0x38: {  	s10 =	sld [smem:$0x3FB2]  }
0x39: {  	_ = 	snop;
	(pc) =	sbr.ind lr, $3  }
0x3a: {  	_ = 	snop  }
0x3b: {  	_ = 	snop  }
0x3c: {  	p2 =	seq.s32 s10, $0x1;
	s10 =	sld [smem:$0x3FB1]  }
0x3d: {  	_ =	shalt  }
0x3e: {  	_ =	shalt  }
0x3f: {  	_ =	shalt  }
0x40: {  	_ =	shalt  }
0x41: {  	_ =	shalt  }
0x42: {  	_ =	shalt  }
0x43: {  	_ =	shalt  }
0x44: {  	_ =	shalt  }
0x45: {  	_ =	shalt  }
0x46: {  	_ =	shalt  }
0x47: {  	_ =	shalt  }
0x48: {  	_ =	shalt  }
0x49: {  	_ =	shalt  }
0x4a: {  	_ =	shalt  }
0x4b: {  	_ =	shalt  }
0x4c: {  	_ =	shalt  }
0x4d: {  	_ =	shalt  }
0x4e: {  	_ =	shalt  }
0x4f: {  	_ =	shalt  }
0x50: {  	_ =	shalt  }
0x51: {  	_ =	shalt  }
0x52: {  	_ =	shalt  }
0x53: {  	_ =	shalt  }
0x54: {  	_ =	shalt  }
0x55: {  	_ =	shalt  }
0x56: {  	_ =	shalt  }
0x57: {  	_ =	shalt  }
0x58: {  	_ =	shalt  }
0x59: {  	_ =	shalt  }
0x5a: {  	_ =	shalt  }
0x5b: {  	_ =	shalt  }
0x5c: {  	_ =	shalt  }
0x5d: {  	_ =	shalt  }
0x5e: {  	_ =	shalt  }
0x5f: {  	_ =	shalt  }
0x60: {  	_ =	shalt  }
0x61: {  	_ =	shalt  }
0x62: {  	_ =	shalt  }
0x63: {  	_ =	shalt  }
0x64: {  	_ =	shalt  }
0x65: {  	_ =	shalt  }
0x66: {  	_ =	shalt  }
0x67: {  	_ =	shalt  }
0x68: {  	_ =	shalt  }
0x69: {  	_ =	shalt  }
0x6a: {  	_ =	shalt  }
0x6b: {  	_ =	shalt  }
0x6c: {  	_ =	shalt  }
0x6d: {  	_ =	shalt  }
0x6e: {  	_ =	shalt  }
0x6f: {  	_ =	shalt  }
0x70: {  	_ =	shalt  }
0x71: {  	_ =	shalt  }
0x72: {  	_ =	shalt  }
0x73: {  	_ =	shalt  }
0x74: {  	_ =	shalt  }
0x75: {  	_ =	shalt  }
0x76: {  	_ =	shalt  }
0x77: {  	_ =	shalt  }
0x78: {  	_ =	shalt  }
0x79: {  	_ =	shalt  }
0x7a: {  	_ =	shalt  }
0x7b: {  	_ =	shalt  }
0x7c: {  	_ =	shalt  }
0x7d: {  	_ =	shalt  }
0x7e: {  	_ =	shalt  }
0x7f: {  	_ =	shalt  }
0x80: {  	_ =	shalt  }
0x81: {  	_ =	shalt  }
0x82: {  	_ =	shalt  }
0x83: {  	_ =	shalt  }
0x84: {  	_ =	shalt  }
0x85: {  	_ =	shalt  }
0x86: {  	_ =	shalt  }
0x87: {  	_ =	shalt  }
.Lfunc_end0:
.L_simem_size_0:
called_computation.3_lowered:
.L_overlay_start_0:
0x88: {  	s2 =	sld [smem:$0x3FD9]  }
0x89: {  	s3 =	sld [smem:$0x3FFE];
	_ =	sdelay $0x1  }
0x8a: {  	s1 =	srdreg.scid  }
0x8b: {  	s0 =	sand.u32 $0x1, s1  }
0x8c: {  	s16 =	sshll.u32 s0, $0xA;
	s2 =	sadd.s32 s3, s2  }
0x8d: {  	s2 =	sadd.s32 s2, s16  }
0x8e: {  	[smem:$0x3FBD] =	sst s2  }
0x8f: {  	_ = 	snop  }
0x90: {  	(tm) =	ssettm $0x1  }
0x91: {  	s17 =	sld [smem:$0x3FFB];
	_ =	sdelay $0x3  }
0x92: {  	_ =	strace s17  }
0x93: {  	s2 =	sld [smem:$0x3FFC];
	_ =	sdelay $0x3  }
0x94: {  	_ =	strace s2  }
0x95: {  	s2 =	sld [smem:$0x3FFD];
	_ =	sdelay $0x3  }
0x96: {  	_ =	strace s2  }
0x97: {  	_ =	strace $0x8FFFFFFF  }
0x98: {  	s18 =	sld [smem:$0x3FDB];
	_ =	sdelay $0x1  }
0x99: {  	s19 =	simm.s32 $_scs_section_size  }
0x9a: {  	s4 =	simm.s32 $_size__tile_overlayer_lowered;
	s5 =	simm.s32 $_tile_overlayer_lowered  }
0x9b: {  	s22 =	simm.s32 $0x1BFF;
	s21 =	sshll.u32 s5, $0x1;
	s2 =	sadd.s32 s19, s18  }
0x9c: {  	s6 =	simm.s32 $0x0;
	s20 =	sshll.u32 s4, $0x1;
	s4 =	sadd.s32 s21, s2  }
0x9d: {  	[timem:s6], [sflag:s22] =	dma.local [hbm:s4], s20  }
0x9e: {  	_ =	swait.ge [sflag:s22], s20  }
0x9f: {  	s3 =	ssub.s32 $0x0, s20;
	[sflag:s22] =	ssyncset.done $0x0  }
0xa0: {  	[sflag:s22] =	ssyncadd.s32 s3;
	_ =	sdelay $0x1  }
0xa1: {  	s23 =	simm.s32 $0x1B8B  }
0xa2: {  	_ =	swait.ge [sflag:s23], $0x1  }
0xa3: {  	[sflag:s23] =	ssyncset.done $0x0  }
0xa4: {  	s25 =	simm.s32 $0x1B8E;
	s24 =	sld [smem:$0x3FFE];
	[sflag:s23] =	ssyncadd.s32 $0xFFFFFFFF  }
0xa5: {  	s26 =	simm.s32 $execute0_lowered;
	[smem:$0x3FD2] =	sst s25  }
0xa6: {  	s4 =	sshll.u32 s26, $0x1;
	_ =	strace $0x8000004F;
	[dreg:$0x1] =	wrdreg $0xFFFFFFFF  }
0xa7: {  	s28 =	simm.s32 $_size_execute0_lowered;
	s2 =	sadd.s32 s2, s4;
	[dreg:$0x0] =	wrdreg $0x0  }
0xa8: {  	s4 =	sshll.u32 s28, $0x1;
	[dreg:$0x2] =	wrdreg s2  }
0xa9: {  	[dreg:$0x3] =	wrdreg s4  }
0xaa: {  	[dreg:$0x4] =	wrdreg $0xC0  }
0xab: {  	_ =	task [dreg:s6], $0x5FFFF  }
0xac: {  	[dreg:$0x1] =	wrdreg $0xFFFFFFFF  }
0xad: {  	[dreg:$0x0] =	wrdreg $0x60  }
0xae: {  	[dreg:$0x2] =	wrdreg s24  }
0xaf: {  	[dreg:$0x3] =	wrdreg $0xBD000  }
0xb0: {  	[dreg:$0x4] =	wrdreg $0x9  }
0xb1: {  	_ =	task.clear_ibuf [dreg:s6], $0x5FFFF;
	_ =	strace $0x9000004F  }
0xb2: {  	s29 =	simm.s32 $0x9;
	_ =	strace $0x80000051  }
0xb3: {  	_ =	swait.ge [sflag:s29], $0x1  }
0xb4: {  	[sflag:s29] =	ssyncadd.s32 $0xFFFFFFFF  }
0xb5: {  	_ =	strace $0x90000051  }
0xb6: {  	_ =	sfence  }
0xb7: {  	s30 =	sld [smem:$0x0];
	_ =	sdelay $0x2  }
0xb8: {  	s31 =	sshll.u32 s1, $0xD;
	s1 =	sshrl.u32 s1, $0x2  }
0xb9: {  	s3 =	sand.u32 $0x4000, s31;
	s1 =	sadd.s32 s1, s30  }
0xba: {  	s0 =	sor.u32 s3, s0;
	s1 =	sshll.u32 s1, $0x11  }
0xbb: {  	s0 =	sor.u32 s1, s0  }
0xbc: {  	s0 =	sadd.s32 $0x8F2B, s0  }
0xbd: {  	[sflag:s0] =	ssyncadd.remote.s32 $0x1  }
0xbe: {  	_ =	sfence.sel $0xFFFF  }
0xbf: {  	[dreg:$0x0] =	wrdreg $0xFFFFFFFF;
	(pc) =	sbr.abs _section_cstart, $3  }
0xc0: {  	[dreg:$0x1] =	wrdreg $0xFFFFFFFF  }
0xc1: {  	_ =	task.clear_ibuf [dreg:s6], $0x2FFFF;
	_ =	strace $0x9FFFFFFF  }
0xc2: {  	(tm) =	ssettm $0x7FFFFFFF  }
0xc3: {  	_ =	shalt  }
tec
execute0_lowered:
.L_overlay_start_1:
0x0: {  	(tag) =	ssettag $0x1  }
0x1: {  	s0 =	rddreg [dreg:$0x0]  }
0x2: {  	s1 =	rddreg [dreg:$0x1]  }
0x3: {  	s2 =	srdreg.scid;
	s3 =	simm.s32 $0x0;
	s11 =	stileid.u32  }
0x4: {  	s17 =	simm.s32 $0x3D00;
	s18 =	simm.s32 $0x7;
	s19 =	simm.s32 $0x3C00  }
0x5: {  	s20 =	simm.s32 $0x3C80;
	s21 =	simm.s32 $0x80;
	s28 =	simm.s32 $0x3  }
0x6: {  	s29 =	simm.s32 $0x4;
	s30 =	simm.s32 $0x0;
	s2 =	sand.u32 $0x1, s2  }
0x7: {  	[smem:$0x7FF] =	sst s3;
	s7 =	smul.u32 $0x13C00, s11;
	s4 =	sadd.s32 $0xD000, s0  }
0x8: {  	s10 =	sadd.s32 $0x5C000, s0;
	s5 =	sadd.s32 $0x3000, s0;
	s6 =	smul.u32 $0x13C000, s2  }
0x9: {  	s22 =	smul.u32 $0x4F000, s11;
	_ =	strace $0x80000050;
	s9 =	ssub.s32 $0x2, s2  }
0xa: {  	p0 =	seq.s32 s2, $0x1;
	s23 =	sshrl.u32 s9, $0x1;
	s6 =	sadd.s32 s7, s6  }
0xb: {  	s7 =	sshrl.u32 s22, $0x2;
	s24 =	ssub.s32 s9, s23;
	s22 =	simm.s32 $0x7D00  }
0xc: {  	s23 =	simm.s32 $0x5;
	s8 =	sshrl.u32 s6, $0x3;
	s7 =	sadd.s32 s7, s1  }
0xd: {  	s6 =	smul.u32 $0x5000, s11;
	s0 =	sadd.s32 s8, s0;
	s25 =	sadd.s32 $0x10000, s7  }
0xe: {  	s14 =	sadd.s32 $0x4000, s7;
	s15 =	sadd.s32 $0x8000, s7;
	s16 =	sadd.s32 $0xC000, s7  }
.Ltmp0:
0xf: {  	[dreg:$0x6] =	wrdreg s7;
	s8 =	sadd.s32 $0x3C00, s6;
	(pc) =	sbr.rel .LBB2_1-.Ltmp0, $4  }
0x10: {  	[dreg:$0x3] =	wrdreg s25;
	s12 =	sshrl.u32 s6, $0x3;
	s25 =	simm.s32 $0x6  }
0x11: {  	s13 =	sshrl.u32 s8, $0x3;
	s26 =	sadd.s32 s10, s12;
	s12 =	sadd.s32 $0x66000, s0  }
0x12: {  	[dreg:$0x4] =	wrdreg s26;
	s31 =	sadd.s32 s10, s13;
	s13 =	smax.u32 s24, $0x1  }
0x13: {  	v0 =	vimm.f32 $0.0e+00;
	s24 =	simm.s32 $0x1;
	s26 =	simm.s32 $0x2;
	[dreg:$0x5] =	wrdreg s31  }
.LBB2_6:
0x14: {  	s0 =	sadd.s32 s5, s2;
	[sflag:s29] =	ssyncadd.s32 $0xFFFFC000  }
0x15: {  	[tilespmem:s19], [sflag:$0x5] =	stream.linear.gather [hbm4b:s0+s3], $0x80, $0x38;
	[tilespmem:$0x1F900] =	vst v63  }
0x16: {  	s11 =	sadd.s32 s5, s11  }
0x17: {  	[tilespmem:s20], [sflag:$0x6] =	stream.linear.gather [hbm4b:s11+s3], $0x80, $0x38;
	[tilespmem:$0x1F900] =	vst v63  }
0x18: {  	_ = 	snop  }
0x19: {  	[tilespmem:s17], [sflag:$0x1] =	stream.indirect.gather [hbm4b:s4+s21], $0x80, s31, s21, $0xb8;
	[tilespmem:$0x1F900] =	vst v63  }
0x1a: {  	s31 =	sadd.s32 $0x80, s31  }
0x1b: {  	[tilespmem:s22], [sflag:$0x2] =	stream.indirect.gather [hbm4b:s4+s21], $0x80, s31, s21, $0xb8;
	[tilespmem:$0x1F900] =	vst v63  }
0x1c: {  	_ =	swait.ge [sflag:s23], $0x80  }
0x1d: {  	[sflag:s23] =	ssyncset.done $0x0  }
0x1e: {  	[sflag:s23] =	ssyncadd.s32 $0xFFFFFF80  }
0x1f: {  	_ =	swait.ge [sflag:s24], $0x4000  }
0x20: {  	[sflag:s24] =	ssyncset.done $0x0  }
0x21: {  	[sflag:s24] =	ssyncadd.s32 $0xFFFFC000  }
0x22: {  	[spmem:s1] =	stream.indirect.scatter.add.f32 [tilespmem:s17], [sflag:$0x3], $0x80, s19, s21, $0xb8;
	[tilespmem:$0x1F900] =	vst v63  }
0x23: {  	_ =	swait.ge [sflag:s25], $0x80  }
0x24: {  	[sflag:s25] =	ssyncset.done $0x0  }
0x25: {  	[sflag:s25] =	ssyncadd.s32 $0xFFFFFF80  }
0x26: {  	_ =	swait.ge [sflag:s26], $0x4000  }
0x27: {  	[sflag:s26] =	ssyncset.done $0x0  }
0x28: {  	[sflag:s26] =	ssyncadd.s32 $0xFFFFC000  }
0x29: {  	[spmem:s1] =	stream.indirect.scatter.add.f32 [tilespmem:s22], [sflag:$0x4], $0x80, s20, s21, $0xb8;
	[tilespmem:$0x1F900] =	vst v63  }
0x2a: {  	_ =	swait.ge [sflag:s28], $0x4000  }
0x2b: {  	[sflag:s28] =	ssyncset.done $0x0  }
0x2c: {  	[sflag:s28] =	ssyncadd.s32 $0xFFFFC000  }
0x2d: {  	_ =	swait.ge [sflag:s29], $0x4000  }
0x2e: {  	[sflag:s29] =	ssyncset.done $0x0  }
0x2f: {  	[sflag:s29] =	ssyncadd.s32 $0xFFFFC000  }
.LBB2_10:
0x30: {  	s0 =	stileid.u32;
	s30 =	sadd.s32 $0x1, s30  }
0x31: {  	[bflag:$0x0] =	sbarrier.arrive $0xFFFF;
	s0 =	sshll.u32 s0, $0x6;
	p1 =	sne.s32 s30, s13  }
.Ltmp1:
0x32: {  	s2 =	sshrl.u32 s7, $0x3;
	s0 =	sor.u32 $0x1C07, s0;
	(pc) =	sbr.rel @!p1 .LBB2_11-.Ltmp1, $4  }
0x33: {  	[hbm:s12], [sflag:s0] =	dma.local [spmem:s2], $0x2780  }
0x34: {  	_ =	swait.ge [sflag:s18], $0x2780  }
0x35: {  	[sflag:s18] =	ssyncset.done $0x0  }
0x36: {  	[sflag:s18] =	ssyncadd.s32 $0xFFFFD880  }
.LBB2_1:
0x37: {  	s0 =	simm.s32 $0x0;
	s10 =	simm.s32 $0x200  }
.LBB2_2:
0x38: {  	p1 =	sne.s32 s10, $0xFE00;
	[tilespmem:s0+$0x3D70] =	vst v0  }
0x39: {  	[tilespmem:s0+$0x3D00] =	vst v0  }
0x3a: {  	[tilespmem:s0+$0x3D10] =	vst v0  }
.Ltmp2:
0x3b: {  	[tilespmem:s0+$0x3D20] =	vst v0;
	(pc) =	sbr.rel @p1 .LBB2_2-.Ltmp2, $4  }
0x3c: {  	[tilespmem:s0+$0x3D30] =	vst v0  }
0x3d: {  	[tilespmem:s0+$0x3D40] =	vst v0  }
0x3e: {  	[tilespmem:s0+$0x3D50] =	vst v0  }
0x3f: {  	[tilespmem:s0+$0x3D60] =	vst v0;
	s0 =	sshra.s32 s10, $0x2;
	s10 =	sadd.s32 $0x200, s10  }
0x40: {  	[tilespmem:s0+$0x3D70] =	vst v0  }
0x41: {  	[tilespmem:s0+$0x3D00] =	vst v0  }
0x42: {  	[tilespmem:s0+$0x3D10] =	vst v0  }
0x43: {  	[tilespmem:s0+$0x3D20] =	vst v0  }
0x44: {  	[tilespmem:s0+$0x3D30] =	vst v0  }
0x45: {  	[tilespmem:s0+$0x3D40] =	vst v0  }
0x46: {  	[tilespmem:s0+$0x3D50] =	vst v0  }
0x47: {  	[tilespmem:s0+$0x3D60] =	vst v0  }
0x48: {  	[spmem:s7] =	stream.linear.scatter [tilespmem:s17], [sflag:$0x7], $0x4000, $0x38;
	[tilespmem:$0x1F900] =	vst v63  }
0x49: {  	_ =	swait.ge [sflag:s18], $0x4000  }
0x4a: {  	[sflag:s18] =	ssyncset.done $0x0  }
0x4b: {  	[sflag:s18] =	ssyncadd.s32 $0xFFFFC000  }
0x4c: {  	[spmem:s14] =	stream.linear.scatter [tilespmem:s17], [sflag:$0x7], $0x4000, $0x38;
	[tilespmem:$0x1F900] =	vst v63  }
0x4d: {  	_ =	swait.ge [sflag:s18], $0x4000  }
0x4e: {  	[sflag:s18] =	ssyncset.done $0x0  }
0x4f: {  	[sflag:s18] =	ssyncadd.s32 $0xFFFFC000  }
0x50: {  	[spmem:s15] =	stream.linear.scatter [tilespmem:s17], [sflag:$0x7], $0x4000, $0x38;
	[tilespmem:$0x1F900] =	vst v63  }
0x51: {  	_ =	swait.ge [sflag:s18], $0x4000  }
0x52: {  	[sflag:s18] =	ssyncset.done $0x0  }
0x53: {  	[sflag:s18] =	ssyncadd.s32 $0xFFFFC000  }
0x54: {  	[spmem:s16] =	stream.linear.scatter [tilespmem:s17], [sflag:$0x7], $0x4000, $0x38;
	[tilespmem:$0x1F900] =	vst v63  }
0x55: {  	_ =	swait.ge [sflag:s18], $0x4000  }
0x56: {  	[sflag:s18] =	ssyncset.done $0x0  }
0x57: {  	s31 =	rddreg [dreg:$0x3];
	[sflag:s18] =	ssyncadd.s32 $0xFFFFC000  }
0x58: {  	[spmem:s31] =	stream.linear.scatter [tilespmem:s17], [sflag:$0x7], $0x3C00, $0x38;
	[tilespmem:$0x1F900] =	vst v63  }
.Ltmp3:
0x59: {  	_ =	swait.ge [sflag:s18], $0x3C00;
	(pc) =	sbr.rel @!p0 .LBB2_4-.Ltmp3, $3  }
0x5a: {  	[sflag:s18] =	ssyncset.done $0x0  }
0x5b: {  	[sflag:s18] =	ssyncadd.s32 $0xFFFFC400  }
0x5c: {  	[bflag:$0x0] =	sbarrier.arrive $0xFFFF;
	_ =	sdelay $0x1  }
0x5d: {  	s7 =	smov.u32 s16  }
0x5e: {  	s16 =	smov.u32 s15;
	s15 =	smov.u32 s14;
	s14 =	smov.u32 s13  }
0x5f: {  	s13 =	smov.u32 s12;
	s0 =	simm.s32 $0x0;
	s2 =	rddreg [dreg:$0x5]  }
0x60: {  	[tilespmem:s0], [sflag:$0x7] =	stream.linear.gather [hbm4b:s2+s0], $0x1400, $0x38;
	[tilespmem:$0x1F900] =	vst v63  }
0x61: {  	s9 =	simm.s32 $0x3C80;
	s11 =	sand.u32 $0x1C00, s0;
	s0 =	sand.u32 $0x300, s0  }
0x62: {  	s12 =	sand.u32 $0x7C00, s9;
	s9 =	sand.u32 $0x380, s9;
	s2 =	sadd.s32 s11, s8  }
0x63: {  	_ =	swait.ge [sflag:s18], $0x1400;
	s0 =	sor.u32 s0, s2;
	s2 =	sadd.s32 s6, s12  }
0x64: {  	[sflag:s18] =	ssyncset.done $0x0;
	s0 =	sshrl.u32 s0, $0x3;
	s2 =	sor.u32 s9, s2  }
0x65: {  	[sflag:s18] =	ssyncadd.s32 $0xFFFFEC00;
	s0 =	sadd.s32 s5, s0;
	s2 =	sshrl.u32 s2, $0x3  }
0x66: {  	[tilespmem:s19], [sflag:$0x5] =	stream.linear.gather [hbm4b:s0+s3], $0x80, $0x38;
	[tilespmem:$0x1F900] =	vst v63  }
0x67: {  	s0 =	sadd.s32 s5, s2  }
0x68: {  	[tilespmem:s20], [sflag:$0x6] =	stream.linear.gather [hbm4b:s0+s3], $0x80, $0x38;
	[tilespmem:$0x1F900] =	vst v63  }
0x69: {  	s9 =	simm.s32 $0x0  }
0x6a: {  	[tilespmem:s17], [sflag:$0x1] =	stream.indirect.gather [hbm4b:s4+s21], $0x80, s9, s21, $0xb8;
	[tilespmem:$0x1F900] =	vst v63  }
0x6b: {  	s10 =	simm.s32 $0x80  }
0x6c: {  	[tilespmem:s22], [sflag:$0x2] =	stream.indirect.gather [hbm4b:s4+s21], $0x80, s10, s21, $0xb8;
	[tilespmem:$0x1F900] =	vst v63  }
0x6d: {  	_ =	swait.ge [sflag:s23], $0x80  }
0x6e: {  	[sflag:s23] =	ssyncset.done $0x0  }
0x6f: {  	[sflag:s23] =	ssyncadd.s32 $0xFFFFFF80  }
0x70: {  	_ =	swait.ge [sflag:s24], $0x4000  }
0x71: {  	[sflag:s24] =	ssyncset.done $0x0  }
0x72: {  	[sflag:s24] =	ssyncadd.s32 $0xFFFFC000  }
0x73: {  	[spmem:s1] =	stream.indirect.scatter.add.f32 [tilespmem:s17], [sflag:$0x3], $0x80, s19, s21, $0xb8;
	[tilespmem:$0x1F900] =	vst v63  }
0x74: {  	_ =	swait.ge [sflag:s25], $0x80  }
0x75: {  	[sflag:s25] =	ssyncset.done $0x0  }
0x76: {  	[sflag:s25] =	ssyncadd.s32 $0xFFFFFF80  }
0x77: {  	_ =	swait.ge [sflag:s26], $0x4000  }
0x78: {  	s11 =	simm.s32 $0x100;
	[sflag:s26] =	ssyncset.done $0x0  }
0x79: {  	s31 =	simm.s32 $0x180;
	s12 =	sand.u32 $0x1C00, s11;
	[sflag:s26] =	ssyncadd.s32 $0xFFFFC000  }
0x7a: {  	[spmem:s1] =	stream.indirect.scatter.add.f32 [tilespmem:s22], [sflag:$0x4], $0x80, s20, s21, $0xb8;
	[tilespmem:$0x1F900] =	vst v63  }
0x7b: {  	s2 =	sand.u32 $0x300, s11;
	s0 =	simm.s32 $0x3D80;
	_ =	swait.ge [sflag:s28], $0x4000  }
0x7c: {  	s11 =	sand.u32 $0x7C00, s0;
	s9 =	sadd.s32 s12, s8;
	[sflag:s28] =	ssyncset.done $0x0  }
0x7d: {  	s2 =	sor.u32 s2, s9;
	s10 =	simm.s32 $0x200;
	[sflag:s28] =	ssyncadd.s32 $0xFFFFC000  }
.LBB2_8:
0x7e: {  	s2 =	sshrl.u32 s2, $0x3  }
0x7f: {  	s9 =	sadd.s32 s6, s11;
	_ =	swait.ge [sflag:s29], $0x4000;
	s11 =	smov.u32 s10  }
0x80: {  	s0 =	sand.u32 $0x380, s0;
	s2 =	sadd.s32 s5, s2;
	[sflag:s29] =	ssyncset.done $0x0  }
0x81: {  	s12 =	sadd.s32 $0x100, s10;
	s0 =	sor.u32 s0, s9;
	[sflag:s29] =	ssyncadd.s32 $0xFFFFC000  }
0x82: {  	[tilespmem:s19], [sflag:$0x5] =	stream.linear.gather [hbm4b:s2+s3], $0x80, $0x38;
	[tilespmem:$0x1F900] =	vst v63  }
0x83: {  	p1 =	sne.s32 s10, $0x1300;
	s0 =	sshrl.u32 s0, $0x3  }
0x84: {  	s0 =	sadd.s32 s5, s0;
	s2 =	sadd.s32 $0xFFFFFF80, s31  }
0x85: {  	[tilespmem:s20], [sflag:$0x6] =	stream.linear.gather [hbm4b:s0+s3], $0x80, $0x38;
	[tilespmem:$0x1F900] =	vst v63  }
0x86: {  	_ = 	snop  }
0x87: {  	[tilespmem:s17], [sflag:$0x1] =	stream.indirect.gather [hbm4b:s4+s21], $0x80, s2, s21, $0xb8;
	[tilespmem:$0x1F900] =	vst v63  }
0x88: {  	_ = 	snop  }
0x89: {  	[tilespmem:s22], [sflag:$0x2] =	stream.indirect.gather [hbm4b:s4+s21], $0x80, s31, s21, $0xb8;
	[tilespmem:$0x1F900] =	vst v63  }
0x8a: {  	_ =	swait.ge [sflag:s23], $0x80  }
0x8b: {  	[sflag:s23] =	ssyncset.done $0x0  }
0x8c: {  	[sflag:s23] =	ssyncadd.s32 $0xFFFFFF80  }
0x8d: {  	_ =	swait.ge [sflag:s24], $0x4000  }
0x8e: {  	[sflag:s24] =	ssyncset.done $0x0  }
0x8f: {  	[sflag:s24] =	ssyncadd.s32 $0xFFFFC000  }
0x90: {  	[spmem:s1] =	stream.indirect.scatter.add.f32 [tilespmem:s17], [sflag:$0x3], $0x80, s19, s21, $0xb8;
	[tilespmem:$0x1F900] =	vst v63  }
0x91: {  	_ =	swait.ge [sflag:s25], $0x80  }
0x92: {  	[sflag:s25] =	ssyncset.done $0x0  }
0x93: {  	[sflag:s25] =	ssyncadd.s32 $0xFFFFFF80  }
0x94: {  	_ =	swait.ge [sflag:s26], $0x4000  }
0x95: {  	s9 =	sand.u32 $0x300, s11;
	[sflag:s26] =	ssyncset.done $0x0  }
.Ltmp4:
0x96: {  	s31 =	sadd.s32 $0x100, s31;
	[sflag:s26] =	ssyncadd.s32 $0xFFFFC000;
	(pc) =	sbr.rel @p1 .LBB2_8-.Ltmp4, $4  }
0x97: {  	[spmem:s1] =	stream.indirect.scatter.add.f32 [tilespmem:s22], [sflag:$0x4], $0x80, s20, s21, $0xb8;
	[tilespmem:$0x1F900] =	vst v63  }
0x98: {  	s0 =	sadd.s32 $0x3C80, s11;
	s2 =	sand.u32 $0x1C00, s11;
	_ =	swait.ge [sflag:s28], $0x4000  }
0x99: {  	s10 =	smov.u32 s12;
	s2 =	sadd.s32 s2, s8;
	[sflag:s28] =	ssyncset.done $0x0  }
0x9a: {  	s11 =	sand.u32 $0x7C00, s0;
	s2 =	sor.u32 s9, s2;
	[sflag:s28] =	ssyncadd.s32 $0xFFFFC000  }
0x9b: {  	_ =	swait.ge [sflag:s29], $0x4000;
	s9 =	sadd.s32 s6, s11;
	s0 =	sand.u32 $0x380, s0  }
0x9c: {  	s2 =	sshrl.u32 s2, $0x3;
	[sflag:s29] =	ssyncset.done $0x0;
	s0 =	sor.u32 s0, s9  }
0x9d: {  	s2 =	sadd.s32 s5, s2;
	[sflag:s29] =	ssyncadd.s32 $0xFFFFC000;
	s0 =	sshrl.u32 s0, $0x3  }
0x9e: {  	[tilespmem:s19], [sflag:$0x5] =	stream.linear.gather [hbm4b:s2+s3], $0x80, $0x38;
	[tilespmem:$0x1F900] =	vst v63  }
0x9f: {  	s0 =	sadd.s32 s5, s0  }
0xa0: {  	[tilespmem:s20], [sflag:$0x6] =	stream.linear.gather [hbm4b:s0+s3], $0x80, $0x38;
	[tilespmem:$0x1F900] =	vst v63  }
0xa1: {  	s12 =	sadd.s32 $0xFFFFFF80, s31  }
0xa2: {  	[tilespmem:s17], [sflag:$0x1] =	stream.indirect.gather [hbm4b:s4+s21], $0x80, s12, s21, $0xb8;
	[tilespmem:$0x1F900] =	vst v63  }
0xa3: {  	_ = 	snop  }
0xa4: {  	[tilespmem:s22], [sflag:$0x2] =	stream.indirect.gather [hbm4b:s4+s21], $0x80, s31, s21, $0xb8;
	[tilespmem:$0x1F900] =	vst v63  }
0xa5: {  	_ =	swait.ge [sflag:s23], $0x80  }
0xa6: {  	[sflag:s23] =	ssyncset.done $0x0  }
0xa7: {  	[sflag:s23] =	ssyncadd.s32 $0xFFFFFF80  }
0xa8: {  	_ =	swait.ge [sflag:s24], $0x4000  }
0xa9: {  	[sflag:s24] =	ssyncset.done $0x0  }
0xaa: {  	[sflag:s24] =	ssyncadd.s32 $0xFFFFC000  }
0xab: {  	[spmem:s1] =	stream.indirect.scatter.add.f32 [tilespmem:s17], [sflag:$0x3], $0x80, s19, s21, $0xb8;
	[tilespmem:$0x1F900] =	vst v63  }
0xac: {  	_ =	swait.ge [sflag:s25], $0x80  }
0xad: {  	[sflag:s25] =	ssyncset.done $0x0  }
0xae: {  	[sflag:s25] =	ssyncadd.s32 $0xFFFFFF80  }
0xaf: {  	_ =	swait.ge [sflag:s26], $0x4000  }
0xb0: {  	[sflag:s26] =	ssyncset.done $0x0  }
0xb1: {  	[sflag:s26] =	ssyncadd.s32 $0xFFFFC000  }
0xb2: {  	[spmem:s1] =	stream.indirect.scatter.add.f32 [tilespmem:s22], [sflag:$0x4], $0x80, s20, s21, $0xb8;
	[tilespmem:$0x1F900] =	vst v63  }
0xb3: {  	_ =	swait.ge [sflag:s28], $0x4000  }
.Ltmp5:
0xb4: {  	[sflag:s28] =	ssyncset.done $0x0;
	(pc) =	sbr.rel .LBB2_10-.Ltmp5, $4  }
0xb5: {  	[sflag:s28] =	ssyncadd.s32 $0xFFFFC000  }
0xb6: {  	s12 =	smov.u32 s13;
	s13 =	smov.u32 s14;
	_ =	swait.ge [sflag:s29], $0x4000  }
0xb7: {  	s14 =	smov.u32 s15;
	s15 =	smov.u32 s16;
	[sflag:s29] =	ssyncset.done $0x0  }
0xb8: {  	s16 =	smov.u32 s7;
	s7 =	rddreg [dreg:$0x6];
	[sflag:s29] =	ssyncadd.s32 $0xFFFFC000  }
.LBB2_4:
0xb9: {  	s0 =	simm.s32 $0x0;
	s2 =	rddreg [dreg:$0x4];
	s9 =	simm.s32 $0x0  }
0xba: {  	[tilespmem:s0], [sflag:$0x7] =	stream.linear.gather [hbm4b:s2+s0], $0x3C00, $0x38;
	[tilespmem:$0x1F900] =	vst v63  }
0xbb: {  	s10 =	sand.u32 $0x3C00, s9  }
0xbc: {  	s11 =	simm.s32 $0x80;
	s2 =	sand.u32 $0x300, s9;
	s10 =	sadd.s32 s6, s10  }
0xbd: {  	s11 =	sand.u32 $0x380, s11;
	_ =	swait.ge [sflag:s18], $0x3C00;
	s2 =	sor.u32 s2, s10  }
0xbe: {  	[sflag:s18] =	ssyncset.done $0x0;
	s10 =	sor.u32 s10, s11;
	s2 =	sshrl.u32 s2, $0x3  }
0xbf: {  	[sflag:s18] =	ssyncadd.s32 $0xFFFFC400;
	s10 =	sshrl.u32 s10, $0x3;
	s2 =	sadd.s32 s5, s2  }
0xc0: {  	[tilespmem:s19], [sflag:$0x5] =	stream.linear.gather [hbm4b:s2+s3], $0x80, $0x38;
	[tilespmem:$0x1F900] =	vst v63  }
0xc1: {  	s9 =	sadd.s32 s5, s10  }
0xc2: {  	[tilespmem:s20], [sflag:$0x6] =	stream.linear.gather [hbm4b:s9+s3], $0x80, $0x38;
	[tilespmem:$0x1F900] =	vst v63  }
0xc3: {  	_ = 	snop  }
0xc4: {  	[tilespmem:s17], [sflag:$0x1] =	stream.indirect.gather [hbm4b:s4+s21], $0x80, s0, s21, $0xb8;
	[tilespmem:$0x1F900] =	vst v63  }
0xc5: {  	s10 =	simm.s32 $0x80  }
0xc6: {  	[tilespmem:s22], [sflag:$0x2] =	stream.indirect.gather [hbm4b:s4+s21], $0x80, s10, s21, $0xb8;
	[tilespmem:$0x1F900] =	vst v63  }
0xc7: {  	_ =	swait.ge [sflag:s23], $0x80  }
0xc8: {  	[sflag:s23] =	ssyncset.done $0x0  }
0xc9: {  	[sflag:s23] =	ssyncadd.s32 $0xFFFFFF80  }
0xca: {  	_ =	swait.ge [sflag:s24], $0x4000  }
0xcb: {  	[sflag:s24] =	ssyncset.done $0x0  }
0xcc: {  	[sflag:s24] =	ssyncadd.s32 $0xFFFFC000  }
0xcd: {  	[spmem:s1] =	stream.indirect.scatter.add.f32 [tilespmem:s17], [sflag:$0x3], $0x80, s19, s21, $0xb8;
	[tilespmem:$0x1F900] =	vst v63  }
0xce: {  	_ =	swait.ge [sflag:s25], $0x80  }
0xcf: {  	[sflag:s25] =	ssyncset.done $0x0  }
0xd0: {  	[sflag:s25] =	ssyncadd.s32 $0xFFFFFF80  }
0xd1: {  	_ =	swait.ge [sflag:s26], $0x4000  }
0xd2: {  	[sflag:s26] =	ssyncset.done $0x0  }
0xd3: {  	s11 =	simm.s32 $0x180;
	s2 =	simm.s32 $0x100;
	[sflag:s26] =	ssyncadd.s32 $0xFFFFC000  }
0xd4: {  	[spmem:s1] =	stream.indirect.scatter.add.f32 [tilespmem:s22], [sflag:$0x4], $0x80, s20, s21, $0xb8;
	[tilespmem:$0x1F900] =	vst v63  }
0xd5: {  	s9 =	sand.u32 $0x3C00, s2;
	s2 =	sand.u32 $0x300, s2;
	_ =	swait.ge [sflag:s28], $0x4000  }
0xd6: {  	s0 =	sand.u32 $0x380, s11;
	s11 =	sadd.s32 s6, s9;
	[sflag:s28] =	ssyncset.done $0x0  }
0xd7: {  	s31 =	simm.s32 $0x100;
	s2 =	sor.u32 s2, s11;
	[sflag:s28] =	ssyncadd.s32 $0xFFFFC000  }
0xd8: {  	s0 =	sor.u32 s11, s0;
	s10 =	simm.s32 $0x280;
	_ =	swait.ge [sflag:s29], $0x4000  }
0xd9: {  	s2 =	sshrl.u32 s2, $0x3;
	s11 =	sshrl.u32 s0, $0x3;
	[sflag:s29] =	ssyncset.done $0x0  }
.LBB2_5:
0xda: {  	s2 =	sadd.s32 s5, s2  }
0xdb: {  	[sflag:s29] =	ssyncadd.s32 $0xFFFFC000;
	s9 =	smov.u32 s10;
	s0 =	sadd.s32 $0x100, s10  }
0xdc: {  	[tilespmem:s19], [sflag:$0x5] =	stream.linear.gather [hbm4b:s2+s3], $0x80, $0x38;
	[tilespmem:$0x1F900] =	vst v63  }
0xdd: {  	p1 =	seq.s32 s10, $0x3B80;
	s2 =	sadd.s32 s5, s11  }
0xde: {  	[tilespmem:s20], [sflag:$0x6] =	stream.linear.gather [hbm4b:s2+s3], $0x80, $0x38;
	[tilespmem:$0x1F900] =	vst v63  }
0xdf: {  	_ = 	snop  }
0xe0: {  	[tilespmem:s17], [sflag:$0x1] =	stream.indirect.gather [hbm4b:s4+s21], $0x80, s31, s21, $0xb8;
	[tilespmem:$0x1F900] =	vst v63  }
0xe1: {  	s2 =	sadd.s32 $0x80, s31  }
0xe2: {  	[tilespmem:s22], [sflag:$0x2] =	stream.indirect.gather [hbm4b:s4+s21], $0x80, s2, s21, $0xb8;
	[tilespmem:$0x1F900] =	vst v63  }
0xe3: {  	_ =	swait.ge [sflag:s23], $0x80  }
0xe4: {  	[sflag:s23] =	ssyncset.done $0x0  }
0xe5: {  	[sflag:s23] =	ssyncadd.s32 $0xFFFFFF80  }
0xe6: {  	_ =	swait.ge [sflag:s24], $0x4000  }
0xe7: {  	[sflag:s24] =	ssyncset.done $0x0  }
0xe8: {  	[sflag:s24] =	ssyncadd.s32 $0xFFFFC000  }
0xe9: {  	[spmem:s1] =	stream.indirect.scatter.add.f32 [tilespmem:s17], [sflag:$0x3], $0x80, s19, s21, $0xb8;
	[tilespmem:$0x1F900] =	vst v63  }
0xea: {  	_ =	swait.ge [sflag:s25], $0x80  }
0xeb: {  	[sflag:s25] =	ssyncset.done $0x0  }
0xec: {  	[sflag:s25] =	ssyncadd.s32 $0xFFFFFF80  }
0xed: {  	_ =	swait.ge [sflag:s26], $0x4000  }
0xee: {  	s31 =	sadd.s32 $0x100, s31;
	[sflag:s26] =	ssyncset.done $0x0  }
0xef: {  	s2 =	sadd.s32 $0xFFFFFF80, s9;
	s9 =	sand.u32 $0x380, s9;
	[sflag:s26] =	ssyncadd.s32 $0xFFFFC000  }
0xf0: {  	[spmem:s1] =	stream.indirect.scatter.add.f32 [tilespmem:s22], [sflag:$0x4], $0x80, s20, s21, $0xb8;
	[tilespmem:$0x1F900] =	vst v63  }
.Ltmp6:
0xf1: {  	s10 =	sand.u32 $0x3C00, s2;
	_ =	swait.ge [sflag:s28], $0x4000;
	(pc) =	sbr.rel @!p1 .LBB2_5-.Ltmp6, $4  }
0xf2: {  	s2 =	sand.u32 $0x300, s2;
	s10 =	sadd.s32 s6, s10;
	[sflag:s28] =	ssyncset.done $0x0  }
0xf3: {  	s2 =	sor.u32 s2, s10;
	[sflag:s28] =	ssyncadd.s32 $0xFFFFC000  }
0xf4: {  	s9 =	sor.u32 s10, s9;
	s10 =	smov.u32 s0;
	_ =	swait.ge [sflag:s29], $0x4000  }
0xf5: {  	s2 =	sshrl.u32 s2, $0x3;
	s11 =	sshrl.u32 s9, $0x3;
	[sflag:s29] =	ssyncset.done $0x0  }
.Ltmp7:
0xf6: {  	_ = 	snop;
	(pc) =	sbr.rel .LBB2_6-.Ltmp7, $1  }
0xf7: {  	_ =	sdelay $0x3  }
.LBB2_11:
0xf8: {  	_ =	sfence.sel $0x180000  }
0xf9: {  	[bflag:$0x0] =	sbarrier.arrive $0xFFFF  }
0xfa: {  	_ =	strace $0x90000050  }
0xfb: {  	s0 =	stileid.u32;
	[bflag:$0x2] =	sbarrier.arrive $0xFFFF  }
0xfc: {  	p0 =	sne.s32 s0, $0x0;
	s0 =	rddreg [dreg:$0x2]  }
0xfd: {  	s0 =	sadd.s32 @!p0 $0x100000, s0  }
0xfe: {  	[sflag:s0] =	ssyncadd.tile.s32 @!p0 $0x1;
	_ =	shalt  }
.Lfunc_end2:
_tile_overlayer_lowered:
.L_overlay_start_2:
0xff: {  	(tag) =	ssettag $0x2  }
0x100: {  	s0 =	rddreg [dreg:$0x0];
	s2 =	stileid.u32  }
0x101: {  	s1 =	rddreg [dreg:$0x1];
	p0 =	sne.s32 s2, $0x0  }
0x102: {  	s3 =	rddreg [dreg:$0x2];
	[bflag:$0x3] =	sbarrier.arrive $0xFFFF;
	s2 =	simm.s32 @!p0 $0x1C07  }
0x103: {  	[timem:s3], [sflag:s2] =	dma.local @!p0 [hbm:s0], s1  }
0x104: {  	s0 =	simm.s32 @!p0 $0x7  }
0x105: {  	_ =	swait.ge @!p0 [sflag:s0], s1  }
0x106: {  	s1 =	ssub.s32 @!p0 $0x0, s1;
	[sflag:s0] =	ssyncset.done @!p0 $0x0  }
0x107: {  	[sflag:s0] =	ssyncadd.s32 @!p0 s1  }
0x108: {  	[bflag:$0x3] =	sbarrier.arrive $0xFFFF  }
0x109: {  	_ =	shalt  }

</sc_bundles>
